<compile_context>
chip_gen: v7x
topology: tpu7x:2x2x1
jax: 0.10.2.dev20260603
libtpu: 0.0.44.dev20260713+nightly
codegen_flags: <defaults>
</compile_context>

<pallas_src>
import functools

import jax
import jax.numpy as jnp
from jax import lax
from jax.experimental import pallas as pl
from jax.experimental.pallas import tpu as pltpu
from jax.experimental.pallas import tpu_sc as plsc

_NC = 2
_NS = 16
_NW = _NC * _NS
_L = 16
_CROWS = 16
_UNROLL = 8

_SC_ROWS = 14336
_TC_BLOCK_ROWS = 512


def _sc_body(
    sc_base_row, pred_hbm, tgt_hbm, consts_hbm, out_hbm,
    pbuf, tbuf, cbuf, stage, sem0, sem1, sem2,
):
    wid = lax.axis_index("s") * _NC + lax.axis_index("c")
    rpw = _SC_ROWS // _NW
    n_chunks = rpw // _CROWS
    base = sc_base_row + wid * rpw
    sems = (sem0, sem1, sem2)

    pltpu.sync_copy(consts_hbm, cbuf)
    th = [cbuf[i] for i in range(4)]
    wt = [cbuf[4 + i] for i in range(5)]

    def start(chunk, slot):
        r0 = base + chunk * _CROWS
        pltpu.make_async_copy(
            pred_hbm.at[pl.ds(r0, _CROWS)], pbuf.at[slot], sems[slot]
        ).start()
        pltpu.make_async_copy(
            tgt_hbm.at[pl.ds(r0, _CROWS)], tbuf.at[slot], sems[slot]
        ).start()

    def wait(slot):
        pltpu.make_async_copy(
            pred_hbm.at[pl.ds(base, _CROWS)], pbuf.at[slot], sems[slot]
        ).wait()
        pltpu.make_async_copy(
            tgt_hbm.at[pl.ds(base, _CROWS)], tbuf.at[slot], sems[slot]
        ).wait()

    def compute(slot, accs):
        pb = pbuf.at[slot]
        tb = tbuf.at[slot]

        def row_body(r, accs):
            def vec_body(off, accs):
                new = []
                for u in range(_UNROLL):
                    p = pb[r, pl.ds(off + u * _L, _L)]
                    t = tb[r, pl.ds(off + u * _L, _L)]
                    d = p - t
                    w = wt[0]
                    for k in range(4):
                        w = jnp.where(t >= th[k], wt[k + 1], w)
                    new.append(accs[u] + w * (d * d))
                return tuple(new)

            return plsc.parallel_loop(
                0, 1024, step=_UNROLL * _L, unroll=2, carry=accs
            )(vec_body)

        return lax.fori_loop(0, _CROWS, row_body, accs)

    zero = jnp.zeros((_L,), jnp.float32)
    accs = (zero,) * _UNROLL

    start(0, 0)
    start(1, 1)
    start(2, 2)

    main_iters = (n_chunks - 4) // 3

    def triple_body(j, accs):
        c = 3 * j
        for b in range(3):
            wait(b)
            accs = compute(b, accs)
            start(c + b + 3, b)
        return accs

    accs = lax.fori_loop(0, main_iters, triple_body, accs)
    done = 3 * main_iters
    for idx in range(n_chunks - done):
        b = idx % 3
        wait(b)
        accs = compute(b, accs)
        nxt = done + idx + 3
        if nxt < n_chunks:
            start(nxt, b)

    tot = accs[0]
    for u in range(1, _UNROLL):
        tot = tot + accs[u]
    stage[...] = tot
    pltpu.sync_copy(stage, out_hbm.at[pl.ds(wid * _L, _L)])


def _tc_body(pred_ref, tgt_ref, w_ref, t_ref, out_ref, acc_ref):
    i = pl.program_id(0)
    n = pl.num_programs(0)

    t = tgt_ref[...]
    p = pred_ref[...]
    d = p - t
    sq = d * d
    w = jnp.full_like(t, w_ref[0])
    for k in range(4):
        w = jnp.where(t >= t_ref[k], w_ref[k + 1], w)
    partial = jnp.sum(w * sq, axis=0)

    @pl.when(i == 0)
    def _init():
        acc_ref[...] = jnp.zeros_like(acc_ref)

    acc_ref[...] += partial.reshape(acc_ref.shape)

    @pl.when(i == n - 1)
    def _fin():
        out_ref[0] = jnp.sum(acc_ref[...])


def kernel(prediction, target, weights, thresholds):
    total = prediction.size
    rows = total // 1024
    tc_rows = rows - _SC_ROWS
    p2 = prediction.reshape(rows, 1024)
    t2 = target.reshape(rows, 1024)

    consts = jnp.concatenate([thresholds, weights]).reshape(9, 1) * jnp.ones(
        (1, _L), jnp.float32
    )

    sc_fn = functools.partial(
        pl.kernel,
        mesh=plsc.VectorSubcoreMesh(core_axis_name="c", subcore_axis_name="s"),
        out_type=jax.ShapeDtypeStruct((_NW * _L,), jnp.float32),
        scratch_types=[
            pltpu.VMEM((3, _CROWS, 1024), jnp.float32),
            pltpu.VMEM((3, _CROWS, 1024), jnp.float32),
            pltpu.VMEM((9, _L), jnp.float32),
            pltpu.VMEM((_L,), jnp.float32),
            pltpu.SemaphoreType.DMA,
            pltpu.SemaphoreType.DMA,
            pltpu.SemaphoreType.DMA,
        ],
    )(functools.partial(_sc_body, tc_rows))
    sc_partials = sc_fn(p2, t2, consts)

    tc_part = pl.pallas_call(
        _tc_body,
        grid=(tc_rows // _TC_BLOCK_ROWS,),
        in_specs=[
            pl.BlockSpec((_TC_BLOCK_ROWS, 1024), lambda i: (i, 0)),
            pl.BlockSpec((_TC_BLOCK_ROWS, 1024), lambda i: (i, 0)),
            pl.BlockSpec(memory_space=pltpu.SMEM),
            pl.BlockSpec(memory_space=pltpu.SMEM),
        ],
        out_specs=pl.BlockSpec(memory_space=pltpu.SMEM),
        out_shape=jax.ShapeDtypeStruct((1,), jnp.float32),
        scratch_shapes=[pltpu.VMEM((8, 128), jnp.float32)],
    )(p2, t2, weights, thresholds)

    s = tc_part[0] + jnp.sum(sc_partials)
    return (s / total).astype(jnp.float32).reshape(())

# --- scband reference (transcript-rebuilt; emitter-appended) ---
"""Pipeline reference for scband-threshold-wmse-24936580121264 (READ-ONLY COPY).

The authoritative reference and input builder live on the scoring server;
editing this copy changes nothing except your own understanding.
"""

import jax, jax.numpy as jnp
import numpy as np


def setup_inputs(seed: int = 0) -> dict:
    key = jax.random.key(seed)
    k1, k2 = jax.random.split(key)
    prediction = jax.random.normal(k1, (4, 8192, 1024), dtype=jnp.float32)
    target = jax.random.uniform(k2, (4, 8192, 1024), dtype=jnp.float32)
    weights = jnp.array([1.0, 2.0, 5.0, 10.0, 20.0], dtype=jnp.float32)
    thresholds = jnp.array([0.1, 0.3, 0.5, 0.7], dtype=jnp.float32)
    return {"prediction": prediction, "target": target, "weights": weights, "thresholds": thresholds}


def reference(prediction, target, weights, thresholds):
    # torch.bucketize(target, thresholds, right=True) == searchsorted side='right'
    bin_index = jnp.searchsorted(thresholds, target, side='right')
    w = jnp.take(weights, bin_index, axis=0)
    return jnp.mean(w * (prediction - target) ** 2)

if __name__ == "__main__":
    import jax
    _d = setup_inputs()
    print(jax.jit(kernel)(*tuple(_d.values())))

</pallas_src>

<mosaic_0001>
#map = affine_map<(d0, d1) -> (0, 0)>
#map1 = affine_map<(d0, d1) -> (0)>
module attributes {stable_mosaic.version = 14 : i64} {
  func.func @_sc_body(%arg0: i32, %arg1: i32, %arg2: memref<32768x1024xf32, #tpu.memory_space<hbm>>, %arg3: memref<32768x1024xf32, #tpu.memory_space<hbm>>, %arg4: memref<9x16xf32, #tpu.memory_space<hbm>>, %arg5: memref<512xf32, #tpu.memory_space<hbm>>, %arg6: memref<3x16x1024xf32, #tpu.memory_space<vmem>>, %arg7: memref<3x16x1024xf32, #tpu.memory_space<vmem>>, %arg8: memref<9x16xf32, #tpu.memory_space<vmem>>, %arg9: memref<16xf32, #tpu.memory_space<vmem>>, %arg10: memref<!tpu.dma_semaphore, #tpu.memory_space<semaphore_mem>>, %arg11: memref<!tpu.dma_semaphore, #tpu.memory_space<semaphore_mem>>, %arg12: memref<!tpu.dma_semaphore, #tpu.memory_space<semaphore_mem>>) attributes {dimension_semantics = [#tpu.dimension_semantics<core_parallel>, #tpu.dimension_semantics<subcore_parallel>], iteration_bounds = array<i64: 2, 16>, scalar_prefetch = 0 : i64, scratch_operands = 7 : i64, tpu.core_type = #tpu.core_type<sc_vector_subcore>, window_params = [{transform_indices = #map}, {transform_indices = #map}, {transform_indices = #map}, {transform_indices = #map1}]} {
    %mul3A = arith.constant 2 : i32
    %mul3A_0 = arith.muli %arg1, %mul3A : i32
    %add3A = arith.addi %mul3A_0, %arg0 : i32
    %mul3A_1 = arith.constant 448 : i32
    %mul3A_2 = arith.muli %add3A, %mul3A_1 : i32
    %add3A_3 = arith.constant 18432 : i32
    %add3A_4 = arith.addi %add3A_3, %mul3A_2 : i32
    "tpu.region"() ({
      %run_scoped3A = tpu.sem_alloc : memref<!tpu.dma_semaphore, #tpu.memory_space<semaphore_mem>>
      tpu.enqueue_dma source(%arg4 : memref<9x16xf32, #tpu.memory_space<hbm>>) target(%arg8 : memref<9x16xf32, #tpu.memory_space<vmem>>) target_semaphore(%run_scoped3A : memref<!tpu.dma_semaphore, #tpu.memory_space<semaphore_mem>>)
      tpu.wait_dma2 semaphore(%run_scoped3A : memref<!tpu.dma_semaphore, #tpu.memory_space<semaphore_mem>>) src(%arg4 : memref<9x16xf32, #tpu.memory_space<hbm>>) dst(%arg8 : memref<9x16xf32, #tpu.memory_space<vmem>>)
      tpu.yield
    }) : () -> ()
    %get3A = arith.constant 0 : i32
    %get3A_5 = arith.index_cast %get3A : i32 to index
    %get3A_6 = arith.constant 0 : index
    %get3A_7 = tpu.vector_load %arg8[%get3A_5, %get3A_6] {strides = array<i32>} : memref<9x16xf32, #tpu.memory_space<vmem>>, vector<1x16xf32>,
    %get3A_8 = vector.shape_cast %get3A_7 : vector<1x16xf32> to vector<16xf32>
    %get3A_9 = arith.constant 1 : i32
    %get3A_10 = arith.index_cast %get3A_9 : i32 to index
    %get3A_11 = arith.constant 0 : index
    %get3A_12 = tpu.vector_load %arg8[%get3A_10, %get3A_11] {strides = array<i32>} : memref<9x16xf32, #tpu.memory_space<vmem>>, vector<1x16xf32>,
    %get3A_13 = vector.shape_cast %get3A_12 : vector<1x16xf32> to vector<16xf32>
    %get3A_14 = arith.constant 2 : i32
    %get3A_15 = arith.index_cast %get3A_14 : i32 to index
    %get3A_16 = arith.constant 0 : index
    %get3A_17 = tpu.vector_load %arg8[%get3A_15, %get3A_16] {strides = array<i32>} : memref<9x16xf32, #tpu.memory_space<vmem>>, vector<1x16xf32>,
    %get3A_18 = vector.shape_cast %get3A_17 : vector<1x16xf32> to vector<16xf32>
    %get3A_19 = arith.constant 3 : i32
    %get3A_20 = arith.index_cast %get3A_19 : i32 to index
    %get3A_21 = arith.constant 0 : index
    %get3A_22 = tpu.vector_load %arg8[%get3A_20, %get3A_21] {strides = array<i32>} : memref<9x16xf32, #tpu.memory_space<vmem>>, vector<1x16xf32>,
    %get3A_23 = vector.shape_cast %get3A_22 : vector<1x16xf32> to vector<16xf32>
    %get3A_24 = arith.constant 4 : i32
    %get3A_25 = arith.index_cast %get3A_24 : i32 to index
    %get3A_26 = arith.constant 0 : index
    %get3A_27 = tpu.vector_load %arg8[%get3A_25, %get3A_26] {strides = array<i32>} : memref<9x16xf32, #tpu.memory_space<vmem>>, vector<1x16xf32>,
    %get3A_28 = vector.shape_cast %get3A_27 : vector<1x16xf32> to vector<16xf32>
    %get3A_29 = arith.constant 5 : i32
    %get3A_30 = arith.index_cast %get3A_29 : i32 to index
    %get3A_31 = arith.constant 0 : index
    %get3A_32 = tpu.vector_load %arg8[%get3A_30, %get3A_31] {strides = array<i32>} : memref<9x16xf32, #tpu.memory_space<vmem>>, vector<1x16xf32>,
    %get3A_33 = vector.shape_cast %get3A_32 : vector<1x16xf32> to vector<16xf32>
    %get3A_34 = arith.constant 6 : i32
    %get3A_35 = arith.index_cast %get3A_34 : i32 to index
    %get3A_36 = arith.constant 0 : index
    %get3A_37 = tpu.vector_load %arg8[%get3A_35, %get3A_36] {strides = array<i32>} : memref<9x16xf32, #tpu.memory_space<vmem>>, vector<1x16xf32>,
    %get3A_38 = vector.shape_cast %get3A_37 : vector<1x16xf32> to vector<16xf32>
    %get3A_39 = arith.constant 7 : i32
    %get3A_40 = arith.index_cast %get3A_39 : i32 to index
    %get3A_41 = arith.constant 0 : index
    %get3A_42 = tpu.vector_load %arg8[%get3A_40, %get3A_41] {strides = array<i32>} : memref<9x16xf32, #tpu.memory_space<vmem>>, vector<1x16xf32>,
    %get3A_43 = vector.shape_cast %get3A_42 : vector<1x16xf32> to vector<16xf32>
    %get3A_44 = arith.constant 8 : i32
    %get3A_45 = arith.index_cast %get3A_44 : i32 to index
    %get3A_46 = arith.constant 0 : index
    %get3A_47 = tpu.vector_load %arg8[%get3A_45, %get3A_46] {strides = array<i32>} : memref<9x16xf32, #tpu.memory_space<vmem>>, vector<1x16xf32>,
    %get3A_48 = vector.shape_cast %get3A_47 : vector<1x16xf32> to vector<16xf32>
    %broadcast_in_dim3A = arith.constant 0.000000e+00 : f32
    %broadcast_in_dim3A_49 = vector.broadcast %broadcast_in_dim3A : f32 to vector<16xf32>
    %add3A_50 = arith.constant 0 : i32
    %add3A_51 = arith.addi %add3A_4, %add3A_50 : i32
    %dma_start3A = arith.constant 0 : i32
    %dma_start3A_52 = arith.constant 0 : i32
    %dma_start3A_53 = arith.constant 0 : i32
    %dma_start3A_54 = tpu.memref_slice %arg6[%dma_start3A, %dma_start3A_52, %dma_start3A_53] : memref<3x16x1024xf32, #tpu.memory_space<vmem>> -> memref<1x16x1024xf32, #tpu.memory_space<vmem>>
    %dma_start3A_55 = tpu.memref_squeeze %dma_start3A_54 : memref<1x16x1024xf32, #tpu.memory_space<vmem>> -> memref<16x1024xf32, #tpu.memory_space<vmem>>
    %dma_start3A_56 = arith.constant 0 : i32
    %dma_start3A_57 = tpu.memref_slice %arg2[%add3A_51, %dma_start3A_56] : memref<32768x1024xf32, #tpu.memory_space<hbm>> -> memref<16x1024xf32, #tpu.memory_space<hbm>>
    %dma_start3A_58 = arith.constant 0 : i32
    %dma_start3A_59 = arith.constant 0 : i32
    %dma_start3A_60 = tpu.memref_slice %arg6[%dma_start3A, %dma_start3A_58, %dma_start3A_59] : memref<3x16x1024xf32, #tpu.memory_space<vmem>> -> memref<1x16x1024xf32, #tpu.memory_space<vmem>>
    %dma_start3A_61 = tpu.memref_squeeze %dma_start3A_60 : memref<1x16x1024xf32, #tpu.memory_space<vmem>> -> memref<16x1024xf32, #tpu.memory_space<vmem>>
    %dma_start3A_62 = arith.constant 0 : i32
    %dma_start3A_63 = tpu.memref_slice %arg2[%add3A_51, %dma_start3A_62] : memref<32768x1024xf32, #tpu.memory_space<hbm>> -> memref<16x1024xf32, #tpu.memory_space<hbm>>
    tpu.enqueue_dma source(%dma_start3A_63 : memref<16x1024xf32, #tpu.memory_space<hbm>>) target(%dma_start3A_61 : memref<16x1024xf32, #tpu.memory_space<vmem>>) target_semaphore(%arg10 : memref<!tpu.dma_semaphore, #tpu.memory_space<semaphore_mem>>)
    %dma_start3A_64 = arith.constant 0 : i32
    %dma_start3A_65 = arith.constant 0 : i32
    %dma_start3A_66 = arith.constant 0 : i32
    %dma_start3A_67 = tpu.memref_slice %arg7[%dma_start3A_64, %dma_start3A_65, %dma_start3A_66] : memref<3x16x1024xf32, #tpu.memory_space<vmem>> -> memref<1x16x1024xf32, #tpu.memory_space<vmem>>
    %dma_start3A_68 = tpu.memref_squeeze %dma_start3A_67 : memref<1x16x1024xf32, #tpu.memory_space<vmem>> -> memref<16x1024xf32, #tpu.memory_space<vmem>>
    %dma_start3A_69 = arith.constant 0 : i32
    %dma_start3A_70 = tpu.memref_slice %arg3[%add3A_51, %dma_start3A_69] : memref<32768x1024xf32, #tpu.memory_space<hbm>> -> memref<16x1024xf32, #tpu.memory_space<hbm>>
    %dma_start3A_71 = arith.constant 0 : i32
    %dma_start3A_72 = arith.constant 0 : i32
    %dma_start3A_73 = tpu.memref_slice %arg7[%dma_start3A_64, %dma_start3A_71, %dma_start3A_72] : memref<3x16x1024xf32, #tpu.memory_space<vmem>> -> memref<1x16x1024xf32, #tpu.memory_space<vmem>>
    %dma_start3A_74 = tpu.memref_squeeze %dma_start3A_73 : memref<1x16x1024xf32, #tpu.memory_space<vmem>> -> memref<16x1024xf32, #tpu.memory_space<vmem>>
    %dma_start3A_75 = arith.constant 0 : i32
    %dma_start3A_76 = tpu.memref_slice %arg3[%add3A_51, %dma_start3A_75] : memref<32768x1024xf32, #tpu.memory_space<hbm>> -> memref<16x1024xf32, #tpu.memory_space<hbm>>
    tpu.enqueue_dma source(%dma_start3A_76 : memref<16x1024xf32, #tpu.memory_space<hbm>>) target(%dma_start3A_74 : memref<16x1024xf32, #tpu.memory_space<vmem>>) target_semaphore(%arg10 : memref<!tpu.dma_semaphore, #tpu.memory_space<semaphore_mem>>)
    %add3A_77 = arith.constant 16 : i32
    %add3A_78 = arith.addi %add3A_4, %add3A_77 : i32
    %dma_start3A_79 = arith.constant 1 : i32
    %dma_start3A_80 = arith.constant 0 : i32
    %dma_start3A_81 = arith.constant 0 : i32
    %dma_start3A_82 = tpu.memref_slice %arg6[%dma_start3A_79, %dma_start3A_80, %dma_start3A_81] : memref<3x16x1024xf32, #tpu.memory_space<vmem>> -> memref<1x16x1024xf32, #tpu.memory_space<vmem>>
    %dma_start3A_83 = tpu.memref_squeeze %dma_start3A_82 : memref<1x16x1024xf32, #tpu.memory_space<vmem>> -> memref<16x1024xf32, #tpu.memory_space<vmem>>
    %dma_start3A_84 = arith.constant 0 : i32
    %dma_start3A_85 = tpu.memref_slice %arg2[%add3A_78, %dma_start3A_84] : memref<32768x1024xf32, #tpu.memory_space<hbm>> -> memref<16x1024xf32, #tpu.memory_space<hbm>>
    %dma_start3A_86 = arith.constant 0 : i32
    %dma_start3A_87 = arith.constant 0 : i32
    %dma_start3A_88 = tpu.memref_slice %arg6[%dma_start3A_79, %dma_start3A_86, %dma_start3A_87] : memref<3x16x1024xf32, #tpu.memory_space<vmem>> -> memref<1x16x1024xf32, #tpu.memory_space<vmem>>
    %dma_start3A_89 = tpu.memref_squeeze %dma_start3A_88 : memref<1x16x1024xf32, #tpu.memory_space<vmem>> -> memref<16x1024xf32, #tpu.memory_space<vmem>>
    %dma_start3A_90 = arith.constant 0 : i32
    %dma_start3A_91 = tpu.memref_slice %arg2[%add3A_78, %dma_start3A_90] : memref<32768x1024xf32, #tpu.memory_space<hbm>> -> memref<16x1024xf32, #tpu.memory_space<hbm>>
    tpu.enqueue_dma source(%dma_start3A_91 : memref<16x1024xf32, #tpu.memory_space<hbm>>) target(%dma_start3A_89 : memref<16x1024xf32, #tpu.memory_space<vmem>>) target_semaphore(%arg11 : memref<!tpu.dma_semaphore, #tpu.memory_space<semaphore_mem>>)
    %dma_start3A_92 = arith.constant 1 : i32
    %dma_start3A_93 = arith.constant 0 : i32
    %dma_start3A_94 = arith.constant 0 : i32
    %dma_start3A_95 = tpu.memref_slice %arg7[%dma_start3A_92, %dma_start3A_93, %dma_start3A_94] : memref<3x16x1024xf32, #tpu.memory_space<vmem>> -> memref<1x16x1024xf32, #tpu.memory_space<vmem>>
    %dma_start3A_96 = tpu.memref_squeeze %dma_start3A_95 : memref<1x16x1024xf32, #tpu.memory_space<vmem>> -> memref<16x1024xf32, #tpu.memory_space<vmem>>
    %dma_start3A_97 = arith.constant 0 : i32
    %dma_start3A_98 = tpu.memref_slice %arg3[%add3A_78, %dma_start3A_97] : memref<32768x1024xf32, #tpu.memory_space<hbm>> -> memref<16x1024xf32, #tpu.memory_space<hbm>>
    %dma_start3A_99 = arith.constant 0 : i32
    %dma_start3A_100 = arith.constant 0 : i32
    %dma_start3A_101 = tpu.memref_slice %arg7[%dma_start3A_92, %dma_start3A_99, %dma_start3A_100] : memref<3x16x1024xf32, #tpu.memory_space<vmem>> -> memref<1x16x1024xf32, #tpu.memory_space<vmem>>
    %dma_start3A_102 = tpu.memref_squeeze %dma_start3A_101 : memref<1x16x1024xf32, #tpu.memory_space<vmem>> -> memref<16x1024xf32, #tpu.memory_space<vmem>>
    %dma_start3A_103 = arith.constant 0 : i32
    %dma_start3A_104 = tpu.memref_slice %arg3[%add3A_78, %dma_start3A_103] : memref<32768x1024xf32, #tpu.memory_space<hbm>> -> memref<16x1024xf32, #tpu.memory_space<hbm>>
    tpu.enqueue_dma source(%dma_start3A_104 : memref<16x1024xf32, #tpu.memory_space<hbm>>) target(%dma_start3A_102 : memref<16x1024xf32, #tpu.memory_space<vmem>>) target_semaphore(%arg11 : memref<!tpu.dma_semaphore, #tpu.memory_space<semaphore_mem>>)
    %add3A_105 = arith.constant 32 : i32
    %add3A_106 = arith.addi %add3A_4, %add3A_105 : i32
    %dma_start3A_107 = arith.constant 2 : i32
    %dma_start3A_108 = arith.constant 0 : i32
    %dma_start3A_109 = arith.constant 0 : i32
    %dma_start3A_110 = tpu.memref_slice %arg6[%dma_start3A_107, %dma_start3A_108, %dma_start3A_109] : memref<3x16x1024xf32, #tpu.memory_space<vmem>> -> memref<1x16x1024xf32, #tpu.memory_space<vmem>>
    %dma_start3A_111 = tpu.memref_squeeze %dma_start3A_110 : memref<1x16x1024xf32, #tpu.memory_space<vmem>> -> memref<16x1024xf32, #tpu.memory_space<vmem>>
    %dma_start3A_112 = arith.constant 0 : i32
    %dma_start3A_113 = tpu.memref_slice %arg2[%add3A_106, %dma_start3A_112] : memref<32768x1024xf32, #tpu.memory_space<hbm>> -> memref<16x1024xf32, #tpu.memory_space<hbm>>
    %dma_start3A_114 = arith.constant 0 : i32
    %dma_start3A_115 = arith.constant 0 : i32
    %dma_start3A_116 = tpu.memref_slice %arg6[%dma_start3A_107, %dma_start3A_114, %dma_start3A_115] : memref<3x16x1024xf32, #tpu.memory_space<vmem>> -> memref<1x16x1024xf32, #tpu.memory_space<vmem>>
    %dma_start3A_117 = tpu.memref_squeeze %dma_start3A_116 : memref<1x16x1024xf32, #tpu.memory_space<vmem>> -> memref<16x1024xf32, #tpu.memory_space<vmem>>
    %dma_start3A_118 = arith.constant 0 : i32
    %dma_start3A_119 = tpu.memref_slice %arg2[%add3A_106, %dma_start3A_118] : memref<32768x1024xf32, #tpu.memory_space<hbm>> -> memref<16x1024xf32, #tpu.memory_space<hbm>>
    tpu.enqueue_dma source(%dma_start3A_119 : memref<16x1024xf32, #tpu.memory_space<hbm>>) target(%dma_start3A_117 : memref<16x1024xf32, #tpu.memory_space<vmem>>) target_semaphore(%arg12 : memref<!tpu.dma_semaphore, #tpu.memory_space<semaphore_mem>>)
    %dma_start3A_120 = arith.constant 2 : i32
    %dma_start3A_121 = arith.constant 0 : i32
    %dma_start3A_122 = arith.constant 0 : i32
    %dma_start3A_123 = tpu.memref_slice %arg7[%dma_start3A_120, %dma_start3A_121, %dma_start3A_122] : memref<3x16x1024xf32, #tpu.memory_space<vmem>> -> memref<1x16x1024xf32, #tpu.memory_space<vmem>>
    %dma_start3A_124 = tpu.memref_squeeze %dma_start3A_123 : memref<1x16x1024xf32, #tpu.memory_space<vmem>> -> memref<16x1024xf32, #tpu.memory_space<vmem>>
    %dma_start3A_125 = arith.constant 0 : i32
    %dma_start3A_126 = tpu.memref_slice %arg3[%add3A_106, %dma_start3A_125] : memref<32768x1024xf32, #tpu.memory_space<hbm>> -> memref<16x1024xf32, #tpu.memory_space<hbm>>
    %dma_start3A_127 = arith.constant 0 : i32
    %dma_start3A_128 = arith.constant 0 : i32
    %dma_start3A_129 = tpu.memref_slice %arg7[%dma_start3A_120, %dma_start3A_127, %dma_start3A_128] : memref<3x16x1024xf32, #tpu.memory_space<vmem>> -> memref<1x16x1024xf32, #tpu.memory_space<vmem>>
    %dma_start3A_130 = tpu.memref_squeeze %dma_start3A_129 : memref<1x16x1024xf32, #tpu.memory_space<vmem>> -> memref<16x1024xf32, #tpu.memory_space<vmem>>
    %dma_start3A_131 = arith.constant 0 : i32
    %dma_start3A_132 = tpu.memref_slice %arg3[%add3A_106, %dma_start3A_131] : memref<32768x1024xf32, #tpu.memory_space<hbm>> -> memref<16x1024xf32, #tpu.memory_space<hbm>>
    tpu.enqueue_dma source(%dma_start3A_132 : memref<16x1024xf32, #tpu.memory_space<hbm>>) target(%dma_start3A_130 : memref<16x1024xf32, #tpu.memory_space<vmem>>) target_semaphore(%arg12 : memref<!tpu.dma_semaphore, #tpu.memory_space<semaphore_mem>>)
    %scan3A = arith.constant 0 : i32
    %scan3A_133 = arith.constant 8 : i32
    %scan3A_134 = arith.addi %scan3A, %scan3A_133 : i32
    %scan3A_135 = arith.constant 1 : i32
    %scan3A_136:8 = scf.for %scan3A_313 = %scan3A to %scan3A_134 step %scan3A_135 iter_args(%scan3A_314 = %broadcast_in_dim3A_49, %scan3A_315 = %broadcast_in_dim3A_49, %scan3A_316 = %broadcast_in_dim3A_49, %scan3A_317 = %broadcast_in_dim3A_49, %scan3A_318 = %broadcast_in_dim3A_49, %scan3A_319 = %broadcast_in_dim3A_49, %scan3A_320 = %broadcast_in_dim3A_49, %scan3A_321 = %broadcast_in_dim3A_49) -> (vector<16xf32>, vector<16xf32>, vector<16xf32>, vector<16xf32>, vector<16xf32>, vector<16xf32>, vector<16xf32>, vector<16xf32>)  : i32 {
      %mul3A_322 = arith.constant 3 : i32
      %mul3A_323 = arith.muli %mul3A_322, %scan3A_313 : i32
      %dma_wait3A_324 = arith.constant 0 : i32
      %dma_wait3A_325 = arith.constant 0 : i32
      %dma_wait3A_326 = arith.constant 0 : i32
      %dma_wait3A_327 = tpu.memref_slice %arg6[%dma_wait3A_324, %dma_wait3A_325, %dma_wait3A_326] : memref<3x16x1024xf32, #tpu.memory_space<vmem>> -> memref<1x16x1024xf32, #tpu.memory_space<vmem>>
      %dma_wait3A_328 = tpu.memref_squeeze %dma_wait3A_327 : memref<1x16x1024xf32, #tpu.memory_space<vmem>> -> memref<16x1024xf32, #tpu.memory_space<vmem>>
      %dma_wait3A_329 = arith.constant 0 : i32
      %dma_wait3A_330 = tpu.memref_slice %arg2[%add3A_4, %dma_wait3A_329] : memref<32768x1024xf32, #tpu.memory_space<hbm>> -> memref<16x1024xf32, #tpu.memory_space<hbm>>
      %dma_wait3A_331 = arith.constant 0 : i32
      %dma_wait3A_332 = arith.constant 0 : i32
      %dma_wait3A_333 = tpu.memref_slice %arg6[%dma_wait3A_324, %dma_wait3A_331, %dma_wait3A_332] : memref<3x16x1024xf32, #tpu.memory_space<vmem>> -> memref<1x16x1024xf32, #tpu.memory_space<vmem>>
      %dma_wait3A_334 = tpu.memref_squeeze %dma_wait3A_333 : memref<1x16x1024xf32, #tpu.memory_space<vmem>> -> memref<16x1024xf32, #tpu.memory_space<vmem>>
      %dma_wait3A_335 = arith.constant 0 : i32
      %dma_wait3A_336 = tpu.memref_slice %arg2[%add3A_4, %dma_wait3A_335] : memref<32768x1024xf32, #tpu.memory_space<hbm>> -> memref<16x1024xf32, #tpu.memory_space<hbm>>
      tpu.wait_dma2 semaphore(%arg10 : memref<!tpu.dma_semaphore, #tpu.memory_space<semaphore_mem>>) src(%dma_wait3A_336 : memref<16x1024xf32, #tpu.memory_space<hbm>>) dst(%dma_wait3A_334 : memref<16x1024xf32, #tpu.memory_space<vmem>>)
      %dma_wait3A_337 = arith.constant 0 : i32
      %dma_wait3A_338 = arith.constant 0 : i32
      %dma_wait3A_339 = arith.constant 0 : i32
      %dma_wait3A_340 = tpu.memref_slice %arg7[%dma_wait3A_337, %dma_wait3A_338, %dma_wait3A_339] : memref<3x16x1024xf32, #tpu.memory_space<vmem>> -> memref<1x16x1024xf32, #tpu.memory_space<vmem>>
      %dma_wait3A_341 = tpu.memref_squeeze %dma_wait3A_340 : memref<1x16x1024xf32, #tpu.memory_space<vmem>> -> memref<16x1024xf32, #tpu.memory_space<vmem>>
      %dma_wait3A_342 = arith.constant 0 : i32
      %dma_wait3A_343 = tpu.memref_slice %arg3[%add3A_4, %dma_wait3A_342] : memref<32768x1024xf32, #tpu.memory_space<hbm>> -> memref<16x1024xf32, #tpu.memory_space<hbm>>
      %dma_wait3A_344 = arith.constant 0 : i32
      %dma_wait3A_345 = arith.constant 0 : i32
      %dma_wait3A_346 = tpu.memref_slice %arg7[%dma_wait3A_337, %dma_wait3A_344, %dma_wait3A_345] : memref<3x16x1024xf32, #tpu.memory_space<vmem>> -> memref<1x16x1024xf32, #tpu.memory_space<vmem>>
      %dma_wait3A_347 = tpu.memref_squeeze %dma_wait3A_346 : memref<1x16x1024xf32, #tpu.memory_space<vmem>> -> memref<16x1024xf32, #tpu.memory_space<vmem>>
      %dma_wait3A_348 = arith.constant 0 : i32
      %dma_wait3A_349 = tpu.memref_slice %arg3[%add3A_4, %dma_wait3A_348] : memref<32768x1024xf32, #tpu.memory_space<hbm>> -> memref<16x1024xf32, #tpu.memory_space<hbm>>
      tpu.wait_dma2 semaphore(%arg10 : memref<!tpu.dma_semaphore, #tpu.memory_space<semaphore_mem>>) src(%dma_wait3A_349 : memref<16x1024xf32, #tpu.memory_space<hbm>>) dst(%dma_wait3A_347 : memref<16x1024xf32, #tpu.memory_space<vmem>>)
      %scan3A_350 = arith.constant 0 : i32
      %scan3A_351 = arith.constant 0 : i32
      %scan3A_352 = arith.constant 0 : i32
      %scan3A_353 = arith.constant 16 : i32
      %scan3A_354 = arith.addi %scan3A_352, %scan3A_353 : i32
      %scan3A_355 = arith.constant 1 : i32
      %scan3A_356:8 = scf.for %scan3A_525 = %scan3A_352 to %scan3A_354 step %scan3A_355 iter_args(%scan3A_526 = %scan3A_314, %scan3A_527 = %scan3A_315, %scan3A_528 = %scan3A_316, %scan3A_529 = %scan3A_317, %scan3A_530 = %scan3A_318, %scan3A_531 = %scan3A_319, %scan3A_532 = %scan3A_320, %scan3A_533 = %scan3A_321) -> (vector<16xf32>, vector<16xf32>, vector<16xf32>, vector<16xf32>, vector<16xf32>, vector<16xf32>, vector<16xf32>, vector<16xf32>)  : i32 {
        %parallel_loop3A = arith.constant 0 : i32
        %parallel_loop3A_534 = arith.constant 1024 : i32
        %parallel_loop3A_535 = arith.constant 128 : i32
        %parallel_loop3A_536:8 = scf.for %parallel_loop3A_537 = %parallel_loop3A to %parallel_loop3A_534 step %parallel_loop3A_535 iter_args(%parallel_loop3A_538 = %scan3A_526, %parallel_loop3A_539 = %scan3A_527, %parallel_loop3A_540 = %scan3A_528, %parallel_loop3A_541 = %scan3A_529, %parallel_loop3A_542 = %scan3A_530, %parallel_loop3A_543 = %scan3A_531, %parallel_loop3A_544 = %scan3A_532, %parallel_loop3A_545 = %scan3A_533) -> (vector<16xf32>, vector<16xf32>, vector<16xf32>, vector<16xf32>, vector<16xf32>, vector<16xf32>, vector<16xf32>, vector<16xf32>)  : i32 {
          %parallel_loop3A_546 = arith.constant 0 : i32
          %parallel_loop3A_547 = arith.addi %parallel_loop3A_537, %parallel_loop3A_546 : i32
          %parallel_loop3A_548 = arith.constant 0 : i32
          %parallel_loop3A_549 = arith.constant 0 : i32
          %parallel_loop3A_550 = tpu.memref_slice %arg6[%scan3A_350, %parallel_loop3A_548, %parallel_loop3A_549] : memref<3x16x1024xf32, #tpu.memory_space<vmem>> -> memref<1x16x1024xf32, #tpu.memory_space<vmem>>
          %parallel_loop3A_551 = tpu.memref_squeeze %parallel_loop3A_550 : memref<1x16x1024xf32, #tpu.memory_space<vmem>> -> memref<16x1024xf32, #tpu.memory_space<vmem>>
          %parallel_loop3A_552 = arith.index_cast %scan3A_525 : i32 to index
          %parallel_loop3A_553 = arith.index_cast %parallel_loop3A_547 : i32 to index
          %parallel_loop3A_554 = tpu.vector_load %parallel_loop3A_551[%parallel_loop3A_552, %parallel_loop3A_553] {strides = array<i32>} : memref<16x1024xf32, #tpu.memory_space<vmem>>, vector<1x16xf32>,
          %parallel_loop3A_555 = vector.shape_cast %parallel_loop3A_554 : vector<1x16xf32> to vector<16xf32>
          %parallel_loop3A_556 = arith.constant 0 : i32
          %parallel_loop3A_557 = arith.addi %parallel_loop3A_537, %parallel_loop3A_556 : i32
          %parallel_loop3A_558 = arith.constant 0 : i32
          %parallel_loop3A_559 = arith.constant 0 : i32
          %parallel_loop3A_560 = tpu.memref_slice %arg7[%scan3A_351, %parallel_loop3A_558, %parallel_loop3A_559] : memref<3x16x1024xf32, #tpu.memory_space<vmem>> -> memref<1x16x1024xf32, #tpu.memory_space<vmem>>
          %parallel_loop3A_561 = tpu.memref_squeeze %parallel_loop3A_560 : memref<1x16x1024xf32, #tpu.memory_space<vmem>> -> memref<16x1024xf32, #tpu.memory_space<vmem>>
          %parallel_loop3A_562 = arith.index_cast %scan3A_525 : i32 to index
          %parallel_loop3A_563 = arith.index_cast %parallel_loop3A_557 : i32 to index
          %parallel_loop3A_564 = tpu.vector_load %parallel_loop3A_561[%parallel_loop3A_562, %parallel_loop3A_563] {strides = array<i32>} : memref<16x1024xf32, #tpu.memory_space<vmem>>, vector<1x16xf32>,
          %parallel_loop3A_565 = vector.shape_cast %parallel_loop3A_564 : vector<1x16xf32> to vector<16xf32>
          %parallel_loop3A_566 = arith.subf %parallel_loop3A_555, %parallel_loop3A_565 : vector<16xf32>
          %parallel_loop3A_567 = arith.cmpf oge, %parallel_loop3A_565, %get3A_8 : vector<16xf32>
          %parallel_loop3A_568 = arith.select %parallel_loop3A_567, %get3A_33, %get3A_28 : vector<16xi1>, vector<16xf32>
          %parallel_loop3A_569 = arith.cmpf oge, %parallel_loop3A_565, %get3A_13 : vector<16xf32>
          %parallel_loop3A_570 = arith.select %parallel_loop3A_569, %get3A_38, %parallel_loop3A_568 : vector<16xi1>, vector<16xf32>
          %parallel_loop3A_571 = arith.cmpf oge, %parallel_loop3A_565, %get3A_18 : vector<16xf32>
          %parallel_loop3A_572 = arith.select %parallel_loop3A_571, %get3A_43, %parallel_loop3A_570 : vector<16xi1>, vector<16xf32>
          %parallel_loop3A_573 = arith.cmpf oge, %parallel_loop3A_565, %get3A_23 : vector<16xf32>
          %parallel_loop3A_574 = arith.select %parallel_loop3A_573, %get3A_48, %parallel_loop3A_572 : vector<16xi1>, vector<16xf32>
          %parallel_loop3A_575 = arith.mulf %parallel_loop3A_566, %parallel_loop3A_566 : vector<16xf32>
          %parallel_loop3A_576 = arith.mulf %parallel_loop3A_574, %parallel_loop3A_575 : vector<16xf32>
          %parallel_loop3A_577 = arith.addf %parallel_loop3A_538, %parallel_loop3A_576 : vector<16xf32>
          %parallel_loop3A_578 = arith.constant 16 : i32
          %parallel_loop3A_579 = arith.addi %parallel_loop3A_537, %parallel_loop3A_578 : i32
          %parallel_loop3A_580 = arith.constant 0 : i32
          %parallel_loop3A_581 = arith.constant 0 : i32
          %parallel_loop3A_582 = tpu.memref_slice %arg6[%scan3A_350, %parallel_loop3A_580, %parallel_loop3A_581] : memref<3x16x1024xf32, #tpu.memory_space<vmem>> -> memref<1x16x1024xf32, #tpu.memory_space<vmem>>
          %parallel_loop3A_583 = tpu.memref_squeeze %parallel_loop3A_582 : memref<1x16x1024xf32, #tpu.memory_space<vmem>> -> memref<16x1024xf32, #tpu.memory_space<vmem>>
          %parallel_loop3A_584 = arith.index_cast %scan3A_525 : i32 to index
          %parallel_loop3A_585 = arith.index_cast %parallel_loop3A_579 : i32 to index
          %parallel_loop3A_586 = tpu.vector_load %parallel_loop3A_583[%parallel_loop3A_584, %parallel_loop3A_585] {strides = array<i32>} : memref<16x1024xf32, #tpu.memory_space<vmem>>, vector<1x16xf32>,
          %parallel_loop3A_587 = vector.shape_cast %parallel_loop3A_586 : vector<1x16xf32> to vector<16xf32>
          %parallel_loop3A_588 = arith.constant 16 : i32
          %parallel_loop3A_589 = arith.addi %parallel_loop3A_537, %parallel_loop3A_588 : i32
          %parallel_loop3A_590 = arith.constant 0 : i32
          %parallel_loop3A_591 = arith.constant 0 : i32
          %parallel_loop3A_592 = tpu.memref_slice %arg7[%scan3A_351, %parallel_loop3A_590, %parallel_loop3A_591] : memref<3x16x1024xf32, #tpu.memory_space<vmem>> -> memref<1x16x1024xf32, #tpu.memory_space<vmem>>
          %parallel_loop3A_593 = tpu.memref_squeeze %parallel_loop3A_592 : memref<1x16x1024xf32, #tpu.memory_space<vmem>> -> memref<16x1024xf32, #tpu.memory_space<vmem>>
          %parallel_loop3A_594 = arith.index_cast %scan3A_525 : i32 to index
          %parallel_loop3A_595 = arith.index_cast %parallel_loop3A_589 : i32 to index
          %parallel_loop3A_596 = tpu.vector_load %parallel_loop3A_593[%parallel_loop3A_594, %parallel_loop3A_595] {strides = array<i32>} : memref<16x1024xf32, #tpu.memory_space<vmem>>, vector<1x16xf32>,
          %parallel_loop3A_597 = vector.shape_cast %parallel_loop3A_596 : vector<1x16xf32> to vector<16xf32>
          %parallel_loop3A_598 = arith.subf %parallel_loop3A_587, %parallel_loop3A_597 : vector<16xf32>
          %parallel_loop3A_599 = arith.cmpf oge, %parallel_loop3A_597, %get3A_8 : vector<16xf32>
          %parallel_loop3A_600 = arith.select %parallel_loop3A_599, %get3A_33, %get3A_28 : vector<16xi1>, vector<16xf32>
          %parallel_loop3A_601 = arith.cmpf oge, %parallel_loop3A_597, %get3A_13 : vector<16xf32>
          %parallel_loop3A_602 = arith.select %parallel_loop3A_601, %get3A_38, %parallel_loop3A_600 : vector<16xi1>, vector<16xf32>
          %parallel_loop3A_603 = arith.cmpf oge, %parallel_loop3A_597, %get3A_18 : vector<16xf32>
          %parallel_loop3A_604 = arith.select %parallel_loop3A_603, %get3A_43, %parallel_loop3A_602 : vector<16xi1>, vector<16xf32>
          %parallel_loop3A_605 = arith.cmpf oge, %parallel_loop3A_597, %get3A_23 : vector<16xf32>
          %parallel_loop3A_606 = arith.select %parallel_loop3A_605, %get3A_48, %parallel_loop3A_604 : vector<16xi1>, vector<16xf32>
          %parallel_loop3A_607 = arith.mulf %parallel_loop3A_598, %parallel_loop3A_598 : vector<16xf32>
          %parallel_loop3A_608 = arith.mulf %parallel_loop3A_606, %parallel_loop3A_607 : vector<16xf32>
          %parallel_loop3A_609 = arith.addf %parallel_loop3A_539, %parallel_loop3A_608 : vector<16xf32>
          %parallel_loop3A_610 = arith.constant 32 : i32
          %parallel_loop3A_611 = arith.addi %parallel_loop3A_537, %parallel_loop3A_610 : i32
          %parallel_loop3A_612 = arith.constant 0 : i32
          %parallel_loop3A_613 = arith.constant 0 : i32
          %parallel_loop3A_614 = tpu.memref_slice %arg6[%scan3A_350, %parallel_loop3A_612, %parallel_loop3A_613] : memref<3x16x1024xf32, #tpu.memory_space<vmem>> -> memref<1x16x1024xf32, #tpu.memory_space<vmem>>
          %parallel_loop3A_615 = tpu.memref_squeeze %parallel_loop3A_614 : memref<1x16x1024xf32, #tpu.memory_space<vmem>> -> memref<16x1024xf32, #tpu.memory_space<vmem>>
          %parallel_loop3A_616 = arith.index_cast %scan3A_525 : i32 to index
          %parallel_loop3A_617 = arith.index_cast %parallel_loop3A_611 : i32 to index
          %parallel_loop3A_618 = tpu.vector_load %parallel_loop3A_615[%parallel_loop3A_616, %parallel_loop3A_617] {strides = array<i32>} : memref<16x1024xf32, #tpu.memory_space<vmem>>, vector<1x16xf32>,
          %parallel_loop3A_619 = vector.shape_cast %parallel_loop3A_618 : vector<1x16xf32> to vector<16xf32>
          %parallel_loop3A_620 = arith.constant 32 : i32
          %parallel_loop3A_621 = arith.addi %parallel_loop3A_537, %parallel_loop3A_620 : i32
          %parallel_loop3A_622 = arith.constant 0 : i32
          %parallel_loop3A_623 = arith.constant 0 : i32
          %parallel_loop3A_624 = tpu.memref_slice %arg7[%scan3A_351, %parallel_loop3A_622, %parallel_loop3A_623] : memref<3x16x1024xf32, #tpu.memory_space<vmem>> -> memref<1x16x1024xf32, #tpu.memory_space<vmem>>
          %parallel_loop3A_625 = tpu.memref_squeeze %parallel_loop3A_624 : memref<1x16x1024xf32, #tpu.memory_space<vmem>> -> memref<16x1024xf32, #tpu.memory_space<vmem>>
          %parallel_loop3A_626 = arith.index_cast %scan3A_525 : i32 to index
          %parallel_loop3A_627 = arith.index_cast %parallel_loop3A_621 : i32 to index
          %parallel_loop3A_628 = tpu.vector_load %parallel_loop3A_625[%parallel_loop3A_626, %parallel_loop3A_627] {strides = array<i32>} : memref<16x1024xf32, #tpu.memory_space<vmem>>, vector<1x16xf32>,
          %parallel_loop3A_629 = vector.shape_cast %parallel_loop3A_628 : vector<1x16xf32> to vector<16xf32>
          %parallel_loop3A_630 = arith.subf %parallel_loop3A_619, %parallel_loop3A_629 : vector<16xf32>
          %parallel_loop3A_631 = arith.cmpf oge, %parallel_loop3A_629, %get3A_8 : vector<16xf32>
          %parallel_loop3A_632 = arith.select %parallel_loop3A_631, %get3A_33, %get3A_28 : vector<16xi1>, vector<16xf32>
          %parallel_loop3A_633 = arith.cmpf oge, %parallel_loop3A_629, %get3A_13 : vector<16xf32>
          %parallel_loop3A_634 = arith.select %parallel_loop3A_633, %get3A_38, %parallel_loop3A_632 : vector<16xi1>, vector<16xf32>
          %parallel_loop3A_635 = arith.cmpf oge, %parallel_loop3A_629, %get3A_18 : vector<16xf32>
          %parallel_loop3A_636 = arith.select %parallel_loop3A_635, %get3A_43, %parallel_loop3A_634 : vector<16xi1>, vector<16xf32>
          %parallel_loop3A_637 = arith.cmpf oge, %parallel_loop3A_629, %get3A_23 : vector<16xf32>
          %parallel_loop3A_638 = arith.select %parallel_loop3A_637, %get3A_48, %parallel_loop3A_636 : vector<16xi1>, vector<16xf32>
          %parallel_loop3A_639 = arith.mulf %parallel_loop3A_630, %parallel_loop3A_630 : vector<16xf32>
          %parallel_loop3A_640 = arith.mulf %parallel_loop3A_638, %parallel_loop3A_639 : vector<16xf32>
          %parallel_loop3A_641 = arith.addf %parallel_loop3A_540, %parallel_loop3A_640 : vector<16xf32>
          %parallel_loop3A_642 = arith.constant 48 : i32
          %parallel_loop3A_643 = arith.addi %parallel_loop3A_537, %parallel_loop3A_642 : i32
          %parallel_loop3A_644 = arith.constant 0 : i32
          %parallel_loop3A_645 = arith.constant 0 : i32
          %parallel_loop3A_646 = tpu.memref_slice %arg6[%scan3A_350, %parallel_loop3A_644, %parallel_loop3A_645] : memref<3x16x1024xf32, #tpu.memory_space<vmem>> -> memref<1x16x1024xf32, #tpu.memory_space<vmem>>
          %parallel_loop3A_647 = tpu.memref_squeeze %parallel_loop3A_646 : memref<1x16x1024xf32, #tpu.memory_space<vmem>> -> memref<16x1024xf32, #tpu.memory_space<vmem>>
          %parallel_loop3A_648 = arith.index_cast %scan3A_525 : i32 to index
          %parallel_loop3A_649 = arith.index_cast %parallel_loop3A_643 : i32 to index
          %parallel_loop3A_650 = tpu.vector_load %parallel_loop3A_647[%parallel_loop3A_648, %parallel_loop3A_649] {strides = array<i32>} : memref<16x1024xf32, #tpu.memory_space<vmem>>, vector<1x16xf32>,
          %parallel_loop3A_651 = vector.shape_cast %parallel_loop3A_650 : vector<1x16xf32> to vector<16xf32>
          %parallel_loop3A_652 = arith.constant 48 : i32
          %parallel_loop3A_653 = arith.addi %parallel_loop3A_537, %parallel_loop3A_652 : i32
          %parallel_loop3A_654 = arith.constant 0 : i32
          %parallel_loop3A_655 = arith.constant 0 : i32
          %parallel_loop3A_656 = tpu.memref_slice %arg7[%scan3A_351, %parallel_loop3A_654, %parallel_loop3A_655] : memref<3x16x1024xf32, #tpu.memory_space<vmem>> -> memref<1x16x1024xf32, #tpu.memory_space<vmem>>
          %parallel_loop3A_657 = tpu.memref_squeeze %parallel_loop3A_656 : memref<1x16x1024xf32, #tpu.memory_space<vmem>> -> memref<16x1024xf32, #tpu.memory_space<vmem>>
          %parallel_loop3A_658 = arith.index_cast %scan3A_525 : i32 to index
          %parallel_loop3A_659 = arith.index_cast %parallel_loop3A_653 : i32 to index
          %parallel_loop3A_660 = tpu.vector_load %parallel_loop3A_657[%parallel_loop3A_658, %parallel_loop3A_659] {strides = array<i32>} : memref<16x1024xf32, #tpu.memory_space<vmem>>, vector<1x16xf32>,
          %parallel_loop3A_661 = vector.shape_cast %parallel_loop3A_660 : vector<1x16xf32> to vector<16xf32>
          %parallel_loop3A_662 = arith.subf %parallel_loop3A_651, %parallel_loop3A_661 : vector<16xf32>
          %parallel_loop3A_663 = arith.cmpf oge, %parallel_loop3A_661, %get3A_8 : vector<16xf32>
          %parallel_loop3A_664 = arith.select %parallel_loop3A_663, %get3A_33, %get3A_28 : vector<16xi1>, vector<16xf32>
          %parallel_loop3A_665 = arith.cmpf oge, %parallel_loop3A_661, %get3A_13 : vector<16xf32>
          %parallel_loop3A_666 = arith.select %parallel_loop3A_665, %get3A_38, %parallel_loop3A_664 : vector<16xi1>, vector<16xf32>
          %parallel_loop3A_667 = arith.cmpf oge, %parallel_loop3A_661, %get3A_18 : vector<16xf32>
          %parallel_loop3A_668 = arith.select %parallel_loop3A_667, %get3A_43, %parallel_loop3A_666 : vector<16xi1>, vector<16xf32>
          %parallel_loop3A_669 = arith.cmpf oge, %parallel_loop3A_661, %get3A_23 : vector<16xf32>
          %parallel_loop3A_670 = arith.select %parallel_loop3A_669, %get3A_48, %parallel_loop3A_668 : vector<16xi1>, vector<16xf32>
          %parallel_loop3A_671 = arith.mulf %parallel_loop3A_662, %parallel_loop3A_662 : vector<16xf32>
          %parallel_loop3A_672 = arith.mulf %parallel_loop3A_670, %parallel_loop3A_671 : vector<16xf32>
          %parallel_loop3A_673 = arith.addf %parallel_loop3A_541, %parallel_loop3A_672 : vector<16xf32>
          %parallel_loop3A_674 = arith.constant 64 : i32
          %parallel_loop3A_675 = arith.addi %parallel_loop3A_537, %parallel_loop3A_674 : i32
          %parallel_loop3A_676 = arith.constant 0 : i32
          %parallel_loop3A_677 = arith.constant 0 : i32
          %parallel_loop3A_678 = tpu.memref_slice %arg6[%scan3A_350, %parallel_loop3A_676, %parallel_loop3A_677] : memref<3x16x1024xf32, #tpu.memory_space<vmem>> -> memref<1x16x1024xf32, #tpu.memory_space<vmem>>
          %parallel_loop3A_679 = tpu.memref_squeeze %parallel_loop3A_678 : memref<1x16x1024xf32, #tpu.memory_space<vmem>> -> memref<16x1024xf32, #tpu.memory_space<vmem>>
          %parallel_loop3A_680 = arith.index_cast %scan3A_525 : i32 to index
          %parallel_loop3A_681 = arith.index_cast %parallel_loop3A_675 : i32 to index
          %parallel_loop3A_682 = tpu.vector_load %parallel_loop3A_679[%parallel_loop3A_680, %parallel_loop3A_681] {strides = array<i32>} : memref<16x1024xf32, #tpu.memory_space<vmem>>, vector<1x16xf32>,
          %parallel_loop3A_683 = vector.shape_cast %parallel_loop3A_682 : vector<1x16xf32> to vector<16xf32>
          %parallel_loop3A_684 = arith.constant 64 : i32
          %parallel_loop3A_685 = arith.addi %parallel_loop3A_537, %parallel_loop3A_684 : i32
          %parallel_loop3A_686 = arith.constant 0 : i32
          %parallel_loop3A_687 = arith.constant 0 : i32
          %parallel_loop3A_688 = tpu.memref_slice %arg7[%scan3A_351, %parallel_loop3A_686, %parallel_loop3A_687] : memref<3x16x1024xf32, #tpu.memory_space<vmem>> -> memref<1x16x1024xf32, #tpu.memory_space<vmem>>
          %parallel_loop3A_689 = tpu.memref_squeeze %parallel_loop3A_688 : memref<1x16x1024xf32, #tpu.memory_space<vmem>> -> memref<16x1024xf32, #tpu.memory_space<vmem>>
          %parallel_loop3A_690 = arith.index_cast %scan3A_525 : i32 to index
          %parallel_loop3A_691 = arith.index_cast %parallel_loop3A_685 : i32 to index
          %parallel_loop3A_692 = tpu.vector_load %parallel_loop3A_689[%parallel_loop3A_690, %parallel_loop3A_691] {strides = array<i32>} : memref<16x1024xf32, #tpu.memory_space<vmem>>, vector<1x16xf32>,
          %parallel_loop3A_693 = vector.shape_cast %parallel_loop3A_692 : vector<1x16xf32> to vector<16xf32>
          %parallel_loop3A_694 = arith.subf %parallel_loop3A_683, %parallel_loop3A_693 : vector<16xf32>
          %parallel_loop3A_695 = arith.cmpf oge, %parallel_loop3A_693, %get3A_8 : vector<16xf32>
          %parallel_loop3A_696 = arith.select %parallel_loop3A_695, %get3A_33, %get3A_28 : vector<16xi1>, vector<16xf32>
          %parallel_loop3A_697 = arith.cmpf oge, %parallel_loop3A_693, %get3A_13 : vector<16xf32>
          %parallel_loop3A_698 = arith.select %parallel_loop3A_697, %get3A_38, %parallel_loop3A_696 : vector<16xi1>, vector<16xf32>
          %parallel_loop3A_699 = arith.cmpf oge, %parallel_loop3A_693, %get3A_18 : vector<16xf32>
          %parallel_loop3A_700 = arith.select %parallel_loop3A_699, %get3A_43, %parallel_loop3A_698 : vector<16xi1>, vector<16xf32>
          %parallel_loop3A_701 = arith.cmpf oge, %parallel_loop3A_693, %get3A_23 : vector<16xf32>
          %parallel_loop3A_702 = arith.select %parallel_loop3A_701, %get3A_48, %parallel_loop3A_700 : vector<16xi1>, vector<16xf32>
          %parallel_loop3A_703 = arith.mulf %parallel_loop3A_694, %parallel_loop3A_694 : vector<16xf32>
          %parallel_loop3A_704 = arith.mulf %parallel_loop3A_702, %parallel_loop3A_703 : vector<16xf32>
          %parallel_loop3A_705 = arith.addf %parallel_loop3A_542, %parallel_loop3A_704 : vector<16xf32>
          %parallel_loop3A_706 = arith.constant 80 : i32
          %parallel_loop3A_707 = arith.addi %parallel_loop3A_537, %parallel_loop3A_706 : i32
          %parallel_loop3A_708 = arith.constant 0 : i32
          %parallel_loop3A_709 = arith.constant 0 : i32
          %parallel_loop3A_710 = tpu.memref_slice %arg6[%scan3A_350, %parallel_loop3A_708, %parallel_loop3A_709] : memref<3x16x1024xf32, #tpu.memory_space<vmem>> -> memref<1x16x1024xf32, #tpu.memory_space<vmem>>
          %parallel_loop3A_711 = tpu.memref_squeeze %parallel_loop3A_710 : memref<1x16x1024xf32, #tpu.memory_space<vmem>> -> memref<16x1024xf32, #tpu.memory_space<vmem>>
          %parallel_loop3A_712 = arith.index_cast %scan3A_525 : i32 to index
          %parallel_loop3A_713 = arith.index_cast %parallel_loop3A_707 : i32 to index
          %parallel_loop3A_714 = tpu.vector_load %parallel_loop3A_711[%parallel_loop3A_712, %parallel_loop3A_713] {strides = array<i32>} : memref<16x1024xf32, #tpu.memory_space<vmem>>, vector<1x16xf32>,
          %parallel_loop3A_715 = vector.shape_cast %parallel_loop3A_714 : vector<1x16xf32> to vector<16xf32>
          %parallel_loop3A_716 = arith.constant 80 : i32
          %parallel_loop3A_717 = arith.addi %parallel_loop3A_537, %parallel_loop3A_716 : i32
          %parallel_loop3A_718 = arith.constant 0 : i32
          %parallel_loop3A_719 = arith.constant 0 : i32
          %parallel_loop3A_720 = tpu.memref_slice %arg7[%scan3A_351, %parallel_loop3A_718, %parallel_loop3A_719] : memref<3x16x1024xf32, #tpu.memory_space<vmem>> -> memref<1x16x1024xf32, #tpu.memory_space<vmem>>
          %parallel_loop3A_721 = tpu.memref_squeeze %parallel_loop3A_720 : memref<1x16x1024xf32, #tpu.memory_space<vmem>> -> memref<16x1024xf32, #tpu.memory_space<vmem>>
          %parallel_loop3A_722 = arith.index_cast %scan3A_525 : i32 to index
          %parallel_loop3A_723 = arith.index_cast %parallel_loop3A_717 : i32 to index
          %parallel_loop3A_724 = tpu.vector_load %parallel_loop3A_721[%parallel_loop3A_722, %parallel_loop3A_723] {strides = array<i32>} : memref<16x1024xf32, #tpu.memory_space<vmem>>, vector<1x16xf32>,
          %parallel_loop3A_725 = vector.shape_cast %parallel_loop3A_724 : vector<1x16xf32> to vector<16xf32>
          %parallel_loop3A_726 = arith.subf %parallel_loop3A_715, %parallel_loop3A_725 : vector<16xf32>
          %parallel_loop3A_727 = arith.cmpf oge, %parallel_loop3A_725, %get3A_8 : vector<16xf32>
          %parallel_loop3A_728 = arith.select %parallel_loop3A_727, %get3A_33, %get3A_28 : vector<16xi1>, vector<16xf32>
          %parallel_loop3A_729 = arith.cmpf oge, %parallel_loop3A_725, %get3A_13 : vector<16xf32>
          %parallel_loop3A_730 = arith.select %parallel_loop3A_729, %get3A_38, %parallel_loop3A_728 : vector<16xi1>, vector<16xf32>
          %parallel_loop3A_731 = arith.cmpf oge, %parallel_loop3A_725, %get3A_18 : vector<16xf32>
          %parallel_loop3A_732 = arith.select %parallel_loop3A_731, %get3A_43, %parallel_loop3A_730 : vector<16xi1>, vector<16xf32>
          %parallel_loop3A_733 = arith.cmpf oge, %parallel_loop3A_725, %get3A_23 : vector<16xf32>
          %parallel_loop3A_734 = arith.select %parallel_loop3A_733, %get3A_48, %parallel_loop3A_732 : vector<16xi1>, vector<16xf32>
          %parallel_loop3A_735 = arith.mulf %parallel_loop3A_726, %parallel_loop3A_726 : vector<16xf32>
          %parallel_loop3A_736 = arith.mulf %parallel_loop3A_734, %parallel_loop3A_735 : vector<16xf32>
          %parallel_loop3A_737 = arith.addf %parallel_loop3A_543, %parallel_loop3A_736 : vector<16xf32>
          %parallel_loop3A_738 = arith.constant 96 : i32
          %parallel_loop3A_739 = arith.addi %parallel_loop3A_537, %parallel_loop3A_738 : i32
          %parallel_loop3A_740 = arith.constant 0 : i32
          %parallel_loop3A_741 = arith.constant 0 : i32
          %parallel_loop3A_742 = tpu.memref_slice %arg6[%scan3A_350, %parallel_loop3A_740, %parallel_loop3A_741] : memref<3x16x1024xf32, #tpu.memory_space<vmem>> -> memref<1x16x1024xf32, #tpu.memory_space<vmem>>
          %parallel_loop3A_743 = tpu.memref_squeeze %parallel_loop3A_742 : memref<1x16x1024xf32, #tpu.memory_space<vmem>> -> memref<16x1024xf32, #tpu.memory_space<vmem>>
          %parallel_loop3A_744 = arith.index_cast %scan3A_525 : i32 to index
          %parallel_loop3A_745 = arith.index_cast %parallel_loop3A_739 : i32 to index
          %parallel_loop3A_746 = tpu.vector_load %parallel_loop3A_743[%parallel_loop3A_744, %parallel_loop3A_745] {strides = array<i32>} : memref<16x1024xf32, #tpu.memory_space<vmem>>, vector<1x16xf32>,
          %parallel_loop3A_747 = vector.shape_cast %parallel_loop3A_746 : vector<1x16xf32> to vector<16xf32>
          %parallel_loop3A_748 = arith.constant 96 : i32
          %parallel_loop3A_749 = arith.addi %parallel_loop3A_537, %parallel_loop3A_748 : i32
          %parallel_loop3A_750 = arith.constant 0 : i32
          %parallel_loop3A_751 = arith.constant 0 : i32
          %parallel_loop3A_752 = tpu.memref_slice %arg7[%scan3A_351, %parallel_loop3A_750, %parallel_loop3A_751] : memref<3x16x1024xf32, #tpu.memory_space<vmem>> -> memref<1x16x1024xf32, #tpu.memory_space<vmem>>
          %parallel_loop3A_753 = tpu.memref_squeeze %parallel_loop3A_752 : memref<1x16x1024xf32, #tpu.memory_space<vmem>> -> memref<16x1024xf32, #tpu.memory_space<vmem>>
          %parallel_loop3A_754 = arith.index_cast %scan3A_525 : i32 to index
          %parallel_loop3A_755 = arith.index_cast %parallel_loop3A_749 : i32 to index
          %parallel_loop3A_756 = tpu.vector_load %parallel_loop3A_753[%parallel_loop3A_754, %parallel_loop3A_755] {strides = array<i32>} : memref<16x1024xf32, #tpu.memory_space<vmem>>, vector<1x16xf32>,
          %parallel_loop3A_757 = vector.shape_cast %parallel_loop3A_756 : vector<1x16xf32> to vector<16xf32>
          %parallel_loop3A_758 = arith.subf %parallel_loop3A_747, %parallel_loop3A_757 : vector<16xf32>
          %parallel_loop3A_759 = arith.cmpf oge, %parallel_loop3A_757, %get3A_8 : vector<16xf32>
          %parallel_loop3A_760 = arith.select %parallel_loop3A_759, %get3A_33, %get3A_28 : vector<16xi1>, vector<16xf32>
          %parallel_loop3A_761 = arith.cmpf oge, %parallel_loop3A_757, %get3A_13 : vector<16xf32>
          %parallel_loop3A_762 = arith.select %parallel_loop3A_761, %get3A_38, %parallel_loop3A_760 : vector<16xi1>, vector<16xf32>
          %parallel_loop3A_763 = arith.cmpf oge, %parallel_loop3A_757, %get3A_18 : vector<16xf32>
          %parallel_loop3A_764 = arith.select %parallel_loop3A_763, %get3A_43, %parallel_loop3A_762 : vector<16xi1>, vector<16xf32>
          %parallel_loop3A_765 = arith.cmpf oge, %parallel_loop3A_757, %get3A_23 : vector<16xf32>
          %parallel_loop3A_766 = arith.select %parallel_loop3A_765, %get3A_48, %parallel_loop3A_764 : vector<16xi1>, vector<16xf32>
          %parallel_loop3A_767 = arith.mulf %parallel_loop3A_758, %parallel_loop3A_758 : vector<16xf32>
          %parallel_loop3A_768 = arith.mulf %parallel_loop3A_766, %parallel_loop3A_767 : vector<16xf32>
          %parallel_loop3A_769 = arith.addf %parallel_loop3A_544, %parallel_loop3A_768 : vector<16xf32>
          %parallel_loop3A_770 = arith.constant 112 : i32
          %parallel_loop3A_771 = arith.addi %parallel_loop3A_537, %parallel_loop3A_770 : i32
          %parallel_loop3A_772 = arith.constant 0 : i32
          %parallel_loop3A_773 = arith.constant 0 : i32
          %parallel_loop3A_774 = tpu.memref_slice %arg6[%scan3A_350, %parallel_loop3A_772, %parallel_loop3A_773] : memref<3x16x1024xf32, #tpu.memory_space<vmem>> -> memref<1x16x1024xf32, #tpu.memory_space<vmem>>
          %parallel_loop3A_775 = tpu.memref_squeeze %parallel_loop3A_774 : memref<1x16x1024xf32, #tpu.memory_space<vmem>> -> memref<16x1024xf32, #tpu.memory_space<vmem>>
          %parallel_loop3A_776 = arith.index_cast %scan3A_525 : i32 to index
          %parallel_loop3A_777 = arith.index_cast %parallel_loop3A_771 : i32 to index
          %parallel_loop3A_778 = tpu.vector_load %parallel_loop3A_775[%parallel_loop3A_776, %parallel_loop3A_777] {strides = array<i32>} : memref<16x1024xf32, #tpu.memory_space<vmem>>, vector<1x16xf32>,
          %parallel_loop3A_779 = vector.shape_cast %parallel_loop3A_778 : vector<1x16xf32> to vector<16xf32>
          %parallel_loop3A_780 = arith.constant 112 : i32
          %parallel_loop3A_781 = arith.addi %parallel_loop3A_537, %parallel_loop3A_780 : i32
          %parallel_loop3A_782 = arith.constant 0 : i32
          %parallel_loop3A_783 = arith.constant 0 : i32
          %parallel_loop3A_784 = tpu.memref_slice %arg7[%scan3A_351, %parallel_loop3A_782, %parallel_loop3A_783] : memref<3x16x1024xf32, #tpu.memory_space<vmem>> -> memref<1x16x1024xf32, #tpu.memory_space<vmem>>
          %parallel_loop3A_785 = tpu.memref_squeeze %parallel_loop3A_784 : memref<1x16x1024xf32, #tpu.memory_space<vmem>> -> memref<16x1024xf32, #tpu.memory_space<vmem>>
          %parallel_loop3A_786 = arith.index_cast %scan3A_525 : i32 to index
          %parallel_loop3A_787 = arith.index_cast %parallel_loop3A_781 : i32 to index
          %parallel_loop3A_788 = tpu.vector_load %parallel_loop3A_785[%parallel_loop3A_786, %parallel_loop3A_787] {strides = array<i32>} : memref<16x1024xf32, #tpu.memory_space<vmem>>, vector<1x16xf32>,
          %parallel_loop3A_789 = vector.shape_cast %parallel_loop3A_788 : vector<1x16xf32> to vector<16xf32>
          %parallel_loop3A_790 = arith.subf %parallel_loop3A_779, %parallel_loop3A_789 : vector<16xf32>
          %parallel_loop3A_791 = arith.cmpf oge, %parallel_loop3A_789, %get3A_8 : vector<16xf32>
          %parallel_loop3A_792 = arith.select %parallel_loop3A_791, %get3A_33, %get3A_28 : vector<16xi1>, vector<16xf32>
          %parallel_loop3A_793 = arith.cmpf oge, %parallel_loop3A_789, %get3A_13 : vector<16xf32>
          %parallel_loop3A_794 = arith.select %parallel_loop3A_793, %get3A_38, %parallel_loop3A_792 : vector<16xi1>, vector<16xf32>
          %parallel_loop3A_795 = arith.cmpf oge, %parallel_loop3A_789, %get3A_18 : vector<16xf32>
          %parallel_loop3A_796 = arith.select %parallel_loop3A_795, %get3A_43, %parallel_loop3A_794 : vector<16xi1>, vector<16xf32>
          %parallel_loop3A_797 = arith.cmpf oge, %parallel_loop3A_789, %get3A_23 : vector<16xf32>
          %parallel_loop3A_798 = arith.select %parallel_loop3A_797, %get3A_48, %parallel_loop3A_796 : vector<16xi1>, vector<16xf32>
          %parallel_loop3A_799 = arith.mulf %parallel_loop3A_790, %parallel_loop3A_790 : vector<16xf32>
          %parallel_loop3A_800 = arith.mulf %parallel_loop3A_798, %parallel_loop3A_799 : vector<16xf32>
          %parallel_loop3A_801 = arith.addf %parallel_loop3A_545, %parallel_loop3A_800 : vector<16xf32>
          scf.yield %parallel_loop3A_577, %parallel_loop3A_609, %parallel_loop3A_641, %parallel_loop3A_673, %parallel_loop3A_705, %parallel_loop3A_737, %parallel_loop3A_769, %parallel_loop3A_801 : vector<16xf32>, vector<16xf32>, vector<16xf32>, vector<16xf32>, vector<16xf32>, vector<16xf32>, vector<16xf32>, vector<16xf32>
        } {sc.loop_unroll_factor = 2 : i64, sc.parallel_access}
        scf.yield %parallel_loop3A_536#0, %parallel_loop3A_536#1, %parallel_loop3A_536#2, %parallel_loop3A_536#3, %parallel_loop3A_536#4, %parallel_loop3A_536#5, %parallel_loop3A_536#6, %parallel_loop3A_536#7 : vector<16xf32>, vector<16xf32>, vector<16xf32>, vector<16xf32>, vector<16xf32>, vector<16xf32>, vector<16xf32>, vector<16xf32>
      }
      %scan3A_357 = arith.constant 16 : i32
      %add3A_358 = arith.constant 0 : i32
      %add3A_359 = arith.addi %mul3A_323, %add3A_358 : i32
      %add3A_360 = arith.constant 3 : i32
      %add3A_361 = arith.addi %add3A_359, %add3A_360 : i32
      %mul3A_362 = arith.constant 16 : i32
      %mul3A_363 = arith.muli %add3A_361, %mul3A_362 : i32
      %add3A_364 = arith.addi %add3A_4, %mul3A_363 : i32
      %dma_start3A_365 = arith.constant 0 : i32
      %dma_start3A_366 = arith.constant 0 : i32
      %dma_start3A_367 = arith.constant 0 : i32
      %dma_start3A_368 = tpu.memref_slice %arg6[%dma_start3A_365, %dma_start3A_366, %dma_start3A_367] : memref<3x16x1024xf32, #tpu.memory_space<vmem>> -> memref<1x16x1024xf32, #tpu.memory_space<vmem>>
      %dma_start3A_369 = tpu.memref_squeeze %dma_start3A_368 : memref<1x16x1024xf32, #tpu.memory_space<vmem>> -> memref<16x1024xf32, #tpu.memory_space<vmem>>
      %dma_start3A_370 = arith.constant 0 : i32
      %dma_start3A_371 = tpu.memref_slice %arg2[%add3A_364, %dma_start3A_370] : memref<32768x1024xf32, #tpu.memory_space<hbm>> -> memref<16x1024xf32, #tpu.memory_space<hbm>>
      %dma_start3A_372 = arith.constant 0 : i32
      %dma_start3A_373 = arith.constant 0 : i32
      %dma_start3A_374 = tpu.memref_slice %arg6[%dma_start3A_365, %dma_start3A_372, %dma_start3A_373] : memref<3x16x1024xf32, #tpu.memory_space<vmem>> -> memref<1x16x1024xf32, #tpu.memory_space<vmem>>
      %dma_start3A_375 = tpu.memref_squeeze %dma_start3A_374 : memref<1x16x1024xf32, #tpu.memory_space<vmem>> -> memref<16x1024xf32, #tpu.memory_space<vmem>>
      %dma_start3A_376 = arith.constant 0 : i32
      %dma_start3A_377 = tpu.memref_slice %arg2[%add3A_364, %dma_start3A_376] : memref<32768x1024xf32, #tpu.memory_space<hbm>> -> memref<16x1024xf32, #tpu.memory_space<hbm>>
      tpu.enqueue_dma source(%dma_start3A_377 : memref<16x1024xf32, #tpu.memory_space<hbm>>) target(%dma_start3A_375 : memref<16x1024xf32, #tpu.memory_space<vmem>>) target_semaphore(%arg10 : memref<!tpu.dma_semaphore, #tpu.memory_space<semaphore_mem>>)
      %dma_start3A_378 = arith.constant 0 : i32
      %dma_start3A_379 = arith.constant 0 : i32
      %dma_start3A_380 = arith.constant 0 : i32
      %dma_start3A_381 = tpu.memref_slice %arg7[%dma_start3A_378, %dma_start3A_379, %dma_start3A_380] : memref<3x16x1024xf32, #tpu.memory_space<vmem>> -> memref<1x16x1024xf32, #tpu.memory_space<vmem>>
      %dma_start3A_382 = tpu.memref_squeeze %dma_start3A_381 : memref<1x16x1024xf32, #tpu.memory_space<vmem>> -> memref<16x1024xf32, #tpu.memory_space<vmem>>
      %dma_start3A_383 = arith.constant 0 : i32
      %dma_start3A_384 = tpu.memref_slice %arg3[%add3A_364, %dma_start3A_383] : memref<32768x1024xf32, #tpu.memory_space<hbm>> -> memref<16x1024xf32, #tpu.memory_space<hbm>>
      %dma_start3A_385 = arith.constant 0 : i32
      %dma_start3A_386 = arith.constant 0 : i32
      %dma_start3A_387 = tpu.memref_slice %arg7[%dma_start3A_378, %dma_start3A_385, %dma_start3A_386] : memref<3x16x1024xf32, #tpu.memory_space<vmem>> -> memref<1x16x1024xf32, #tpu.memory_space<vmem>>
      %dma_start3A_388 = tpu.memref_squeeze %dma_start3A_387 : memref<1x16x1024xf32, #tpu.memory_space<vmem>> -> memref<16x1024xf32, #tpu.memory_space<vmem>>
      %dma_start3A_389 = arith.constant 0 : i32
      %dma_start3A_390 = tpu.memref_slice %arg3[%add3A_364, %dma_start3A_389] : memref<32768x1024xf32, #tpu.memory_space<hbm>> -> memref<16x1024xf32, #tpu.memory_space<hbm>>
      tpu.enqueue_dma source(%dma_start3A_390 : memref<16x1024xf32, #tpu.memory_space<hbm>>) target(%dma_start3A_388 : memref<16x1024xf32, #tpu.memory_space<vmem>>) target_semaphore(%arg10 : memref<!tpu.dma_semaphore, #tpu.memory_space<semaphore_mem>>)
      %dma_wait3A_391 = arith.constant 1 : i32
      %dma_wait3A_392 = arith.constant 0 : i32
      %dma_wait3A_393 = arith.constant 0 : i32
      %dma_wait3A_394 = tpu.memref_slice %arg6[%dma_wait3A_391, %dma_wait3A_392, %dma_wait3A_393] : memref<3x16x1024xf32, #tpu.memory_space<vmem>> -> memref<1x16x1024xf32, #tpu.memory_space<vmem>>
      %dma_wait3A_395 = tpu.memref_squeeze %dma_wait3A_394 : memref<1x16x1024xf32, #tpu.memory_space<vmem>> -> memref<16x1024xf32, #tpu.memory_space<vmem>>
      %dma_wait3A_396 = arith.constant 0 : i32
      %dma_wait3A_397 = tpu.memref_slice %arg2[%add3A_4, %dma_wait3A_396] : memref<32768x1024xf32, #tpu.memory_space<hbm>> -> memref<16x1024xf32, #tpu.memory_space<hbm>>
      %dma_wait3A_398 = arith.constant 0 : i32
      %dma_wait3A_399 = arith.constant 0 : i32
      %dma_wait3A_400 = tpu.memref_slice %arg6[%dma_wait3A_391, %dma_wait3A_398, %dma_wait3A_399] : memref<3x16x1024xf32, #tpu.memory_space<vmem>> -> memref<1x16x1024xf32, #tpu.memory_space<vmem>>
      %dma_wait3A_401 = tpu.memref_squeeze %dma_wait3A_400 : memref<1x16x1024xf32, #tpu.memory_space<vmem>> -> memref<16x1024xf32, #tpu.memory_space<vmem>>
      %dma_wait3A_402 = arith.constant 0 : i32
      %dma_wait3A_403 = tpu.memref_slice %arg2[%add3A_4, %dma_wait3A_402] : memref<32768x1024xf32, #tpu.memory_space<hbm>> -> memref<16x1024xf32, #tpu.memory_space<hbm>>
      tpu.wait_dma2 semaphore(%arg11 : memref<!tpu.dma_semaphore, #tpu.memory_space<semaphore_mem>>) src(%dma_wait3A_403 : memref<16x1024xf32, #tpu.memory_space<hbm>>) dst(%dma_wait3A_401 : memref<16x1024xf32, #tpu.memory_space<vmem>>)
      %dma_wait3A_404 = arith.constant 1 : i32
      %dma_wait3A_405 = arith.constant 0 : i32
      %dma_wait3A_406 = arith.constant 0 : i32
      %dma_wait3A_407 = tpu.memref_slice %arg7[%dma_wait3A_404, %dma_wait3A_405, %dma_wait3A_406] : memref<3x16x1024xf32, #tpu.memory_space<vmem>> -> memref<1x16x1024xf32, #tpu.memory_space<vmem>>
      %dma_wait3A_408 = tpu.memref_squeeze %dma_wait3A_407 : memref<1x16x1024xf32, #tpu.memory_space<vmem>> -> memref<16x1024xf32, #tpu.memory_space<vmem>>
      %dma_wait3A_409 = arith.constant 0 : i32
      %dma_wait3A_410 = tpu.memref_slice %arg3[%add3A_4, %dma_wait3A_409] : memref<32768x1024xf32, #tpu.memory_space<hbm>> -> memref<16x1024xf32, #tpu.memory_space<hbm>>
      %dma_wait3A_411 = arith.constant 0 : i32
      %dma_wait3A_412 = arith.constant 0 : i32
      %dma_wait3A_413 = tpu.memref_slice %arg7[%dma_wait3A_404, %dma_wait3A_411, %dma_wait3A_412] : memref<3x16x1024xf32, #tpu.memory_space<vmem>> -> memref<1x16x1024xf32, #tpu.memory_space<vmem>>
      %dma_wait3A_414 = tpu.memref_squeeze %dma_wait3A_413 : memref<1x16x1024xf32, #tpu.memory_space<vmem>> -> memref<16x1024xf32, #tpu.memory_space<vmem>>
      %dma_wait3A_415 = arith.constant 0 : i32
      %dma_wait3A_416 = tpu.memref_slice %arg3[%add3A_4, %dma_wait3A_415] : memref<32768x1024xf32, #tpu.memory_space<hbm>> -> memref<16x1024xf32, #tpu.memory_space<hbm>>
      tpu.wait_dma2 semaphore(%arg11 : memref<!tpu.dma_semaphore, #tpu.memory_space<semaphore_mem>>) src(%dma_wait3A_416 : memref<16x1024xf32, #tpu.memory_space<hbm>>) dst(%dma_wait3A_414 : memref<16x1024xf32, #tpu.memory_space<vmem>>)
      %scan3A_417 = arith.constant 1 : i32
      %scan3A_418 = arith.constant 1 : i32
      %scan3A_419 = arith.constant 0 : i32
      %scan3A_420 = arith.constant 16 : i32
      %scan3A_421 = arith.addi %scan3A_419, %scan3A_420 : i32
      %scan3A_422 = arith.constant 1 : i32
      %scan3A_423:8 = scf.for %scan3A_525 = %scan3A_419 to %scan3A_421 step %scan3A_422 iter_args(%scan3A_526 = %scan3A_356#0, %scan3A_527 = %scan3A_356#1, %scan3A_528 = %scan3A_356#2, %scan3A_529 = %scan3A_356#3, %scan3A_530 = %scan3A_356#4, %scan3A_531 = %scan3A_356#5, %scan3A_532 = %scan3A_356#6, %scan3A_533 = %scan3A_356#7) -> (vector<16xf32>, vector<16xf32>, vector<16xf32>, vector<16xf32>, vector<16xf32>, vector<16xf32>, vector<16xf32>, vector<16xf32>)  : i32 {
        %parallel_loop3A = arith.constant 0 : i32
        %parallel_loop3A_534 = arith.constant 1024 : i32
        %parallel_loop3A_535 = arith.constant 128 : i32
        %parallel_loop3A_536:8 = scf.for %parallel_loop3A_537 = %parallel_loop3A to %parallel_loop3A_534 step %parallel_loop3A_535 iter_args(%parallel_loop3A_538 = %scan3A_526, %parallel_loop3A_539 = %scan3A_527, %parallel_loop3A_540 = %scan3A_528, %parallel_loop3A_541 = %scan3A_529, %parallel_loop3A_542 = %scan3A_530, %parallel_loop3A_543 = %scan3A_531, %parallel_loop3A_544 = %scan3A_532, %parallel_loop3A_545 = %scan3A_533) -> (vector<16xf32>, vector<16xf32>, vector<16xf32>, vector<16xf32>, vector<16xf32>, vector<16xf32>, vector<16xf32>, vector<16xf32>)  : i32 {
          %parallel_loop3A_546 = arith.constant 0 : i32
          %parallel_loop3A_547 = arith.addi %parallel_loop3A_537, %parallel_loop3A_546 : i32
          %parallel_loop3A_548 = arith.constant 0 : i32
          %parallel_loop3A_549 = arith.constant 0 : i32
          %parallel_loop3A_550 = tpu.memref_slice %arg6[%scan3A_417, %parallel_loop3A_548, %parallel_loop3A_549] : memref<3x16x1024xf32, #tpu.memory_space<vmem>> -> memref<1x16x1024xf32, #tpu.memory_space<vmem>>
          %parallel_loop3A_551 = tpu.memref_squeeze %parallel_loop3A_550 : memref<1x16x1024xf32, #tpu.memory_space<vmem>> -> memref<16x1024xf32, #tpu.memory_space<vmem>>
          %parallel_loop3A_552 = arith.index_cast %scan3A_525 : i32 to index
          %parallel_loop3A_553 = arith.index_cast %parallel_loop3A_547 : i32 to index
          %parallel_loop3A_554 = tpu.vector_load %parallel_loop3A_551[%parallel_loop3A_552, %parallel_loop3A_553] {strides = array<i32>} : memref<16x1024xf32, #tpu.memory_space<vmem>>, vector<1x16xf32>,
          %parallel_loop3A_555 = vector.shape_cast %parallel_loop3A_554 : vector<1x16xf32> to vector<16xf32>
          %parallel_loop3A_556 = arith.constant 0 : i32
          %parallel_loop3A_557 = arith.addi %parallel_loop3A_537, %parallel_loop3A_556 : i32
          %parallel_loop3A_558 = arith.constant 0 : i32
          %parallel_loop3A_559 = arith.constant 0 : i32
          %parallel_loop3A_560 = tpu.memref_slice %arg7[%scan3A_418, %parallel_loop3A_558, %parallel_loop3A_559] : memref<3x16x1024xf32, #tpu.memory_space<vmem>> -> memref<1x16x1024xf32, #tpu.memory_space<vmem>>
          %parallel_loop3A_561 = tpu.memref_squeeze %parallel_loop3A_560 : memref<1x16x1024xf32, #tpu.memory_space<vmem>> -> memref<16x1024xf32, #tpu.memory_space<vmem>>
          %parallel_loop3A_562 = arith.index_cast %scan3A_525 : i32 to index
          %parallel_loop3A_563 = arith.index_cast %parallel_loop3A_557 : i32 to index
          %parallel_loop3A_564 = tpu.vector_load %parallel_loop3A_561[%parallel_loop3A_562, %parallel_loop3A_563] {strides = array<i32>} : memref<16x1024xf32, #tpu.memory_space<vmem>>, vector<1x16xf32>,
          %parallel_loop3A_565 = vector.shape_cast %parallel_loop3A_564 : vector<1x16xf32> to vector<16xf32>
          %parallel_loop3A_566 = arith.subf %parallel_loop3A_555, %parallel_loop3A_565 : vector<16xf32>
          %parallel_loop3A_567 = arith.cmpf oge, %parallel_loop3A_565, %get3A_8 : vector<16xf32>
          %parallel_loop3A_568 = arith.select %parallel_loop3A_567, %get3A_33, %get3A_28 : vector<16xi1>, vector<16xf32>
          %parallel_loop3A_569 = arith.cmpf oge, %parallel_loop3A_565, %get3A_13 : vector<16xf32>
          %parallel_loop3A_570 = arith.select %parallel_loop3A_569, %get3A_38, %parallel_loop3A_568 : vector<16xi1>, vector<16xf32>
          %parallel_loop3A_571 = arith.cmpf oge, %parallel_loop3A_565, %get3A_18 : vector<16xf32>
          %parallel_loop3A_572 = arith.select %parallel_loop3A_571, %get3A_43, %parallel_loop3A_570 : vector<16xi1>, vector<16xf32>
          %parallel_loop3A_573 = arith.cmpf oge, %parallel_loop3A_565, %get3A_23 : vector<16xf32>
          %parallel_loop3A_574 = arith.select %parallel_loop3A_573, %get3A_48, %parallel_loop3A_572 : vector<16xi1>, vector<16xf32>
          %parallel_loop3A_575 = arith.mulf %parallel_loop3A_566, %parallel_loop3A_566 : vector<16xf32>
          %parallel_loop3A_576 = arith.mulf %parallel_loop3A_574, %parallel_loop3A_575 : vector<16xf32>
          %parallel_loop3A_577 = arith.addf %parallel_loop3A_538, %parallel_loop3A_576 : vector<16xf32>
          %parallel_loop3A_578 = arith.constant 16 : i32
          %parallel_loop3A_579 = arith.addi %parallel_loop3A_537, %parallel_loop3A_578 : i32
          %parallel_loop3A_580 = arith.constant 0 : i32
          %parallel_loop3A_581 = arith.constant 0 : i32
          %parallel_loop3A_582 = tpu.memref_slice %arg6[%scan3A_417, %parallel_loop3A_580, %parallel_loop3A_581] : memref<3x16x1024xf32, #tpu.memory_space<vmem>> -> memref<1x16x1024xf32, #tpu.memory_space<vmem>>
          %parallel_loop3A_583 = tpu.memref_squeeze %parallel_loop3A_582 : memref<1x16x1024xf32, #tpu.memory_space<vmem>> -> memref<16x1024xf32, #tpu.memory_space<vmem>>
          %parallel_loop3A_584 = arith.index_cast %scan3A_525 : i32 to index
          %parallel_loop3A_585 = arith.index_cast %parallel_loop3A_579 : i32 to index
          %parallel_loop3A_586 = tpu.vector_load %parallel_loop3A_583[%parallel_loop3A_584, %parallel_loop3A_585] {strides = array<i32>} : memref<16x1024xf32, #tpu.memory_space<vmem>>, vector<1x16xf32>,
          %parallel_loop3A_587 = vector.shape_cast %parallel_loop3A_586 : vector<1x16xf32> to vector<16xf32>
          %parallel_loop3A_588 = arith.constant 16 : i32
          %parallel_loop3A_589 = arith.addi %parallel_loop3A_537, %parallel_loop3A_588 : i32
          %parallel_loop3A_590 = arith.constant 0 : i32
          %parallel_loop3A_591 = arith.constant 0 : i32
          %parallel_loop3A_592 = tpu.memref_slice %arg7[%scan3A_418, %parallel_loop3A_590, %parallel_loop3A_591] : memref<3x16x1024xf32, #tpu.memory_space<vmem>> -> memref<1x16x1024xf32, #tpu.memory_space<vmem>>
          %parallel_loop3A_593 = tpu.memref_squeeze %parallel_loop3A_592 : memref<1x16x1024xf32, #tpu.memory_space<vmem>> -> memref<16x1024xf32, #tpu.memory_space<vmem>>
          %parallel_loop3A_594 = arith.index_cast %scan3A_525 : i32 to index
          %parallel_loop3A_595 = arith.index_cast %parallel_loop3A_589 : i32 to index
          %parallel_loop3A_596 = tpu.vector_load %parallel_loop3A_593[%parallel_loop3A_594, %parallel_loop3A_595] {strides = array<i32>} : memref<16x1024xf32, #tpu.memory_space<vmem>>, vector<1x16xf32>,
          %parallel_loop3A_597 = vector.shape_cast %parallel_loop3A_596 : vector<1x16xf32> to vector<16xf32>
          %parallel_loop3A_598 = arith.subf %parallel_loop3A_587, %parallel_loop3A_597 : vector<16xf32>
          %parallel_loop3A_599 = arith.cmpf oge, %parallel_loop3A_597, %get3A_8 : vector<16xf32>
          %parallel_loop3A_600 = arith.select %parallel_loop3A_599, %get3A_33, %get3A_28 : vector<16xi1>, vector<16xf32>
          %parallel_loop3A_601 = arith.cmpf oge, %parallel_loop3A_597, %get3A_13 : vector<16xf32>
          %parallel_loop3A_602 = arith.select %parallel_loop3A_601, %get3A_38, %parallel_loop3A_600 : vector<16xi1>, vector<16xf32>
          %parallel_loop3A_603 = arith.cmpf oge, %parallel_loop3A_597, %get3A_18 : vector<16xf32>
          %parallel_loop3A_604 = arith.select %parallel_loop3A_603, %get3A_43, %parallel_loop3A_602 : vector<16xi1>, vector<16xf32>
          %parallel_loop3A_605 = arith.cmpf oge, %parallel_loop3A_597, %get3A_23 : vector<16xf32>
          %parallel_loop3A_606 = arith.select %parallel_loop3A_605, %get3A_48, %parallel_loop3A_604 : vector<16xi1>, vector<16xf32>
          %parallel_loop3A_607 = arith.mulf %parallel_loop3A_598, %parallel_loop3A_598 : vector<16xf32>
          %parallel_loop3A_608 = arith.mulf %parallel_loop3A_606, %parallel_loop3A_607 : vector<16xf32>
          %parallel_loop3A_609 = arith.addf %parallel_loop3A_539, %parallel_loop3A_608 : vector<16xf32>
          %parallel_loop3A_610 = arith.constant 32 : i32
          %parallel_loop3A_611 = arith.addi %parallel_loop3A_537, %parallel_loop3A_610 : i32
          %parallel_loop3A_612 = arith.constant 0 : i32
          %parallel_loop3A_613 = arith.constant 0 : i32
          %parallel_loop3A_614 = tpu.memref_slice %arg6[%scan3A_417, %parallel_loop3A_612, %parallel_loop3A_613] : memref<3x16x1024xf32, #tpu.memory_space<vmem>> -> memref<1x16x1024xf32, #tpu.memory_space<vmem>>
          %parallel_loop3A_615 = tpu.memref_squeeze %parallel_loop3A_614 : memref<1x16x1024xf32, #tpu.memory_space<vmem>> -> memref<16x1024xf32, #tpu.memory_space<vmem>>
          %parallel_loop3A_616 = arith.index_cast %scan3A_525 : i32 to index
          %parallel_loop3A_617 = arith.index_cast %parallel_loop3A_611 : i32 to index
          %parallel_loop3A_618 = tpu.vector_load %parallel_loop3A_615[%parallel_loop3A_616, %parallel_loop3A_617] {strides = array<i32>} : memref<16x1024xf32, #tpu.memory_space<vmem>>, vector<1x16xf32>,
          %parallel_loop3A_619 = vector.shape_cast %parallel_loop3A_618 : vector<1x16xf32> to vector<16xf32>
          %parallel_loop3A_620 = arith.constant 32 : i32
          %parallel_loop3A_621 = arith.addi %parallel_loop3A_537, %parallel_loop3A_620 : i32
          %parallel_loop3A_622 = arith.constant 0 : i32
          %parallel_loop3A_623 = arith.constant 0 : i32
          %parallel_loop3A_624 = tpu.memref_slice %arg7[%scan3A_418, %parallel_loop3A_622, %parallel_loop3A_623] : memref<3x16x1024xf32, #tpu.memory_space<vmem>> -> memref<1x16x1024xf32, #tpu.memory_space<vmem>>
          %parallel_loop3A_625 = tpu.memref_squeeze %parallel_loop3A_624 : memref<1x16x1024xf32, #tpu.memory_space<vmem>> -> memref<16x1024xf32, #tpu.memory_space<vmem>>
          %parallel_loop3A_626 = arith.index_cast %scan3A_525 : i32 to index
          %parallel_loop3A_627 = arith.index_cast %parallel_loop3A_621 : i32 to index
          %parallel_loop3A_628 = tpu.vector_load %parallel_loop3A_625[%parallel_loop3A_626, %parallel_loop3A_627] {strides = array<i32>} : memref<16x1024xf32, #tpu.memory_space<vmem>>, vector<1x16xf32>,
          %parallel_loop3A_629 = vector.shape_cast %parallel_loop3A_628 : vector<1x16xf32> to vector<16xf32>
          %parallel_loop3A_630 = arith.subf %parallel_loop3A_619, %parallel_loop3A_629 : vector<16xf32>
          %parallel_loop3A_631 = arith.cmpf oge, %parallel_loop3A_629, %get3A_8 : vector<16xf32>
          %parallel_loop3A_632 = arith.select %parallel_loop3A_631, %get3A_33, %get3A_28 : vector<16xi1>, vector<16xf32>
          %parallel_loop3A_633 = arith.cmpf oge, %parallel_loop3A_629, %get3A_13 : vector<16xf32>
          %parallel_loop3A_634 = arith.select %parallel_loop3A_633, %get3A_38, %parallel_loop3A_632 : vector<16xi1>, vector<16xf32>
          %parallel_loop3A_635 = arith.cmpf oge, %parallel_loop3A_629, %get3A_18 : vector<16xf32>
          %parallel_loop3A_636 = arith.select %parallel_loop3A_635, %get3A_43, %parallel_loop3A_634 : vector<16xi1>, vector<16xf32>
          %parallel_loop3A_637 = arith.cmpf oge, %parallel_loop3A_629, %get3A_23 : vector<16xf32>
          %parallel_loop3A_638 = arith.select %parallel_loop3A_637, %get3A_48, %parallel_loop3A_636 : vector<16xi1>, vector<16xf32>
          %parallel_loop3A_639 = arith.mulf %parallel_loop3A_630, %parallel_loop3A_630 : vector<16xf32>
          %parallel_loop3A_640 = arith.mulf %parallel_loop3A_638, %parallel_loop3A_639 : vector<16xf32>
          %parallel_loop3A_641 = arith.addf %parallel_loop3A_540, %parallel_loop3A_640 : vector<16xf32>
          %parallel_loop3A_642 = arith.constant 48 : i32
          %parallel_loop3A_643 = arith.addi %parallel_loop3A_537, %parallel_loop3A_642 : i32
          %parallel_loop3A_644 = arith.constant 0 : i32
          %parallel_loop3A_645 = arith.constant 0 : i32
          %parallel_loop3A_646 = tpu.memref_slice %arg6[%scan3A_417, %parallel_loop3A_644, %parallel_loop3A_645] : memref<3x16x1024xf32, #tpu.memory_space<vmem>> -> memref<1x16x1024xf32, #tpu.memory_space<vmem>>
          %parallel_loop3A_647 = tpu.memref_squeeze %parallel_loop3A_646 : memref<1x16x1024xf32, #tpu.memory_space<vmem>> -> memref<16x1024xf32, #tpu.memory_space<vmem>>
          %parallel_loop3A_648 = arith.index_cast %scan3A_525 : i32 to index
          %parallel_loop3A_649 = arith.index_cast %parallel_loop3A_643 : i32 to index
          %parallel_loop3A_650 = tpu.vector_load %parallel_loop3A_647[%parallel_loop3A_648, %parallel_loop3A_649] {strides = array<i32>} : memref<16x1024xf32, #tpu.memory_space<vmem>>, vector<1x16xf32>,
          %parallel_loop3A_651 = vector.shape_cast %parallel_loop3A_650 : vector<1x16xf32> to vector<16xf32>
          %parallel_loop3A_652 = arith.constant 48 : i32
          %parallel_loop3A_653 = arith.addi %parallel_loop3A_537, %parallel_loop3A_652 : i32
          %parallel_loop3A_654 = arith.constant 0 : i32
          %parallel_loop3A_655 = arith.constant 0 : i32
          %parallel_loop3A_656 = tpu.memref_slice %arg7[%scan3A_418, %parallel_loop3A_654, %parallel_loop3A_655] : memref<3x16x1024xf32, #tpu.memory_space<vmem>> -> memref<1x16x1024xf32, #tpu.memory_space<vmem>>
          %parallel_loop3A_657 = tpu.memref_squeeze %parallel_loop3A_656 : memref<1x16x1024xf32, #tpu.memory_space<vmem>> -> memref<16x1024xf32, #tpu.memory_space<vmem>>
          %parallel_loop3A_658 = arith.index_cast %scan3A_525 : i32 to index
          %parallel_loop3A_659 = arith.index_cast %parallel_loop3A_653 : i32 to index
          %parallel_loop3A_660 = tpu.vector_load %parallel_loop3A_657[%parallel_loop3A_658, %parallel_loop3A_659] {strides = array<i32>} : memref<16x1024xf32, #tpu.memory_space<vmem>>, vector<1x16xf32>,
          %parallel_loop3A_661 = vector.shape_cast %parallel_loop3A_660 : vector<1x16xf32> to vector<16xf32>
          %parallel_loop3A_662 = arith.subf %parallel_loop3A_651, %parallel_loop3A_661 : vector<16xf32>
          %parallel_loop3A_663 = arith.cmpf oge, %parallel_loop3A_661, %get3A_8 : vector<16xf32>
          %parallel_loop3A_664 = arith.select %parallel_loop3A_663, %get3A_33, %get3A_28 : vector<16xi1>, vector<16xf32>
          %parallel_loop3A_665 = arith.cmpf oge, %parallel_loop3A_661, %get3A_13 : vector<16xf32>
          %parallel_loop3A_666 = arith.select %parallel_loop3A_665, %get3A_38, %parallel_loop3A_664 : vector<16xi1>, vector<16xf32>
          %parallel_loop3A_667 = arith.cmpf oge, %parallel_loop3A_661, %get3A_18 : vector<16xf32>
          %parallel_loop3A_668 = arith.select %parallel_loop3A_667, %get3A_43, %parallel_loop3A_666 : vector<16xi1>, vector<16xf32>
          %parallel_loop3A_669 = arith.cmpf oge, %parallel_loop3A_661, %get3A_23 : vector<16xf32>
          %parallel_loop3A_670 = arith.select %parallel_loop3A_669, %get3A_48, %parallel_loop3A_668 : vector<16xi1>, vector<16xf32>
          %parallel_loop3A_671 = arith.mulf %parallel_loop3A_662, %parallel_loop3A_662 : vector<16xf32>
          %parallel_loop3A_672 = arith.mulf %parallel_loop3A_670, %parallel_loop3A_671 : vector<16xf32>
          %parallel_loop3A_673 = arith.addf %parallel_loop3A_541, %parallel_loop3A_672 : vector<16xf32>
          %parallel_loop3A_674 = arith.constant 64 : i32
          %parallel_loop3A_675 = arith.addi %parallel_loop3A_537, %parallel_loop3A_674 : i32
          %parallel_loop3A_676 = arith.constant 0 : i32
          %parallel_loop3A_677 = arith.constant 0 : i32
          %parallel_loop3A_678 = tpu.memref_slice %arg6[%scan3A_417, %parallel_loop3A_676, %parallel_loop3A_677] : memref<3x16x1024xf32, #tpu.memory_space<vmem>> -> memref<1x16x1024xf32, #tpu.memory_space<vmem>>
          %parallel_loop3A_679 = tpu.memref_squeeze %parallel_loop3A_678 : memref<1x16x1024xf32, #tpu.memory_space<vmem>> -> memref<16x1024xf32, #tpu.memory_space<vmem>>
          %parallel_loop3A_680 = arith.index_cast %scan3A_525 : i32 to index
          %parallel_loop3A_681 = arith.index_cast %parallel_loop3A_675 : i32 to index
          %parallel_loop3A_682 = tpu.vector_load %parallel_loop3A_679[%parallel_loop3A_680, %parallel_loop3A_681] {strides = array<i32>} : memref<16x1024xf32, #tpu.memory_space<vmem>>, vector<1x16xf32>,
          %parallel_loop3A_683 = vector.shape_cast %parallel_loop3A_682 : vector<1x16xf32> to vector<16xf32>
          %parallel_loop3A_684 = arith.constant 64 : i32
          %parallel_loop3A_685 = arith.addi %parallel_loop3A_537, %parallel_loop3A_684 : i32
          %parallel_loop3A_686 = arith.constant 0 : i32
          %parallel_loop3A_687 = arith.constant 0 : i32
          %parallel_loop3A_688 = tpu.memref_slice %arg7[%scan3A_418, %parallel_loop3A_686, %parallel_loop3A_687] : memref<3x16x1024xf32, #tpu.memory_space<vmem>> -> memref<1x16x1024xf32, #tpu.memory_space<vmem>>
          %parallel_loop3A_689 = tpu.memref_squeeze %parallel_loop3A_688 : memref<1x16x1024xf32, #tpu.memory_space<vmem>> -> memref<16x1024xf32, #tpu.memory_space<vmem>>
          %parallel_loop3A_690 = arith.index_cast %scan3A_525 : i32 to index
          %parallel_loop3A_691 = arith.index_cast %parallel_loop3A_685 : i32 to index
          %parallel_loop3A_692 = tpu.vector_load %parallel_loop3A_689[%parallel_loop3A_690, %parallel_loop3A_691] {strides = array<i32>} : memref<16x1024xf32, #tpu.memory_space<vmem>>, vector<1x16xf32>,
          %parallel_loop3A_693 = vector.shape_cast %parallel_loop3A_692 : vector<1x16xf32> to vector<16xf32>
          %parallel_loop3A_694 = arith.subf %parallel_loop3A_683, %parallel_loop3A_693 : vector<16xf32>
          %parallel_loop3A_695 = arith.cmpf oge, %parallel_loop3A_693, %get3A_8 : vector<16xf32>
          %parallel_loop3A_696 = arith.select %parallel_loop3A_695, %get3A_33, %get3A_28 : vector<16xi1>, vector<16xf32>
          %parallel_loop3A_697 = arith.cmpf oge, %parallel_loop3A_693, %get3A_13 : vector<16xf32>
          %parallel_loop3A_698 = arith.select %parallel_loop3A_697, %get3A_38, %parallel_loop3A_696 : vector<16xi1>, vector<16xf32>
          %parallel_loop3A_699 = arith.cmpf oge, %parallel_loop3A_693, %get3A_18 : vector<16xf32>
          %parallel_loop3A_700 = arith.select %parallel_loop3A_699, %get3A_43, %parallel_loop3A_698 : vector<16xi1>, vector<16xf32>
          %parallel_loop3A_701 = arith.cmpf oge, %parallel_loop3A_693, %get3A_23 : vector<16xf32>
          %parallel_loop3A_702 = arith.select %parallel_loop3A_701, %get3A_48, %parallel_loop3A_700 : vector<16xi1>, vector<16xf32>
          %parallel_loop3A_703 = arith.mulf %parallel_loop3A_694, %parallel_loop3A_694 : vector<16xf32>
          %parallel_loop3A_704 = arith.mulf %parallel_loop3A_702, %parallel_loop3A_703 : vector<16xf32>
          %parallel_loop3A_705 = arith.addf %parallel_loop3A_542, %parallel_loop3A_704 : vector<16xf32>
          %parallel_loop3A_706 = arith.constant 80 : i32
          %parallel_loop3A_707 = arith.addi %parallel_loop3A_537, %parallel_loop3A_706 : i32
          %parallel_loop3A_708 = arith.constant 0 : i32
          %parallel_loop3A_709 = arith.constant 0 : i32
          %parallel_loop3A_710 = tpu.memref_slice %arg6[%scan3A_417, %parallel_loop3A_708, %parallel_loop3A_709] : memref<3x16x1024xf32, #tpu.memory_space<vmem>> -> memref<1x16x1024xf32, #tpu.memory_space<vmem>>
          %parallel_loop3A_711 = tpu.memref_squeeze %parallel_loop3A_710 : memref<1x16x1024xf32, #tpu.memory_space<vmem>> -> memref<16x1024xf32, #tpu.memory_space<vmem>>
          %parallel_loop3A_712 = arith.index_cast %scan3A_525 : i32 to index
          %parallel_loop3A_713 = arith.index_cast %parallel_loop3A_707 : i32 to index
          %parallel_loop3A_714 = tpu.vector_load %parallel_loop3A_711[%parallel_loop3A_712, %parallel_loop3A_713] {strides = array<i32>} : memref<16x1024xf32, #tpu.memory_space<vmem>>, vector<1x16xf32>,
          %parallel_loop3A_715 = vector.shape_cast %parallel_loop3A_714 : vector<1x16xf32> to vector<16xf32>
          %parallel_loop3A_716 = arith.constant 80 : i32
          %parallel_loop3A_717 = arith.addi %parallel_loop3A_537, %parallel_loop3A_716 : i32
          %parallel_loop3A_718 = arith.constant 0 : i32
          %parallel_loop3A_719 = arith.constant 0 : i32
          %parallel_loop3A_720 = tpu.memref_slice %arg7[%scan3A_418, %parallel_loop3A_718, %parallel_loop3A_719] : memref<3x16x1024xf32, #tpu.memory_space<vmem>> -> memref<1x16x1024xf32, #tpu.memory_space<vmem>>
          %parallel_loop3A_721 = tpu.memref_squeeze %parallel_loop3A_720 : memref<1x16x1024xf32, #tpu.memory_space<vmem>> -> memref<16x1024xf32, #tpu.memory_space<vmem>>
          %parallel_loop3A_722 = arith.index_cast %scan3A_525 : i32 to index
          %parallel_loop3A_723 = arith.index_cast %parallel_loop3A_717 : i32 to index
          %parallel_loop3A_724 = tpu.vector_load %parallel_loop3A_721[%parallel_loop3A_722, %parallel_loop3A_723] {strides = array<i32>} : memref<16x1024xf32, #tpu.memory_space<vmem>>, vector<1x16xf32>,
          %parallel_loop3A_725 = vector.shape_cast %parallel_loop3A_724 : vector<1x16xf32> to vector<16xf32>
          %parallel_loop3A_726 = arith.subf %parallel_loop3A_715, %parallel_loop3A_725 : vector<16xf32>
          %parallel_loop3A_727 = arith.cmpf oge, %parallel_loop3A_725, %get3A_8 : vector<16xf32>
          %parallel_loop3A_728 = arith.select %parallel_loop3A_727, %get3A_33, %get3A_28 : vector<16xi1>, vector<16xf32>
          %parallel_loop3A_729 = arith.cmpf oge, %parallel_loop3A_725, %get3A_13 : vector<16xf32>
          %parallel_loop3A_730 = arith.select %parallel_loop3A_729, %get3A_38, %parallel_loop3A_728 : vector<16xi1>, vector<16xf32>
          %parallel_loop3A_731 = arith.cmpf oge, %parallel_loop3A_725, %get3A_18 : vector<16xf32>
          %parallel_loop3A_732 = arith.select %parallel_loop3A_731, %get3A_43, %parallel_loop3A_730 : vector<16xi1>, vector<16xf32>
          %parallel_loop3A_733 = arith.cmpf oge, %parallel_loop3A_725, %get3A_23 : vector<16xf32>
          %parallel_loop3A_734 = arith.select %parallel_loop3A_733, %get3A_48, %parallel_loop3A_732 : vector<16xi1>, vector<16xf32>
          %parallel_loop3A_735 = arith.mulf %parallel_loop3A_726, %parallel_loop3A_726 : vector<16xf32>
          %parallel_loop3A_736 = arith.mulf %parallel_loop3A_734, %parallel_loop3A_735 : vector<16xf32>
          %parallel_loop3A_737 = arith.addf %parallel_loop3A_543, %parallel_loop3A_736 : vector<16xf32>
          %parallel_loop3A_738 = arith.constant 96 : i32
          %parallel_loop3A_739 = arith.addi %parallel_loop3A_537, %parallel_loop3A_738 : i32
          %parallel_loop3A_740 = arith.constant 0 : i32
          %parallel_loop3A_741 = arith.constant 0 : i32
          %parallel_loop3A_742 = tpu.memref_slice %arg6[%scan3A_417, %parallel_loop3A_740, %parallel_loop3A_741] : memref<3x16x1024xf32, #tpu.memory_space<vmem>> -> memref<1x16x1024xf32, #tpu.memory_space<vmem>>
          %parallel_loop3A_743 = tpu.memref_squeeze %parallel_loop3A_742 : memref<1x16x1024xf32, #tpu.memory_space<vmem>> -> memref<16x1024xf32, #tpu.memory_space<vmem>>
          %parallel_loop3A_744 = arith.index_cast %scan3A_525 : i32 to index
          %parallel_loop3A_745 = arith.index_cast %parallel_loop3A_739 : i32 to index
          %parallel_loop3A_746 = tpu.vector_load %parallel_loop3A_743[%parallel_loop3A_744, %parallel_loop3A_745] {strides = array<i32>} : memref<16x1024xf32, #tpu.memory_space<vmem>>, vector<1x16xf32>,
          %parallel_loop3A_747 = vector.shape_cast %parallel_loop3A_746 : vector<1x16xf32> to vector<16xf32>
          %parallel_loop3A_748 = arith.constant 96 : i32
          %parallel_loop3A_749 = arith.addi %parallel_loop3A_537, %parallel_loop3A_748 : i32
          %parallel_loop3A_750 = arith.constant 0 : i32
          %parallel_loop3A_751 = arith.constant 0 : i32
          %parallel_loop3A_752 = tpu.memref_slice %arg7[%scan3A_418, %parallel_loop3A_750, %parallel_loop3A_751] : memref<3x16x1024xf32, #tpu.memory_space<vmem>> -> memref<1x16x1024xf32, #tpu.memory_space<vmem>>
          %parallel_loop3A_753 = tpu.memref_squeeze %parallel_loop3A_752 : memref<1x16x1024xf32, #tpu.memory_space<vmem>> -> memref<16x1024xf32, #tpu.memory_space<vmem>>
          %parallel_loop3A_754 = arith.index_cast %scan3A_525 : i32 to index
          %parallel_loop3A_755 = arith.index_cast %parallel_loop3A_749 : i32 to index
          %parallel_loop3A_756 = tpu.vector_load %parallel_loop3A_753[%parallel_loop3A_754, %parallel_loop3A_755] {strides = array<i32>} : memref<16x1024xf32, #tpu.memory_space<vmem>>, vector<1x16xf32>,
          %parallel_loop3A_757 = vector.shape_cast %parallel_loop3A_756 : vector<1x16xf32> to vector<16xf32>
          %parallel_loop3A_758 = arith.subf %parallel_loop3A_747, %parallel_loop3A_757 : vector<16xf32>
          %parallel_loop3A_759 = arith.cmpf oge, %parallel_loop3A_757, %get3A_8 : vector<16xf32>
          %parallel_loop3A_760 = arith.select %parallel_loop3A_759, %get3A_33, %get3A_28 : vector<16xi1>, vector<16xf32>
          %parallel_loop3A_761 = arith.cmpf oge, %parallel_loop3A_757, %get3A_13 : vector<16xf32>
          %parallel_loop3A_762 = arith.select %parallel_loop3A_761, %get3A_38, %parallel_loop3A_760 : vector<16xi1>, vector<16xf32>
          %parallel_loop3A_763 = arith.cmpf oge, %parallel_loop3A_757, %get3A_18 : vector<16xf32>
          %parallel_loop3A_764 = arith.select %parallel_loop3A_763, %get3A_43, %parallel_loop3A_762 : vector<16xi1>, vector<16xf32>
          %parallel_loop3A_765 = arith.cmpf oge, %parallel_loop3A_757, %get3A_23 : vector<16xf32>
          %parallel_loop3A_766 = arith.select %parallel_loop3A_765, %get3A_48, %parallel_loop3A_764 : vector<16xi1>, vector<16xf32>
          %parallel_loop3A_767 = arith.mulf %parallel_loop3A_758, %parallel_loop3A_758 : vector<16xf32>
          %parallel_loop3A_768 = arith.mulf %parallel_loop3A_766, %parallel_loop3A_767 : vector<16xf32>
          %parallel_loop3A_769 = arith.addf %parallel_loop3A_544, %parallel_loop3A_768 : vector<16xf32>
          %parallel_loop3A_770 = arith.constant 112 : i32
          %parallel_loop3A_771 = arith.addi %parallel_loop3A_537, %parallel_loop3A_770 : i32
          %parallel_loop3A_772 = arith.constant 0 : i32
          %parallel_loop3A_773 = arith.constant 0 : i32
          %parallel_loop3A_774 = tpu.memref_slice %arg6[%scan3A_417, %parallel_loop3A_772, %parallel_loop3A_773] : memref<3x16x1024xf32, #tpu.memory_space<vmem>> -> memref<1x16x1024xf32, #tpu.memory_space<vmem>>
          %parallel_loop3A_775 = tpu.memref_squeeze %parallel_loop3A_774 : memref<1x16x1024xf32, #tpu.memory_space<vmem>> -> memref<16x1024xf32, #tpu.memory_space<vmem>>
          %parallel_loop3A_776 = arith.index_cast %scan3A_525 : i32 to index
          %parallel_loop3A_777 = arith.index_cast %parallel_loop3A_771 : i32 to index
          %parallel_loop3A_778 = tpu.vector_load %parallel_loop3A_775[%parallel_loop3A_776, %parallel_loop3A_777] {strides = array<i32>} : memref<16x1024xf32, #tpu.memory_space<vmem>>, vector<1x16xf32>,
          %parallel_loop3A_779 = vector.shape_cast %parallel_loop3A_778 : vector<1x16xf32> to vector<16xf32>
          %parallel_loop3A_780 = arith.constant 112 : i32
          %parallel_loop3A_781 = arith.addi %parallel_loop3A_537, %parallel_loop3A_780 : i32
          %parallel_loop3A_782 = arith.constant 0 : i32
          %parallel_loop3A_783 = arith.constant 0 : i32
          %parallel_loop3A_784 = tpu.memref_slice %arg7[%scan3A_418, %parallel_loop3A_782, %parallel_loop3A_783] : memref<3x16x1024xf32, #tpu.memory_space<vmem>> -> memref<1x16x1024xf32, #tpu.memory_space<vmem>>
          %parallel_loop3A_785 = tpu.memref_squeeze %parallel_loop3A_784 : memref<1x16x1024xf32, #tpu.memory_space<vmem>> -> memref<16x1024xf32, #tpu.memory_space<vmem>>
          %parallel_loop3A_786 = arith.index_cast %scan3A_525 : i32 to index
          %parallel_loop3A_787 = arith.index_cast %parallel_loop3A_781 : i32 to index
          %parallel_loop3A_788 = tpu.vector_load %parallel_loop3A_785[%parallel_loop3A_786, %parallel_loop3A_787] {strides = array<i32>} : memref<16x1024xf32, #tpu.memory_space<vmem>>, vector<1x16xf32>,
          %parallel_loop3A_789 = vector.shape_cast %parallel_loop3A_788 : vector<1x16xf32> to vector<16xf32>
          %parallel_loop3A_790 = arith.subf %parallel_loop3A_779, %parallel_loop3A_789 : vector<16xf32>
          %parallel_loop3A_791 = arith.cmpf oge, %parallel_loop3A_789, %get3A_8 : vector<16xf32>
          %parallel_loop3A_792 = arith.select %parallel_loop3A_791, %get3A_33, %get3A_28 : vector<16xi1>, vector<16xf32>
          %parallel_loop3A_793 = arith.cmpf oge, %parallel_loop3A_789, %get3A_13 : vector<16xf32>
          %parallel_loop3A_794 = arith.select %parallel_loop3A_793, %get3A_38, %parallel_loop3A_792 : vector<16xi1>, vector<16xf32>
          %parallel_loop3A_795 = arith.cmpf oge, %parallel_loop3A_789, %get3A_18 : vector<16xf32>
          %parallel_loop3A_796 = arith.select %parallel_loop3A_795, %get3A_43, %parallel_loop3A_794 : vector<16xi1>, vector<16xf32>
          %parallel_loop3A_797 = arith.cmpf oge, %parallel_loop3A_789, %get3A_23 : vector<16xf32>
          %parallel_loop3A_798 = arith.select %parallel_loop3A_797, %get3A_48, %parallel_loop3A_796 : vector<16xi1>, vector<16xf32>
          %parallel_loop3A_799 = arith.mulf %parallel_loop3A_790, %parallel_loop3A_790 : vector<16xf32>
          %parallel_loop3A_800 = arith.mulf %parallel_loop3A_798, %parallel_loop3A_799 : vector<16xf32>
          %parallel_loop3A_801 = arith.addf %parallel_loop3A_545, %parallel_loop3A_800 : vector<16xf32>
          scf.yield %parallel_loop3A_577, %parallel_loop3A_609, %parallel_loop3A_641, %parallel_loop3A_673, %parallel_loop3A_705, %parallel_loop3A_737, %parallel_loop3A_769, %parallel_loop3A_801 : vector<16xf32>, vector<16xf32>, vector<16xf32>, vector<16xf32>, vector<16xf32>, vector<16xf32>, vector<16xf32>, vector<16xf32>
        } {sc.loop_unroll_factor = 2 : i64, sc.parallel_access}
        scf.yield %parallel_loop3A_536#0, %parallel_loop3A_536#1, %parallel_loop3A_536#2, %parallel_loop3A_536#3, %parallel_loop3A_536#4, %parallel_loop3A_536#5, %parallel_loop3A_536#6, %parallel_loop3A_536#7 : vector<16xf32>, vector<16xf32>, vector<16xf32>, vector<16xf32>, vector<16xf32>, vector<16xf32>, vector<16xf32>, vector<16xf32>
      }
      %scan3A_424 = arith.constant 16 : i32
      %add3A_425 = arith.constant 1 : i32
      %add3A_426 = arith.addi %mul3A_323, %add3A_425 : i32
      %add3A_427 = arith.constant 3 : i32
      %add3A_428 = arith.addi %add3A_426, %add3A_427 : i32
      %mul3A_429 = arith.constant 16 : i32
      %mul3A_430 = arith.muli %add3A_428, %mul3A_429 : i32
      %add3A_431 = arith.addi %add3A_4, %mul3A_430 : i32
      %dma_start3A_432 = arith.constant 1 : i32
      %dma_start3A_433 = arith.constant 0 : i32
      %dma_start3A_434 = arith.constant 0 : i32
      %dma_start3A_435 = tpu.memref_slice %arg6[%dma_start3A_432, %dma_start3A_433, %dma_start3A_434] : memref<3x16x1024xf32, #tpu.memory_space<vmem>> -> memref<1x16x1024xf32, #tpu.memory_space<vmem>>
      %dma_start3A_436 = tpu.memref_squeeze %dma_start3A_435 : memref<1x16x1024xf32, #tpu.memory_space<vmem>> -> memref<16x1024xf32, #tpu.memory_space<vmem>>
      %dma_start3A_437 = arith.constant 0 : i32
      %dma_start3A_438 = tpu.memref_slice %arg2[%add3A_431, %dma_start3A_437] : memref<32768x1024xf32, #tpu.memory_space<hbm>> -> memref<16x1024xf32, #tpu.memory_space<hbm>>
      %dma_start3A_439 = arith.constant 0 : i32
      %dma_start3A_440 = arith.constant 0 : i32
      %dma_start3A_441 = tpu.memref_slice %arg6[%dma_start3A_432, %dma_start3A_439, %dma_start3A_440] : memref<3x16x1024xf32, #tpu.memory_space<vmem>> -> memref<1x16x1024xf32, #tpu.memory_space<vmem>>
      %dma_start3A_442 = tpu.memref_squeeze %dma_start3A_441 : memref<1x16x1024xf32, #tpu.memory_space<vmem>> -> memref<16x1024xf32, #tpu.memory_space<vmem>>
      %dma_start3A_443 = arith.constant 0 : i32
      %dma_start3A_444 = tpu.memref_slice %arg2[%add3A_431, %dma_start3A_443] : memref<32768x1024xf32, #tpu.memory_space<hbm>> -> memref<16x1024xf32, #tpu.memory_space<hbm>>
      tpu.enqueue_dma source(%dma_start3A_444 : memref<16x1024xf32, #tpu.memory_space<hbm>>) target(%dma_start3A_442 : memref<16x1024xf32, #tpu.memory_space<vmem>>) target_semaphore(%arg11 : memref<!tpu.dma_semaphore, #tpu.memory_space<semaphore_mem>>)
      %dma_start3A_445 = arith.constant 1 : i32
      %dma_start3A_446 = arith.constant 0 : i32
      %dma_start3A_447 = arith.constant 0 : i32
      %dma_start3A_448 = tpu.memref_slice %arg7[%dma_start3A_445, %dma_start3A_446, %dma_start3A_447] : memref<3x16x1024xf32, #tpu.memory_space<vmem>> -> memref<1x16x1024xf32, #tpu.memory_space<vmem>>
      %dma_start3A_449 = tpu.memref_squeeze %dma_start3A_448 : memref<1x16x1024xf32, #tpu.memory_space<vmem>> -> memref<16x1024xf32, #tpu.memory_space<vmem>>
      %dma_start3A_450 = arith.constant 0 : i32
      %dma_start3A_451 = tpu.memref_slice %arg3[%add3A_431, %dma_start3A_450] : memref<32768x1024xf32, #tpu.memory_space<hbm>> -> memref<16x1024xf32, #tpu.memory_space<hbm>>
      %dma_start3A_452 = arith.constant 0 : i32
      %dma_start3A_453 = arith.constant 0 : i32
      %dma_start3A_454 = tpu.memref_slice %arg7[%dma_start3A_445, %dma_start3A_452, %dma_start3A_453] : memref<3x16x1024xf32, #tpu.memory_space<vmem>> -> memref<1x16x1024xf32, #tpu.memory_space<vmem>>
      %dma_start3A_455 = tpu.memref_squeeze %dma_start3A_454 : memref<1x16x1024xf32, #tpu.memory_space<vmem>> -> memref<16x1024xf32, #tpu.memory_space<vmem>>
      %dma_start3A_456 = arith.constant 0 : i32
      %dma_start3A_457 = tpu.memref_slice %arg3[%add3A_431, %dma_start3A_456] : memref<32768x1024xf32, #tpu.memory_space<hbm>> -> memref<16x1024xf32, #tpu.memory_space<hbm>>
      tpu.enqueue_dma source(%dma_start3A_457 : memref<16x1024xf32, #tpu.memory_space<hbm>>) target(%dma_start3A_455 : memref<16x1024xf32, #tpu.memory_space<vmem>>) target_semaphore(%arg11 : memref<!tpu.dma_semaphore, #tpu.memory_space<semaphore_mem>>)
      %dma_wait3A_458 = arith.constant 2 : i32
      %dma_wait3A_459 = arith.constant 0 : i32
      %dma_wait3A_460 = arith.constant 0 : i32
      %dma_wait3A_461 = tpu.memref_slice %arg6[%dma_wait3A_458, %dma_wait3A_459, %dma_wait3A_460] : memref<3x16x1024xf32, #tpu.memory_space<vmem>> -> memref<1x16x1024xf32, #tpu.memory_space<vmem>>
      %dma_wait3A_462 = tpu.memref_squeeze %dma_wait3A_461 : memref<1x16x1024xf32, #tpu.memory_space<vmem>> -> memref<16x1024xf32, #tpu.memory_space<vmem>>
      %dma_wait3A_463 = arith.constant 0 : i32
      %dma_wait3A_464 = tpu.memref_slice %arg2[%add3A_4, %dma_wait3A_463] : memref<32768x1024xf32, #tpu.memory_space<hbm>> -> memref<16x1024xf32, #tpu.memory_space<hbm>>
      %dma_wait3A_465 = arith.constant 0 : i32
      %dma_wait3A_466 = arith.constant 0 : i32
      %dma_wait3A_467 = tpu.memref_slice %arg6[%dma_wait3A_458, %dma_wait3A_465, %dma_wait3A_466] : memref<3x16x1024xf32, #tpu.memory_space<vmem>> -> memref<1x16x1024xf32, #tpu.memory_space<vmem>>
      %dma_wait3A_468 = tpu.memref_squeeze %dma_wait3A_467 : memref<1x16x1024xf32, #tpu.memory_space<vmem>> -> memref<16x1024xf32, #tpu.memory_space<vmem>>
      %dma_wait3A_469 = arith.constant 0 : i32
      %dma_wait3A_470 = tpu.memref_slice %arg2[%add3A_4, %dma_wait3A_469] : memref<32768x1024xf32, #tpu.memory_space<hbm>> -> memref<16x1024xf32, #tpu.memory_space<hbm>>
      tpu.wait_dma2 semaphore(%arg12 : memref<!tpu.dma_semaphore, #tpu.memory_space<semaphore_mem>>) src(%dma_wait3A_470 : memref<16x1024xf32, #tpu.memory_space<hbm>>) dst(%dma_wait3A_468 : memref<16x1024xf32, #tpu.memory_space<vmem>>)
      %dma_wait3A_471 = arith.constant 2 : i32
      %dma_wait3A_472 = arith.constant 0 : i32
      %dma_wait3A_473 = arith.constant 0 : i32
      %dma_wait3A_474 = tpu.memref_slice %arg7[%dma_wait3A_471, %dma_wait3A_472, %dma_wait3A_473] : memref<3x16x1024xf32, #tpu.memory_space<vmem>> -> memref<1x16x1024xf32, #tpu.memory_space<vmem>>
      %dma_wait3A_475 = tpu.memref_squeeze %dma_wait3A_474 : memref<1x16x1024xf32, #tpu.memory_space<vmem>> -> memref<16x1024xf32, #tpu.memory_space<vmem>>
      %dma_wait3A_476 = arith.constant 0 : i32
      %dma_wait3A_477 = tpu.memref_slice %arg3[%add3A_4, %dma_wait3A_476] : memref<32768x1024xf32, #tpu.memory_space<hbm>> -> memref<16x1024xf32, #tpu.memory_space<hbm>>
      %dma_wait3A_478 = arith.constant 0 : i32
      %dma_wait3A_479 = arith.constant 0 : i32
      %dma_wait3A_480 = tpu.memref_slice %arg7[%dma_wait3A_471, %dma_wait3A_478, %dma_wait3A_479] : memref<3x16x1024xf32, #tpu.memory_space<vmem>> -> memref<1x16x1024xf32, #tpu.memory_space<vmem>>
      %dma_wait3A_481 = tpu.memref_squeeze %dma_wait3A_480 : memref<1x16x1024xf32, #tpu.memory_space<vmem>> -> memref<16x1024xf32, #tpu.memory_space<vmem>>
      %dma_wait3A_482 = arith.constant 0 : i32
      %dma_wait3A_483 = tpu.memref_slice %arg3[%add3A_4, %dma_wait3A_482] : memref<32768x1024xf32, #tpu.memory_space<hbm>> -> memref<16x1024xf32, #tpu.memory_space<hbm>>
      tpu.wait_dma2 semaphore(%arg12 : memref<!tpu.dma_semaphore, #tpu.memory_space<semaphore_mem>>) src(%dma_wait3A_483 : memref<16x1024xf32, #tpu.memory_space<hbm>>) dst(%dma_wait3A_481 : memref<16x1024xf32, #tpu.memory_space<vmem>>)
      %scan3A_484 = arith.constant 2 : i32
      %scan3A_485 = arith.constant 2 : i32
      %scan3A_486 = arith.constant 0 : i32
      %scan3A_487 = arith.constant 16 : i32
      %scan3A_488 = arith.addi %scan3A_486, %scan3A_487 : i32
      %scan3A_489 = arith.constant 1 : i32
      %scan3A_490:8 = scf.for %scan3A_525 = %scan3A_486 to %scan3A_488 step %scan3A_489 iter_args(%scan3A_526 = %scan3A_423#0, %scan3A_527 = %scan3A_423#1, %scan3A_528 = %scan3A_423#2, %scan3A_529 = %scan3A_423#3, %scan3A_530 = %scan3A_423#4, %scan3A_531 = %scan3A_423#5, %scan3A_532 = %scan3A_423#6, %scan3A_533 = %scan3A_423#7) -> (vector<16xf32>, vector<16xf32>, vector<16xf32>, vector<16xf32>, vector<16xf32>, vector<16xf32>, vector<16xf32>, vector<16xf32>)  : i32 {
        %parallel_loop3A = arith.constant 0 : i32
        %parallel_loop3A_534 = arith.constant 1024 : i32
        %parallel_loop3A_535 = arith.constant 128 : i32
        %parallel_loop3A_536:8 = scf.for %parallel_loop3A_537 = %parallel_loop3A to %parallel_loop3A_534 step %parallel_loop3A_535 iter_args(%parallel_loop3A_538 = %scan3A_526, %parallel_loop3A_539 = %scan3A_527, %parallel_loop3A_540 = %scan3A_528, %parallel_loop3A_541 = %scan3A_529, %parallel_loop3A_542 = %scan3A_530, %parallel_loop3A_543 = %scan3A_531, %parallel_loop3A_544 = %scan3A_532, %parallel_loop3A_545 = %scan3A_533) -> (vector<16xf32>, vector<16xf32>, vector<16xf32>, vector<16xf32>, vector<16xf32>, vector<16xf32>, vector<16xf32>, vector<16xf32>)  : i32 {
          %parallel_loop3A_546 = arith.constant 0 : i32
          %parallel_loop3A_547 = arith.addi %parallel_loop3A_537, %parallel_loop3A_546 : i32
          %parallel_loop3A_548 = arith.constant 0 : i32
          %parallel_loop3A_549 = arith.constant 0 : i32
          %parallel_loop3A_550 = tpu.memref_slice %arg6[%scan3A_484, %parallel_loop3A_548, %parallel_loop3A_549] : memref<3x16x1024xf32, #tpu.memory_space<vmem>> -> memref<1x16x1024xf32, #tpu.memory_space<vmem>>
          %parallel_loop3A_551 = tpu.memref_squeeze %parallel_loop3A_550 : memref<1x16x1024xf32, #tpu.memory_space<vmem>> -> memref<16x1024xf32, #tpu.memory_space<vmem>>
          %parallel_loop3A_552 = arith.index_cast %scan3A_525 : i32 to index
          %parallel_loop3A_553 = arith.index_cast %parallel_loop3A_547 : i32 to index
          %parallel_loop3A_554 = tpu.vector_load %parallel_loop3A_551[%parallel_loop3A_552, %parallel_loop3A_553] {strides = array<i32>} : memref<16x1024xf32, #tpu.memory_space<vmem>>, vector<1x16xf32>,
          %parallel_loop3A_555 = vector.shape_cast %parallel_loop3A_554 : vector<1x16xf32> to vector<16xf32>
          %parallel_loop3A_556 = arith.constant 0 : i32
          %parallel_loop3A_557 = arith.addi %parallel_loop3A_537, %parallel_loop3A_556 : i32
          %parallel_loop3A_558 = arith.constant 0 : i32
          %parallel_loop3A_559 = arith.constant 0 : i32
          %parallel_loop3A_560 = tpu.memref_slice %arg7[%scan3A_485, %parallel_loop3A_558, %parallel_loop3A_559] : memref<3x16x1024xf32, #tpu.memory_space<vmem>> -> memref<1x16x1024xf32, #tpu.memory_space<vmem>>
          %parallel_loop3A_561 = tpu.memref_squeeze %parallel_loop3A_560 : memref<1x16x1024xf32, #tpu.memory_space<vmem>> -> memref<16x1024xf32, #tpu.memory_space<vmem>>
          %parallel_loop3A_562 = arith.index_cast %scan3A_525 : i32 to index
          %parallel_loop3A_563 = arith.index_cast %parallel_loop3A_557 : i32 to index
          %parallel_loop3A_564 = tpu.vector_load %parallel_loop3A_561[%parallel_loop3A_562, %parallel_loop3A_563] {strides = array<i32>} : memref<16x1024xf32, #tpu.memory_space<vmem>>, vector<1x16xf32>,
          %parallel_loop3A_565 = vector.shape_cast %parallel_loop3A_564 : vector<1x16xf32> to vector<16xf32>
          %parallel_loop3A_566 = arith.subf %parallel_loop3A_555, %parallel_loop3A_565 : vector<16xf32>
          %parallel_loop3A_567 = arith.cmpf oge, %parallel_loop3A_565, %get3A_8 : vector<16xf32>
          %parallel_loop3A_568 = arith.select %parallel_loop3A_567, %get3A_33, %get3A_28 : vector<16xi1>, vector<16xf32>
          %parallel_loop3A_569 = arith.cmpf oge, %parallel_loop3A_565, %get3A_13 : vector<16xf32>
          %parallel_loop3A_570 = arith.select %parallel_loop3A_569, %get3A_38, %parallel_loop3A_568 : vector<16xi1>, vector<16xf32>
          %parallel_loop3A_571 = arith.cmpf oge, %parallel_loop3A_565, %get3A_18 : vector<16xf32>
          %parallel_loop3A_572 = arith.select %parallel_loop3A_571, %get3A_43, %parallel_loop3A_570 : vector<16xi1>, vector<16xf32>
          %parallel_loop3A_573 = arith.cmpf oge, %parallel_loop3A_565, %get3A_23 : vector<16xf32>
          %parallel_loop3A_574 = arith.select %parallel_loop3A_573, %get3A_48, %parallel_loop3A_572 : vector<16xi1>, vector<16xf32>
          %parallel_loop3A_575 = arith.mulf %parallel_loop3A_566, %parallel_loop3A_566 : vector<16xf32>
          %parallel_loop3A_576 = arith.mulf %parallel_loop3A_574, %parallel_loop3A_575 : vector<16xf32>
          %parallel_loop3A_577 = arith.addf %parallel_loop3A_538, %parallel_loop3A_576 : vector<16xf32>
          %parallel_loop3A_578 = arith.constant 16 : i32
          %parallel_loop3A_579 = arith.addi %parallel_loop3A_537, %parallel_loop3A_578 : i32
          %parallel_loop3A_580 = arith.constant 0 : i32
          %parallel_loop3A_581 = arith.constant 0 : i32
          %parallel_loop3A_582 = tpu.memref_slice %arg6[%scan3A_484, %parallel_loop3A_580, %parallel_loop3A_581] : memref<3x16x1024xf32, #tpu.memory_space<vmem>> -> memref<1x16x1024xf32, #tpu.memory_space<vmem>>
          %parallel_loop3A_583 = tpu.memref_squeeze %parallel_loop3A_582 : memref<1x16x1024xf32, #tpu.memory_space<vmem>> -> memref<16x1024xf32, #tpu.memory_space<vmem>>
          %parallel_loop3A_584 = arith.index_cast %scan3A_525 : i32 to index
          %parallel_loop3A_585 = arith.index_cast %parallel_loop3A_579 : i32 to index
          %parallel_loop3A_586 = tpu.vector_load %parallel_loop3A_583[%parallel_loop3A_584, %parallel_loop3A_585] {strides = array<i32>} : memref<16x1024xf32, #tpu.memory_space<vmem>>, vector<1x16xf32>,
          %parallel_loop3A_587 = vector.shape_cast %parallel_loop3A_586 : vector<1x16xf32> to vector<16xf32>
          %parallel_loop3A_588 = arith.constant 16 : i32
          %parallel_loop3A_589 = arith.addi %parallel_loop3A_537, %parallel_loop3A_588 : i32
          %parallel_loop3A_590 = arith.constant 0 : i32
          %parallel_loop3A_591 = arith.constant 0 : i32
          %parallel_loop3A_592 = tpu.memref_slice %arg7[%scan3A_485, %parallel_loop3A_590, %parallel_loop3A_591] : memref<3x16x1024xf32, #tpu.memory_space<vmem>> -> memref<1x16x1024xf32, #tpu.memory_space<vmem>>
          %parallel_loop3A_593 = tpu.memref_squeeze %parallel_loop3A_592 : memref<1x16x1024xf32, #tpu.memory_space<vmem>> -> memref<16x1024xf32, #tpu.memory_space<vmem>>
          %parallel_loop3A_594 = arith.index_cast %scan3A_525 : i32 to index
          %parallel_loop3A_595 = arith.index_cast %parallel_loop3A_589 : i32 to index
          %parallel_loop3A_596 = tpu.vector_load %parallel_loop3A_593[%parallel_loop3A_594, %parallel_loop3A_595] {strides = array<i32>} : memref<16x1024xf32, #tpu.memory_space<vmem>>, vector<1x16xf32>,
          %parallel_loop3A_597 = vector.shape_cast %parallel_loop3A_596 : vector<1x16xf32> to vector<16xf32>
          %parallel_loop3A_598 = arith.subf %parallel_loop3A_587, %parallel_loop3A_597 : vector<16xf32>
          %parallel_loop3A_599 = arith.cmpf oge, %parallel_loop3A_597, %get3A_8 : vector<16xf32>
          %parallel_loop3A_600 = arith.select %parallel_loop3A_599, %get3A_33, %get3A_28 : vector<16xi1>, vector<16xf32>
          %parallel_loop3A_601 = arith.cmpf oge, %parallel_loop3A_597, %get3A_13 : vector<16xf32>
          %parallel_loop3A_602 = arith.select %parallel_loop3A_601, %get3A_38, %parallel_loop3A_600 : vector<16xi1>, vector<16xf32>
          %parallel_loop3A_603 = arith.cmpf oge, %parallel_loop3A_597, %get3A_18 : vector<16xf32>
          %parallel_loop3A_604 = arith.select %parallel_loop3A_603, %get3A_43, %parallel_loop3A_602 : vector<16xi1>, vector<16xf32>
          %parallel_loop3A_605 = arith.cmpf oge, %parallel_loop3A_597, %get3A_23 : vector<16xf32>
          %parallel_loop3A_606 = arith.select %parallel_loop3A_605, %get3A_48, %parallel_loop3A_604 : vector<16xi1>, vector<16xf32>
          %parallel_loop3A_607 = arith.mulf %parallel_loop3A_598, %parallel_loop3A_598 : vector<16xf32>
          %parallel_loop3A_608 = arith.mulf %parallel_loop3A_606, %parallel_loop3A_607 : vector<16xf32>
          %parallel_loop3A_609 = arith.addf %parallel_loop3A_539, %parallel_loop3A_608 : vector<16xf32>
          %parallel_loop3A_610 = arith.constant 32 : i32
          %parallel_loop3A_611 = arith.addi %parallel_loop3A_537, %parallel_loop3A_610 : i32
          %parallel_loop3A_612 = arith.constant 0 : i32
          %parallel_loop3A_613 = arith.constant 0 : i32
          %parallel_loop3A_614 = tpu.memref_slice %arg6[%scan3A_484, %parallel_loop3A_612, %parallel_loop3A_613] : memref<3x16x1024xf32, #tpu.memory_space<vmem>> -> memref<1x16x1024xf32, #tpu.memory_space<vmem>>
          %parallel_loop3A_615 = tpu.memref_squeeze %parallel_loop3A_614 : memref<1x16x1024xf32, #tpu.memory_space<vmem>> -> memref<16x1024xf32, #tpu.memory_space<vmem>>
          %parallel_loop3A_616 = arith.index_cast %scan3A_525 : i32 to index
          %parallel_loop3A_617 = arith.index_cast %parallel_loop3A_611 : i32 to index
          %parallel_loop3A_618 = tpu.vector_load %parallel_loop3A_615[%parallel_loop3A_616, %parallel_loop3A_617] {strides = array<i32>} : memref<16x1024xf32, #tpu.memory_space<vmem>>, vector<1x16xf32>,
          %parallel_loop3A_619 = vector.shape_cast %parallel_loop3A_618 : vector<1x16xf32> to vector<16xf32>
          %parallel_loop3A_620 = arith.constant 32 : i32
          %parallel_loop3A_621 = arith.addi %parallel_loop3A_537, %parallel_loop3A_620 : i32
          %parallel_loop3A_622 = arith.constant 0 : i32
          %parallel_loop3A_623 = arith.constant 0 : i32
          %parallel_loop3A_624 = tpu.memref_slice %arg7[%scan3A_485, %parallel_loop3A_622, %parallel_loop3A_623] : memref<3x16x1024xf32, #tpu.memory_space<vmem>> -> memref<1x16x1024xf32, #tpu.memory_space<vmem>>
          %parallel_loop3A_625 = tpu.memref_squeeze %parallel_loop3A_624 : memref<1x16x1024xf32, #tpu.memory_space<vmem>> -> memref<16x1024xf32, #tpu.memory_space<vmem>>
          %parallel_loop3A_626 = arith.index_cast %scan3A_525 : i32 to index
          %parallel_loop3A_627 = arith.index_cast %parallel_loop3A_621 : i32 to index
          %parallel_loop3A_628 = tpu.vector_load %parallel_loop3A_625[%parallel_loop3A_626, %parallel_loop3A_627] {strides = array<i32>} : memref<16x1024xf32, #tpu.memory_space<vmem>>, vector<1x16xf32>,
          %parallel_loop3A_629 = vector.shape_cast %parallel_loop3A_628 : vector<1x16xf32> to vector<16xf32>
          %parallel_loop3A_630 = arith.subf %parallel_loop3A_619, %parallel_loop3A_629 : vector<16xf32>
          %parallel_loop3A_631 = arith.cmpf oge, %parallel_loop3A_629, %get3A_8 : vector<16xf32>
          %parallel_loop3A_632 = arith.select %parallel_loop3A_631, %get3A_33, %get3A_28 : vector<16xi1>, vector<16xf32>
          %parallel_loop3A_633 = arith.cmpf oge, %parallel_loop3A_629, %get3A_13 : vector<16xf32>
          %parallel_loop3A_634 = arith.select %parallel_loop3A_633, %get3A_38, %parallel_loop3A_632 : vector<16xi1>, vector<16xf32>
          %parallel_loop3A_635 = arith.cmpf oge, %parallel_loop3A_629, %get3A_18 : vector<16xf32>
          %parallel_loop3A_636 = arith.select %parallel_loop3A_635, %get3A_43, %parallel_loop3A_634 : vector<16xi1>, vector<16xf32>
          %parallel_loop3A_637 = arith.cmpf oge, %parallel_loop3A_629, %get3A_23 : vector<16xf32>
          %parallel_loop3A_638 = arith.select %parallel_loop3A_637, %get3A_48, %parallel_loop3A_636 : vector<16xi1>, vector<16xf32>
          %parallel_loop3A_639 = arith.mulf %parallel_loop3A_630, %parallel_loop3A_630 : vector<16xf32>
          %parallel_loop3A_640 = arith.mulf %parallel_loop3A_638, %parallel_loop3A_639 : vector<16xf32>
          %parallel_loop3A_641 = arith.addf %parallel_loop3A_540, %parallel_loop3A_640 : vector<16xf32>
          %parallel_loop3A_642 = arith.constant 48 : i32
          %parallel_loop3A_643 = arith.addi %parallel_loop3A_537, %parallel_loop3A_642 : i32
          %parallel_loop3A_644 = arith.constant 0 : i32
          %parallel_loop3A_645 = arith.constant 0 : i32
          %parallel_loop3A_646 = tpu.memref_slice %arg6[%scan3A_484, %parallel_loop3A_644, %parallel_loop3A_645] : memref<3x16x1024xf32, #tpu.memory_space<vmem>> -> memref<1x16x1024xf32, #tpu.memory_space<vmem>>
          %parallel_loop3A_647 = tpu.memref_squeeze %parallel_loop3A_646 : memref<1x16x1024xf32, #tpu.memory_space<vmem>> -> memref<16x1024xf32, #tpu.memory_space<vmem>>
          %parallel_loop3A_648 = arith.index_cast %scan3A_525 : i32 to index
          %parallel_loop3A_649 = arith.index_cast %parallel_loop3A_643 : i32 to index
          %parallel_loop3A_650 = tpu.vector_load %parallel_loop3A_647[%parallel_loop3A_648, %parallel_loop3A_649] {strides = array<i32>} : memref<16x1024xf32, #tpu.memory_space<vmem>>, vector<1x16xf32>,
          %parallel_loop3A_651 = vector.shape_cast %parallel_loop3A_650 : vector<1x16xf32> to vector<16xf32>
          %parallel_loop3A_652 = arith.constant 48 : i32
          %parallel_loop3A_653 = arith.addi %parallel_loop3A_537, %parallel_loop3A_652 : i32
          %parallel_loop3A_654 = arith.constant 0 : i32
          %parallel_loop3A_655 = arith.constant 0 : i32
          %parallel_loop3A_656 = tpu.memref_slice %arg7[%scan3A_485, %parallel_loop3A_654, %parallel_loop3A_655] : memref<3x16x1024xf32, #tpu.memory_space<vmem>> -> memref<1x16x1024xf32, #tpu.memory_space<vmem>>
          %parallel_loop3A_657 = tpu.memref_squeeze %parallel_loop3A_656 : memref<1x16x1024xf32, #tpu.memory_space<vmem>> -> memref<16x1024xf32, #tpu.memory_space<vmem>>
          %parallel_loop3A_658 = arith.index_cast %scan3A_525 : i32 to index
          %parallel_loop3A_659 = arith.index_cast %parallel_loop3A_653 : i32 to index
          %parallel_loop3A_660 = tpu.vector_load %parallel_loop3A_657[%parallel_loop3A_658, %parallel_loop3A_659] {strides = array<i32>} : memref<16x1024xf32, #tpu.memory_space<vmem>>, vector<1x16xf32>,
          %parallel_loop3A_661 = vector.shape_cast %parallel_loop3A_660 : vector<1x16xf32> to vector<16xf32>
          %parallel_loop3A_662 = arith.subf %parallel_loop3A_651, %parallel_loop3A_661 : vector<16xf32>
          %parallel_loop3A_663 = arith.cmpf oge, %parallel_loop3A_661, %get3A_8 : vector<16xf32>
          %parallel_loop3A_664 = arith.select %parallel_loop3A_663, %get3A_33, %get3A_28 : vector<16xi1>, vector<16xf32>
          %parallel_loop3A_665 = arith.cmpf oge, %parallel_loop3A_661, %get3A_13 : vector<16xf32>
          %parallel_loop3A_666 = arith.select %parallel_loop3A_665, %get3A_38, %parallel_loop3A_664 : vector<16xi1>, vector<16xf32>
          %parallel_loop3A_667 = arith.cmpf oge, %parallel_loop3A_661, %get3A_18 : vector<16xf32>
          %parallel_loop3A_668 = arith.select %parallel_loop3A_667, %get3A_43, %parallel_loop3A_666 : vector<16xi1>, vector<16xf32>
          %parallel_loop3A_669 = arith.cmpf oge, %parallel_loop3A_661, %get3A_23 : vector<16xf32>
          %parallel_loop3A_670 = arith.select %parallel_loop3A_669, %get3A_48, %parallel_loop3A_668 : vector<16xi1>, vector<16xf32>
          %parallel_loop3A_671 = arith.mulf %parallel_loop3A_662, %parallel_loop3A_662 : vector<16xf32>
          %parallel_loop3A_672 = arith.mulf %parallel_loop3A_670, %parallel_loop3A_671 : vector<16xf32>
          %parallel_loop3A_673 = arith.addf %parallel_loop3A_541, %parallel_loop3A_672 : vector<16xf32>
          %parallel_loop3A_674 = arith.constant 64 : i32
          %parallel_loop3A_675 = arith.addi %parallel_loop3A_537, %parallel_loop3A_674 : i32
          %parallel_loop3A_676 = arith.constant 0 : i32
          %parallel_loop3A_677 = arith.constant 0 : i32
          %parallel_loop3A_678 = tpu.memref_slice %arg6[%scan3A_484, %parallel_loop3A_676, %parallel_loop3A_677] : memref<3x16x1024xf32, #tpu.memory_space<vmem>> -> memref<1x16x1024xf32, #tpu.memory_space<vmem>>
          %parallel_loop3A_679 = tpu.memref_squeeze %parallel_loop3A_678 : memref<1x16x1024xf32, #tpu.memory_space<vmem>> -> memref<16x1024xf32, #tpu.memory_space<vmem>>
          %parallel_loop3A_680 = arith.index_cast %scan3A_525 : i32 to index
          %parallel_loop3A_681 = arith.index_cast %parallel_loop3A_675 : i32 to index
          %parallel_loop3A_682 = tpu.vector_load %parallel_loop3A_679[%parallel_loop3A_680, %parallel_loop3A_681] {strides = array<i32>} : memref<16x1024xf32, #tpu.memory_space<vmem>>, vector<1x16xf32>,
          %parallel_loop3A_683 = vector.shape_cast %parallel_loop3A_682 : vector<1x16xf32> to vector<16xf32>
          %parallel_loop3A_684 = arith.constant 64 : i32
          %parallel_loop3A_685 = arith.addi %parallel_loop3A_537, %parallel_loop3A_684 : i32
          %parallel_loop3A_686 = arith.constant 0 : i32
          %parallel_loop3A_687 = arith.constant 0 : i32
          %parallel_loop3A_688 = tpu.memref_slice %arg7[%scan3A_485, %parallel_loop3A_686, %parallel_loop3A_687] : memref<3x16x1024xf32, #tpu.memory_space<vmem>> -> memref<1x16x1024xf32, #tpu.memory_space<vmem>>
          %parallel_loop3A_689 = tpu.memref_squeeze %parallel_loop3A_688 : memref<1x16x1024xf32, #tpu.memory_space<vmem>> -> memref<16x1024xf32, #tpu.memory_space<vmem>>
          %parallel_loop3A_690 = arith.index_cast %scan3A_525 : i32 to index
          %parallel_loop3A_691 = arith.index_cast %parallel_loop3A_685 : i32 to index
          %parallel_loop3A_692 = tpu.vector_load %parallel_loop3A_689[%parallel_loop3A_690, %parallel_loop3A_691] {strides = array<i32>} : memref<16x1024xf32, #tpu.memory_space<vmem>>, vector<1x16xf32>,
          %parallel_loop3A_693 = vector.shape_cast %parallel_loop3A_692 : vector<1x16xf32> to vector<16xf32>
          %parallel_loop3A_694 = arith.subf %parallel_loop3A_683, %parallel_loop3A_693 : vector<16xf32>
          %parallel_loop3A_695 = arith.cmpf oge, %parallel_loop3A_693, %get3A_8 : vector<16xf32>
          %parallel_loop3A_696 = arith.select %parallel_loop3A_695, %get3A_33, %get3A_28 : vector<16xi1>, vector<16xf32>
          %parallel_loop3A_697 = arith.cmpf oge, %parallel_loop3A_693, %get3A_13 : vector<16xf32>
          %parallel_loop3A_698 = arith.select %parallel_loop3A_697, %get3A_38, %parallel_loop3A_696 : vector<16xi1>, vector<16xf32>
          %parallel_loop3A_699 = arith.cmpf oge, %parallel_loop3A_693, %get3A_18 : vector<16xf32>
          %parallel_loop3A_700 = arith.select %parallel_loop3A_699, %get3A_43, %parallel_loop3A_698 : vector<16xi1>, vector<16xf32>
          %parallel_loop3A_701 = arith.cmpf oge, %parallel_loop3A_693, %get3A_23 : vector<16xf32>
          %parallel_loop3A_702 = arith.select %parallel_loop3A_701, %get3A_48, %parallel_loop3A_700 : vector<16xi1>, vector<16xf32>
          %parallel_loop3A_703 = arith.mulf %parallel_loop3A_694, %parallel_loop3A_694 : vector<16xf32>
          %parallel_loop3A_704 = arith.mulf %parallel_loop3A_702, %parallel_loop3A_703 : vector<16xf32>
          %parallel_loop3A_705 = arith.addf %parallel_loop3A_542, %parallel_loop3A_704 : vector<16xf32>
          %parallel_loop3A_706 = arith.constant 80 : i32
          %parallel_loop3A_707 = arith.addi %parallel_loop3A_537, %parallel_loop3A_706 : i32
          %parallel_loop3A_708 = arith.constant 0 : i32
          %parallel_loop3A_709 = arith.constant 0 : i32
          %parallel_loop3A_710 = tpu.memref_slice %arg6[%scan3A_484, %parallel_loop3A_708, %parallel_loop3A_709] : memref<3x16x1024xf32, #tpu.memory_space<vmem>> -> memref<1x16x1024xf32, #tpu.memory_space<vmem>>
          %parallel_loop3A_711 = tpu.memref_squeeze %parallel_loop3A_710 : memref<1x16x1024xf32, #tpu.memory_space<vmem>> -> memref<16x1024xf32, #tpu.memory_space<vmem>>
          %parallel_loop3A_712 = arith.index_cast %scan3A_525 : i32 to index
          %parallel_loop3A_713 = arith.index_cast %parallel_loop3A_707 : i32 to index
          %parallel_loop3A_714 = tpu.vector_load %parallel_loop3A_711[%parallel_loop3A_712, %parallel_loop3A_713] {strides = array<i32>} : memref<16x1024xf32, #tpu.memory_space<vmem>>, vector<1x16xf32>,
          %parallel_loop3A_715 = vector.shape_cast %parallel_loop3A_714 : vector<1x16xf32> to vector<16xf32>
          %parallel_loop3A_716 = arith.constant 80 : i32
          %parallel_loop3A_717 = arith.addi %parallel_loop3A_537, %parallel_loop3A_716 : i32
          %parallel_loop3A_718 = arith.constant 0 : i32
          %parallel_loop3A_719 = arith.constant 0 : i32
          %parallel_loop3A_720 = tpu.memref_slice %arg7[%scan3A_485, %parallel_loop3A_718, %parallel_loop3A_719] : memref<3x16x1024xf32, #tpu.memory_space<vmem>> -> memref<1x16x1024xf32, #tpu.memory_space<vmem>>
          %parallel_loop3A_721 = tpu.memref_squeeze %parallel_loop3A_720 : memref<1x16x1024xf32, #tpu.memory_space<vmem>> -> memref<16x1024xf32, #tpu.memory_space<vmem>>
          %parallel_loop3A_722 = arith.index_cast %scan3A_525 : i32 to index
          %parallel_loop3A_723 = arith.index_cast %parallel_loop3A_717 : i32 to index
          %parallel_loop3A_724 = tpu.vector_load %parallel_loop3A_721[%parallel_loop3A_722, %parallel_loop3A_723] {strides = array<i32>} : memref<16x1024xf32, #tpu.memory_space<vmem>>, vector<1x16xf32>,
          %parallel_loop3A_725 = vector.shape_cast %parallel_loop3A_724 : vector<1x16xf32> to vector<16xf32>
          %parallel_loop3A_726 = arith.subf %parallel_loop3A_715, %parallel_loop3A_725 : vector<16xf32>
          %parallel_loop3A_727 = arith.cmpf oge, %parallel_loop3A_725, %get3A_8 : vector<16xf32>
          %parallel_loop3A_728 = arith.select %parallel_loop3A_727, %get3A_33, %get3A_28 : vector<16xi1>, vector<16xf32>
          %parallel_loop3A_729 = arith.cmpf oge, %parallel_loop3A_725, %get3A_13 : vector<16xf32>
          %parallel_loop3A_730 = arith.select %parallel_loop3A_729, %get3A_38, %parallel_loop3A_728 : vector<16xi1>, vector<16xf32>
          %parallel_loop3A_731 = arith.cmpf oge, %parallel_loop3A_725, %get3A_18 : vector<16xf32>
          %parallel_loop3A_732 = arith.select %parallel_loop3A_731, %get3A_43, %parallel_loop3A_730 : vector<16xi1>, vector<16xf32>
          %parallel_loop3A_733 = arith.cmpf oge, %parallel_loop3A_725, %get3A_23 : vector<16xf32>
          %parallel_loop3A_734 = arith.select %parallel_loop3A_733, %get3A_48, %parallel_loop3A_732 : vector<16xi1>, vector<16xf32>
          %parallel_loop3A_735 = arith.mulf %parallel_loop3A_726, %parallel_loop3A_726 : vector<16xf32>
          %parallel_loop3A_736 = arith.mulf %parallel_loop3A_734, %parallel_loop3A_735 : vector<16xf32>
          %parallel_loop3A_737 = arith.addf %parallel_loop3A_543, %parallel_loop3A_736 : vector<16xf32>
          %parallel_loop3A_738 = arith.constant 96 : i32
          %parallel_loop3A_739 = arith.addi %parallel_loop3A_537, %parallel_loop3A_738 : i32
          %parallel_loop3A_740 = arith.constant 0 : i32
          %parallel_loop3A_741 = arith.constant 0 : i32
          %parallel_loop3A_742 = tpu.memref_slice %arg6[%scan3A_484, %parallel_loop3A_740, %parallel_loop3A_741] : memref<3x16x1024xf32, #tpu.memory_space<vmem>> -> memref<1x16x1024xf32, #tpu.memory_space<vmem>>
          %parallel_loop3A_743 = tpu.memref_squeeze %parallel_loop3A_742 : memref<1x16x1024xf32, #tpu.memory_space<vmem>> -> memref<16x1024xf32, #tpu.memory_space<vmem>>
          %parallel_loop3A_744 = arith.index_cast %scan3A_525 : i32 to index
          %parallel_loop3A_745 = arith.index_cast %parallel_loop3A_739 : i32 to index
          %parallel_loop3A_746 = tpu.vector_load %parallel_loop3A_743[%parallel_loop3A_744, %parallel_loop3A_745] {strides = array<i32>} : memref<16x1024xf32, #tpu.memory_space<vmem>>, vector<1x16xf32>,
          %parallel_loop3A_747 = vector.shape_cast %parallel_loop3A_746 : vector<1x16xf32> to vector<16xf32>
          %parallel_loop3A_748 = arith.constant 96 : i32
          %parallel_loop3A_749 = arith.addi %parallel_loop3A_537, %parallel_loop3A_748 : i32
          %parallel_loop3A_750 = arith.constant 0 : i32
          %parallel_loop3A_751 = arith.constant 0 : i32
          %parallel_loop3A_752 = tpu.memref_slice %arg7[%scan3A_485, %parallel_loop3A_750, %parallel_loop3A_751] : memref<3x16x1024xf32, #tpu.memory_space<vmem>> -> memref<1x16x1024xf32, #tpu.memory_space<vmem>>
          %parallel_loop3A_753 = tpu.memref_squeeze %parallel_loop3A_752 : memref<1x16x1024xf32, #tpu.memory_space<vmem>> -> memref<16x1024xf32, #tpu.memory_space<vmem>>
          %parallel_loop3A_754 = arith.index_cast %scan3A_525 : i32 to index
          %parallel_loop3A_755 = arith.index_cast %parallel_loop3A_749 : i32 to index
          %parallel_loop3A_756 = tpu.vector_load %parallel_loop3A_753[%parallel_loop3A_754, %parallel_loop3A_755] {strides = array<i32>} : memref<16x1024xf32, #tpu.memory_space<vmem>>, vector<1x16xf32>,
          %parallel_loop3A_757 = vector.shape_cast %parallel_loop3A_756 : vector<1x16xf32> to vector<16xf32>
          %parallel_loop3A_758 = arith.subf %parallel_loop3A_747, %parallel_loop3A_757 : vector<16xf32>
          %parallel_loop3A_759 = arith.cmpf oge, %parallel_loop3A_757, %get3A_8 : vector<16xf32>
          %parallel_loop3A_760 = arith.select %parallel_loop3A_759, %get3A_33, %get3A_28 : vector<16xi1>, vector<16xf32>
          %parallel_loop3A_761 = arith.cmpf oge, %parallel_loop3A_757, %get3A_13 : vector<16xf32>
          %parallel_loop3A_762 = arith.select %parallel_loop3A_761, %get3A_38, %parallel_loop3A_760 : vector<16xi1>, vector<16xf32>
          %parallel_loop3A_763 = arith.cmpf oge, %parallel_loop3A_757, %get3A_18 : vector<16xf32>
          %parallel_loop3A_764 = arith.select %parallel_loop3A_763, %get3A_43, %parallel_loop3A_762 : vector<16xi1>, vector<16xf32>
          %parallel_loop3A_765 = arith.cmpf oge, %parallel_loop3A_757, %get3A_23 : vector<16xf32>
          %parallel_loop3A_766 = arith.select %parallel_loop3A_765, %get3A_48, %parallel_loop3A_764 : vector<16xi1>, vector<16xf32>
          %parallel_loop3A_767 = arith.mulf %parallel_loop3A_758, %parallel_loop3A_758 : vector<16xf32>
          %parallel_loop3A_768 = arith.mulf %parallel_loop3A_766, %parallel_loop3A_767 : vector<16xf32>
          %parallel_loop3A_769 = arith.addf %parallel_loop3A_544, %parallel_loop3A_768 : vector<16xf32>
          %parallel_loop3A_770 = arith.constant 112 : i32
          %parallel_loop3A_771 = arith.addi %parallel_loop3A_537, %parallel_loop3A_770 : i32
          %parallel_loop3A_772 = arith.constant 0 : i32
          %parallel_loop3A_773 = arith.constant 0 : i32
          %parallel_loop3A_774 = tpu.memref_slice %arg6[%scan3A_484, %parallel_loop3A_772, %parallel_loop3A_773] : memref<3x16x1024xf32, #tpu.memory_space<vmem>> -> memref<1x16x1024xf32, #tpu.memory_space<vmem>>
          %parallel_loop3A_775 = tpu.memref_squeeze %parallel_loop3A_774 : memref<1x16x1024xf32, #tpu.memory_space<vmem>> -> memref<16x1024xf32, #tpu.memory_space<vmem>>
          %parallel_loop3A_776 = arith.index_cast %scan3A_525 : i32 to index
          %parallel_loop3A_777 = arith.index_cast %parallel_loop3A_771 : i32 to index
          %parallel_loop3A_778 = tpu.vector_load %parallel_loop3A_775[%parallel_loop3A_776, %parallel_loop3A_777] {strides = array<i32>} : memref<16x1024xf32, #tpu.memory_space<vmem>>, vector<1x16xf32>,
          %parallel_loop3A_779 = vector.shape_cast %parallel_loop3A_778 : vector<1x16xf32> to vector<16xf32>
          %parallel_loop3A_780 = arith.constant 112 : i32
          %parallel_loop3A_781 = arith.addi %parallel_loop3A_537, %parallel_loop3A_780 : i32
          %parallel_loop3A_782 = arith.constant 0 : i32
          %parallel_loop3A_783 = arith.constant 0 : i32
          %parallel_loop3A_784 = tpu.memref_slice %arg7[%scan3A_485, %parallel_loop3A_782, %parallel_loop3A_783] : memref<3x16x1024xf32, #tpu.memory_space<vmem>> -> memref<1x16x1024xf32, #tpu.memory_space<vmem>>
          %parallel_loop3A_785 = tpu.memref_squeeze %parallel_loop3A_784 : memref<1x16x1024xf32, #tpu.memory_space<vmem>> -> memref<16x1024xf32, #tpu.memory_space<vmem>>
          %parallel_loop3A_786 = arith.index_cast %scan3A_525 : i32 to index
          %parallel_loop3A_787 = arith.index_cast %parallel_loop3A_781 : i32 to index
          %parallel_loop3A_788 = tpu.vector_load %parallel_loop3A_785[%parallel_loop3A_786, %parallel_loop3A_787] {strides = array<i32>} : memref<16x1024xf32, #tpu.memory_space<vmem>>, vector<1x16xf32>,
          %parallel_loop3A_789 = vector.shape_cast %parallel_loop3A_788 : vector<1x16xf32> to vector<16xf32>
          %parallel_loop3A_790 = arith.subf %parallel_loop3A_779, %parallel_loop3A_789 : vector<16xf32>
          %parallel_loop3A_791 = arith.cmpf oge, %parallel_loop3A_789, %get3A_8 : vector<16xf32>
          %parallel_loop3A_792 = arith.select %parallel_loop3A_791, %get3A_33, %get3A_28 : vector<16xi1>, vector<16xf32>
          %parallel_loop3A_793 = arith.cmpf oge, %parallel_loop3A_789, %get3A_13 : vector<16xf32>
          %parallel_loop3A_794 = arith.select %parallel_loop3A_793, %get3A_38, %parallel_loop3A_792 : vector<16xi1>, vector<16xf32>
          %parallel_loop3A_795 = arith.cmpf oge, %parallel_loop3A_789, %get3A_18 : vector<16xf32>
          %parallel_loop3A_796 = arith.select %parallel_loop3A_795, %get3A_43, %parallel_loop3A_794 : vector<16xi1>, vector<16xf32>
          %parallel_loop3A_797 = arith.cmpf oge, %parallel_loop3A_789, %get3A_23 : vector<16xf32>
          %parallel_loop3A_798 = arith.select %parallel_loop3A_797, %get3A_48, %parallel_loop3A_796 : vector<16xi1>, vector<16xf32>
          %parallel_loop3A_799 = arith.mulf %parallel_loop3A_790, %parallel_loop3A_790 : vector<16xf32>
          %parallel_loop3A_800 = arith.mulf %parallel_loop3A_798, %parallel_loop3A_799 : vector<16xf32>
          %parallel_loop3A_801 = arith.addf %parallel_loop3A_545, %parallel_loop3A_800 : vector<16xf32>
          scf.yield %parallel_loop3A_577, %parallel_loop3A_609, %parallel_loop3A_641, %parallel_loop3A_673, %parallel_loop3A_705, %parallel_loop3A_737, %parallel_loop3A_769, %parallel_loop3A_801 : vector<16xf32>, vector<16xf32>, vector<16xf32>, vector<16xf32>, vector<16xf32>, vector<16xf32>, vector<16xf32>, vector<16xf32>
        } {sc.loop_unroll_factor = 2 : i64, sc.parallel_access}
        scf.yield %parallel_loop3A_536#0, %parallel_loop3A_536#1, %parallel_loop3A_536#2, %parallel_loop3A_536#3, %parallel_loop3A_536#4, %parallel_loop3A_536#5, %parallel_loop3A_536#6, %parallel_loop3A_536#7 : vector<16xf32>, vector<16xf32>, vector<16xf32>, vector<16xf32>, vector<16xf32>, vector<16xf32>, vector<16xf32>, vector<16xf32>
      }
      %scan3A_491 = arith.constant 16 : i32
      %add3A_492 = arith.constant 2 : i32
      %add3A_493 = arith.addi %mul3A_323, %add3A_492 : i32
      %add3A_494 = arith.constant 3 : i32
      %add3A_495 = arith.addi %add3A_493, %add3A_494 : i32
      %mul3A_496 = arith.constant 16 : i32
      %mul3A_497 = arith.muli %add3A_495, %mul3A_496 : i32
      %add3A_498 = arith.addi %add3A_4, %mul3A_497 : i32
      %dma_start3A_499 = arith.constant 2 : i32
      %dma_start3A_500 = arith.constant 0 : i32
      %dma_start3A_501 = arith.constant 0 : i32
      %dma_start3A_502 = tpu.memref_slice %arg6[%dma_start3A_499, %dma_start3A_500, %dma_start3A_501] : memref<3x16x1024xf32, #tpu.memory_space<vmem>> -> memref<1x16x1024xf32, #tpu.memory_space<vmem>>
      %dma_start3A_503 = tpu.memref_squeeze %dma_start3A_502 : memref<1x16x1024xf32, #tpu.memory_space<vmem>> -> memref<16x1024xf32, #tpu.memory_space<vmem>>
      %dma_start3A_504 = arith.constant 0 : i32
      %dma_start3A_505 = tpu.memref_slice %arg2[%add3A_498, %dma_start3A_504] : memref<32768x1024xf32, #tpu.memory_space<hbm>> -> memref<16x1024xf32, #tpu.memory_space<hbm>>
      %dma_start3A_506 = arith.constant 0 : i32
      %dma_start3A_507 = arith.constant 0 : i32
      %dma_start3A_508 = tpu.memref_slice %arg6[%dma_start3A_499, %dma_start3A_506, %dma_start3A_507] : memref<3x16x1024xf32, #tpu.memory_space<vmem>> -> memref<1x16x1024xf32, #tpu.memory_space<vmem>>
      %dma_start3A_509 = tpu.memref_squeeze %dma_start3A_508 : memref<1x16x1024xf32, #tpu.memory_space<vmem>> -> memref<16x1024xf32, #tpu.memory_space<vmem>>
      %dma_start3A_510 = arith.constant 0 : i32
      %dma_start3A_511 = tpu.memref_slice %arg2[%add3A_498, %dma_start3A_510] : memref<32768x1024xf32, #tpu.memory_space<hbm>> -> memref<16x1024xf32, #tpu.memory_space<hbm>>
      tpu.enqueue_dma source(%dma_start3A_511 : memref<16x1024xf32, #tpu.memory_space<hbm>>) target(%dma_start3A_509 : memref<16x1024xf32, #tpu.memory_space<vmem>>) target_semaphore(%arg12 : memref<!tpu.dma_semaphore, #tpu.memory_space<semaphore_mem>>)
      %dma_start3A_512 = arith.constant 2 : i32
      %dma_start3A_513 = arith.constant 0 : i32
      %dma_start3A_514 = arith.constant 0 : i32
      %dma_start3A_515 = tpu.memref_slice %arg7[%dma_start3A_512, %dma_start3A_513, %dma_start3A_514] : memref<3x16x1024xf32, #tpu.memory_space<vmem>> -> memref<1x16x1024xf32, #tpu.memory_space<vmem>>
      %dma_start3A_516 = tpu.memref_squeeze %dma_start3A_515 : memref<1x16x1024xf32, #tpu.memory_space<vmem>> -> memref<16x1024xf32, #tpu.memory_space<vmem>>
      %dma_start3A_517 = arith.constant 0 : i32
      %dma_start3A_518 = tpu.memref_slice %arg3[%add3A_498, %dma_start3A_517] : memref<32768x1024xf32, #tpu.memory_space<hbm>> -> memref<16x1024xf32, #tpu.memory_space<hbm>>
      %dma_start3A_519 = arith.constant 0 : i32
      %dma_start3A_520 = arith.constant 0 : i32
      %dma_start3A_521 = tpu.memref_slice %arg7[%dma_start3A_512, %dma_start3A_519, %dma_start3A_520] : memref<3x16x1024xf32, #tpu.memory_space<vmem>> -> memref<1x16x1024xf32, #tpu.memory_space<vmem>>
      %dma_start3A_522 = tpu.memref_squeeze %dma_start3A_521 : memref<1x16x1024xf32, #tpu.memory_space<vmem>> -> memref<16x1024xf32, #tpu.memory_space<vmem>>
      %dma_start3A_523 = arith.constant 0 : i32
      %dma_start3A_524 = tpu.memref_slice %arg3[%add3A_498, %dma_start3A_523] : memref<32768x1024xf32, #tpu.memory_space<hbm>> -> memref<16x1024xf32, #tpu.memory_space<hbm>>
      tpu.enqueue_dma source(%dma_start3A_524 : memref<16x1024xf32, #tpu.memory_space<hbm>>) target(%dma_start3A_522 : memref<16x1024xf32, #tpu.memory_space<vmem>>) target_semaphore(%arg12 : memref<!tpu.dma_semaphore, #tpu.memory_space<semaphore_mem>>)
      scf.yield %scan3A_490#0, %scan3A_490#1, %scan3A_490#2, %scan3A_490#3, %scan3A_490#4, %scan3A_490#5, %scan3A_490#6, %scan3A_490#7 : vector<16xf32>, vector<16xf32>, vector<16xf32>, vector<16xf32>, vector<16xf32>, vector<16xf32>, vector<16xf32>, vector<16xf32>
    }
    %scan3A_137 = arith.constant 8 : i32
    %dma_wait3A = arith.constant 0 : i32
    %dma_wait3A_138 = arith.constant 0 : i32
    %dma_wait3A_139 = arith.constant 0 : i32
    %dma_wait3A_140 = tpu.memref_slice %arg6[%dma_wait3A, %dma_wait3A_138, %dma_wait3A_139] : memref<3x16x1024xf32, #tpu.memory_space<vmem>> -> memref<1x16x1024xf32, #tpu.memory_space<vmem>>
    %dma_wait3A_141 = tpu.memref_squeeze %dma_wait3A_140 : memref<1x16x1024xf32, #tpu.memory_space<vmem>> -> memref<16x1024xf32, #tpu.memory_space<vmem>>
    %dma_wait3A_142 = arith.constant 0 : i32
    %dma_wait3A_143 = tpu.memref_slice %arg2[%add3A_4, %dma_wait3A_142] : memref<32768x1024xf32, #tpu.memory_space<hbm>> -> memref<16x1024xf32, #tpu.memory_space<hbm>>
    %dma_wait3A_144 = arith.constant 0 : i32
    %dma_wait3A_145 = arith.constant 0 : i32
    %dma_wait3A_146 = tpu.memref_slice %arg6[%dma_wait3A, %dma_wait3A_144, %dma_wait3A_145] : memref<3x16x1024xf32, #tpu.memory_space<vmem>> -> memref<1x16x1024xf32, #tpu.memory_space<vmem>>
    %dma_wait3A_147 = tpu.memref_squeeze %dma_wait3A_146 : memref<1x16x1024xf32, #tpu.memory_space<vmem>> -> memref<16x1024xf32, #tpu.memory_space<vmem>>
    %dma_wait3A_148 = arith.constant 0 : i32
    %dma_wait3A_149 = tpu.memref_slice %arg2[%add3A_4, %dma_wait3A_148] : memref<32768x1024xf32, #tpu.memory_space<hbm>> -> memref<16x1024xf32, #tpu.memory_space<hbm>>
    tpu.wait_dma2 semaphore(%arg10 : memref<!tpu.dma_semaphore, #tpu.memory_space<semaphore_mem>>) src(%dma_wait3A_149 : memref<16x1024xf32, #tpu.memory_space<hbm>>) dst(%dma_wait3A_147 : memref<16x1024xf32, #tpu.memory_space<vmem>>)
    %dma_wait3A_150 = arith.constant 0 : i32
    %dma_wait3A_151 = arith.constant 0 : i32
    %dma_wait3A_152 = arith.constant 0 : i32
    %dma_wait3A_153 = tpu.memref_slice %arg7[%dma_wait3A_150, %dma_wait3A_151, %dma_wait3A_152] : memref<3x16x1024xf32, #tpu.memory_space<vmem>> -> memref<1x16x1024xf32, #tpu.memory_space<vmem>>
    %dma_wait3A_154 = tpu.memref_squeeze %dma_wait3A_153 : memref<1x16x1024xf32, #tpu.memory_space<vmem>> -> memref<16x1024xf32, #tpu.memory_space<vmem>>
    %dma_wait3A_155 = arith.constant 0 : i32
    %dma_wait3A_156 = tpu.memref_slice %arg3[%add3A_4, %dma_wait3A_155] : memref<32768x1024xf32, #tpu.memory_space<hbm>> -> memref<16x1024xf32, #tpu.memory_space<hbm>>
    %dma_wait3A_157 = arith.constant 0 : i32
    %dma_wait3A_158 = arith.constant 0 : i32
    %dma_wait3A_159 = tpu.memref_slice %arg7[%dma_wait3A_150, %dma_wait3A_157, %dma_wait3A_158] : memref<3x16x1024xf32, #tpu.memory_space<vmem>> -> memref<1x16x1024xf32, #tpu.memory_space<vmem>>
    %dma_wait3A_160 = tpu.memref_squeeze %dma_wait3A_159 : memref<1x16x1024xf32, #tpu.memory_space<vmem>> -> memref<16x1024xf32, #tpu.memory_space<vmem>>
    %dma_wait3A_161 = arith.constant 0 : i32
    %dma_wait3A_162 = tpu.memref_slice %arg3[%add3A_4, %dma_wait3A_161] : memref<32768x1024xf32, #tpu.memory_space<hbm>> -> memref<16x1024xf32, #tpu.memory_space<hbm>>
    tpu.wait_dma2 semaphore(%arg10 : memref<!tpu.dma_semaphore, #tpu.memory_space<semaphore_mem>>) src(%dma_wait3A_162 : memref<16x1024xf32, #tpu.memory_space<hbm>>) dst(%dma_wait3A_160 : memref<16x1024xf32, #tpu.memory_space<vmem>>)
    %scan3A_163 = arith.constant 0 : i32
    %scan3A_164 = arith.constant 0 : i32
    %scan3A_165 = arith.constant 0 : i32
    %scan3A_166 = arith.constant 16 : i32
    %scan3A_167 = arith.addi %scan3A_165, %scan3A_166 : i32
    %scan3A_168 = arith.constant 1 : i32
    %scan3A_169:8 = scf.for %scan3A_313 = %scan3A_165 to %scan3A_167 step %scan3A_168 iter_args(%scan3A_314 = %scan3A_136#0, %scan3A_315 = %scan3A_136#1, %scan3A_316 = %scan3A_136#2, %scan3A_317 = %scan3A_136#3, %scan3A_318 = %scan3A_136#4, %scan3A_319 = %scan3A_136#5, %scan3A_320 = %scan3A_136#6, %scan3A_321 = %scan3A_136#7) -> (vector<16xf32>, vector<16xf32>, vector<16xf32>, vector<16xf32>, vector<16xf32>, vector<16xf32>, vector<16xf32>, vector<16xf32>)  : i32 {
      %parallel_loop3A = arith.constant 0 : i32
      %parallel_loop3A_322 = arith.constant 1024 : i32
      %parallel_loop3A_323 = arith.constant 128 : i32
      %parallel_loop3A_324:8 = scf.for %parallel_loop3A_325 = %parallel_loop3A to %parallel_loop3A_322 step %parallel_loop3A_323 iter_args(%parallel_loop3A_326 = %scan3A_314, %parallel_loop3A_327 = %scan3A_315, %parallel_loop3A_328 = %scan3A_316, %parallel_loop3A_329 = %scan3A_317, %parallel_loop3A_330 = %scan3A_318, %parallel_loop3A_331 = %scan3A_319, %parallel_loop3A_332 = %scan3A_320, %parallel_loop3A_333 = %scan3A_321) -> (vector<16xf32>, vector<16xf32>, vector<16xf32>, vector<16xf32>, vector<16xf32>, vector<16xf32>, vector<16xf32>, vector<16xf32>)  : i32 {
        %parallel_loop3A_334 = arith.constant 0 : i32
        %parallel_loop3A_335 = arith.addi %parallel_loop3A_325, %parallel_loop3A_334 : i32
        %parallel_loop3A_336 = arith.constant 0 : i32
        %parallel_loop3A_337 = arith.constant 0 : i32
        %parallel_loop3A_338 = tpu.memref_slice %arg6[%scan3A_163, %parallel_loop3A_336, %parallel_loop3A_337] : memref<3x16x1024xf32, #tpu.memory_space<vmem>> -> memref<1x16x1024xf32, #tpu.memory_space<vmem>>
        %parallel_loop3A_339 = tpu.memref_squeeze %parallel_loop3A_338 : memref<1x16x1024xf32, #tpu.memory_space<vmem>> -> memref<16x1024xf32, #tpu.memory_space<vmem>>
        %parallel_loop3A_340 = arith.index_cast %scan3A_313 : i32 to index
        %parallel_loop3A_341 = arith.index_cast %parallel_loop3A_335 : i32 to index
        %parallel_loop3A_342 = tpu.vector_load %parallel_loop3A_339[%parallel_loop3A_340, %parallel_loop3A_341] {strides = array<i32>} : memref<16x1024xf32, #tpu.memory_space<vmem>>, vector<1x16xf32>,
        %parallel_loop3A_343 = vector.shape_cast %parallel_loop3A_342 : vector<1x16xf32> to vector<16xf32>
        %parallel_loop3A_344 = arith.constant 0 : i32
        %parallel_loop3A_345 = arith.addi %parallel_loop3A_325, %parallel_loop3A_344 : i32
        %parallel_loop3A_346 = arith.constant 0 : i32
        %parallel_loop3A_347 = arith.constant 0 : i32
        %parallel_loop3A_348 = tpu.memref_slice %arg7[%scan3A_164, %parallel_loop3A_346, %parallel_loop3A_347] : memref<3x16x1024xf32, #tpu.memory_space<vmem>> -> memref<1x16x1024xf32, #tpu.memory_space<vmem>>
        %parallel_loop3A_349 = tpu.memref_squeeze %parallel_loop3A_348 : memref<1x16x1024xf32, #tpu.memory_space<vmem>> -> memref<16x1024xf32, #tpu.memory_space<vmem>>
        %parallel_loop3A_350 = arith.index_cast %scan3A_313 : i32 to index
        %parallel_loop3A_351 = arith.index_cast %parallel_loop3A_345 : i32 to index
        %parallel_loop3A_352 = tpu.vector_load %parallel_loop3A_349[%parallel_loop3A_350, %parallel_loop3A_351] {strides = array<i32>} : memref<16x1024xf32, #tpu.memory_space<vmem>>, vector<1x16xf32>,
        %parallel_loop3A_353 = vector.shape_cast %parallel_loop3A_352 : vector<1x16xf32> to vector<16xf32>
        %parallel_loop3A_354 = arith.subf %parallel_loop3A_343, %parallel_loop3A_353 : vector<16xf32>
        %parallel_loop3A_355 = arith.cmpf oge, %parallel_loop3A_353, %get3A_8 : vector<16xf32>
        %parallel_loop3A_356 = arith.select %parallel_loop3A_355, %get3A_33, %get3A_28 : vector<16xi1>, vector<16xf32>
        %parallel_loop3A_357 = arith.cmpf oge, %parallel_loop3A_353, %get3A_13 : vector<16xf32>
        %parallel_loop3A_358 = arith.select %parallel_loop3A_357, %get3A_38, %parallel_loop3A_356 : vector<16xi1>, vector<16xf32>
        %parallel_loop3A_359 = arith.cmpf oge, %parallel_loop3A_353, %get3A_18 : vector<16xf32>
        %parallel_loop3A_360 = arith.select %parallel_loop3A_359, %get3A_43, %parallel_loop3A_358 : vector<16xi1>, vector<16xf32>
        %parallel_loop3A_361 = arith.cmpf oge, %parallel_loop3A_353, %get3A_23 : vector<16xf32>
        %parallel_loop3A_362 = arith.select %parallel_loop3A_361, %get3A_48, %parallel_loop3A_360 : vector<16xi1>, vector<16xf32>
        %parallel_loop3A_363 = arith.mulf %parallel_loop3A_354, %parallel_loop3A_354 : vector<16xf32>
        %parallel_loop3A_364 = arith.mulf %parallel_loop3A_362, %parallel_loop3A_363 : vector<16xf32>
        %parallel_loop3A_365 = arith.addf %parallel_loop3A_326, %parallel_loop3A_364 : vector<16xf32>
        %parallel_loop3A_366 = arith.constant 16 : i32
        %parallel_loop3A_367 = arith.addi %parallel_loop3A_325, %parallel_loop3A_366 : i32
        %parallel_loop3A_368 = arith.constant 0 : i32
        %parallel_loop3A_369 = arith.constant 0 : i32
        %parallel_loop3A_370 = tpu.memref_slice %arg6[%scan3A_163, %parallel_loop3A_368, %parallel_loop3A_369] : memref<3x16x1024xf32, #tpu.memory_space<vmem>> -> memref<1x16x1024xf32, #tpu.memory_space<vmem>>
        %parallel_loop3A_371 = tpu.memref_squeeze %parallel_loop3A_370 : memref<1x16x1024xf32, #tpu.memory_space<vmem>> -> memref<16x1024xf32, #tpu.memory_space<vmem>>
        %parallel_loop3A_372 = arith.index_cast %scan3A_313 : i32 to index
        %parallel_loop3A_373 = arith.index_cast %parallel_loop3A_367 : i32 to index
        %parallel_loop3A_374 = tpu.vector_load %parallel_loop3A_371[%parallel_loop3A_372, %parallel_loop3A_373] {strides = array<i32>} : memref<16x1024xf32, #tpu.memory_space<vmem>>, vector<1x16xf32>,
        %parallel_loop3A_375 = vector.shape_cast %parallel_loop3A_374 : vector<1x16xf32> to vector<16xf32>
        %parallel_loop3A_376 = arith.constant 16 : i32
        %parallel_loop3A_377 = arith.addi %parallel_loop3A_325, %parallel_loop3A_376 : i32
        %parallel_loop3A_378 = arith.constant 0 : i32
        %parallel_loop3A_379 = arith.constant 0 : i32
        %parallel_loop3A_380 = tpu.memref_slice %arg7[%scan3A_164, %parallel_loop3A_378, %parallel_loop3A_379] : memref<3x16x1024xf32, #tpu.memory_space<vmem>> -> memref<1x16x1024xf32, #tpu.memory_space<vmem>>
        %parallel_loop3A_381 = tpu.memref_squeeze %parallel_loop3A_380 : memref<1x16x1024xf32, #tpu.memory_space<vmem>> -> memref<16x1024xf32, #tpu.memory_space<vmem>>
        %parallel_loop3A_382 = arith.index_cast %scan3A_313 : i32 to index
        %parallel_loop3A_383 = arith.index_cast %parallel_loop3A_377 : i32 to index
        %parallel_loop3A_384 = tpu.vector_load %parallel_loop3A_381[%parallel_loop3A_382, %parallel_loop3A_383] {strides = array<i32>} : memref<16x1024xf32, #tpu.memory_space<vmem>>, vector<1x16xf32>,
        %parallel_loop3A_385 = vector.shape_cast %parallel_loop3A_384 : vector<1x16xf32> to vector<16xf32>
        %parallel_loop3A_386 = arith.subf %parallel_loop3A_375, %parallel_loop3A_385 : vector<16xf32>
        %parallel_loop3A_387 = arith.cmpf oge, %parallel_loop3A_385, %get3A_8 : vector<16xf32>
        %parallel_loop3A_388 = arith.select %parallel_loop3A_387, %get3A_33, %get3A_28 : vector<16xi1>, vector<16xf32>
        %parallel_loop3A_389 = arith.cmpf oge, %parallel_loop3A_385, %get3A_13 : vector<16xf32>
        %parallel_loop3A_390 = arith.select %parallel_loop3A_389, %get3A_38, %parallel_loop3A_388 : vector<16xi1>, vector<16xf32>
        %parallel_loop3A_391 = arith.cmpf oge, %parallel_loop3A_385, %get3A_18 : vector<16xf32>
        %parallel_loop3A_392 = arith.select %parallel_loop3A_391, %get3A_43, %parallel_loop3A_390 : vector<16xi1>, vector<16xf32>
        %parallel_loop3A_393 = arith.cmpf oge, %parallel_loop3A_385, %get3A_23 : vector<16xf32>
        %parallel_loop3A_394 = arith.select %parallel_loop3A_393, %get3A_48, %parallel_loop3A_392 : vector<16xi1>, vector<16xf32>
        %parallel_loop3A_395 = arith.mulf %parallel_loop3A_386, %parallel_loop3A_386 : vector<16xf32>
        %parallel_loop3A_396 = arith.mulf %parallel_loop3A_394, %parallel_loop3A_395 : vector<16xf32>
        %parallel_loop3A_397 = arith.addf %parallel_loop3A_327, %parallel_loop3A_396 : vector<16xf32>
        %parallel_loop3A_398 = arith.constant 32 : i32
        %parallel_loop3A_399 = arith.addi %parallel_loop3A_325, %parallel_loop3A_398 : i32
        %parallel_loop3A_400 = arith.constant 0 : i32
        %parallel_loop3A_401 = arith.constant 0 : i32
        %parallel_loop3A_402 = tpu.memref_slice %arg6[%scan3A_163, %parallel_loop3A_400, %parallel_loop3A_401] : memref<3x16x1024xf32, #tpu.memory_space<vmem>> -> memref<1x16x1024xf32, #tpu.memory_space<vmem>>
        %parallel_loop3A_403 = tpu.memref_squeeze %parallel_loop3A_402 : memref<1x16x1024xf32, #tpu.memory_space<vmem>> -> memref<16x1024xf32, #tpu.memory_space<vmem>>
        %parallel_loop3A_404 = arith.index_cast %scan3A_313 : i32 to index
        %parallel_loop3A_405 = arith.index_cast %parallel_loop3A_399 : i32 to index
        %parallel_loop3A_406 = tpu.vector_load %parallel_loop3A_403[%parallel_loop3A_404, %parallel_loop3A_405] {strides = array<i32>} : memref<16x1024xf32, #tpu.memory_space<vmem>>, vector<1x16xf32>,
        %parallel_loop3A_407 = vector.shape_cast %parallel_loop3A_406 : vector<1x16xf32> to vector<16xf32>
        %parallel_loop3A_408 = arith.constant 32 : i32
        %parallel_loop3A_409 = arith.addi %parallel_loop3A_325, %parallel_loop3A_408 : i32
        %parallel_loop3A_410 = arith.constant 0 : i32
        %parallel_loop3A_411 = arith.constant 0 : i32
        %parallel_loop3A_412 = tpu.memref_slice %arg7[%scan3A_164, %parallel_loop3A_410, %parallel_loop3A_411] : memref<3x16x1024xf32, #tpu.memory_space<vmem>> -> memref<1x16x1024xf32, #tpu.memory_space<vmem>>
        %parallel_loop3A_413 = tpu.memref_squeeze %parallel_loop3A_412 : memref<1x16x1024xf32, #tpu.memory_space<vmem>> -> memref<16x1024xf32, #tpu.memory_space<vmem>>
        %parallel_loop3A_414 = arith.index_cast %scan3A_313 : i32 to index
        %parallel_loop3A_415 = arith.index_cast %parallel_loop3A_409 : i32 to index
        %parallel_loop3A_416 = tpu.vector_load %parallel_loop3A_413[%parallel_loop3A_414, %parallel_loop3A_415] {strides = array<i32>} : memref<16x1024xf32, #tpu.memory_space<vmem>>, vector<1x16xf32>,
        %parallel_loop3A_417 = vector.shape_cast %parallel_loop3A_416 : vector<1x16xf32> to vector<16xf32>
        %parallel_loop3A_418 = arith.subf %parallel_loop3A_407, %parallel_loop3A_417 : vector<16xf32>
        %parallel_loop3A_419 = arith.cmpf oge, %parallel_loop3A_417, %get3A_8 : vector<16xf32>
        %parallel_loop3A_420 = arith.select %parallel_loop3A_419, %get3A_33, %get3A_28 : vector<16xi1>, vector<16xf32>
        %parallel_loop3A_421 = arith.cmpf oge, %parallel_loop3A_417, %get3A_13 : vector<16xf32>
        %parallel_loop3A_422 = arith.select %parallel_loop3A_421, %get3A_38, %parallel_loop3A_420 : vector<16xi1>, vector<16xf32>
        %parallel_loop3A_423 = arith.cmpf oge, %parallel_loop3A_417, %get3A_18 : vector<16xf32>
        %parallel_loop3A_424 = arith.select %parallel_loop3A_423, %get3A_43, %parallel_loop3A_422 : vector<16xi1>, vector<16xf32>
        %parallel_loop3A_425 = arith.cmpf oge, %parallel_loop3A_417, %get3A_23 : vector<16xf32>
        %parallel_loop3A_426 = arith.select %parallel_loop3A_425, %get3A_48, %parallel_loop3A_424 : vector<16xi1>, vector<16xf32>
        %parallel_loop3A_427 = arith.mulf %parallel_loop3A_418, %parallel_loop3A_418 : vector<16xf32>
        %parallel_loop3A_428 = arith.mulf %parallel_loop3A_426, %parallel_loop3A_427 : vector<16xf32>
        %parallel_loop3A_429 = arith.addf %parallel_loop3A_328, %parallel_loop3A_428 : vector<16xf32>
        %parallel_loop3A_430 = arith.constant 48 : i32
        %parallel_loop3A_431 = arith.addi %parallel_loop3A_325, %parallel_loop3A_430 : i32
        %parallel_loop3A_432 = arith.constant 0 : i32
        %parallel_loop3A_433 = arith.constant 0 : i32
        %parallel_loop3A_434 = tpu.memref_slice %arg6[%scan3A_163, %parallel_loop3A_432, %parallel_loop3A_433] : memref<3x16x1024xf32, #tpu.memory_space<vmem>> -> memref<1x16x1024xf32, #tpu.memory_space<vmem>>
        %parallel_loop3A_435 = tpu.memref_squeeze %parallel_loop3A_434 : memref<1x16x1024xf32, #tpu.memory_space<vmem>> -> memref<16x1024xf32, #tpu.memory_space<vmem>>
        %parallel_loop3A_436 = arith.index_cast %scan3A_313 : i32 to index
        %parallel_loop3A_437 = arith.index_cast %parallel_loop3A_431 : i32 to index
        %parallel_loop3A_438 = tpu.vector_load %parallel_loop3A_435[%parallel_loop3A_436, %parallel_loop3A_437] {strides = array<i32>} : memref<16x1024xf32, #tpu.memory_space<vmem>>, vector<1x16xf32>,
        %parallel_loop3A_439 = vector.shape_cast %parallel_loop3A_438 : vector<1x16xf32> to vector<16xf32>
        %parallel_loop3A_440 = arith.constant 48 : i32
        %parallel_loop3A_441 = arith.addi %parallel_loop3A_325, %parallel_loop3A_440 : i32
        %parallel_loop3A_442 = arith.constant 0 : i32
        %parallel_loop3A_443 = arith.constant 0 : i32
        %parallel_loop3A_444 = tpu.memref_slice %arg7[%scan3A_164, %parallel_loop3A_442, %parallel_loop3A_443] : memref<3x16x1024xf32, #tpu.memory_space<vmem>> -> memref<1x16x1024xf32, #tpu.memory_space<vmem>>
        %parallel_loop3A_445 = tpu.memref_squeeze %parallel_loop3A_444 : memref<1x16x1024xf32, #tpu.memory_space<vmem>> -> memref<16x1024xf32, #tpu.memory_space<vmem>>
        %parallel_loop3A_446 = arith.index_cast %scan3A_313 : i32 to index
        %parallel_loop3A_447 = arith.index_cast %parallel_loop3A_441 : i32 to index
        %parallel_loop3A_448 = tpu.vector_load %parallel_loop3A_445[%parallel_loop3A_446, %parallel_loop3A_447] {strides = array<i32>} : memref<16x1024xf32, #tpu.memory_space<vmem>>, vector<1x16xf32>,
        %parallel_loop3A_449 = vector.shape_cast %parallel_loop3A_448 : vector<1x16xf32> to vector<16xf32>
        %parallel_loop3A_450 = arith.subf %parallel_loop3A_439, %parallel_loop3A_449 : vector<16xf32>
        %parallel_loop3A_451 = arith.cmpf oge, %parallel_loop3A_449, %get3A_8 : vector<16xf32>
        %parallel_loop3A_452 = arith.select %parallel_loop3A_451, %get3A_33, %get3A_28 : vector<16xi1>, vector<16xf32>
        %parallel_loop3A_453 = arith.cmpf oge, %parallel_loop3A_449, %get3A_13 : vector<16xf32>
        %parallel_loop3A_454 = arith.select %parallel_loop3A_453, %get3A_38, %parallel_loop3A_452 : vector<16xi1>, vector<16xf32>
        %parallel_loop3A_455 = arith.cmpf oge, %parallel_loop3A_449, %get3A_18 : vector<16xf32>
        %parallel_loop3A_456 = arith.select %parallel_loop3A_455, %get3A_43, %parallel_loop3A_454 : vector<16xi1>, vector<16xf32>
        %parallel_loop3A_457 = arith.cmpf oge, %parallel_loop3A_449, %get3A_23 : vector<16xf32>
        %parallel_loop3A_458 = arith.select %parallel_loop3A_457, %get3A_48, %parallel_loop3A_456 : vector<16xi1>, vector<16xf32>
        %parallel_loop3A_459 = arith.mulf %parallel_loop3A_450, %parallel_loop3A_450 : vector<16xf32>
        %parallel_loop3A_460 = arith.mulf %parallel_loop3A_458, %parallel_loop3A_459 : vector<16xf32>
        %parallel_loop3A_461 = arith.addf %parallel_loop3A_329, %parallel_loop3A_460 : vector<16xf32>
        %parallel_loop3A_462 = arith.constant 64 : i32
        %parallel_loop3A_463 = arith.addi %parallel_loop3A_325, %parallel_loop3A_462 : i32
        %parallel_loop3A_464 = arith.constant 0 : i32
        %parallel_loop3A_465 = arith.constant 0 : i32
        %parallel_loop3A_466 = tpu.memref_slice %arg6[%scan3A_163, %parallel_loop3A_464, %parallel_loop3A_465] : memref<3x16x1024xf32, #tpu.memory_space<vmem>> -> memref<1x16x1024xf32, #tpu.memory_space<vmem>>
        %parallel_loop3A_467 = tpu.memref_squeeze %parallel_loop3A_466 : memref<1x16x1024xf32, #tpu.memory_space<vmem>> -> memref<16x1024xf32, #tpu.memory_space<vmem>>
        %parallel_loop3A_468 = arith.index_cast %scan3A_313 : i32 to index
        %parallel_loop3A_469 = arith.index_cast %parallel_loop3A_463 : i32 to index
        %parallel_loop3A_470 = tpu.vector_load %parallel_loop3A_467[%parallel_loop3A_468, %parallel_loop3A_469] {strides = array<i32>} : memref<16x1024xf32, #tpu.memory_space<vmem>>, vector<1x16xf32>,
        %parallel_loop3A_471 = vector.shape_cast %parallel_loop3A_470 : vector<1x16xf32> to vector<16xf32>
        %parallel_loop3A_472 = arith.constant 64 : i32
        %parallel_loop3A_473 = arith.addi %parallel_loop3A_325, %parallel_loop3A_472 : i32
        %parallel_loop3A_474 = arith.constant 0 : i32
        %parallel_loop3A_475 = arith.constant 0 : i32
        %parallel_loop3A_476 = tpu.memref_slice %arg7[%scan3A_164, %parallel_loop3A_474, %parallel_loop3A_475] : memref<3x16x1024xf32, #tpu.memory_space<vmem>> -> memref<1x16x1024xf32, #tpu.memory_space<vmem>>
        %parallel_loop3A_477 = tpu.memref_squeeze %parallel_loop3A_476 : memref<1x16x1024xf32, #tpu.memory_space<vmem>> -> memref<16x1024xf32, #tpu.memory_space<vmem>>
        %parallel_loop3A_478 = arith.index_cast %scan3A_313 : i32 to index
        %parallel_loop3A_479 = arith.index_cast %parallel_loop3A_473 : i32 to index
        %parallel_loop3A_480 = tpu.vector_load %parallel_loop3A_477[%parallel_loop3A_478, %parallel_loop3A_479] {strides = array<i32>} : memref<16x1024xf32, #tpu.memory_space<vmem>>, vector<1x16xf32>,
        %parallel_loop3A_481 = vector.shape_cast %parallel_loop3A_480 : vector<1x16xf32> to vector<16xf32>
        %parallel_loop3A_482 = arith.subf %parallel_loop3A_471, %parallel_loop3A_481 : vector<16xf32>
        %parallel_loop3A_483 = arith.cmpf oge, %parallel_loop3A_481, %get3A_8 : vector<16xf32>
        %parallel_loop3A_484 = arith.select %parallel_loop3A_483, %get3A_33, %get3A_28 : vector<16xi1>, vector<16xf32>
        %parallel_loop3A_485 = arith.cmpf oge, %parallel_loop3A_481, %get3A_13 : vector<16xf32>
        %parallel_loop3A_486 = arith.select %parallel_loop3A_485, %get3A_38, %parallel_loop3A_484 : vector<16xi1>, vector<16xf32>
        %parallel_loop3A_487 = arith.cmpf oge, %parallel_loop3A_481, %get3A_18 : vector<16xf32>
        %parallel_loop3A_488 = arith.select %parallel_loop3A_487, %get3A_43, %parallel_loop3A_486 : vector<16xi1>, vector<16xf32>
        %parallel_loop3A_489 = arith.cmpf oge, %parallel_loop3A_481, %get3A_23 : vector<16xf32>
        %parallel_loop3A_490 = arith.select %parallel_loop3A_489, %get3A_48, %parallel_loop3A_488 : vector<16xi1>, vector<16xf32>
        %parallel_loop3A_491 = arith.mulf %parallel_loop3A_482, %parallel_loop3A_482 : vector<16xf32>
        %parallel_loop3A_492 = arith.mulf %parallel_loop3A_490, %parallel_loop3A_491 : vector<16xf32>
        %parallel_loop3A_493 = arith.addf %parallel_loop3A_330, %parallel_loop3A_492 : vector<16xf32>
        %parallel_loop3A_494 = arith.constant 80 : i32
        %parallel_loop3A_495 = arith.addi %parallel_loop3A_325, %parallel_loop3A_494 : i32
        %parallel_loop3A_496 = arith.constant 0 : i32
        %parallel_loop3A_497 = arith.constant 0 : i32
        %parallel_loop3A_498 = tpu.memref_slice %arg6[%scan3A_163, %parallel_loop3A_496, %parallel_loop3A_497] : memref<3x16x1024xf32, #tpu.memory_space<vmem>> -> memref<1x16x1024xf32, #tpu.memory_space<vmem>>
        %parallel_loop3A_499 = tpu.memref_squeeze %parallel_loop3A_498 : memref<1x16x1024xf32, #tpu.memory_space<vmem>> -> memref<16x1024xf32, #tpu.memory_space<vmem>>
        %parallel_loop3A_500 = arith.index_cast %scan3A_313 : i32 to index
        %parallel_loop3A_501 = arith.index_cast %parallel_loop3A_495 : i32 to index
        %parallel_loop3A_502 = tpu.vector_load %parallel_loop3A_499[%parallel_loop3A_500, %parallel_loop3A_501] {strides = array<i32>} : memref<16x1024xf32, #tpu.memory_space<vmem>>, vector<1x16xf32>,
        %parallel_loop3A_503 = vector.shape_cast %parallel_loop3A_502 : vector<1x16xf32> to vector<16xf32>
        %parallel_loop3A_504 = arith.constant 80 : i32
        %parallel_loop3A_505 = arith.addi %parallel_loop3A_325, %parallel_loop3A_504 : i32
        %parallel_loop3A_506 = arith.constant 0 : i32
        %parallel_loop3A_507 = arith.constant 0 : i32
        %parallel_loop3A_508 = tpu.memref_slice %arg7[%scan3A_164, %parallel_loop3A_506, %parallel_loop3A_507] : memref<3x16x1024xf32, #tpu.memory_space<vmem>> -> memref<1x16x1024xf32, #tpu.memory_space<vmem>>
        %parallel_loop3A_509 = tpu.memref_squeeze %parallel_loop3A_508 : memref<1x16x1024xf32, #tpu.memory_space<vmem>> -> memref<16x1024xf32, #tpu.memory_space<vmem>>
        %parallel_loop3A_510 = arith.index_cast %scan3A_313 : i32 to index
        %parallel_loop3A_511 = arith.index_cast %parallel_loop3A_505 : i32 to index
        %parallel_loop3A_512 = tpu.vector_load %parallel_loop3A_509[%parallel_loop3A_510, %parallel_loop3A_511] {strides = array<i32>} : memref<16x1024xf32, #tpu.memory_space<vmem>>, vector<1x16xf32>,
        %parallel_loop3A_513 = vector.shape_cast %parallel_loop3A_512 : vector<1x16xf32> to vector<16xf32>
        %parallel_loop3A_514 = arith.subf %parallel_loop3A_503, %parallel_loop3A_513 : vector<16xf32>
        %parallel_loop3A_515 = arith.cmpf oge, %parallel_loop3A_513, %get3A_8 : vector<16xf32>
        %parallel_loop3A_516 = arith.select %parallel_loop3A_515, %get3A_33, %get3A_28 : vector<16xi1>, vector<16xf32>
        %parallel_loop3A_517 = arith.cmpf oge, %parallel_loop3A_513, %get3A_13 : vector<16xf32>
        %parallel_loop3A_518 = arith.select %parallel_loop3A_517, %get3A_38, %parallel_loop3A_516 : vector<16xi1>, vector<16xf32>
        %parallel_loop3A_519 = arith.cmpf oge, %parallel_loop3A_513, %get3A_18 : vector<16xf32>
        %parallel_loop3A_520 = arith.select %parallel_loop3A_519, %get3A_43, %parallel_loop3A_518 : vector<16xi1>, vector<16xf32>
        %parallel_loop3A_521 = arith.cmpf oge, %parallel_loop3A_513, %get3A_23 : vector<16xf32>
        %parallel_loop3A_522 = arith.select %parallel_loop3A_521, %get3A_48, %parallel_loop3A_520 : vector<16xi1>, vector<16xf32>
        %parallel_loop3A_523 = arith.mulf %parallel_loop3A_514, %parallel_loop3A_514 : vector<16xf32>
        %parallel_loop3A_524 = arith.mulf %parallel_loop3A_522, %parallel_loop3A_523 : vector<16xf32>
        %parallel_loop3A_525 = arith.addf %parallel_loop3A_331, %parallel_loop3A_524 : vector<16xf32>
        %parallel_loop3A_526 = arith.constant 96 : i32
        %parallel_loop3A_527 = arith.addi %parallel_loop3A_325, %parallel_loop3A_526 : i32
        %parallel_loop3A_528 = arith.constant 0 : i32
        %parallel_loop3A_529 = arith.constant 0 : i32
        %parallel_loop3A_530 = tpu.memref_slice %arg6[%scan3A_163, %parallel_loop3A_528, %parallel_loop3A_529] : memref<3x16x1024xf32, #tpu.memory_space<vmem>> -> memref<1x16x1024xf32, #tpu.memory_space<vmem>>
        %parallel_loop3A_531 = tpu.memref_squeeze %parallel_loop3A_530 : memref<1x16x1024xf32, #tpu.memory_space<vmem>> -> memref<16x1024xf32, #tpu.memory_space<vmem>>
        %parallel_loop3A_532 = arith.index_cast %scan3A_313 : i32 to index
        %parallel_loop3A_533 = arith.index_cast %parallel_loop3A_527 : i32 to index
        %parallel_loop3A_534 = tpu.vector_load %parallel_loop3A_531[%parallel_loop3A_532, %parallel_loop3A_533] {strides = array<i32>} : memref<16x1024xf32, #tpu.memory_space<vmem>>, vector<1x16xf32>,
        %parallel_loop3A_535 = vector.shape_cast %parallel_loop3A_534 : vector<1x16xf32> to vector<16xf32>
        %parallel_loop3A_536 = arith.constant 96 : i32
        %parallel_loop3A_537 = arith.addi %parallel_loop3A_325, %parallel_loop3A_536 : i32
        %parallel_loop3A_538 = arith.constant 0 : i32
        %parallel_loop3A_539 = arith.constant 0 : i32
        %parallel_loop3A_540 = tpu.memref_slice %arg7[%scan3A_164, %parallel_loop3A_538, %parallel_loop3A_539] : memref<3x16x1024xf32, #tpu.memory_space<vmem>> -> memref<1x16x1024xf32, #tpu.memory_space<vmem>>
        %parallel_loop3A_541 = tpu.memref_squeeze %parallel_loop3A_540 : memref<1x16x1024xf32, #tpu.memory_space<vmem>> -> memref<16x1024xf32, #tpu.memory_space<vmem>>
        %parallel_loop3A_542 = arith.index_cast %scan3A_313 : i32 to index
        %parallel_loop3A_543 = arith.index_cast %parallel_loop3A_537 : i32 to index
        %parallel_loop3A_544 = tpu.vector_load %parallel_loop3A_541[%parallel_loop3A_542, %parallel_loop3A_543] {strides = array<i32>} : memref<16x1024xf32, #tpu.memory_space<vmem>>, vector<1x16xf32>,
        %parallel_loop3A_545 = vector.shape_cast %parallel_loop3A_544 : vector<1x16xf32> to vector<16xf32>
        %parallel_loop3A_546 = arith.subf %parallel_loop3A_535, %parallel_loop3A_545 : vector<16xf32>
        %parallel_loop3A_547 = arith.cmpf oge, %parallel_loop3A_545, %get3A_8 : vector<16xf32>
        %parallel_loop3A_548 = arith.select %parallel_loop3A_547, %get3A_33, %get3A_28 : vector<16xi1>, vector<16xf32>
        %parallel_loop3A_549 = arith.cmpf oge, %parallel_loop3A_545, %get3A_13 : vector<16xf32>
        %parallel_loop3A_550 = arith.select %parallel_loop3A_549, %get3A_38, %parallel_loop3A_548 : vector<16xi1>, vector<16xf32>
        %parallel_loop3A_551 = arith.cmpf oge, %parallel_loop3A_545, %get3A_18 : vector<16xf32>
        %parallel_loop3A_552 = arith.select %parallel_loop3A_551, %get3A_43, %parallel_loop3A_550 : vector<16xi1>, vector<16xf32>
        %parallel_loop3A_553 = arith.cmpf oge, %parallel_loop3A_545, %get3A_23 : vector<16xf32>
        %parallel_loop3A_554 = arith.select %parallel_loop3A_553, %get3A_48, %parallel_loop3A_552 : vector<16xi1>, vector<16xf32>
        %parallel_loop3A_555 = arith.mulf %parallel_loop3A_546, %parallel_loop3A_546 : vector<16xf32>
        %parallel_loop3A_556 = arith.mulf %parallel_loop3A_554, %parallel_loop3A_555 : vector<16xf32>
        %parallel_loop3A_557 = arith.addf %parallel_loop3A_332, %parallel_loop3A_556 : vector<16xf32>
        %parallel_loop3A_558 = arith.constant 112 : i32
        %parallel_loop3A_559 = arith.addi %parallel_loop3A_325, %parallel_loop3A_558 : i32
        %parallel_loop3A_560 = arith.constant 0 : i32
        %parallel_loop3A_561 = arith.constant 0 : i32
        %parallel_loop3A_562 = tpu.memref_slice %arg6[%scan3A_163, %parallel_loop3A_560, %parallel_loop3A_561] : memref<3x16x1024xf32, #tpu.memory_space<vmem>> -> memref<1x16x1024xf32, #tpu.memory_space<vmem>>
        %parallel_loop3A_563 = tpu.memref_squeeze %parallel_loop3A_562 : memref<1x16x1024xf32, #tpu.memory_space<vmem>> -> memref<16x1024xf32, #tpu.memory_space<vmem>>
        %parallel_loop3A_564 = arith.index_cast %scan3A_313 : i32 to index
        %parallel_loop3A_565 = arith.index_cast %parallel_loop3A_559 : i32 to index
        %parallel_loop3A_566 = tpu.vector_load %parallel_loop3A_563[%parallel_loop3A_564, %parallel_loop3A_565] {strides = array<i32>} : memref<16x1024xf32, #tpu.memory_space<vmem>>, vector<1x16xf32>,
        %parallel_loop3A_567 = vector.shape_cast %parallel_loop3A_566 : vector<1x16xf32> to vector<16xf32>
        %parallel_loop3A_568 = arith.constant 112 : i32
        %parallel_loop3A_569 = arith.addi %parallel_loop3A_325, %parallel_loop3A_568 : i32
        %parallel_loop3A_570 = arith.constant 0 : i32
        %parallel_loop3A_571 = arith.constant 0 : i32
        %parallel_loop3A_572 = tpu.memref_slice %arg7[%scan3A_164, %parallel_loop3A_570, %parallel_loop3A_571] : memref<3x16x1024xf32, #tpu.memory_space<vmem>> -> memref<1x16x1024xf32, #tpu.memory_space<vmem>>
        %parallel_loop3A_573 = tpu.memref_squeeze %parallel_loop3A_572 : memref<1x16x1024xf32, #tpu.memory_space<vmem>> -> memref<16x1024xf32, #tpu.memory_space<vmem>>
        %parallel_loop3A_574 = arith.index_cast %scan3A_313 : i32 to index
        %parallel_loop3A_575 = arith.index_cast %parallel_loop3A_569 : i32 to index
        %parallel_loop3A_576 = tpu.vector_load %parallel_loop3A_573[%parallel_loop3A_574, %parallel_loop3A_575] {strides = array<i32>} : memref<16x1024xf32, #tpu.memory_space<vmem>>, vector<1x16xf32>,
        %parallel_loop3A_577 = vector.shape_cast %parallel_loop3A_576 : vector<1x16xf32> to vector<16xf32>
        %parallel_loop3A_578 = arith.subf %parallel_loop3A_567, %parallel_loop3A_577 : vector<16xf32>
        %parallel_loop3A_579 = arith.cmpf oge, %parallel_loop3A_577, %get3A_8 : vector<16xf32>
        %parallel_loop3A_580 = arith.select %parallel_loop3A_579, %get3A_33, %get3A_28 : vector<16xi1>, vector<16xf32>
        %parallel_loop3A_581 = arith.cmpf oge, %parallel_loop3A_577, %get3A_13 : vector<16xf32>
        %parallel_loop3A_582 = arith.select %parallel_loop3A_581, %get3A_38, %parallel_loop3A_580 : vector<16xi1>, vector<16xf32>
        %parallel_loop3A_583 = arith.cmpf oge, %parallel_loop3A_577, %get3A_18 : vector<16xf32>
        %parallel_loop3A_584 = arith.select %parallel_loop3A_583, %get3A_43, %parallel_loop3A_582 : vector<16xi1>, vector<16xf32>
        %parallel_loop3A_585 = arith.cmpf oge, %parallel_loop3A_577, %get3A_23 : vector<16xf32>
        %parallel_loop3A_586 = arith.select %parallel_loop3A_585, %get3A_48, %parallel_loop3A_584 : vector<16xi1>, vector<16xf32>
        %parallel_loop3A_587 = arith.mulf %parallel_loop3A_578, %parallel_loop3A_578 : vector<16xf32>
        %parallel_loop3A_588 = arith.mulf %parallel_loop3A_586, %parallel_loop3A_587 : vector<16xf32>
        %parallel_loop3A_589 = arith.addf %parallel_loop3A_333, %parallel_loop3A_588 : vector<16xf32>
        scf.yield %parallel_loop3A_365, %parallel_loop3A_397, %parallel_loop3A_429, %parallel_loop3A_461, %parallel_loop3A_493, %parallel_loop3A_525, %parallel_loop3A_557, %parallel_loop3A_589 : vector<16xf32>, vector<16xf32>, vector<16xf32>, vector<16xf32>, vector<16xf32>, vector<16xf32>, vector<16xf32>, vector<16xf32>
      } {sc.loop_unroll_factor = 2 : i64, sc.parallel_access}
      scf.yield %parallel_loop3A_324#0, %parallel_loop3A_324#1, %parallel_loop3A_324#2, %parallel_loop3A_324#3, %parallel_loop3A_324#4, %parallel_loop3A_324#5, %parallel_loop3A_324#6, %parallel_loop3A_324#7 : vector<16xf32>, vector<16xf32>, vector<16xf32>, vector<16xf32>, vector<16xf32>, vector<16xf32>, vector<16xf32>, vector<16xf32>
    }
    %scan3A_170 = arith.constant 16 : i32
    %add3A_171 = arith.constant 432 : i32
    %add3A_172 = arith.addi %add3A_4, %add3A_171 : i32
    %dma_start3A_173 = arith.constant 0 : i32
    %dma_start3A_174 = arith.constant 0 : i32
    %dma_start3A_175 = arith.constant 0 : i32
    %dma_start3A_176 = tpu.memref_slice %arg6[%dma_start3A_173, %dma_start3A_174, %dma_start3A_175] : memref<3x16x1024xf32, #tpu.memory_space<vmem>> -> memref<1x16x1024xf32, #tpu.memory_space<vmem>>
    %dma_start3A_177 = tpu.memref_squeeze %dma_start3A_176 : memref<1x16x1024xf32, #tpu.memory_space<vmem>> -> memref<16x1024xf32, #tpu.memory_space<vmem>>
    %dma_start3A_178 = arith.constant 0 : i32
    %dma_start3A_179 = tpu.memref_slice %arg2[%add3A_172, %dma_start3A_178] : memref<32768x1024xf32, #tpu.memory_space<hbm>> -> memref<16x1024xf32, #tpu.memory_space<hbm>>
    %dma_start3A_180 = arith.constant 0 : i32
    %dma_start3A_181 = arith.constant 0 : i32
    %dma_start3A_182 = tpu.memref_slice %arg6[%dma_start3A_173, %dma_start3A_180, %dma_start3A_181] : memref<3x16x1024xf32, #tpu.memory_space<vmem>> -> memref<1x16x1024xf32, #tpu.memory_space<vmem>>
    %dma_start3A_183 = tpu.memref_squeeze %dma_start3A_182 : memref<1x16x1024xf32, #tpu.memory_space<vmem>> -> memref<16x1024xf32, #tpu.memory_space<vmem>>
    %dma_start3A_184 = arith.constant 0 : i32
    %dma_start3A_185 = tpu.memref_slice %arg2[%add3A_172, %dma_start3A_184] : memref<32768x1024xf32, #tpu.memory_space<hbm>> -> memref<16x1024xf32, #tpu.memory_space<hbm>>
    tpu.enqueue_dma source(%dma_start3A_185 : memref<16x1024xf32, #tpu.memory_space<hbm>>) target(%dma_start3A_183 : memref<16x1024xf32, #tpu.memory_space<vmem>>) target_semaphore(%arg10 : memref<!tpu.dma_semaphore, #tpu.memory_space<semaphore_mem>>)
    %dma_start3A_186 = arith.constant 0 : i32
    %dma_start3A_187 = arith.constant 0 : i32
    %dma_start3A_188 = arith.constant 0 : i32
    %dma_start3A_189 = tpu.memref_slice %arg7[%dma_start3A_186, %dma_start3A_187, %dma_start3A_188] : memref<3x16x1024xf32, #tpu.memory_space<vmem>> -> memref<1x16x1024xf32, #tpu.memory_space<vmem>>
    %dma_start3A_190 = tpu.memref_squeeze %dma_start3A_189 : memref<1x16x1024xf32, #tpu.memory_space<vmem>> -> memref<16x1024xf32, #tpu.memory_space<vmem>>
    %dma_start3A_191 = arith.constant 0 : i32
    %dma_start3A_192 = tpu.memref_slice %arg3[%add3A_172, %dma_start3A_191] : memref<32768x1024xf32, #tpu.memory_space<hbm>> -> memref<16x1024xf32, #tpu.memory_space<hbm>>
    %dma_start3A_193 = arith.constant 0 : i32
    %dma_start3A_194 = arith.constant 0 : i32
    %dma_start3A_195 = tpu.memref_slice %arg7[%dma_start3A_186, %dma_start3A_193, %dma_start3A_194] : memref<3x16x1024xf32, #tpu.memory_space<vmem>> -> memref<1x16x1024xf32, #tpu.memory_space<vmem>>
    %dma_start3A_196 = tpu.memref_squeeze %dma_start3A_195 : memref<1x16x1024xf32, #tpu.memory_space<vmem>> -> memref<16x1024xf32, #tpu.memory_space<vmem>>
    %dma_start3A_197 = arith.constant 0 : i32
    %dma_start3A_198 = tpu.memref_slice %arg3[%add3A_172, %dma_start3A_197] : memref<32768x1024xf32, #tpu.memory_space<hbm>> -> memref<16x1024xf32, #tpu.memory_space<hbm>>
    tpu.enqueue_dma source(%dma_start3A_198 : memref<16x1024xf32, #tpu.memory_space<hbm>>) target(%dma_start3A_196 : memref<16x1024xf32, #tpu.memory_space<vmem>>) target_semaphore(%arg10 : memref<!tpu.dma_semaphore, #tpu.memory_space<semaphore_mem>>)
    %dma_wait3A_199 = arith.constant 1 : i32
    %dma_wait3A_200 = arith.constant 0 : i32
    %dma_wait3A_201 = arith.constant 0 : i32
    %dma_wait3A_202 = tpu.memref_slice %arg6[%dma_wait3A_199, %dma_wait3A_200, %dma_wait3A_201] : memref<3x16x1024xf32, #tpu.memory_space<vmem>> -> memref<1x16x1024xf32, #tpu.memory_space<vmem>>
    %dma_wait3A_203 = tpu.memref_squeeze %dma_wait3A_202 : memref<1x16x1024xf32, #tpu.memory_space<vmem>> -> memref<16x1024xf32, #tpu.memory_space<vmem>>
    %dma_wait3A_204 = arith.constant 0 : i32
    %dma_wait3A_205 = tpu.memref_slice %arg2[%add3A_4, %dma_wait3A_204] : memref<32768x1024xf32, #tpu.memory_space<hbm>> -> memref<16x1024xf32, #tpu.memory_space<hbm>>
    %dma_wait3A_206 = arith.constant 0 : i32
    %dma_wait3A_207 = arith.constant 0 : i32
    %dma_wait3A_208 = tpu.memref_slice %arg6[%dma_wait3A_199, %dma_wait3A_206, %dma_wait3A_207] : memref<3x16x1024xf32, #tpu.memory_space<vmem>> -> memref<1x16x1024xf32, #tpu.memory_space<vmem>>
    %dma_wait3A_209 = tpu.memref_squeeze %dma_wait3A_208 : memref<1x16x1024xf32, #tpu.memory_space<vmem>> -> memref<16x1024xf32, #tpu.memory_space<vmem>>
    %dma_wait3A_210 = arith.constant 0 : i32
    %dma_wait3A_211 = tpu.memref_slice %arg2[%add3A_4, %dma_wait3A_210] : memref<32768x1024xf32, #tpu.memory_space<hbm>> -> memref<16x1024xf32, #tpu.memory_space<hbm>>
    tpu.wait_dma2 semaphore(%arg11 : memref<!tpu.dma_semaphore, #tpu.memory_space<semaphore_mem>>) src(%dma_wait3A_211 : memref<16x1024xf32, #tpu.memory_space<hbm>>) dst(%dma_wait3A_209 : memref<16x1024xf32, #tpu.memory_space<vmem>>)
    %dma_wait3A_212 = arith.constant 1 : i32
    %dma_wait3A_213 = arith.constant 0 : i32
    %dma_wait3A_214 = arith.constant 0 : i32
    %dma_wait3A_215 = tpu.memref_slice %arg7[%dma_wait3A_212, %dma_wait3A_213, %dma_wait3A_214] : memref<3x16x1024xf32, #tpu.memory_space<vmem>> -> memref<1x16x1024xf32, #tpu.memory_space<vmem>>
    %dma_wait3A_216 = tpu.memref_squeeze %dma_wait3A_215 : memref<1x16x1024xf32, #tpu.memory_space<vmem>> -> memref<16x1024xf32, #tpu.memory_space<vmem>>
    %dma_wait3A_217 = arith.constant 0 : i32
    %dma_wait3A_218 = tpu.memref_slice %arg3[%add3A_4, %dma_wait3A_217] : memref<32768x1024xf32, #tpu.memory_space<hbm>> -> memref<16x1024xf32, #tpu.memory_space<hbm>>
    %dma_wait3A_219 = arith.constant 0 : i32
    %dma_wait3A_220 = arith.constant 0 : i32
    %dma_wait3A_221 = tpu.memref_slice %arg7[%dma_wait3A_212, %dma_wait3A_219, %dma_wait3A_220] : memref<3x16x1024xf32, #tpu.memory_space<vmem>> -> memref<1x16x1024xf32, #tpu.memory_space<vmem>>
    %dma_wait3A_222 = tpu.memref_squeeze %dma_wait3A_221 : memref<1x16x1024xf32, #tpu.memory_space<vmem>> -> memref<16x1024xf32, #tpu.memory_space<vmem>>
    %dma_wait3A_223 = arith.constant 0 : i32
    %dma_wait3A_224 = tpu.memref_slice %arg3[%add3A_4, %dma_wait3A_223] : memref<32768x1024xf32, #tpu.memory_space<hbm>> -> memref<16x1024xf32, #tpu.memory_space<hbm>>
    tpu.wait_dma2 semaphore(%arg11 : memref<!tpu.dma_semaphore, #tpu.memory_space<semaphore_mem>>) src(%dma_wait3A_224 : memref<16x1024xf32, #tpu.memory_space<hbm>>) dst(%dma_wait3A_222 : memref<16x1024xf32, #tpu.memory_space<vmem>>)
    %scan3A_225 = arith.constant 1 : i32
    %scan3A_226 = arith.constant 1 : i32
    %scan3A_227 = arith.constant 0 : i32
    %scan3A_228 = arith.constant 16 : i32
    %scan3A_229 = arith.addi %scan3A_227, %scan3A_228 : i32
    %scan3A_230 = arith.constant 1 : i32
    %scan3A_231:8 = scf.for %scan3A_313 = %scan3A_227 to %scan3A_229 step %scan3A_230 iter_args(%scan3A_314 = %scan3A_169#0, %scan3A_315 = %scan3A_169#1, %scan3A_316 = %scan3A_169#2, %scan3A_317 = %scan3A_169#3, %scan3A_318 = %scan3A_169#4, %scan3A_319 = %scan3A_169#5, %scan3A_320 = %scan3A_169#6, %scan3A_321 = %scan3A_169#7) -> (vector<16xf32>, vector<16xf32>, vector<16xf32>, vector<16xf32>, vector<16xf32>, vector<16xf32>, vector<16xf32>, vector<16xf32>)  : i32 {
      %parallel_loop3A = arith.constant 0 : i32
      %parallel_loop3A_322 = arith.constant 1024 : i32
      %parallel_loop3A_323 = arith.constant 128 : i32
      %parallel_loop3A_324:8 = scf.for %parallel_loop3A_325 = %parallel_loop3A to %parallel_loop3A_322 step %parallel_loop3A_323 iter_args(%parallel_loop3A_326 = %scan3A_314, %parallel_loop3A_327 = %scan3A_315, %parallel_loop3A_328 = %scan3A_316, %parallel_loop3A_329 = %scan3A_317, %parallel_loop3A_330 = %scan3A_318, %parallel_loop3A_331 = %scan3A_319, %parallel_loop3A_332 = %scan3A_320, %parallel_loop3A_333 = %scan3A_321) -> (vector<16xf32>, vector<16xf32>, vector<16xf32>, vector<16xf32>, vector<16xf32>, vector<16xf32>, vector<16xf32>, vector<16xf32>)  : i32 {
        %parallel_loop3A_334 = arith.constant 0 : i32
        %parallel_loop3A_335 = arith.addi %parallel_loop3A_325, %parallel_loop3A_334 : i32
        %parallel_loop3A_336 = arith.constant 0 : i32
        %parallel_loop3A_337 = arith.constant 0 : i32
        %parallel_loop3A_338 = tpu.memref_slice %arg6[%scan3A_225, %parallel_loop3A_336, %parallel_loop3A_337] : memref<3x16x1024xf32, #tpu.memory_space<vmem>> -> memref<1x16x1024xf32, #tpu.memory_space<vmem>>
        %parallel_loop3A_339 = tpu.memref_squeeze %parallel_loop3A_338 : memref<1x16x1024xf32, #tpu.memory_space<vmem>> -> memref<16x1024xf32, #tpu.memory_space<vmem>>
        %parallel_loop3A_340 = arith.index_cast %scan3A_313 : i32 to index
        %parallel_loop3A_341 = arith.index_cast %parallel_loop3A_335 : i32 to index
        %parallel_loop3A_342 = tpu.vector_load %parallel_loop3A_339[%parallel_loop3A_340, %parallel_loop3A_341] {strides = array<i32>} : memref<16x1024xf32, #tpu.memory_space<vmem>>, vector<1x16xf32>,
        %parallel_loop3A_343 = vector.shape_cast %parallel_loop3A_342 : vector<1x16xf32> to vector<16xf32>
        %parallel_loop3A_344 = arith.constant 0 : i32
        %parallel_loop3A_345 = arith.addi %parallel_loop3A_325, %parallel_loop3A_344 : i32
        %parallel_loop3A_346 = arith.constant 0 : i32
        %parallel_loop3A_347 = arith.constant 0 : i32
        %parallel_loop3A_348 = tpu.memref_slice %arg7[%scan3A_226, %parallel_loop3A_346, %parallel_loop3A_347] : memref<3x16x1024xf32, #tpu.memory_space<vmem>> -> memref<1x16x1024xf32, #tpu.memory_space<vmem>>
        %parallel_loop3A_349 = tpu.memref_squeeze %parallel_loop3A_348 : memref<1x16x1024xf32, #tpu.memory_space<vmem>> -> memref<16x1024xf32, #tpu.memory_space<vmem>>
        %parallel_loop3A_350 = arith.index_cast %scan3A_313 : i32 to index
        %parallel_loop3A_351 = arith.index_cast %parallel_loop3A_345 : i32 to index
        %parallel_loop3A_352 = tpu.vector_load %parallel_loop3A_349[%parallel_loop3A_350, %parallel_loop3A_351] {strides = array<i32>} : memref<16x1024xf32, #tpu.memory_space<vmem>>, vector<1x16xf32>,
        %parallel_loop3A_353 = vector.shape_cast %parallel_loop3A_352 : vector<1x16xf32> to vector<16xf32>
        %parallel_loop3A_354 = arith.subf %parallel_loop3A_343, %parallel_loop3A_353 : vector<16xf32>
        %parallel_loop3A_355 = arith.cmpf oge, %parallel_loop3A_353, %get3A_8 : vector<16xf32>
        %parallel_loop3A_356 = arith.select %parallel_loop3A_355, %get3A_33, %get3A_28 : vector<16xi1>, vector<16xf32>
        %parallel_loop3A_357 = arith.cmpf oge, %parallel_loop3A_353, %get3A_13 : vector<16xf32>
        %parallel_loop3A_358 = arith.select %parallel_loop3A_357, %get3A_38, %parallel_loop3A_356 : vector<16xi1>, vector<16xf32>
        %parallel_loop3A_359 = arith.cmpf oge, %parallel_loop3A_353, %get3A_18 : vector<16xf32>
        %parallel_loop3A_360 = arith.select %parallel_loop3A_359, %get3A_43, %parallel_loop3A_358 : vector<16xi1>, vector<16xf32>
        %parallel_loop3A_361 = arith.cmpf oge, %parallel_loop3A_353, %get3A_23 : vector<16xf32>
        %parallel_loop3A_362 = arith.select %parallel_loop3A_361, %get3A_48, %parallel_loop3A_360 : vector<16xi1>, vector<16xf32>
        %parallel_loop3A_363 = arith.mulf %parallel_loop3A_354, %parallel_loop3A_354 : vector<16xf32>
        %parallel_loop3A_364 = arith.mulf %parallel_loop3A_362, %parallel_loop3A_363 : vector<16xf32>
        %parallel_loop3A_365 = arith.addf %parallel_loop3A_326, %parallel_loop3A_364 : vector<16xf32>
        %parallel_loop3A_366 = arith.constant 16 : i32
        %parallel_loop3A_367 = arith.addi %parallel_loop3A_325, %parallel_loop3A_366 : i32
        %parallel_loop3A_368 = arith.constant 0 : i32
        %parallel_loop3A_369 = arith.constant 0 : i32
        %parallel_loop3A_370 = tpu.memref_slice %arg6[%scan3A_225, %parallel_loop3A_368, %parallel_loop3A_369] : memref<3x16x1024xf32, #tpu.memory_space<vmem>> -> memref<1x16x1024xf32, #tpu.memory_space<vmem>>
        %parallel_loop3A_371 = tpu.memref_squeeze %parallel_loop3A_370 : memref<1x16x1024xf32, #tpu.memory_space<vmem>> -> memref<16x1024xf32, #tpu.memory_space<vmem>>
        %parallel_loop3A_372 = arith.index_cast %scan3A_313 : i32 to index
        %parallel_loop3A_373 = arith.index_cast %parallel_loop3A_367 : i32 to index
        %parallel_loop3A_374 = tpu.vector_load %parallel_loop3A_371[%parallel_loop3A_372, %parallel_loop3A_373] {strides = array<i32>} : memref<16x1024xf32, #tpu.memory_space<vmem>>, vector<1x16xf32>,
        %parallel_loop3A_375 = vector.shape_cast %parallel_loop3A_374 : vector<1x16xf32> to vector<16xf32>
        %parallel_loop3A_376 = arith.constant 16 : i32
        %parallel_loop3A_377 = arith.addi %parallel_loop3A_325, %parallel_loop3A_376 : i32
        %parallel_loop3A_378 = arith.constant 0 : i32
        %parallel_loop3A_379 = arith.constant 0 : i32
        %parallel_loop3A_380 = tpu.memref_slice %arg7[%scan3A_226, %parallel_loop3A_378, %parallel_loop3A_379] : memref<3x16x1024xf32, #tpu.memory_space<vmem>> -> memref<1x16x1024xf32, #tpu.memory_space<vmem>>
        %parallel_loop3A_381 = tpu.memref_squeeze %parallel_loop3A_380 : memref<1x16x1024xf32, #tpu.memory_space<vmem>> -> memref<16x1024xf32, #tpu.memory_space<vmem>>
        %parallel_loop3A_382 = arith.index_cast %scan3A_313 : i32 to index
        %parallel_loop3A_383 = arith.index_cast %parallel_loop3A_377 : i32 to index
        %parallel_loop3A_384 = tpu.vector_load %parallel_loop3A_381[%parallel_loop3A_382, %parallel_loop3A_383] {strides = array<i32>} : memref<16x1024xf32, #tpu.memory_space<vmem>>, vector<1x16xf32>,
        %parallel_loop3A_385 = vector.shape_cast %parallel_loop3A_384 : vector<1x16xf32> to vector<16xf32>
        %parallel_loop3A_386 = arith.subf %parallel_loop3A_375, %parallel_loop3A_385 : vector<16xf32>
        %parallel_loop3A_387 = arith.cmpf oge, %parallel_loop3A_385, %get3A_8 : vector<16xf32>
        %parallel_loop3A_388 = arith.select %parallel_loop3A_387, %get3A_33, %get3A_28 : vector<16xi1>, vector<16xf32>
        %parallel_loop3A_389 = arith.cmpf oge, %parallel_loop3A_385, %get3A_13 : vector<16xf32>
        %parallel_loop3A_390 = arith.select %parallel_loop3A_389, %get3A_38, %parallel_loop3A_388 : vector<16xi1>, vector<16xf32>
        %parallel_loop3A_391 = arith.cmpf oge, %parallel_loop3A_385, %get3A_18 : vector<16xf32>
        %parallel_loop3A_392 = arith.select %parallel_loop3A_391, %get3A_43, %parallel_loop3A_390 : vector<16xi1>, vector<16xf32>
        %parallel_loop3A_393 = arith.cmpf oge, %parallel_loop3A_385, %get3A_23 : vector<16xf32>
        %parallel_loop3A_394 = arith.select %parallel_loop3A_393, %get3A_48, %parallel_loop3A_392 : vector<16xi1>, vector<16xf32>
        %parallel_loop3A_395 = arith.mulf %parallel_loop3A_386, %parallel_loop3A_386 : vector<16xf32>
        %parallel_loop3A_396 = arith.mulf %parallel_loop3A_394, %parallel_loop3A_395 : vector<16xf32>
        %parallel_loop3A_397 = arith.addf %parallel_loop3A_327, %parallel_loop3A_396 : vector<16xf32>
        %parallel_loop3A_398 = arith.constant 32 : i32
        %parallel_loop3A_399 = arith.addi %parallel_loop3A_325, %parallel_loop3A_398 : i32
        %parallel_loop3A_400 = arith.constant 0 : i32
        %parallel_loop3A_401 = arith.constant 0 : i32
        %parallel_loop3A_402 = tpu.memref_slice %arg6[%scan3A_225, %parallel_loop3A_400, %parallel_loop3A_401] : memref<3x16x1024xf32, #tpu.memory_space<vmem>> -> memref<1x16x1024xf32, #tpu.memory_space<vmem>>
        %parallel_loop3A_403 = tpu.memref_squeeze %parallel_loop3A_402 : memref<1x16x1024xf32, #tpu.memory_space<vmem>> -> memref<16x1024xf32, #tpu.memory_space<vmem>>
        %parallel_loop3A_404 = arith.index_cast %scan3A_313 : i32 to index
        %parallel_loop3A_405 = arith.index_cast %parallel_loop3A_399 : i32 to index
        %parallel_loop3A_406 = tpu.vector_load %parallel_loop3A_403[%parallel_loop3A_404, %parallel_loop3A_405] {strides = array<i32>} : memref<16x1024xf32, #tpu.memory_space<vmem>>, vector<1x16xf32>,
        %parallel_loop3A_407 = vector.shape_cast %parallel_loop3A_406 : vector<1x16xf32> to vector<16xf32>
        %parallel_loop3A_408 = arith.constant 32 : i32
        %parallel_loop3A_409 = arith.addi %parallel_loop3A_325, %parallel_loop3A_408 : i32
        %parallel_loop3A_410 = arith.constant 0 : i32
        %parallel_loop3A_411 = arith.constant 0 : i32
        %parallel_loop3A_412 = tpu.memref_slice %arg7[%scan3A_226, %parallel_loop3A_410, %parallel_loop3A_411] : memref<3x16x1024xf32, #tpu.memory_space<vmem>> -> memref<1x16x1024xf32, #tpu.memory_space<vmem>>
        %parallel_loop3A_413 = tpu.memref_squeeze %parallel_loop3A_412 : memref<1x16x1024xf32, #tpu.memory_space<vmem>> -> memref<16x1024xf32, #tpu.memory_space<vmem>>
        %parallel_loop3A_414 = arith.index_cast %scan3A_313 : i32 to index
        %parallel_loop3A_415 = arith.index_cast %parallel_loop3A_409 : i32 to index
        %parallel_loop3A_416 = tpu.vector_load %parallel_loop3A_413[%parallel_loop3A_414, %parallel_loop3A_415] {strides = array<i32>} : memref<16x1024xf32, #tpu.memory_space<vmem>>, vector<1x16xf32>,
        %parallel_loop3A_417 = vector.shape_cast %parallel_loop3A_416 : vector<1x16xf32> to vector<16xf32>
        %parallel_loop3A_418 = arith.subf %parallel_loop3A_407, %parallel_loop3A_417 : vector<16xf32>
        %parallel_loop3A_419 = arith.cmpf oge, %parallel_loop3A_417, %get3A_8 : vector<16xf32>
        %parallel_loop3A_420 = arith.select %parallel_loop3A_419, %get3A_33, %get3A_28 : vector<16xi1>, vector<16xf32>
        %parallel_loop3A_421 = arith.cmpf oge, %parallel_loop3A_417, %get3A_13 : vector<16xf32>
        %parallel_loop3A_422 = arith.select %parallel_loop3A_421, %get3A_38, %parallel_loop3A_420 : vector<16xi1>, vector<16xf32>
        %parallel_loop3A_423 = arith.cmpf oge, %parallel_loop3A_417, %get3A_18 : vector<16xf32>
        %parallel_loop3A_424 = arith.select %parallel_loop3A_423, %get3A_43, %parallel_loop3A_422 : vector<16xi1>, vector<16xf32>
        %parallel_loop3A_425 = arith.cmpf oge, %parallel_loop3A_417, %get3A_23 : vector<16xf32>
        %parallel_loop3A_426 = arith.select %parallel_loop3A_425, %get3A_48, %parallel_loop3A_424 : vector<16xi1>, vector<16xf32>
        %parallel_loop3A_427 = arith.mulf %parallel_loop3A_418, %parallel_loop3A_418 : vector<16xf32>
        %parallel_loop3A_428 = arith.mulf %parallel_loop3A_426, %parallel_loop3A_427 : vector<16xf32>
        %parallel_loop3A_429 = arith.addf %parallel_loop3A_328, %parallel_loop3A_428 : vector<16xf32>
        %parallel_loop3A_430 = arith.constant 48 : i32
        %parallel_loop3A_431 = arith.addi %parallel_loop3A_325, %parallel_loop3A_430 : i32
        %parallel_loop3A_432 = arith.constant 0 : i32
        %parallel_loop3A_433 = arith.constant 0 : i32
        %parallel_loop3A_434 = tpu.memref_slice %arg6[%scan3A_225, %parallel_loop3A_432, %parallel_loop3A_433] : memref<3x16x1024xf32, #tpu.memory_space<vmem>> -> memref<1x16x1024xf32, #tpu.memory_space<vmem>>
        %parallel_loop3A_435 = tpu.memref_squeeze %parallel_loop3A_434 : memref<1x16x1024xf32, #tpu.memory_space<vmem>> -> memref<16x1024xf32, #tpu.memory_space<vmem>>
        %parallel_loop3A_436 = arith.index_cast %scan3A_313 : i32 to index
        %parallel_loop3A_437 = arith.index_cast %parallel_loop3A_431 : i32 to index
        %parallel_loop3A_438 = tpu.vector_load %parallel_loop3A_435[%parallel_loop3A_436, %parallel_loop3A_437] {strides = array<i32>} : memref<16x1024xf32, #tpu.memory_space<vmem>>, vector<1x16xf32>,
        %parallel_loop3A_439 = vector.shape_cast %parallel_loop3A_438 : vector<1x16xf32> to vector<16xf32>
        %parallel_loop3A_440 = arith.constant 48 : i32
        %parallel_loop3A_441 = arith.addi %parallel_loop3A_325, %parallel_loop3A_440 : i32
        %parallel_loop3A_442 = arith.constant 0 : i32
        %parallel_loop3A_443 = arith.constant 0 : i32
        %parallel_loop3A_444 = tpu.memref_slice %arg7[%scan3A_226, %parallel_loop3A_442, %parallel_loop3A_443] : memref<3x16x1024xf32, #tpu.memory_space<vmem>> -> memref<1x16x1024xf32, #tpu.memory_space<vmem>>
        %parallel_loop3A_445 = tpu.memref_squeeze %parallel_loop3A_444 : memref<1x16x1024xf32, #tpu.memory_space<vmem>> -> memref<16x1024xf32, #tpu.memory_space<vmem>>
        %parallel_loop3A_446 = arith.index_cast %scan3A_313 : i32 to index
        %parallel_loop3A_447 = arith.index_cast %parallel_loop3A_441 : i32 to index
        %parallel_loop3A_448 = tpu.vector_load %parallel_loop3A_445[%parallel_loop3A_446, %parallel_loop3A_447] {strides = array<i32>} : memref<16x1024xf32, #tpu.memory_space<vmem>>, vector<1x16xf32>,
        %parallel_loop3A_449 = vector.shape_cast %parallel_loop3A_448 : vector<1x16xf32> to vector<16xf32>
        %parallel_loop3A_450 = arith.subf %parallel_loop3A_439, %parallel_loop3A_449 : vector<16xf32>
        %parallel_loop3A_451 = arith.cmpf oge, %parallel_loop3A_449, %get3A_8 : vector<16xf32>
        %parallel_loop3A_452 = arith.select %parallel_loop3A_451, %get3A_33, %get3A_28 : vector<16xi1>, vector<16xf32>
        %parallel_loop3A_453 = arith.cmpf oge, %parallel_loop3A_449, %get3A_13 : vector<16xf32>
        %parallel_loop3A_454 = arith.select %parallel_loop3A_453, %get3A_38, %parallel_loop3A_452 : vector<16xi1>, vector<16xf32>
        %parallel_loop3A_455 = arith.cmpf oge, %parallel_loop3A_449, %get3A_18 : vector<16xf32>
        %parallel_loop3A_456 = arith.select %parallel_loop3A_455, %get3A_43, %parallel_loop3A_454 : vector<16xi1>, vector<16xf32>
        %parallel_loop3A_457 = arith.cmpf oge, %parallel_loop3A_449, %get3A_23 : vector<16xf32>
        %parallel_loop3A_458 = arith.select %parallel_loop3A_457, %get3A_48, %parallel_loop3A_456 : vector<16xi1>, vector<16xf32>
        %parallel_loop3A_459 = arith.mulf %parallel_loop3A_450, %parallel_loop3A_450 : vector<16xf32>
        %parallel_loop3A_460 = arith.mulf %parallel_loop3A_458, %parallel_loop3A_459 : vector<16xf32>
        %parallel_loop3A_461 = arith.addf %parallel_loop3A_329, %parallel_loop3A_460 : vector<16xf32>
        %parallel_loop3A_462 = arith.constant 64 : i32
        %parallel_loop3A_463 = arith.addi %parallel_loop3A_325, %parallel_loop3A_462 : i32
        %parallel_loop3A_464 = arith.constant 0 : i32
        %parallel_loop3A_465 = arith.constant 0 : i32
        %parallel_loop3A_466 = tpu.memref_slice %arg6[%scan3A_225, %parallel_loop3A_464, %parallel_loop3A_465] : memref<3x16x1024xf32, #tpu.memory_space<vmem>> -> memref<1x16x1024xf32, #tpu.memory_space<vmem>>
        %parallel_loop3A_467 = tpu.memref_squeeze %parallel_loop3A_466 : memref<1x16x1024xf32, #tpu.memory_space<vmem>> -> memref<16x1024xf32, #tpu.memory_space<vmem>>
        %parallel_loop3A_468 = arith.index_cast %scan3A_313 : i32 to index
        %parallel_loop3A_469 = arith.index_cast %parallel_loop3A_463 : i32 to index
        %parallel_loop3A_470 = tpu.vector_load %parallel_loop3A_467[%parallel_loop3A_468, %parallel_loop3A_469] {strides = array<i32>} : memref<16x1024xf32, #tpu.memory_space<vmem>>, vector<1x16xf32>,
        %parallel_loop3A_471 = vector.shape_cast %parallel_loop3A_470 : vector<1x16xf32> to vector<16xf32>
        %parallel_loop3A_472 = arith.constant 64 : i32
        %parallel_loop3A_473 = arith.addi %parallel_loop3A_325, %parallel_loop3A_472 : i32
        %parallel_loop3A_474 = arith.constant 0 : i32
        %parallel_loop3A_475 = arith.constant 0 : i32
        %parallel_loop3A_476 = tpu.memref_slice %arg7[%scan3A_226, %parallel_loop3A_474, %parallel_loop3A_475] : memref<3x16x1024xf32, #tpu.memory_space<vmem>> -> memref<1x16x1024xf32, #tpu.memory_space<vmem>>
        %parallel_loop3A_477 = tpu.memref_squeeze %parallel_loop3A_476 : memref<1x16x1024xf32, #tpu.memory_space<vmem>> -> memref<16x1024xf32, #tpu.memory_space<vmem>>
        %parallel_loop3A_478 = arith.index_cast %scan3A_313 : i32 to index
        %parallel_loop3A_479 = arith.index_cast %parallel_loop3A_473 : i32 to index
        %parallel_loop3A_480 = tpu.vector_load %parallel_loop3A_477[%parallel_loop3A_478, %parallel_loop3A_479] {strides = array<i32>} : memref<16x1024xf32, #tpu.memory_space<vmem>>, vector<1x16xf32>,
        %parallel_loop3A_481 = vector.shape_cast %parallel_loop3A_480 : vector<1x16xf32> to vector<16xf32>
        %parallel_loop3A_482 = arith.subf %parallel_loop3A_471, %parallel_loop3A_481 : vector<16xf32>
        %parallel_loop3A_483 = arith.cmpf oge, %parallel_loop3A_481, %get3A_8 : vector<16xf32>
        %parallel_loop3A_484 = arith.select %parallel_loop3A_483, %get3A_33, %get3A_28 : vector<16xi1>, vector<16xf32>
        %parallel_loop3A_485 = arith.cmpf oge, %parallel_loop3A_481, %get3A_13 : vector<16xf32>
        %parallel_loop3A_486 = arith.select %parallel_loop3A_485, %get3A_38, %parallel_loop3A_484 : vector<16xi1>, vector<16xf32>
        %parallel_loop3A_487 = arith.cmpf oge, %parallel_loop3A_481, %get3A_18 : vector<16xf32>
        %parallel_loop3A_488 = arith.select %parallel_loop3A_487, %get3A_43, %parallel_loop3A_486 : vector<16xi1>, vector<16xf32>
        %parallel_loop3A_489 = arith.cmpf oge, %parallel_loop3A_481, %get3A_23 : vector<16xf32>
        %parallel_loop3A_490 = arith.select %parallel_loop3A_489, %get3A_48, %parallel_loop3A_488 : vector<16xi1>, vector<16xf32>
        %parallel_loop3A_491 = arith.mulf %parallel_loop3A_482, %parallel_loop3A_482 : vector<16xf32>
        %parallel_loop3A_492 = arith.mulf %parallel_loop3A_490, %parallel_loop3A_491 : vector<16xf32>
        %parallel_loop3A_493 = arith.addf %parallel_loop3A_330, %parallel_loop3A_492 : vector<16xf32>
        %parallel_loop3A_494 = arith.constant 80 : i32
        %parallel_loop3A_495 = arith.addi %parallel_loop3A_325, %parallel_loop3A_494 : i32
        %parallel_loop3A_496 = arith.constant 0 : i32
        %parallel_loop3A_497 = arith.constant 0 : i32
        %parallel_loop3A_498 = tpu.memref_slice %arg6[%scan3A_225, %parallel_loop3A_496, %parallel_loop3A_497] : memref<3x16x1024xf32, #tpu.memory_space<vmem>> -> memref<1x16x1024xf32, #tpu.memory_space<vmem>>
        %parallel_loop3A_499 = tpu.memref_squeeze %parallel_loop3A_498 : memref<1x16x1024xf32, #tpu.memory_space<vmem>> -> memref<16x1024xf32, #tpu.memory_space<vmem>>
        %parallel_loop3A_500 = arith.index_cast %scan3A_313 : i32 to index
        %parallel_loop3A_501 = arith.index_cast %parallel_loop3A_495 : i32 to index
        %parallel_loop3A_502 = tpu.vector_load %parallel_loop3A_499[%parallel_loop3A_500, %parallel_loop3A_501] {strides = array<i32>} : memref<16x1024xf32, #tpu.memory_space<vmem>>, vector<1x16xf32>,
        %parallel_loop3A_503 = vector.shape_cast %parallel_loop3A_502 : vector<1x16xf32> to vector<16xf32>
        %parallel_loop3A_504 = arith.constant 80 : i32
        %parallel_loop3A_505 = arith.addi %parallel_loop3A_325, %parallel_loop3A_504 : i32
        %parallel_loop3A_506 = arith.constant 0 : i32
        %parallel_loop3A_507 = arith.constant 0 : i32
        %parallel_loop3A_508 = tpu.memref_slice %arg7[%scan3A_226, %parallel_loop3A_506, %parallel_loop3A_507] : memref<3x16x1024xf32, #tpu.memory_space<vmem>> -> memref<1x16x1024xf32, #tpu.memory_space<vmem>>
        %parallel_loop3A_509 = tpu.memref_squeeze %parallel_loop3A_508 : memref<1x16x1024xf32, #tpu.memory_space<vmem>> -> memref<16x1024xf32, #tpu.memory_space<vmem>>
        %parallel_loop3A_510 = arith.index_cast %scan3A_313 : i32 to index
        %parallel_loop3A_511 = arith.index_cast %parallel_loop3A_505 : i32 to index
        %parallel_loop3A_512 = tpu.vector_load %parallel_loop3A_509[%parallel_loop3A_510, %parallel_loop3A_511] {strides = array<i32>} : memref<16x1024xf32, #tpu.memory_space<vmem>>, vector<1x16xf32>,
        %parallel_loop3A_513 = vector.shape_cast %parallel_loop3A_512 : vector<1x16xf32> to vector<16xf32>
        %parallel_loop3A_514 = arith.subf %parallel_loop3A_503, %parallel_loop3A_513 : vector<16xf32>
        %parallel_loop3A_515 = arith.cmpf oge, %parallel_loop3A_513, %get3A_8 : vector<16xf32>
        %parallel_loop3A_516 = arith.select %parallel_loop3A_515, %get3A_33, %get3A_28 : vector<16xi1>, vector<16xf32>
        %parallel_loop3A_517 = arith.cmpf oge, %parallel_loop3A_513, %get3A_13 : vector<16xf32>
        %parallel_loop3A_518 = arith.select %parallel_loop3A_517, %get3A_38, %parallel_loop3A_516 : vector<16xi1>, vector<16xf32>
        %parallel_loop3A_519 = arith.cmpf oge, %parallel_loop3A_513, %get3A_18 : vector<16xf32>
        %parallel_loop3A_520 = arith.select %parallel_loop3A_519, %get3A_43, %parallel_loop3A_518 : vector<16xi1>, vector<16xf32>
        %parallel_loop3A_521 = arith.cmpf oge, %parallel_loop3A_513, %get3A_23 : vector<16xf32>
        %parallel_loop3A_522 = arith.select %parallel_loop3A_521, %get3A_48, %parallel_loop3A_520 : vector<16xi1>, vector<16xf32>
        %parallel_loop3A_523 = arith.mulf %parallel_loop3A_514, %parallel_loop3A_514 : vector<16xf32>
        %parallel_loop3A_524 = arith.mulf %parallel_loop3A_522, %parallel_loop3A_523 : vector<16xf32>
        %parallel_loop3A_525 = arith.addf %parallel_loop3A_331, %parallel_loop3A_524 : vector<16xf32>
        %parallel_loop3A_526 = arith.constant 96 : i32
        %parallel_loop3A_527 = arith.addi %parallel_loop3A_325, %parallel_loop3A_526 : i32
        %parallel_loop3A_528 = arith.constant 0 : i32
        %parallel_loop3A_529 = arith.constant 0 : i32
        %parallel_loop3A_530 = tpu.memref_slice %arg6[%scan3A_225, %parallel_loop3A_528, %parallel_loop3A_529] : memref<3x16x1024xf32, #tpu.memory_space<vmem>> -> memref<1x16x1024xf32, #tpu.memory_space<vmem>>
        %parallel_loop3A_531 = tpu.memref_squeeze %parallel_loop3A_530 : memref<1x16x1024xf32, #tpu.memory_space<vmem>> -> memref<16x1024xf32, #tpu.memory_space<vmem>>
        %parallel_loop3A_532 = arith.index_cast %scan3A_313 : i32 to index
        %parallel_loop3A_533 = arith.index_cast %parallel_loop3A_527 : i32 to index
        %parallel_loop3A_534 = tpu.vector_load %parallel_loop3A_531[%parallel_loop3A_532, %parallel_loop3A_533] {strides = array<i32>} : memref<16x1024xf32, #tpu.memory_space<vmem>>, vector<1x16xf32>,
        %parallel_loop3A_535 = vector.shape_cast %parallel_loop3A_534 : vector<1x16xf32> to vector<16xf32>
        %parallel_loop3A_536 = arith.constant 96 : i32
        %parallel_loop3A_537 = arith.addi %parallel_loop3A_325, %parallel_loop3A_536 : i32
        %parallel_loop3A_538 = arith.constant 0 : i32
        %parallel_loop3A_539 = arith.constant 0 : i32
        %parallel_loop3A_540 = tpu.memref_slice %arg7[%scan3A_226, %parallel_loop3A_538, %parallel_loop3A_539] : memref<3x16x1024xf32, #tpu.memory_space<vmem>> -> memref<1x16x1024xf32, #tpu.memory_space<vmem>>
        %parallel_loop3A_541 = tpu.memref_squeeze %parallel_loop3A_540 : memref<1x16x1024xf32, #tpu.memory_space<vmem>> -> memref<16x1024xf32, #tpu.memory_space<vmem>>
        %parallel_loop3A_542 = arith.index_cast %scan3A_313 : i32 to index
        %parallel_loop3A_543 = arith.index_cast %parallel_loop3A_537 : i32 to index
        %parallel_loop3A_544 = tpu.vector_load %parallel_loop3A_541[%parallel_loop3A_542, %parallel_loop3A_543] {strides = array<i32>} : memref<16x1024xf32, #tpu.memory_space<vmem>>, vector<1x16xf32>,
        %parallel_loop3A_545 = vector.shape_cast %parallel_loop3A_544 : vector<1x16xf32> to vector<16xf32>
        %parallel_loop3A_546 = arith.subf %parallel_loop3A_535, %parallel_loop3A_545 : vector<16xf32>
        %parallel_loop3A_547 = arith.cmpf oge, %parallel_loop3A_545, %get3A_8 : vector<16xf32>
        %parallel_loop3A_548 = arith.select %parallel_loop3A_547, %get3A_33, %get3A_28 : vector<16xi1>, vector<16xf32>
        %parallel_loop3A_549 = arith.cmpf oge, %parallel_loop3A_545, %get3A_13 : vector<16xf32>
        %parallel_loop3A_550 = arith.select %parallel_loop3A_549, %get3A_38, %parallel_loop3A_548 : vector<16xi1>, vector<16xf32>
        %parallel_loop3A_551 = arith.cmpf oge, %parallel_loop3A_545, %get3A_18 : vector<16xf32>
        %parallel_loop3A_552 = arith.select %parallel_loop3A_551, %get3A_43, %parallel_loop3A_550 : vector<16xi1>, vector<16xf32>
        %parallel_loop3A_553 = arith.cmpf oge, %parallel_loop3A_545, %get3A_23 : vector<16xf32>
        %parallel_loop3A_554 = arith.select %parallel_loop3A_553, %get3A_48, %parallel_loop3A_552 : vector<16xi1>, vector<16xf32>
        %parallel_loop3A_555 = arith.mulf %parallel_loop3A_546, %parallel_loop3A_546 : vector<16xf32>
        %parallel_loop3A_556 = arith.mulf %parallel_loop3A_554, %parallel_loop3A_555 : vector<16xf32>
        %parallel_loop3A_557 = arith.addf %parallel_loop3A_332, %parallel_loop3A_556 : vector<16xf32>
        %parallel_loop3A_558 = arith.constant 112 : i32
        %parallel_loop3A_559 = arith.addi %parallel_loop3A_325, %parallel_loop3A_558 : i32
        %parallel_loop3A_560 = arith.constant 0 : i32
        %parallel_loop3A_561 = arith.constant 0 : i32
        %parallel_loop3A_562 = tpu.memref_slice %arg6[%scan3A_225, %parallel_loop3A_560, %parallel_loop3A_561] : memref<3x16x1024xf32, #tpu.memory_space<vmem>> -> memref<1x16x1024xf32, #tpu.memory_space<vmem>>
        %parallel_loop3A_563 = tpu.memref_squeeze %parallel_loop3A_562 : memref<1x16x1024xf32, #tpu.memory_space<vmem>> -> memref<16x1024xf32, #tpu.memory_space<vmem>>
        %parallel_loop3A_564 = arith.index_cast %scan3A_313 : i32 to index
        %parallel_loop3A_565 = arith.index_cast %parallel_loop3A_559 : i32 to index
        %parallel_loop3A_566 = tpu.vector_load %parallel_loop3A_563[%parallel_loop3A_564, %parallel_loop3A_565] {strides = array<i32>} : memref<16x1024xf32, #tpu.memory_space<vmem>>, vector<1x16xf32>,
        %parallel_loop3A_567 = vector.shape_cast %parallel_loop3A_566 : vector<1x16xf32> to vector<16xf32>
        %parallel_loop3A_568 = arith.constant 112 : i32
        %parallel_loop3A_569 = arith.addi %parallel_loop3A_325, %parallel_loop3A_568 : i32
        %parallel_loop3A_570 = arith.constant 0 : i32
        %parallel_loop3A_571 = arith.constant 0 : i32
        %parallel_loop3A_572 = tpu.memref_slice %arg7[%scan3A_226, %parallel_loop3A_570, %parallel_loop3A_571] : memref<3x16x1024xf32, #tpu.memory_space<vmem>> -> memref<1x16x1024xf32, #tpu.memory_space<vmem>>
        %parallel_loop3A_573 = tpu.memref_squeeze %parallel_loop3A_572 : memref<1x16x1024xf32, #tpu.memory_space<vmem>> -> memref<16x1024xf32, #tpu.memory_space<vmem>>
        %parallel_loop3A_574 = arith.index_cast %scan3A_313 : i32 to index
        %parallel_loop3A_575 = arith.index_cast %parallel_loop3A_569 : i32 to index
        %parallel_loop3A_576 = tpu.vector_load %parallel_loop3A_573[%parallel_loop3A_574, %parallel_loop3A_575] {strides = array<i32>} : memref<16x1024xf32, #tpu.memory_space<vmem>>, vector<1x16xf32>,
        %parallel_loop3A_577 = vector.shape_cast %parallel_loop3A_576 : vector<1x16xf32> to vector<16xf32>
        %parallel_loop3A_578 = arith.subf %parallel_loop3A_567, %parallel_loop3A_577 : vector<16xf32>
        %parallel_loop3A_579 = arith.cmpf oge, %parallel_loop3A_577, %get3A_8 : vector<16xf32>
        %parallel_loop3A_580 = arith.select %parallel_loop3A_579, %get3A_33, %get3A_28 : vector<16xi1>, vector<16xf32>
        %parallel_loop3A_581 = arith.cmpf oge, %parallel_loop3A_577, %get3A_13 : vector<16xf32>
        %parallel_loop3A_582 = arith.select %parallel_loop3A_581, %get3A_38, %parallel_loop3A_580 : vector<16xi1>, vector<16xf32>
        %parallel_loop3A_583 = arith.cmpf oge, %parallel_loop3A_577, %get3A_18 : vector<16xf32>
        %parallel_loop3A_584 = arith.select %parallel_loop3A_583, %get3A_43, %parallel_loop3A_582 : vector<16xi1>, vector<16xf32>
        %parallel_loop3A_585 = arith.cmpf oge, %parallel_loop3A_577, %get3A_23 : vector<16xf32>
        %parallel_loop3A_586 = arith.select %parallel_loop3A_585, %get3A_48, %parallel_loop3A_584 : vector<16xi1>, vector<16xf32>
        %parallel_loop3A_587 = arith.mulf %parallel_loop3A_578, %parallel_loop3A_578 : vector<16xf32>
        %parallel_loop3A_588 = arith.mulf %parallel_loop3A_586, %parallel_loop3A_587 : vector<16xf32>
        %parallel_loop3A_589 = arith.addf %parallel_loop3A_333, %parallel_loop3A_588 : vector<16xf32>
        scf.yield %parallel_loop3A_365, %parallel_loop3A_397, %parallel_loop3A_429, %parallel_loop3A_461, %parallel_loop3A_493, %parallel_loop3A_525, %parallel_loop3A_557, %parallel_loop3A_589 : vector<16xf32>, vector<16xf32>, vector<16xf32>, vector<16xf32>, vector<16xf32>, vector<16xf32>, vector<16xf32>, vector<16xf32>
      } {sc.loop_unroll_factor = 2 : i64, sc.parallel_access}
      scf.yield %parallel_loop3A_324#0, %parallel_loop3A_324#1, %parallel_loop3A_324#2, %parallel_loop3A_324#3, %parallel_loop3A_324#4, %parallel_loop3A_324#5, %parallel_loop3A_324#6, %parallel_loop3A_324#7 : vector<16xf32>, vector<16xf32>, vector<16xf32>, vector<16xf32>, vector<16xf32>, vector<16xf32>, vector<16xf32>, vector<16xf32>
    }
    %scan3A_232 = arith.constant 16 : i32
    %dma_wait3A_233 = arith.constant 2 : i32
    %dma_wait3A_234 = arith.constant 0 : i32
    %dma_wait3A_235 = arith.constant 0 : i32
    %dma_wait3A_236 = tpu.memref_slice %arg6[%dma_wait3A_233, %dma_wait3A_234, %dma_wait3A_235] : memref<3x16x1024xf32, #tpu.memory_space<vmem>> -> memref<1x16x1024xf32, #tpu.memory_space<vmem>>
    %dma_wait3A_237 = tpu.memref_squeeze %dma_wait3A_236 : memref<1x16x1024xf32, #tpu.memory_space<vmem>> -> memref<16x1024xf32, #tpu.memory_space<vmem>>
    %dma_wait3A_238 = arith.constant 0 : i32
    %dma_wait3A_239 = tpu.memref_slice %arg2[%add3A_4, %dma_wait3A_238] : memref<32768x1024xf32, #tpu.memory_space<hbm>> -> memref<16x1024xf32, #tpu.memory_space<hbm>>
    %dma_wait3A_240 = arith.constant 0 : i32
    %dma_wait3A_241 = arith.constant 0 : i32
    %dma_wait3A_242 = tpu.memref_slice %arg6[%dma_wait3A_233, %dma_wait3A_240, %dma_wait3A_241] : memref<3x16x1024xf32, #tpu.memory_space<vmem>> -> memref<1x16x1024xf32, #tpu.memory_space<vmem>>
    %dma_wait3A_243 = tpu.memref_squeeze %dma_wait3A_242 : memref<1x16x1024xf32, #tpu.memory_space<vmem>> -> memref<16x1024xf32, #tpu.memory_space<vmem>>
    %dma_wait3A_244 = arith.constant 0 : i32
    %dma_wait3A_245 = tpu.memref_slice %arg2[%add3A_4, %dma_wait3A_244] : memref<32768x1024xf32, #tpu.memory_space<hbm>> -> memref<16x1024xf32, #tpu.memory_space<hbm>>
    tpu.wait_dma2 semaphore(%arg12 : memref<!tpu.dma_semaphore, #tpu.memory_space<semaphore_mem>>) src(%dma_wait3A_245 : memref<16x1024xf32, #tpu.memory_space<hbm>>) dst(%dma_wait3A_243 : memref<16x1024xf32, #tpu.memory_space<vmem>>)
    %dma_wait3A_246 = arith.constant 2 : i32
    %dma_wait3A_247 = arith.constant 0 : i32
    %dma_wait3A_248 = arith.constant 0 : i32
    %dma_wait3A_249 = tpu.memref_slice %arg7[%dma_wait3A_246, %dma_wait3A_247, %dma_wait3A_248] : memref<3x16x1024xf32, #tpu.memory_space<vmem>> -> memref<1x16x1024xf32, #tpu.memory_space<vmem>>
    %dma_wait3A_250 = tpu.memref_squeeze %dma_wait3A_249 : memref<1x16x1024xf32, #tpu.memory_space<vmem>> -> memref<16x1024xf32, #tpu.memory_space<vmem>>
    %dma_wait3A_251 = arith.constant 0 : i32
    %dma_wait3A_252 = tpu.memref_slice %arg3[%add3A_4, %dma_wait3A_251] : memref<32768x1024xf32, #tpu.memory_space<hbm>> -> memref<16x1024xf32, #tpu.memory_space<hbm>>
    %dma_wait3A_253 = arith.constant 0 : i32
    %dma_wait3A_254 = arith.constant 0 : i32
    %dma_wait3A_255 = tpu.memref_slice %arg7[%dma_wait3A_246, %dma_wait3A_253, %dma_wait3A_254] : memref<3x16x1024xf32, #tpu.memory_space<vmem>> -> memref<1x16x1024xf32, #tpu.memory_space<vmem>>
    %dma_wait3A_256 = tpu.memref_squeeze %dma_wait3A_255 : memref<1x16x1024xf32, #tpu.memory_space<vmem>> -> memref<16x1024xf32, #tpu.memory_space<vmem>>
    %dma_wait3A_257 = arith.constant 0 : i32
    %dma_wait3A_258 = tpu.memref_slice %arg3[%add3A_4, %dma_wait3A_257] : memref<32768x1024xf32, #tpu.memory_space<hbm>> -> memref<16x1024xf32, #tpu.memory_space<hbm>>
    tpu.wait_dma2 semaphore(%arg12 : memref<!tpu.dma_semaphore, #tpu.memory_space<semaphore_mem>>) src(%dma_wait3A_258 : memref<16x1024xf32, #tpu.memory_space<hbm>>) dst(%dma_wait3A_256 : memref<16x1024xf32, #tpu.memory_space<vmem>>)
    %scan3A_259 = arith.constant 2 : i32
    %scan3A_260 = arith.constant 2 : i32
    %scan3A_261 = arith.constant 0 : i32
    %scan3A_262 = arith.constant 16 : i32
    %scan3A_263 = arith.addi %scan3A_261, %scan3A_262 : i32
    %scan3A_264 = arith.constant 1 : i32
    %scan3A_265:8 = scf.for %scan3A_313 = %scan3A_261 to %scan3A_263 step %scan3A_264 iter_args(%scan3A_314 = %scan3A_231#0, %scan3A_315 = %scan3A_231#1, %scan3A_316 = %scan3A_231#2, %scan3A_317 = %scan3A_231#3, %scan3A_318 = %scan3A_231#4, %scan3A_319 = %scan3A_231#5, %scan3A_320 = %scan3A_231#6, %scan3A_321 = %scan3A_231#7) -> (vector<16xf32>, vector<16xf32>, vector<16xf32>, vector<16xf32>, vector<16xf32>, vector<16xf32>, vector<16xf32>, vector<16xf32>)  : i32 {
      %parallel_loop3A = arith.constant 0 : i32
      %parallel_loop3A_322 = arith.constant 1024 : i32
      %parallel_loop3A_323 = arith.constant 128 : i32
      %parallel_loop3A_324:8 = scf.for %parallel_loop3A_325 = %parallel_loop3A to %parallel_loop3A_322 step %parallel_loop3A_323 iter_args(%parallel_loop3A_326 = %scan3A_314, %parallel_loop3A_327 = %scan3A_315, %parallel_loop3A_328 = %scan3A_316, %parallel_loop3A_329 = %scan3A_317, %parallel_loop3A_330 = %scan3A_318, %parallel_loop3A_331 = %scan3A_319, %parallel_loop3A_332 = %scan3A_320, %parallel_loop3A_333 = %scan3A_321) -> (vector<16xf32>, vector<16xf32>, vector<16xf32>, vector<16xf32>, vector<16xf32>, vector<16xf32>, vector<16xf32>, vector<16xf32>)  : i32 {
        %parallel_loop3A_334 = arith.constant 0 : i32
        %parallel_loop3A_335 = arith.addi %parallel_loop3A_325, %parallel_loop3A_334 : i32
        %parallel_loop3A_336 = arith.constant 0 : i32
        %parallel_loop3A_337 = arith.constant 0 : i32
        %parallel_loop3A_338 = tpu.memref_slice %arg6[%scan3A_259, %parallel_loop3A_336, %parallel_loop3A_337] : memref<3x16x1024xf32, #tpu.memory_space<vmem>> -> memref<1x16x1024xf32, #tpu.memory_space<vmem>>
        %parallel_loop3A_339 = tpu.memref_squeeze %parallel_loop3A_338 : memref<1x16x1024xf32, #tpu.memory_space<vmem>> -> memref<16x1024xf32, #tpu.memory_space<vmem>>
        %parallel_loop3A_340 = arith.index_cast %scan3A_313 : i32 to index
        %parallel_loop3A_341 = arith.index_cast %parallel_loop3A_335 : i32 to index
        %parallel_loop3A_342 = tpu.vector_load %parallel_loop3A_339[%parallel_loop3A_340, %parallel_loop3A_341] {strides = array<i32>} : memref<16x1024xf32, #tpu.memory_space<vmem>>, vector<1x16xf32>,
        %parallel_loop3A_343 = vector.shape_cast %parallel_loop3A_342 : vector<1x16xf32> to vector<16xf32>
        %parallel_loop3A_344 = arith.constant 0 : i32
        %parallel_loop3A_345 = arith.addi %parallel_loop3A_325, %parallel_loop3A_344 : i32
        %parallel_loop3A_346 = arith.constant 0 : i32
        %parallel_loop3A_347 = arith.constant 0 : i32
        %parallel_loop3A_348 = tpu.memref_slice %arg7[%scan3A_260, %parallel_loop3A_346, %parallel_loop3A_347] : memref<3x16x1024xf32, #tpu.memory_space<vmem>> -> memref<1x16x1024xf32, #tpu.memory_space<vmem>>
        %parallel_loop3A_349 = tpu.memref_squeeze %parallel_loop3A_348 : memref<1x16x1024xf32, #tpu.memory_space<vmem>> -> memref<16x1024xf32, #tpu.memory_space<vmem>>
        %parallel_loop3A_350 = arith.index_cast %scan3A_313 : i32 to index
        %parallel_loop3A_351 = arith.index_cast %parallel_loop3A_345 : i32 to index
        %parallel_loop3A_352 = tpu.vector_load %parallel_loop3A_349[%parallel_loop3A_350, %parallel_loop3A_351] {strides = array<i32>} : memref<16x1024xf32, #tpu.memory_space<vmem>>, vector<1x16xf32>,
        %parallel_loop3A_353 = vector.shape_cast %parallel_loop3A_352 : vector<1x16xf32> to vector<16xf32>
        %parallel_loop3A_354 = arith.subf %parallel_loop3A_343, %parallel_loop3A_353 : vector<16xf32>
        %parallel_loop3A_355 = arith.cmpf oge, %parallel_loop3A_353, %get3A_8 : vector<16xf32>
        %parallel_loop3A_356 = arith.select %parallel_loop3A_355, %get3A_33, %get3A_28 : vector<16xi1>, vector<16xf32>
        %parallel_loop3A_357 = arith.cmpf oge, %parallel_loop3A_353, %get3A_13 : vector<16xf32>
        %parallel_loop3A_358 = arith.select %parallel_loop3A_357, %get3A_38, %parallel_loop3A_356 : vector<16xi1>, vector<16xf32>
        %parallel_loop3A_359 = arith.cmpf oge, %parallel_loop3A_353, %get3A_18 : vector<16xf32>
        %parallel_loop3A_360 = arith.select %parallel_loop3A_359, %get3A_43, %parallel_loop3A_358 : vector<16xi1>, vector<16xf32>
        %parallel_loop3A_361 = arith.cmpf oge, %parallel_loop3A_353, %get3A_23 : vector<16xf32>
        %parallel_loop3A_362 = arith.select %parallel_loop3A_361, %get3A_48, %parallel_loop3A_360 : vector<16xi1>, vector<16xf32>
        %parallel_loop3A_363 = arith.mulf %parallel_loop3A_354, %parallel_loop3A_354 : vector<16xf32>
        %parallel_loop3A_364 = arith.mulf %parallel_loop3A_362, %parallel_loop3A_363 : vector<16xf32>
        %parallel_loop3A_365 = arith.addf %parallel_loop3A_326, %parallel_loop3A_364 : vector<16xf32>
        %parallel_loop3A_366 = arith.constant 16 : i32
        %parallel_loop3A_367 = arith.addi %parallel_loop3A_325, %parallel_loop3A_366 : i32
        %parallel_loop3A_368 = arith.constant 0 : i32
        %parallel_loop3A_369 = arith.constant 0 : i32
        %parallel_loop3A_370 = tpu.memref_slice %arg6[%scan3A_259, %parallel_loop3A_368, %parallel_loop3A_369] : memref<3x16x1024xf32, #tpu.memory_space<vmem>> -> memref<1x16x1024xf32, #tpu.memory_space<vmem>>
        %parallel_loop3A_371 = tpu.memref_squeeze %parallel_loop3A_370 : memref<1x16x1024xf32, #tpu.memory_space<vmem>> -> memref<16x1024xf32, #tpu.memory_space<vmem>>
        %parallel_loop3A_372 = arith.index_cast %scan3A_313 : i32 to index
        %parallel_loop3A_373 = arith.index_cast %parallel_loop3A_367 : i32 to index
        %parallel_loop3A_374 = tpu.vector_load %parallel_loop3A_371[%parallel_loop3A_372, %parallel_loop3A_373] {strides = array<i32>} : memref<16x1024xf32, #tpu.memory_space<vmem>>, vector<1x16xf32>,
        %parallel_loop3A_375 = vector.shape_cast %parallel_loop3A_374 : vector<1x16xf32> to vector<16xf32>
        %parallel_loop3A_376 = arith.constant 16 : i32
        %parallel_loop3A_377 = arith.addi %parallel_loop3A_325, %parallel_loop3A_376 : i32
        %parallel_loop3A_378 = arith.constant 0 : i32
        %parallel_loop3A_379 = arith.constant 0 : i32
        %parallel_loop3A_380 = tpu.memref_slice %arg7[%scan3A_260, %parallel_loop3A_378, %parallel_loop3A_379] : memref<3x16x1024xf32, #tpu.memory_space<vmem>> -> memref<1x16x1024xf32, #tpu.memory_space<vmem>>
        %parallel_loop3A_381 = tpu.memref_squeeze %parallel_loop3A_380 : memref<1x16x1024xf32, #tpu.memory_space<vmem>> -> memref<16x1024xf32, #tpu.memory_space<vmem>>
        %parallel_loop3A_382 = arith.index_cast %scan3A_313 : i32 to index
        %parallel_loop3A_383 = arith.index_cast %parallel_loop3A_377 : i32 to index
        %parallel_loop3A_384 = tpu.vector_load %parallel_loop3A_381[%parallel_loop3A_382, %parallel_loop3A_383] {strides = array<i32>} : memref<16x1024xf32, #tpu.memory_space<vmem>>, vector<1x16xf32>,
        %parallel_loop3A_385 = vector.shape_cast %parallel_loop3A_384 : vector<1x16xf32> to vector<16xf32>
        %parallel_loop3A_386 = arith.subf %parallel_loop3A_375, %parallel_loop3A_385 : vector<16xf32>
        %parallel_loop3A_387 = arith.cmpf oge, %parallel_loop3A_385, %get3A_8 : vector<16xf32>
        %parallel_loop3A_388 = arith.select %parallel_loop3A_387, %get3A_33, %get3A_28 : vector<16xi1>, vector<16xf32>
        %parallel_loop3A_389 = arith.cmpf oge, %parallel_loop3A_385, %get3A_13 : vector<16xf32>
        %parallel_loop3A_390 = arith.select %parallel_loop3A_389, %get3A_38, %parallel_loop3A_388 : vector<16xi1>, vector<16xf32>
        %parallel_loop3A_391 = arith.cmpf oge, %parallel_loop3A_385, %get3A_18 : vector<16xf32>
        %parallel_loop3A_392 = arith.select %parallel_loop3A_391, %get3A_43, %parallel_loop3A_390 : vector<16xi1>, vector<16xf32>
        %parallel_loop3A_393 = arith.cmpf oge, %parallel_loop3A_385, %get3A_23 : vector<16xf32>
        %parallel_loop3A_394 = arith.select %parallel_loop3A_393, %get3A_48, %parallel_loop3A_392 : vector<16xi1>, vector<16xf32>
        %parallel_loop3A_395 = arith.mulf %parallel_loop3A_386, %parallel_loop3A_386 : vector<16xf32>
        %parallel_loop3A_396 = arith.mulf %parallel_loop3A_394, %parallel_loop3A_395 : vector<16xf32>
        %parallel_loop3A_397 = arith.addf %parallel_loop3A_327, %parallel_loop3A_396 : vector<16xf32>
        %parallel_loop3A_398 = arith.constant 32 : i32
        %parallel_loop3A_399 = arith.addi %parallel_loop3A_325, %parallel_loop3A_398 : i32
        %parallel_loop3A_400 = arith.constant 0 : i32
        %parallel_loop3A_401 = arith.constant 0 : i32
        %parallel_loop3A_402 = tpu.memref_slice %arg6[%scan3A_259, %parallel_loop3A_400, %parallel_loop3A_401] : memref<3x16x1024xf32, #tpu.memory_space<vmem>> -> memref<1x16x1024xf32, #tpu.memory_space<vmem>>
        %parallel_loop3A_403 = tpu.memref_squeeze %parallel_loop3A_402 : memref<1x16x1024xf32, #tpu.memory_space<vmem>> -> memref<16x1024xf32, #tpu.memory_space<vmem>>
        %parallel_loop3A_404 = arith.index_cast %scan3A_313 : i32 to index
        %parallel_loop3A_405 = arith.index_cast %parallel_loop3A_399 : i32 to index
        %parallel_loop3A_406 = tpu.vector_load %parallel_loop3A_403[%parallel_loop3A_404, %parallel_loop3A_405] {strides = array<i32>} : memref<16x1024xf32, #tpu.memory_space<vmem>>, vector<1x16xf32>,
        %parallel_loop3A_407 = vector.shape_cast %parallel_loop3A_406 : vector<1x16xf32> to vector<16xf32>
        %parallel_loop3A_408 = arith.constant 32 : i32
        %parallel_loop3A_409 = arith.addi %parallel_loop3A_325, %parallel_loop3A_408 : i32
        %parallel_loop3A_410 = arith.constant 0 : i32
        %parallel_loop3A_411 = arith.constant 0 : i32
        %parallel_loop3A_412 = tpu.memref_slice %arg7[%scan3A_260, %parallel_loop3A_410, %parallel_loop3A_411] : memref<3x16x1024xf32, #tpu.memory_space<vmem>> -> memref<1x16x1024xf32, #tpu.memory_space<vmem>>
        %parallel_loop3A_413 = tpu.memref_squeeze %parallel_loop3A_412 : memref<1x16x1024xf32, #tpu.memory_space<vmem>> -> memref<16x1024xf32, #tpu.memory_space<vmem>>
        %parallel_loop3A_414 = arith.index_cast %scan3A_313 : i32 to index
        %parallel_loop3A_415 = arith.index_cast %parallel_loop3A_409 : i32 to index
        %parallel_loop3A_416 = tpu.vector_load %parallel_loop3A_413[%parallel_loop3A_414, %parallel_loop3A_415] {strides = array<i32>} : memref<16x1024xf32, #tpu.memory_space<vmem>>, vector<1x16xf32>,
        %parallel_loop3A_417 = vector.shape_cast %parallel_loop3A_416 : vector<1x16xf32> to vector<16xf32>
        %parallel_loop3A_418 = arith.subf %parallel_loop3A_407, %parallel_loop3A_417 : vector<16xf32>
        %parallel_loop3A_419 = arith.cmpf oge, %parallel_loop3A_417, %get3A_8 : vector<16xf32>
        %parallel_loop3A_420 = arith.select %parallel_loop3A_419, %get3A_33, %get3A_28 : vector<16xi1>, vector<16xf32>
        %parallel_loop3A_421 = arith.cmpf oge, %parallel_loop3A_417, %get3A_13 : vector<16xf32>
        %parallel_loop3A_422 = arith.select %parallel_loop3A_421, %get3A_38, %parallel_loop3A_420 : vector<16xi1>, vector<16xf32>
        %parallel_loop3A_423 = arith.cmpf oge, %parallel_loop3A_417, %get3A_18 : vector<16xf32>
        %parallel_loop3A_424 = arith.select %parallel_loop3A_423, %get3A_43, %parallel_loop3A_422 : vector<16xi1>, vector<16xf32>
        %parallel_loop3A_425 = arith.cmpf oge, %parallel_loop3A_417, %get3A_23 : vector<16xf32>
        %parallel_loop3A_426 = arith.select %parallel_loop3A_425, %get3A_48, %parallel_loop3A_424 : vector<16xi1>, vector<16xf32>
        %parallel_loop3A_427 = arith.mulf %parallel_loop3A_418, %parallel_loop3A_418 : vector<16xf32>
        %parallel_loop3A_428 = arith.mulf %parallel_loop3A_426, %parallel_loop3A_427 : vector<16xf32>
        %parallel_loop3A_429 = arith.addf %parallel_loop3A_328, %parallel_loop3A_428 : vector<16xf32>
        %parallel_loop3A_430 = arith.constant 48 : i32
        %parallel_loop3A_431 = arith.addi %parallel_loop3A_325, %parallel_loop3A_430 : i32
        %parallel_loop3A_432 = arith.constant 0 : i32
        %parallel_loop3A_433 = arith.constant 0 : i32
        %parallel_loop3A_434 = tpu.memref_slice %arg6[%scan3A_259, %parallel_loop3A_432, %parallel_loop3A_433] : memref<3x16x1024xf32, #tpu.memory_space<vmem>> -> memref<1x16x1024xf32, #tpu.memory_space<vmem>>
        %parallel_loop3A_435 = tpu.memref_squeeze %parallel_loop3A_434 : memref<1x16x1024xf32, #tpu.memory_space<vmem>> -> memref<16x1024xf32, #tpu.memory_space<vmem>>
        %parallel_loop3A_436 = arith.index_cast %scan3A_313 : i32 to index
        %parallel_loop3A_437 = arith.index_cast %parallel_loop3A_431 : i32 to index
        %parallel_loop3A_438 = tpu.vector_load %parallel_loop3A_435[%parallel_loop3A_436, %parallel_loop3A_437] {strides = array<i32>} : memref<16x1024xf32, #tpu.memory_space<vmem>>, vector<1x16xf32>,
        %parallel_loop3A_439 = vector.shape_cast %parallel_loop3A_438 : vector<1x16xf32> to vector<16xf32>
        %parallel_loop3A_440 = arith.constant 48 : i32
        %parallel_loop3A_441 = arith.addi %parallel_loop3A_325, %parallel_loop3A_440 : i32
        %parallel_loop3A_442 = arith.constant 0 : i32
        %parallel_loop3A_443 = arith.constant 0 : i32
        %parallel_loop3A_444 = tpu.memref_slice %arg7[%scan3A_260, %parallel_loop3A_442, %parallel_loop3A_443] : memref<3x16x1024xf32, #tpu.memory_space<vmem>> -> memref<1x16x1024xf32, #tpu.memory_space<vmem>>
        %parallel_loop3A_445 = tpu.memref_squeeze %parallel_loop3A_444 : memref<1x16x1024xf32, #tpu.memory_space<vmem>> -> memref<16x1024xf32, #tpu.memory_space<vmem>>
        %parallel_loop3A_446 = arith.index_cast %scan3A_313 : i32 to index
        %parallel_loop3A_447 = arith.index_cast %parallel_loop3A_441 : i32 to index
        %parallel_loop3A_448 = tpu.vector_load %parallel_loop3A_445[%parallel_loop3A_446, %parallel_loop3A_447] {strides = array<i32>} : memref<16x1024xf32, #tpu.memory_space<vmem>>, vector<1x16xf32>,
        %parallel_loop3A_449 = vector.shape_cast %parallel_loop3A_448 : vector<1x16xf32> to vector<16xf32>
        %parallel_loop3A_450 = arith.subf %parallel_loop3A_439, %parallel_loop3A_449 : vector<16xf32>
        %parallel_loop3A_451 = arith.cmpf oge, %parallel_loop3A_449, %get3A_8 : vector<16xf32>
        %parallel_loop3A_452 = arith.select %parallel_loop3A_451, %get3A_33, %get3A_28 : vector<16xi1>, vector<16xf32>
        %parallel_loop3A_453 = arith.cmpf oge, %parallel_loop3A_449, %get3A_13 : vector<16xf32>
        %parallel_loop3A_454 = arith.select %parallel_loop3A_453, %get3A_38, %parallel_loop3A_452 : vector<16xi1>, vector<16xf32>
        %parallel_loop3A_455 = arith.cmpf oge, %parallel_loop3A_449, %get3A_18 : vector<16xf32>
        %parallel_loop3A_456 = arith.select %parallel_loop3A_455, %get3A_43, %parallel_loop3A_454 : vector<16xi1>, vector<16xf32>
        %parallel_loop3A_457 = arith.cmpf oge, %parallel_loop3A_449, %get3A_23 : vector<16xf32>
        %parallel_loop3A_458 = arith.select %parallel_loop3A_457, %get3A_48, %parallel_loop3A_456 : vector<16xi1>, vector<16xf32>
        %parallel_loop3A_459 = arith.mulf %parallel_loop3A_450, %parallel_loop3A_450 : vector<16xf32>
        %parallel_loop3A_460 = arith.mulf %parallel_loop3A_458, %parallel_loop3A_459 : vector<16xf32>
        %parallel_loop3A_461 = arith.addf %parallel_loop3A_329, %parallel_loop3A_460 : vector<16xf32>
        %parallel_loop3A_462 = arith.constant 64 : i32
        %parallel_loop3A_463 = arith.addi %parallel_loop3A_325, %parallel_loop3A_462 : i32
        %parallel_loop3A_464 = arith.constant 0 : i32
        %parallel_loop3A_465 = arith.constant 0 : i32
        %parallel_loop3A_466 = tpu.memref_slice %arg6[%scan3A_259, %parallel_loop3A_464, %parallel_loop3A_465] : memref<3x16x1024xf32, #tpu.memory_space<vmem>> -> memref<1x16x1024xf32, #tpu.memory_space<vmem>>
        %parallel_loop3A_467 = tpu.memref_squeeze %parallel_loop3A_466 : memref<1x16x1024xf32, #tpu.memory_space<vmem>> -> memref<16x1024xf32, #tpu.memory_space<vmem>>
        %parallel_loop3A_468 = arith.index_cast %scan3A_313 : i32 to index
        %parallel_loop3A_469 = arith.index_cast %parallel_loop3A_463 : i32 to index
        %parallel_loop3A_470 = tpu.vector_load %parallel_loop3A_467[%parallel_loop3A_468, %parallel_loop3A_469] {strides = array<i32>} : memref<16x1024xf32, #tpu.memory_space<vmem>>, vector<1x16xf32>,
        %parallel_loop3A_471 = vector.shape_cast %parallel_loop3A_470 : vector<1x16xf32> to vector<16xf32>
        %parallel_loop3A_472 = arith.constant 64 : i32
        %parallel_loop3A_473 = arith.addi %parallel_loop3A_325, %parallel_loop3A_472 : i32
        %parallel_loop3A_474 = arith.constant 0 : i32
        %parallel_loop3A_475 = arith.constant 0 : i32
        %parallel_loop3A_476 = tpu.memref_slice %arg7[%scan3A_260, %parallel_loop3A_474, %parallel_loop3A_475] : memref<3x16x1024xf32, #tpu.memory_space<vmem>> -> memref<1x16x1024xf32, #tpu.memory_space<vmem>>
        %parallel_loop3A_477 = tpu.memref_squeeze %parallel_loop3A_476 : memref<1x16x1024xf32, #tpu.memory_space<vmem>> -> memref<16x1024xf32, #tpu.memory_space<vmem>>
        %parallel_loop3A_478 = arith.index_cast %scan3A_313 : i32 to index
        %parallel_loop3A_479 = arith.index_cast %parallel_loop3A_473 : i32 to index
        %parallel_loop3A_480 = tpu.vector_load %parallel_loop3A_477[%parallel_loop3A_478, %parallel_loop3A_479] {strides = array<i32>} : memref<16x1024xf32, #tpu.memory_space<vmem>>, vector<1x16xf32>,
        %parallel_loop3A_481 = vector.shape_cast %parallel_loop3A_480 : vector<1x16xf32> to vector<16xf32>
        %parallel_loop3A_482 = arith.subf %parallel_loop3A_471, %parallel_loop3A_481 : vector<16xf32>
        %parallel_loop3A_483 = arith.cmpf oge, %parallel_loop3A_481, %get3A_8 : vector<16xf32>
        %parallel_loop3A_484 = arith.select %parallel_loop3A_483, %get3A_33, %get3A_28 : vector<16xi1>, vector<16xf32>
        %parallel_loop3A_485 = arith.cmpf oge, %parallel_loop3A_481, %get3A_13 : vector<16xf32>
        %parallel_loop3A_486 = arith.select %parallel_loop3A_485, %get3A_38, %parallel_loop3A_484 : vector<16xi1>, vector<16xf32>
        %parallel_loop3A_487 = arith.cmpf oge, %parallel_loop3A_481, %get3A_18 : vector<16xf32>
        %parallel_loop3A_488 = arith.select %parallel_loop3A_487, %get3A_43, %parallel_loop3A_486 : vector<16xi1>, vector<16xf32>
        %parallel_loop3A_489 = arith.cmpf oge, %parallel_loop3A_481, %get3A_23 : vector<16xf32>
        %parallel_loop3A_490 = arith.select %parallel_loop3A_489, %get3A_48, %parallel_loop3A_488 : vector<16xi1>, vector<16xf32>
        %parallel_loop3A_491 = arith.mulf %parallel_loop3A_482, %parallel_loop3A_482 : vector<16xf32>
        %parallel_loop3A_492 = arith.mulf %parallel_loop3A_490, %parallel_loop3A_491 : vector<16xf32>
        %parallel_loop3A_493 = arith.addf %parallel_loop3A_330, %parallel_loop3A_492 : vector<16xf32>
        %parallel_loop3A_494 = arith.constant 80 : i32
        %parallel_loop3A_495 = arith.addi %parallel_loop3A_325, %parallel_loop3A_494 : i32
        %parallel_loop3A_496 = arith.constant 0 : i32
        %parallel_loop3A_497 = arith.constant 0 : i32
        %parallel_loop3A_498 = tpu.memref_slice %arg6[%scan3A_259, %parallel_loop3A_496, %parallel_loop3A_497] : memref<3x16x1024xf32, #tpu.memory_space<vmem>> -> memref<1x16x1024xf32, #tpu.memory_space<vmem>>
        %parallel_loop3A_499 = tpu.memref_squeeze %parallel_loop3A_498 : memref<1x16x1024xf32, #tpu.memory_space<vmem>> -> memref<16x1024xf32, #tpu.memory_space<vmem>>
        %parallel_loop3A_500 = arith.index_cast %scan3A_313 : i32 to index
        %parallel_loop3A_501 = arith.index_cast %parallel_loop3A_495 : i32 to index
        %parallel_loop3A_502 = tpu.vector_load %parallel_loop3A_499[%parallel_loop3A_500, %parallel_loop3A_501] {strides = array<i32>} : memref<16x1024xf32, #tpu.memory_space<vmem>>, vector<1x16xf32>,
        %parallel_loop3A_503 = vector.shape_cast %parallel_loop3A_502 : vector<1x16xf32> to vector<16xf32>
        %parallel_loop3A_504 = arith.constant 80 : i32
        %parallel_loop3A_505 = arith.addi %parallel_loop3A_325, %parallel_loop3A_504 : i32
        %parallel_loop3A_506 = arith.constant 0 : i32
        %parallel_loop3A_507 = arith.constant 0 : i32
        %parallel_loop3A_508 = tpu.memref_slice %arg7[%scan3A_260, %parallel_loop3A_506, %parallel_loop3A_507] : memref<3x16x1024xf32, #tpu.memory_space<vmem>> -> memref<1x16x1024xf32, #tpu.memory_space<vmem>>
        %parallel_loop3A_509 = tpu.memref_squeeze %parallel_loop3A_508 : memref<1x16x1024xf32, #tpu.memory_space<vmem>> -> memref<16x1024xf32, #tpu.memory_space<vmem>>
        %parallel_loop3A_510 = arith.index_cast %scan3A_313 : i32 to index
        %parallel_loop3A_511 = arith.index_cast %parallel_loop3A_505 : i32 to index
        %parallel_loop3A_512 = tpu.vector_load %parallel_loop3A_509[%parallel_loop3A_510, %parallel_loop3A_511] {strides = array<i32>} : memref<16x1024xf32, #tpu.memory_space<vmem>>, vector<1x16xf32>,
        %parallel_loop3A_513 = vector.shape_cast %parallel_loop3A_512 : vector<1x16xf32> to vector<16xf32>
        %parallel_loop3A_514 = arith.subf %parallel_loop3A_503, %parallel_loop3A_513 : vector<16xf32>
        %parallel_loop3A_515 = arith.cmpf oge, %parallel_loop3A_513, %get3A_8 : vector<16xf32>
        %parallel_loop3A_516 = arith.select %parallel_loop3A_515, %get3A_33, %get3A_28 : vector<16xi1>, vector<16xf32>
        %parallel_loop3A_517 = arith.cmpf oge, %parallel_loop3A_513, %get3A_13 : vector<16xf32>
        %parallel_loop3A_518 = arith.select %parallel_loop3A_517, %get3A_38, %parallel_loop3A_516 : vector<16xi1>, vector<16xf32>
        %parallel_loop3A_519 = arith.cmpf oge, %parallel_loop3A_513, %get3A_18 : vector<16xf32>
        %parallel_loop3A_520 = arith.select %parallel_loop3A_519, %get3A_43, %parallel_loop3A_518 : vector<16xi1>, vector<16xf32>
        %parallel_loop3A_521 = arith.cmpf oge, %parallel_loop3A_513, %get3A_23 : vector<16xf32>
        %parallel_loop3A_522 = arith.select %parallel_loop3A_521, %get3A_48, %parallel_loop3A_520 : vector<16xi1>, vector<16xf32>
        %parallel_loop3A_523 = arith.mulf %parallel_loop3A_514, %parallel_loop3A_514 : vector<16xf32>
        %parallel_loop3A_524 = arith.mulf %parallel_loop3A_522, %parallel_loop3A_523 : vector<16xf32>
        %parallel_loop3A_525 = arith.addf %parallel_loop3A_331, %parallel_loop3A_524 : vector<16xf32>
        %parallel_loop3A_526 = arith.constant 96 : i32
        %parallel_loop3A_527 = arith.addi %parallel_loop3A_325, %parallel_loop3A_526 : i32
        %parallel_loop3A_528 = arith.constant 0 : i32
        %parallel_loop3A_529 = arith.constant 0 : i32
        %parallel_loop3A_530 = tpu.memref_slice %arg6[%scan3A_259, %parallel_loop3A_528, %parallel_loop3A_529] : memref<3x16x1024xf32, #tpu.memory_space<vmem>> -> memref<1x16x1024xf32, #tpu.memory_space<vmem>>
        %parallel_loop3A_531 = tpu.memref_squeeze %parallel_loop3A_530 : memref<1x16x1024xf32, #tpu.memory_space<vmem>> -> memref<16x1024xf32, #tpu.memory_space<vmem>>
        %parallel_loop3A_532 = arith.index_cast %scan3A_313 : i32 to index
        %parallel_loop3A_533 = arith.index_cast %parallel_loop3A_527 : i32 to index
        %parallel_loop3A_534 = tpu.vector_load %parallel_loop3A_531[%parallel_loop3A_532, %parallel_loop3A_533] {strides = array<i32>} : memref<16x1024xf32, #tpu.memory_space<vmem>>, vector<1x16xf32>,
        %parallel_loop3A_535 = vector.shape_cast %parallel_loop3A_534 : vector<1x16xf32> to vector<16xf32>
        %parallel_loop3A_536 = arith.constant 96 : i32
        %parallel_loop3A_537 = arith.addi %parallel_loop3A_325, %parallel_loop3A_536 : i32
        %parallel_loop3A_538 = arith.constant 0 : i32
        %parallel_loop3A_539 = arith.constant 0 : i32
        %parallel_loop3A_540 = tpu.memref_slice %arg7[%scan3A_260, %parallel_loop3A_538, %parallel_loop3A_539] : memref<3x16x1024xf32, #tpu.memory_space<vmem>> -> memref<1x16x1024xf32, #tpu.memory_space<vmem>>
        %parallel_loop3A_541 = tpu.memref_squeeze %parallel_loop3A_540 : memref<1x16x1024xf32, #tpu.memory_space<vmem>> -> memref<16x1024xf32, #tpu.memory_space<vmem>>
        %parallel_loop3A_542 = arith.index_cast %scan3A_313 : i32 to index
        %parallel_loop3A_543 = arith.index_cast %parallel_loop3A_537 : i32 to index
        %parallel_loop3A_544 = tpu.vector_load %parallel_loop3A_541[%parallel_loop3A_542, %parallel_loop3A_543] {strides = array<i32>} : memref<16x1024xf32, #tpu.memory_space<vmem>>, vector<1x16xf32>,
        %parallel_loop3A_545 = vector.shape_cast %parallel_loop3A_544 : vector<1x16xf32> to vector<16xf32>
        %parallel_loop3A_546 = arith.subf %parallel_loop3A_535, %parallel_loop3A_545 : vector<16xf32>
        %parallel_loop3A_547 = arith.cmpf oge, %parallel_loop3A_545, %get3A_8 : vector<16xf32>
        %parallel_loop3A_548 = arith.select %parallel_loop3A_547, %get3A_33, %get3A_28 : vector<16xi1>, vector<16xf32>
        %parallel_loop3A_549 = arith.cmpf oge, %parallel_loop3A_545, %get3A_13 : vector<16xf32>
        %parallel_loop3A_550 = arith.select %parallel_loop3A_549, %get3A_38, %parallel_loop3A_548 : vector<16xi1>, vector<16xf32>
        %parallel_loop3A_551 = arith.cmpf oge, %parallel_loop3A_545, %get3A_18 : vector<16xf32>
        %parallel_loop3A_552 = arith.select %parallel_loop3A_551, %get3A_43, %parallel_loop3A_550 : vector<16xi1>, vector<16xf32>
        %parallel_loop3A_553 = arith.cmpf oge, %parallel_loop3A_545, %get3A_23 : vector<16xf32>
        %parallel_loop3A_554 = arith.select %parallel_loop3A_553, %get3A_48, %parallel_loop3A_552 : vector<16xi1>, vector<16xf32>
        %parallel_loop3A_555 = arith.mulf %parallel_loop3A_546, %parallel_loop3A_546 : vector<16xf32>
        %parallel_loop3A_556 = arith.mulf %parallel_loop3A_554, %parallel_loop3A_555 : vector<16xf32>
        %parallel_loop3A_557 = arith.addf %parallel_loop3A_332, %parallel_loop3A_556 : vector<16xf32>
        %parallel_loop3A_558 = arith.constant 112 : i32
        %parallel_loop3A_559 = arith.addi %parallel_loop3A_325, %parallel_loop3A_558 : i32
        %parallel_loop3A_560 = arith.constant 0 : i32
        %parallel_loop3A_561 = arith.constant 0 : i32
        %parallel_loop3A_562 = tpu.memref_slice %arg6[%scan3A_259, %parallel_loop3A_560, %parallel_loop3A_561] : memref<3x16x1024xf32, #tpu.memory_space<vmem>> -> memref<1x16x1024xf32, #tpu.memory_space<vmem>>
        %parallel_loop3A_563 = tpu.memref_squeeze %parallel_loop3A_562 : memref<1x16x1024xf32, #tpu.memory_space<vmem>> -> memref<16x1024xf32, #tpu.memory_space<vmem>>
        %parallel_loop3A_564 = arith.index_cast %scan3A_313 : i32 to index
        %parallel_loop3A_565 = arith.index_cast %parallel_loop3A_559 : i32 to index
        %parallel_loop3A_566 = tpu.vector_load %parallel_loop3A_563[%parallel_loop3A_564, %parallel_loop3A_565] {strides = array<i32>} : memref<16x1024xf32, #tpu.memory_space<vmem>>, vector<1x16xf32>,
        %parallel_loop3A_567 = vector.shape_cast %parallel_loop3A_566 : vector<1x16xf32> to vector<16xf32>
        %parallel_loop3A_568 = arith.constant 112 : i32
        %parallel_loop3A_569 = arith.addi %parallel_loop3A_325, %parallel_loop3A_568 : i32
        %parallel_loop3A_570 = arith.constant 0 : i32
        %parallel_loop3A_571 = arith.constant 0 : i32
        %parallel_loop3A_572 = tpu.memref_slice %arg7[%scan3A_260, %parallel_loop3A_570, %parallel_loop3A_571] : memref<3x16x1024xf32, #tpu.memory_space<vmem>> -> memref<1x16x1024xf32, #tpu.memory_space<vmem>>
        %parallel_loop3A_573 = tpu.memref_squeeze %parallel_loop3A_572 : memref<1x16x1024xf32, #tpu.memory_space<vmem>> -> memref<16x1024xf32, #tpu.memory_space<vmem>>
        %parallel_loop3A_574 = arith.index_cast %scan3A_313 : i32 to index
        %parallel_loop3A_575 = arith.index_cast %parallel_loop3A_569 : i32 to index
        %parallel_loop3A_576 = tpu.vector_load %parallel_loop3A_573[%parallel_loop3A_574, %parallel_loop3A_575] {strides = array<i32>} : memref<16x1024xf32, #tpu.memory_space<vmem>>, vector<1x16xf32>,
        %parallel_loop3A_577 = vector.shape_cast %parallel_loop3A_576 : vector<1x16xf32> to vector<16xf32>
        %parallel_loop3A_578 = arith.subf %parallel_loop3A_567, %parallel_loop3A_577 : vector<16xf32>
        %parallel_loop3A_579 = arith.cmpf oge, %parallel_loop3A_577, %get3A_8 : vector<16xf32>
        %parallel_loop3A_580 = arith.select %parallel_loop3A_579, %get3A_33, %get3A_28 : vector<16xi1>, vector<16xf32>
        %parallel_loop3A_581 = arith.cmpf oge, %parallel_loop3A_577, %get3A_13 : vector<16xf32>
        %parallel_loop3A_582 = arith.select %parallel_loop3A_581, %get3A_38, %parallel_loop3A_580 : vector<16xi1>, vector<16xf32>
        %parallel_loop3A_583 = arith.cmpf oge, %parallel_loop3A_577, %get3A_18 : vector<16xf32>
        %parallel_loop3A_584 = arith.select %parallel_loop3A_583, %get3A_43, %parallel_loop3A_582 : vector<16xi1>, vector<16xf32>
        %parallel_loop3A_585 = arith.cmpf oge, %parallel_loop3A_577, %get3A_23 : vector<16xf32>
        %parallel_loop3A_586 = arith.select %parallel_loop3A_585, %get3A_48, %parallel_loop3A_584 : vector<16xi1>, vector<16xf32>
        %parallel_loop3A_587 = arith.mulf %parallel_loop3A_578, %parallel_loop3A_578 : vector<16xf32>
        %parallel_loop3A_588 = arith.mulf %parallel_loop3A_586, %parallel_loop3A_587 : vector<16xf32>
        %parallel_loop3A_589 = arith.addf %parallel_loop3A_333, %parallel_loop3A_588 : vector<16xf32>
        scf.yield %parallel_loop3A_365, %parallel_loop3A_397, %parallel_loop3A_429, %parallel_loop3A_461, %parallel_loop3A_493, %parallel_loop3A_525, %parallel_loop3A_557, %parallel_loop3A_589 : vector<16xf32>, vector<16xf32>, vector<16xf32>, vector<16xf32>, vector<16xf32>, vector<16xf32>, vector<16xf32>, vector<16xf32>
      } {sc.loop_unroll_factor = 2 : i64, sc.parallel_access}
      scf.yield %parallel_loop3A_324#0, %parallel_loop3A_324#1, %parallel_loop3A_324#2, %parallel_loop3A_324#3, %parallel_loop3A_324#4, %parallel_loop3A_324#5, %parallel_loop3A_324#6, %parallel_loop3A_324#7 : vector<16xf32>, vector<16xf32>, vector<16xf32>, vector<16xf32>, vector<16xf32>, vector<16xf32>, vector<16xf32>, vector<16xf32>
    }
    %scan3A_266 = arith.constant 16 : i32
    %dma_wait3A_267 = arith.constant 0 : i32
    %dma_wait3A_268 = arith.constant 0 : i32
    %dma_wait3A_269 = arith.constant 0 : i32
    %dma_wait3A_270 = tpu.memref_slice %arg6[%dma_wait3A_267, %dma_wait3A_268, %dma_wait3A_269] : memref<3x16x1024xf32, #tpu.memory_space<vmem>> -> memref<1x16x1024xf32, #tpu.memory_space<vmem>>
    %dma_wait3A_271 = tpu.memref_squeeze %dma_wait3A_270 : memref<1x16x1024xf32, #tpu.memory_space<vmem>> -> memref<16x1024xf32, #tpu.memory_space<vmem>>
    %dma_wait3A_272 = arith.constant 0 : i32
    %dma_wait3A_273 = tpu.memref_slice %arg2[%add3A_4, %dma_wait3A_272] : memref<32768x1024xf32, #tpu.memory_space<hbm>> -> memref<16x1024xf32, #tpu.memory_space<hbm>>
    %dma_wait3A_274 = arith.constant 0 : i32
    %dma_wait3A_275 = arith.constant 0 : i32
    %dma_wait3A_276 = tpu.memref_slice %arg6[%dma_wait3A_267, %dma_wait3A_274, %dma_wait3A_275] : memref<3x16x1024xf32, #tpu.memory_space<vmem>> -> memref<1x16x1024xf32, #tpu.memory_space<vmem>>
    %dma_wait3A_277 = tpu.memref_squeeze %dma_wait3A_276 : memref<1x16x1024xf32, #tpu.memory_space<vmem>> -> memref<16x1024xf32, #tpu.memory_space<vmem>>
    %dma_wait3A_278 = arith.constant 0 : i32
    %dma_wait3A_279 = tpu.memref_slice %arg2[%add3A_4, %dma_wait3A_278] : memref<32768x1024xf32, #tpu.memory_space<hbm>> -> memref<16x1024xf32, #tpu.memory_space<hbm>>
    tpu.wait_dma2 semaphore(%arg10 : memref<!tpu.dma_semaphore, #tpu.memory_space<semaphore_mem>>) src(%dma_wait3A_279 : memref<16x1024xf32, #tpu.memory_space<hbm>>) dst(%dma_wait3A_277 : memref<16x1024xf32, #tpu.memory_space<vmem>>)
    %dma_wait3A_280 = arith.constant 0 : i32
    %dma_wait3A_281 = arith.constant 0 : i32
    %dma_wait3A_282 = arith.constant 0 : i32
    %dma_wait3A_283 = tpu.memref_slice %arg7[%dma_wait3A_280, %dma_wait3A_281, %dma_wait3A_282] : memref<3x16x1024xf32, #tpu.memory_space<vmem>> -> memref<1x16x1024xf32, #tpu.memory_space<vmem>>
    %dma_wait3A_284 = tpu.memref_squeeze %dma_wait3A_283 : memref<1x16x1024xf32, #tpu.memory_space<vmem>> -> memref<16x1024xf32, #tpu.memory_space<vmem>>
    %dma_wait3A_285 = arith.constant 0 : i32
    %dma_wait3A_286 = tpu.memref_slice %arg3[%add3A_4, %dma_wait3A_285] : memref<32768x1024xf32, #tpu.memory_space<hbm>> -> memref<16x1024xf32, #tpu.memory_space<hbm>>
    %dma_wait3A_287 = arith.constant 0 : i32
    %dma_wait3A_288 = arith.constant 0 : i32
    %dma_wait3A_289 = tpu.memref_slice %arg7[%dma_wait3A_280, %dma_wait3A_287, %dma_wait3A_288] : memref<3x16x1024xf32, #tpu.memory_space<vmem>> -> memref<1x16x1024xf32, #tpu.memory_space<vmem>>
    %dma_wait3A_290 = tpu.memref_squeeze %dma_wait3A_289 : memref<1x16x1024xf32, #tpu.memory_space<vmem>> -> memref<16x1024xf32, #tpu.memory_space<vmem>>
    %dma_wait3A_291 = arith.constant 0 : i32
    %dma_wait3A_292 = tpu.memref_slice %arg3[%add3A_4, %dma_wait3A_291] : memref<32768x1024xf32, #tpu.memory_space<hbm>> -> memref<16x1024xf32, #tpu.memory_space<hbm>>
    tpu.wait_dma2 semaphore(%arg10 : memref<!tpu.dma_semaphore, #tpu.memory_space<semaphore_mem>>) src(%dma_wait3A_292 : memref<16x1024xf32, #tpu.memory_space<hbm>>) dst(%dma_wait3A_290 : memref<16x1024xf32, #tpu.memory_space<vmem>>)
    %scan3A_293 = arith.constant 0 : i32
    %scan3A_294 = arith.constant 0 : i32
    %scan3A_295 = arith.constant 0 : i32
    %scan3A_296 = arith.constant 16 : i32
    %scan3A_297 = arith.addi %scan3A_295, %scan3A_296 : i32
    %scan3A_298 = arith.constant 1 : i32
    %scan3A_299:8 = scf.for %scan3A_313 = %scan3A_295 to %scan3A_297 step %scan3A_298 iter_args(%scan3A_314 = %scan3A_265#0, %scan3A_315 = %scan3A_265#1, %scan3A_316 = %scan3A_265#2, %scan3A_317 = %scan3A_265#3, %scan3A_318 = %scan3A_265#4, %scan3A_319 = %scan3A_265#5, %scan3A_320 = %scan3A_265#6, %scan3A_321 = %scan3A_265#7) -> (vector<16xf32>, vector<16xf32>, vector<16xf32>, vector<16xf32>, vector<16xf32>, vector<16xf32>, vector<16xf32>, vector<16xf32>)  : i32 {
      %parallel_loop3A = arith.constant 0 : i32
      %parallel_loop3A_322 = arith.constant 1024 : i32
      %parallel_loop3A_323 = arith.constant 128 : i32
      %parallel_loop3A_324:8 = scf.for %parallel_loop3A_325 = %parallel_loop3A to %parallel_loop3A_322 step %parallel_loop3A_323 iter_args(%parallel_loop3A_326 = %scan3A_314, %parallel_loop3A_327 = %scan3A_315, %parallel_loop3A_328 = %scan3A_316, %parallel_loop3A_329 = %scan3A_317, %parallel_loop3A_330 = %scan3A_318, %parallel_loop3A_331 = %scan3A_319, %parallel_loop3A_332 = %scan3A_320, %parallel_loop3A_333 = %scan3A_321) -> (vector<16xf32>, vector<16xf32>, vector<16xf32>, vector<16xf32>, vector<16xf32>, vector<16xf32>, vector<16xf32>, vector<16xf32>)  : i32 {
        %parallel_loop3A_334 = arith.constant 0 : i32
        %parallel_loop3A_335 = arith.addi %parallel_loop3A_325, %parallel_loop3A_334 : i32
        %parallel_loop3A_336 = arith.constant 0 : i32
        %parallel_loop3A_337 = arith.constant 0 : i32
        %parallel_loop3A_338 = tpu.memref_slice %arg6[%scan3A_293, %parallel_loop3A_336, %parallel_loop3A_337] : memref<3x16x1024xf32, #tpu.memory_space<vmem>> -> memref<1x16x1024xf32, #tpu.memory_space<vmem>>
        %parallel_loop3A_339 = tpu.memref_squeeze %parallel_loop3A_338 : memref<1x16x1024xf32, #tpu.memory_space<vmem>> -> memref<16x1024xf32, #tpu.memory_space<vmem>>
        %parallel_loop3A_340 = arith.index_cast %scan3A_313 : i32 to index
        %parallel_loop3A_341 = arith.index_cast %parallel_loop3A_335 : i32 to index
        %parallel_loop3A_342 = tpu.vector_load %parallel_loop3A_339[%parallel_loop3A_340, %parallel_loop3A_341] {strides = array<i32>} : memref<16x1024xf32, #tpu.memory_space<vmem>>, vector<1x16xf32>,
        %parallel_loop3A_343 = vector.shape_cast %parallel_loop3A_342 : vector<1x16xf32> to vector<16xf32>
        %parallel_loop3A_344 = arith.constant 0 : i32
        %parallel_loop3A_345 = arith.addi %parallel_loop3A_325, %parallel_loop3A_344 : i32
        %parallel_loop3A_346 = arith.constant 0 : i32
        %parallel_loop3A_347 = arith.constant 0 : i32
        %parallel_loop3A_348 = tpu.memref_slice %arg7[%scan3A_294, %parallel_loop3A_346, %parallel_loop3A_347] : memref<3x16x1024xf32, #tpu.memory_space<vmem>> -> memref<1x16x1024xf32, #tpu.memory_space<vmem>>
        %parallel_loop3A_349 = tpu.memref_squeeze %parallel_loop3A_348 : memref<1x16x1024xf32, #tpu.memory_space<vmem>> -> memref<16x1024xf32, #tpu.memory_space<vmem>>
        %parallel_loop3A_350 = arith.index_cast %scan3A_313 : i32 to index
        %parallel_loop3A_351 = arith.index_cast %parallel_loop3A_345 : i32 to index
        %parallel_loop3A_352 = tpu.vector_load %parallel_loop3A_349[%parallel_loop3A_350, %parallel_loop3A_351] {strides = array<i32>} : memref<16x1024xf32, #tpu.memory_space<vmem>>, vector<1x16xf32>,
        %parallel_loop3A_353 = vector.shape_cast %parallel_loop3A_352 : vector<1x16xf32> to vector<16xf32>
        %parallel_loop3A_354 = arith.subf %parallel_loop3A_343, %parallel_loop3A_353 : vector<16xf32>
        %parallel_loop3A_355 = arith.cmpf oge, %parallel_loop3A_353, %get3A_8 : vector<16xf32>
        %parallel_loop3A_356 = arith.select %parallel_loop3A_355, %get3A_33, %get3A_28 : vector<16xi1>, vector<16xf32>
        %parallel_loop3A_357 = arith.cmpf oge, %parallel_loop3A_353, %get3A_13 : vector<16xf32>
        %parallel_loop3A_358 = arith.select %parallel_loop3A_357, %get3A_38, %parallel_loop3A_356 : vector<16xi1>, vector<16xf32>
        %parallel_loop3A_359 = arith.cmpf oge, %parallel_loop3A_353, %get3A_18 : vector<16xf32>
        %parallel_loop3A_360 = arith.select %parallel_loop3A_359, %get3A_43, %parallel_loop3A_358 : vector<16xi1>, vector<16xf32>
        %parallel_loop3A_361 = arith.cmpf oge, %parallel_loop3A_353, %get3A_23 : vector<16xf32>
        %parallel_loop3A_362 = arith.select %parallel_loop3A_361, %get3A_48, %parallel_loop3A_360 : vector<16xi1>, vector<16xf32>
        %parallel_loop3A_363 = arith.mulf %parallel_loop3A_354, %parallel_loop3A_354 : vector<16xf32>
        %parallel_loop3A_364 = arith.mulf %parallel_loop3A_362, %parallel_loop3A_363 : vector<16xf32>
        %parallel_loop3A_365 = arith.addf %parallel_loop3A_326, %parallel_loop3A_364 : vector<16xf32>
        %parallel_loop3A_366 = arith.constant 16 : i32
        %parallel_loop3A_367 = arith.addi %parallel_loop3A_325, %parallel_loop3A_366 : i32
        %parallel_loop3A_368 = arith.constant 0 : i32
        %parallel_loop3A_369 = arith.constant 0 : i32
        %parallel_loop3A_370 = tpu.memref_slice %arg6[%scan3A_293, %parallel_loop3A_368, %parallel_loop3A_369] : memref<3x16x1024xf32, #tpu.memory_space<vmem>> -> memref<1x16x1024xf32, #tpu.memory_space<vmem>>
        %parallel_loop3A_371 = tpu.memref_squeeze %parallel_loop3A_370 : memref<1x16x1024xf32, #tpu.memory_space<vmem>> -> memref<16x1024xf32, #tpu.memory_space<vmem>>
        %parallel_loop3A_372 = arith.index_cast %scan3A_313 : i32 to index
        %parallel_loop3A_373 = arith.index_cast %parallel_loop3A_367 : i32 to index
        %parallel_loop3A_374 = tpu.vector_load %parallel_loop3A_371[%parallel_loop3A_372, %parallel_loop3A_373] {strides = array<i32>} : memref<16x1024xf32, #tpu.memory_space<vmem>>, vector<1x16xf32>,
        %parallel_loop3A_375 = vector.shape_cast %parallel_loop3A_374 : vector<1x16xf32> to vector<16xf32>
        %parallel_loop3A_376 = arith.constant 16 : i32
        %parallel_loop3A_377 = arith.addi %parallel_loop3A_325, %parallel_loop3A_376 : i32
        %parallel_loop3A_378 = arith.constant 0 : i32
        %parallel_loop3A_379 = arith.constant 0 : i32
        %parallel_loop3A_380 = tpu.memref_slice %arg7[%scan3A_294, %parallel_loop3A_378, %parallel_loop3A_379] : memref<3x16x1024xf32, #tpu.memory_space<vmem>> -> memref<1x16x1024xf32, #tpu.memory_space<vmem>>
        %parallel_loop3A_381 = tpu.memref_squeeze %parallel_loop3A_380 : memref<1x16x1024xf32, #tpu.memory_space<vmem>> -> memref<16x1024xf32, #tpu.memory_space<vmem>>
        %parallel_loop3A_382 = arith.index_cast %scan3A_313 : i32 to index
        %parallel_loop3A_383 = arith.index_cast %parallel_loop3A_377 : i32 to index
        %parallel_loop3A_384 = tpu.vector_load %parallel_loop3A_381[%parallel_loop3A_382, %parallel_loop3A_383] {strides = array<i32>} : memref<16x1024xf32, #tpu.memory_space<vmem>>, vector<1x16xf32>,
        %parallel_loop3A_385 = vector.shape_cast %parallel_loop3A_384 : vector<1x16xf32> to vector<16xf32>
        %parallel_loop3A_386 = arith.subf %parallel_loop3A_375, %parallel_loop3A_385 : vector<16xf32>
        %parallel_loop3A_387 = arith.cmpf oge, %parallel_loop3A_385, %get3A_8 : vector<16xf32>
        %parallel_loop3A_388 = arith.select %parallel_loop3A_387, %get3A_33, %get3A_28 : vector<16xi1>, vector<16xf32>
        %parallel_loop3A_389 = arith.cmpf oge, %parallel_loop3A_385, %get3A_13 : vector<16xf32>
        %parallel_loop3A_390 = arith.select %parallel_loop3A_389, %get3A_38, %parallel_loop3A_388 : vector<16xi1>, vector<16xf32>
        %parallel_loop3A_391 = arith.cmpf oge, %parallel_loop3A_385, %get3A_18 : vector<16xf32>
        %parallel_loop3A_392 = arith.select %parallel_loop3A_391, %get3A_43, %parallel_loop3A_390 : vector<16xi1>, vector<16xf32>
        %parallel_loop3A_393 = arith.cmpf oge, %parallel_loop3A_385, %get3A_23 : vector<16xf32>
        %parallel_loop3A_394 = arith.select %parallel_loop3A_393, %get3A_48, %parallel_loop3A_392 : vector<16xi1>, vector<16xf32>
        %parallel_loop3A_395 = arith.mulf %parallel_loop3A_386, %parallel_loop3A_386 : vector<16xf32>
        %parallel_loop3A_396 = arith.mulf %parallel_loop3A_394, %parallel_loop3A_395 : vector<16xf32>
        %parallel_loop3A_397 = arith.addf %parallel_loop3A_327, %parallel_loop3A_396 : vector<16xf32>
        %parallel_loop3A_398 = arith.constant 32 : i32
        %parallel_loop3A_399 = arith.addi %parallel_loop3A_325, %parallel_loop3A_398 : i32
        %parallel_loop3A_400 = arith.constant 0 : i32
        %parallel_loop3A_401 = arith.constant 0 : i32
        %parallel_loop3A_402 = tpu.memref_slice %arg6[%scan3A_293, %parallel_loop3A_400, %parallel_loop3A_401] : memref<3x16x1024xf32, #tpu.memory_space<vmem>> -> memref<1x16x1024xf32, #tpu.memory_space<vmem>>
        %parallel_loop3A_403 = tpu.memref_squeeze %parallel_loop3A_402 : memref<1x16x1024xf32, #tpu.memory_space<vmem>> -> memref<16x1024xf32, #tpu.memory_space<vmem>>
        %parallel_loop3A_404 = arith.index_cast %scan3A_313 : i32 to index
        %parallel_loop3A_405 = arith.index_cast %parallel_loop3A_399 : i32 to index
        %parallel_loop3A_406 = tpu.vector_load %parallel_loop3A_403[%parallel_loop3A_404, %parallel_loop3A_405] {strides = array<i32>} : memref<16x1024xf32, #tpu.memory_space<vmem>>, vector<1x16xf32>,
        %parallel_loop3A_407 = vector.shape_cast %parallel_loop3A_406 : vector<1x16xf32> to vector<16xf32>
        %parallel_loop3A_408 = arith.constant 32 : i32
        %parallel_loop3A_409 = arith.addi %parallel_loop3A_325, %parallel_loop3A_408 : i32
        %parallel_loop3A_410 = arith.constant 0 : i32
        %parallel_loop3A_411 = arith.constant 0 : i32
        %parallel_loop3A_412 = tpu.memref_slice %arg7[%scan3A_294, %parallel_loop3A_410, %parallel_loop3A_411] : memref<3x16x1024xf32, #tpu.memory_space<vmem>> -> memref<1x16x1024xf32, #tpu.memory_space<vmem>>
        %parallel_loop3A_413 = tpu.memref_squeeze %parallel_loop3A_412 : memref<1x16x1024xf32, #tpu.memory_space<vmem>> -> memref<16x1024xf32, #tpu.memory_space<vmem>>
        %parallel_loop3A_414 = arith.index_cast %scan3A_313 : i32 to index
        %parallel_loop3A_415 = arith.index_cast %parallel_loop3A_409 : i32 to index
        %parallel_loop3A_416 = tpu.vector_load %parallel_loop3A_413[%parallel_loop3A_414, %parallel_loop3A_415] {strides = array<i32>} : memref<16x1024xf32, #tpu.memory_space<vmem>>, vector<1x16xf32>,
        %parallel_loop3A_417 = vector.shape_cast %parallel_loop3A_416 : vector<1x16xf32> to vector<16xf32>
        %parallel_loop3A_418 = arith.subf %parallel_loop3A_407, %parallel_loop3A_417 : vector<16xf32>
        %parallel_loop3A_419 = arith.cmpf oge, %parallel_loop3A_417, %get3A_8 : vector<16xf32>
        %parallel_loop3A_420 = arith.select %parallel_loop3A_419, %get3A_33, %get3A_28 : vector<16xi1>, vector<16xf32>
        %parallel_loop3A_421 = arith.cmpf oge, %parallel_loop3A_417, %get3A_13 : vector<16xf32>
        %parallel_loop3A_422 = arith.select %parallel_loop3A_421, %get3A_38, %parallel_loop3A_420 : vector<16xi1>, vector<16xf32>
        %parallel_loop3A_423 = arith.cmpf oge, %parallel_loop3A_417, %get3A_18 : vector<16xf32>
        %parallel_loop3A_424 = arith.select %parallel_loop3A_423, %get3A_43, %parallel_loop3A_422 : vector<16xi1>, vector<16xf32>
        %parallel_loop3A_425 = arith.cmpf oge, %parallel_loop3A_417, %get3A_23 : vector<16xf32>
        %parallel_loop3A_426 = arith.select %parallel_loop3A_425, %get3A_48, %parallel_loop3A_424 : vector<16xi1>, vector<16xf32>
        %parallel_loop3A_427 = arith.mulf %parallel_loop3A_418, %parallel_loop3A_418 : vector<16xf32>
        %parallel_loop3A_428 = arith.mulf %parallel_loop3A_426, %parallel_loop3A_427 : vector<16xf32>
        %parallel_loop3A_429 = arith.addf %parallel_loop3A_328, %parallel_loop3A_428 : vector<16xf32>
        %parallel_loop3A_430 = arith.constant 48 : i32
        %parallel_loop3A_431 = arith.addi %parallel_loop3A_325, %parallel_loop3A_430 : i32
        %parallel_loop3A_432 = arith.constant 0 : i32
        %parallel_loop3A_433 = arith.constant 0 : i32
        %parallel_loop3A_434 = tpu.memref_slice %arg6[%scan3A_293, %parallel_loop3A_432, %parallel_loop3A_433] : memref<3x16x1024xf32, #tpu.memory_space<vmem>> -> memref<1x16x1024xf32, #tpu.memory_space<vmem>>
        %parallel_loop3A_435 = tpu.memref_squeeze %parallel_loop3A_434 : memref<1x16x1024xf32, #tpu.memory_space<vmem>> -> memref<16x1024xf32, #tpu.memory_space<vmem>>
        %parallel_loop3A_436 = arith.index_cast %scan3A_313 : i32 to index
        %parallel_loop3A_437 = arith.index_cast %parallel_loop3A_431 : i32 to index
        %parallel_loop3A_438 = tpu.vector_load %parallel_loop3A_435[%parallel_loop3A_436, %parallel_loop3A_437] {strides = array<i32>} : memref<16x1024xf32, #tpu.memory_space<vmem>>, vector<1x16xf32>,
        %parallel_loop3A_439 = vector.shape_cast %parallel_loop3A_438 : vector<1x16xf32> to vector<16xf32>
        %parallel_loop3A_440 = arith.constant 48 : i32
        %parallel_loop3A_441 = arith.addi %parallel_loop3A_325, %parallel_loop3A_440 : i32
        %parallel_loop3A_442 = arith.constant 0 : i32
        %parallel_loop3A_443 = arith.constant 0 : i32
        %parallel_loop3A_444 = tpu.memref_slice %arg7[%scan3A_294, %parallel_loop3A_442, %parallel_loop3A_443] : memref<3x16x1024xf32, #tpu.memory_space<vmem>> -> memref<1x16x1024xf32, #tpu.memory_space<vmem>>
        %parallel_loop3A_445 = tpu.memref_squeeze %parallel_loop3A_444 : memref<1x16x1024xf32, #tpu.memory_space<vmem>> -> memref<16x1024xf32, #tpu.memory_space<vmem>>
        %parallel_loop3A_446 = arith.index_cast %scan3A_313 : i32 to index
        %parallel_loop3A_447 = arith.index_cast %parallel_loop3A_441 : i32 to index
        %parallel_loop3A_448 = tpu.vector_load %parallel_loop3A_445[%parallel_loop3A_446, %parallel_loop3A_447] {strides = array<i32>} : memref<16x1024xf32, #tpu.memory_space<vmem>>, vector<1x16xf32>,
        %parallel_loop3A_449 = vector.shape_cast %parallel_loop3A_448 : vector<1x16xf32> to vector<16xf32>
        %parallel_loop3A_450 = arith.subf %parallel_loop3A_439, %parallel_loop3A_449 : vector<16xf32>
        %parallel_loop3A_451 = arith.cmpf oge, %parallel_loop3A_449, %get3A_8 : vector<16xf32>
        %parallel_loop3A_452 = arith.select %parallel_loop3A_451, %get3A_33, %get3A_28 : vector<16xi1>, vector<16xf32>
        %parallel_loop3A_453 = arith.cmpf oge, %parallel_loop3A_449, %get3A_13 : vector<16xf32>
        %parallel_loop3A_454 = arith.select %parallel_loop3A_453, %get3A_38, %parallel_loop3A_452 : vector<16xi1>, vector<16xf32>
        %parallel_loop3A_455 = arith.cmpf oge, %parallel_loop3A_449, %get3A_18 : vector<16xf32>
        %parallel_loop3A_456 = arith.select %parallel_loop3A_455, %get3A_43, %parallel_loop3A_454 : vector<16xi1>, vector<16xf32>
        %parallel_loop3A_457 = arith.cmpf oge, %parallel_loop3A_449, %get3A_23 : vector<16xf32>
        %parallel_loop3A_458 = arith.select %parallel_loop3A_457, %get3A_48, %parallel_loop3A_456 : vector<16xi1>, vector<16xf32>
        %parallel_loop3A_459 = arith.mulf %parallel_loop3A_450, %parallel_loop3A_450 : vector<16xf32>
        %parallel_loop3A_460 = arith.mulf %parallel_loop3A_458, %parallel_loop3A_459 : vector<16xf32>
        %parallel_loop3A_461 = arith.addf %parallel_loop3A_329, %parallel_loop3A_460 : vector<16xf32>
        %parallel_loop3A_462 = arith.constant 64 : i32
        %parallel_loop3A_463 = arith.addi %parallel_loop3A_325, %parallel_loop3A_462 : i32
        %parallel_loop3A_464 = arith.constant 0 : i32
        %parallel_loop3A_465 = arith.constant 0 : i32
        %parallel_loop3A_466 = tpu.memref_slice %arg6[%scan3A_293, %parallel_loop3A_464, %parallel_loop3A_465] : memref<3x16x1024xf32, #tpu.memory_space<vmem>> -> memref<1x16x1024xf32, #tpu.memory_space<vmem>>
        %parallel_loop3A_467 = tpu.memref_squeeze %parallel_loop3A_466 : memref<1x16x1024xf32, #tpu.memory_space<vmem>> -> memref<16x1024xf32, #tpu.memory_space<vmem>>
        %parallel_loop3A_468 = arith.index_cast %scan3A_313 : i32 to index
        %parallel_loop3A_469 = arith.index_cast %parallel_loop3A_463 : i32 to index
        %parallel_loop3A_470 = tpu.vector_load %parallel_loop3A_467[%parallel_loop3A_468, %parallel_loop3A_469] {strides = array<i32>} : memref<16x1024xf32, #tpu.memory_space<vmem>>, vector<1x16xf32>,
        %parallel_loop3A_471 = vector.shape_cast %parallel_loop3A_470 : vector<1x16xf32> to vector<16xf32>
        %parallel_loop3A_472 = arith.constant 64 : i32
        %parallel_loop3A_473 = arith.addi %parallel_loop3A_325, %parallel_loop3A_472 : i32
        %parallel_loop3A_474 = arith.constant 0 : i32
        %parallel_loop3A_475 = arith.constant 0 : i32
        %parallel_loop3A_476 = tpu.memref_slice %arg7[%scan3A_294, %parallel_loop3A_474, %parallel_loop3A_475] : memref<3x16x1024xf32, #tpu.memory_space<vmem>> -> memref<1x16x1024xf32, #tpu.memory_space<vmem>>
        %parallel_loop3A_477 = tpu.memref_squeeze %parallel_loop3A_476 : memref<1x16x1024xf32, #tpu.memory_space<vmem>> -> memref<16x1024xf32, #tpu.memory_space<vmem>>
        %parallel_loop3A_478 = arith.index_cast %scan3A_313 : i32 to index
        %parallel_loop3A_479 = arith.index_cast %parallel_loop3A_473 : i32 to index
        %parallel_loop3A_480 = tpu.vector_load %parallel_loop3A_477[%parallel_loop3A_478, %parallel_loop3A_479] {strides = array<i32>} : memref<16x1024xf32, #tpu.memory_space<vmem>>, vector<1x16xf32>,
        %parallel_loop3A_481 = vector.shape_cast %parallel_loop3A_480 : vector<1x16xf32> to vector<16xf32>
        %parallel_loop3A_482 = arith.subf %parallel_loop3A_471, %parallel_loop3A_481 : vector<16xf32>
        %parallel_loop3A_483 = arith.cmpf oge, %parallel_loop3A_481, %get3A_8 : vector<16xf32>
        %parallel_loop3A_484 = arith.select %parallel_loop3A_483, %get3A_33, %get3A_28 : vector<16xi1>, vector<16xf32>
        %parallel_loop3A_485 = arith.cmpf oge, %parallel_loop3A_481, %get3A_13 : vector<16xf32>
        %parallel_loop3A_486 = arith.select %parallel_loop3A_485, %get3A_38, %parallel_loop3A_484 : vector<16xi1>, vector<16xf32>
        %parallel_loop3A_487 = arith.cmpf oge, %parallel_loop3A_481, %get3A_18 : vector<16xf32>
        %parallel_loop3A_488 = arith.select %parallel_loop3A_487, %get3A_43, %parallel_loop3A_486 : vector<16xi1>, vector<16xf32>
        %parallel_loop3A_489 = arith.cmpf oge, %parallel_loop3A_481, %get3A_23 : vector<16xf32>
        %parallel_loop3A_490 = arith.select %parallel_loop3A_489, %get3A_48, %parallel_loop3A_488 : vector<16xi1>, vector<16xf32>
        %parallel_loop3A_491 = arith.mulf %parallel_loop3A_482, %parallel_loop3A_482 : vector<16xf32>
        %parallel_loop3A_492 = arith.mulf %parallel_loop3A_490, %parallel_loop3A_491 : vector<16xf32>
        %parallel_loop3A_493 = arith.addf %parallel_loop3A_330, %parallel_loop3A_492 : vector<16xf32>
        %parallel_loop3A_494 = arith.constant 80 : i32
        %parallel_loop3A_495 = arith.addi %parallel_loop3A_325, %parallel_loop3A_494 : i32
        %parallel_loop3A_496 = arith.constant 0 : i32
        %parallel_loop3A_497 = arith.constant 0 : i32
        %parallel_loop3A_498 = tpu.memref_slice %arg6[%scan3A_293, %parallel_loop3A_496, %parallel_loop3A_497] : memref<3x16x1024xf32, #tpu.memory_space<vmem>> -> memref<1x16x1024xf32, #tpu.memory_space<vmem>>
        %parallel_loop3A_499 = tpu.memref_squeeze %parallel_loop3A_498 : memref<1x16x1024xf32, #tpu.memory_space<vmem>> -> memref<16x1024xf32, #tpu.memory_space<vmem>>
        %parallel_loop3A_500 = arith.index_cast %scan3A_313 : i32 to index
        %parallel_loop3A_501 = arith.index_cast %parallel_loop3A_495 : i32 to index
        %parallel_loop3A_502 = tpu.vector_load %parallel_loop3A_499[%parallel_loop3A_500, %parallel_loop3A_501] {strides = array<i32>} : memref<16x1024xf32, #tpu.memory_space<vmem>>, vector<1x16xf32>,
        %parallel_loop3A_503 = vector.shape_cast %parallel_loop3A_502 : vector<1x16xf32> to vector<16xf32>
        %parallel_loop3A_504 = arith.constant 80 : i32
        %parallel_loop3A_505 = arith.addi %parallel_loop3A_325, %parallel_loop3A_504 : i32
        %parallel_loop3A_506 = arith.constant 0 : i32
        %parallel_loop3A_507 = arith.constant 0 : i32
        %parallel_loop3A_508 = tpu.memref_slice %arg7[%scan3A_294, %parallel_loop3A_506, %parallel_loop3A_507] : memref<3x16x1024xf32, #tpu.memory_space<vmem>> -> memref<1x16x1024xf32, #tpu.memory_space<vmem>>
        %parallel_loop3A_509 = tpu.memref_squeeze %parallel_loop3A_508 : memref<1x16x1024xf32, #tpu.memory_space<vmem>> -> memref<16x1024xf32, #tpu.memory_space<vmem>>
        %parallel_loop3A_510 = arith.index_cast %scan3A_313 : i32 to index
        %parallel_loop3A_511 = arith.index_cast %parallel_loop3A_505 : i32 to index
        %parallel_loop3A_512 = tpu.vector_load %parallel_loop3A_509[%parallel_loop3A_510, %parallel_loop3A_511] {strides = array<i32>} : memref<16x1024xf32, #tpu.memory_space<vmem>>, vector<1x16xf32>,
        %parallel_loop3A_513 = vector.shape_cast %parallel_loop3A_512 : vector<1x16xf32> to vector<16xf32>
        %parallel_loop3A_514 = arith.subf %parallel_loop3A_503, %parallel_loop3A_513 : vector<16xf32>
        %parallel_loop3A_515 = arith.cmpf oge, %parallel_loop3A_513, %get3A_8 : vector<16xf32>
        %parallel_loop3A_516 = arith.select %parallel_loop3A_515, %get3A_33, %get3A_28 : vector<16xi1>, vector<16xf32>
        %parallel_loop3A_517 = arith.cmpf oge, %parallel_loop3A_513, %get3A_13 : vector<16xf32>
        %parallel_loop3A_518 = arith.select %parallel_loop3A_517, %get3A_38, %parallel_loop3A_516 : vector<16xi1>, vector<16xf32>
        %parallel_loop3A_519 = arith.cmpf oge, %parallel_loop3A_513, %get3A_18 : vector<16xf32>
        %parallel_loop3A_520 = arith.select %parallel_loop3A_519, %get3A_43, %parallel_loop3A_518 : vector<16xi1>, vector<16xf32>
        %parallel_loop3A_521 = arith.cmpf oge, %parallel_loop3A_513, %get3A_23 : vector<16xf32>
        %parallel_loop3A_522 = arith.select %parallel_loop3A_521, %get3A_48, %parallel_loop3A_520 : vector<16xi1>, vector<16xf32>
        %parallel_loop3A_523 = arith.mulf %parallel_loop3A_514, %parallel_loop3A_514 : vector<16xf32>
        %parallel_loop3A_524 = arith.mulf %parallel_loop3A_522, %parallel_loop3A_523 : vector<16xf32>
        %parallel_loop3A_525 = arith.addf %parallel_loop3A_331, %parallel_loop3A_524 : vector<16xf32>
        %parallel_loop3A_526 = arith.constant 96 : i32
        %parallel_loop3A_527 = arith.addi %parallel_loop3A_325, %parallel_loop3A_526 : i32
        %parallel_loop3A_528 = arith.constant 0 : i32
        %parallel_loop3A_529 = arith.constant 0 : i32
        %parallel_loop3A_530 = tpu.memref_slice %arg6[%scan3A_293, %parallel_loop3A_528, %parallel_loop3A_529] : memref<3x16x1024xf32, #tpu.memory_space<vmem>> -> memref<1x16x1024xf32, #tpu.memory_space<vmem>>
        %parallel_loop3A_531 = tpu.memref_squeeze %parallel_loop3A_530 : memref<1x16x1024xf32, #tpu.memory_space<vmem>> -> memref<16x1024xf32, #tpu.memory_space<vmem>>
        %parallel_loop3A_532 = arith.index_cast %scan3A_313 : i32 to index
        %parallel_loop3A_533 = arith.index_cast %parallel_loop3A_527 : i32 to index
        %parallel_loop3A_534 = tpu.vector_load %parallel_loop3A_531[%parallel_loop3A_532, %parallel_loop3A_533] {strides = array<i32>} : memref<16x1024xf32, #tpu.memory_space<vmem>>, vector<1x16xf32>,
        %parallel_loop3A_535 = vector.shape_cast %parallel_loop3A_534 : vector<1x16xf32> to vector<16xf32>
        %parallel_loop3A_536 = arith.constant 96 : i32
        %parallel_loop3A_537 = arith.addi %parallel_loop3A_325, %parallel_loop3A_536 : i32
        %parallel_loop3A_538 = arith.constant 0 : i32
        %parallel_loop3A_539 = arith.constant 0 : i32
        %parallel_loop3A_540 = tpu.memref_slice %arg7[%scan3A_294, %parallel_loop3A_538, %parallel_loop3A_539] : memref<3x16x1024xf32, #tpu.memory_space<vmem>> -> memref<1x16x1024xf32, #tpu.memory_space<vmem>>
        %parallel_loop3A_541 = tpu.memref_squeeze %parallel_loop3A_540 : memref<1x16x1024xf32, #tpu.memory_space<vmem>> -> memref<16x1024xf32, #tpu.memory_space<vmem>>
        %parallel_loop3A_542 = arith.index_cast %scan3A_313 : i32 to index
        %parallel_loop3A_543 = arith.index_cast %parallel_loop3A_537 : i32 to index
        %parallel_loop3A_544 = tpu.vector_load %parallel_loop3A_541[%parallel_loop3A_542, %parallel_loop3A_543] {strides = array<i32>} : memref<16x1024xf32, #tpu.memory_space<vmem>>, vector<1x16xf32>,
        %parallel_loop3A_545 = vector.shape_cast %parallel_loop3A_544 : vector<1x16xf32> to vector<16xf32>
        %parallel_loop3A_546 = arith.subf %parallel_loop3A_535, %parallel_loop3A_545 : vector<16xf32>
        %parallel_loop3A_547 = arith.cmpf oge, %parallel_loop3A_545, %get3A_8 : vector<16xf32>
        %parallel_loop3A_548 = arith.select %parallel_loop3A_547, %get3A_33, %get3A_28 : vector<16xi1>, vector<16xf32>
        %parallel_loop3A_549 = arith.cmpf oge, %parallel_loop3A_545, %get3A_13 : vector<16xf32>
        %parallel_loop3A_550 = arith.select %parallel_loop3A_549, %get3A_38, %parallel_loop3A_548 : vector<16xi1>, vector<16xf32>
        %parallel_loop3A_551 = arith.cmpf oge, %parallel_loop3A_545, %get3A_18 : vector<16xf32>
        %parallel_loop3A_552 = arith.select %parallel_loop3A_551, %get3A_43, %parallel_loop3A_550 : vector<16xi1>, vector<16xf32>
        %parallel_loop3A_553 = arith.cmpf oge, %parallel_loop3A_545, %get3A_23 : vector<16xf32>
        %parallel_loop3A_554 = arith.select %parallel_loop3A_553, %get3A_48, %parallel_loop3A_552 : vector<16xi1>, vector<16xf32>
        %parallel_loop3A_555 = arith.mulf %parallel_loop3A_546, %parallel_loop3A_546 : vector<16xf32>
        %parallel_loop3A_556 = arith.mulf %parallel_loop3A_554, %parallel_loop3A_555 : vector<16xf32>
        %parallel_loop3A_557 = arith.addf %parallel_loop3A_332, %parallel_loop3A_556 : vector<16xf32>
        %parallel_loop3A_558 = arith.constant 112 : i32
        %parallel_loop3A_559 = arith.addi %parallel_loop3A_325, %parallel_loop3A_558 : i32
        %parallel_loop3A_560 = arith.constant 0 : i32
        %parallel_loop3A_561 = arith.constant 0 : i32
        %parallel_loop3A_562 = tpu.memref_slice %arg6[%scan3A_293, %parallel_loop3A_560, %parallel_loop3A_561] : memref<3x16x1024xf32, #tpu.memory_space<vmem>> -> memref<1x16x1024xf32, #tpu.memory_space<vmem>>
        %parallel_loop3A_563 = tpu.memref_squeeze %parallel_loop3A_562 : memref<1x16x1024xf32, #tpu.memory_space<vmem>> -> memref<16x1024xf32, #tpu.memory_space<vmem>>
        %parallel_loop3A_564 = arith.index_cast %scan3A_313 : i32 to index
        %parallel_loop3A_565 = arith.index_cast %parallel_loop3A_559 : i32 to index
        %parallel_loop3A_566 = tpu.vector_load %parallel_loop3A_563[%parallel_loop3A_564, %parallel_loop3A_565] {strides = array<i32>} : memref<16x1024xf32, #tpu.memory_space<vmem>>, vector<1x16xf32>,
        %parallel_loop3A_567 = vector.shape_cast %parallel_loop3A_566 : vector<1x16xf32> to vector<16xf32>
        %parallel_loop3A_568 = arith.constant 112 : i32
        %parallel_loop3A_569 = arith.addi %parallel_loop3A_325, %parallel_loop3A_568 : i32
        %parallel_loop3A_570 = arith.constant 0 : i32
        %parallel_loop3A_571 = arith.constant 0 : i32
        %parallel_loop3A_572 = tpu.memref_slice %arg7[%scan3A_294, %parallel_loop3A_570, %parallel_loop3A_571] : memref<3x16x1024xf32, #tpu.memory_space<vmem>> -> memref<1x16x1024xf32, #tpu.memory_space<vmem>>
        %parallel_loop3A_573 = tpu.memref_squeeze %parallel_loop3A_572 : memref<1x16x1024xf32, #tpu.memory_space<vmem>> -> memref<16x1024xf32, #tpu.memory_space<vmem>>
        %parallel_loop3A_574 = arith.index_cast %scan3A_313 : i32 to index
        %parallel_loop3A_575 = arith.index_cast %parallel_loop3A_569 : i32 to index
        %parallel_loop3A_576 = tpu.vector_load %parallel_loop3A_573[%parallel_loop3A_574, %parallel_loop3A_575] {strides = array<i32>} : memref<16x1024xf32, #tpu.memory_space<vmem>>, vector<1x16xf32>,
        %parallel_loop3A_577 = vector.shape_cast %parallel_loop3A_576 : vector<1x16xf32> to vector<16xf32>
        %parallel_loop3A_578 = arith.subf %parallel_loop3A_567, %parallel_loop3A_577 : vector<16xf32>
        %parallel_loop3A_579 = arith.cmpf oge, %parallel_loop3A_577, %get3A_8 : vector<16xf32>
        %parallel_loop3A_580 = arith.select %parallel_loop3A_579, %get3A_33, %get3A_28 : vector<16xi1>, vector<16xf32>
        %parallel_loop3A_581 = arith.cmpf oge, %parallel_loop3A_577, %get3A_13 : vector<16xf32>
        %parallel_loop3A_582 = arith.select %parallel_loop3A_581, %get3A_38, %parallel_loop3A_580 : vector<16xi1>, vector<16xf32>
        %parallel_loop3A_583 = arith.cmpf oge, %parallel_loop3A_577, %get3A_18 : vector<16xf32>
        %parallel_loop3A_584 = arith.select %parallel_loop3A_583, %get3A_43, %parallel_loop3A_582 : vector<16xi1>, vector<16xf32>
        %parallel_loop3A_585 = arith.cmpf oge, %parallel_loop3A_577, %get3A_23 : vector<16xf32>
        %parallel_loop3A_586 = arith.select %parallel_loop3A_585, %get3A_48, %parallel_loop3A_584 : vector<16xi1>, vector<16xf32>
        %parallel_loop3A_587 = arith.mulf %parallel_loop3A_578, %parallel_loop3A_578 : vector<16xf32>
        %parallel_loop3A_588 = arith.mulf %parallel_loop3A_586, %parallel_loop3A_587 : vector<16xf32>
        %parallel_loop3A_589 = arith.addf %parallel_loop3A_333, %parallel_loop3A_588 : vector<16xf32>
        scf.yield %parallel_loop3A_365, %parallel_loop3A_397, %parallel_loop3A_429, %parallel_loop3A_461, %parallel_loop3A_493, %parallel_loop3A_525, %parallel_loop3A_557, %parallel_loop3A_589 : vector<16xf32>, vector<16xf32>, vector<16xf32>, vector<16xf32>, vector<16xf32>, vector<16xf32>, vector<16xf32>, vector<16xf32>
      } {sc.loop_unroll_factor = 2 : i64, sc.parallel_access}
      scf.yield %parallel_loop3A_324#0, %parallel_loop3A_324#1, %parallel_loop3A_324#2, %parallel_loop3A_324#3, %parallel_loop3A_324#4, %parallel_loop3A_324#5, %parallel_loop3A_324#6, %parallel_loop3A_324#7 : vector<16xf32>, vector<16xf32>, vector<16xf32>, vector<16xf32>, vector<16xf32>, vector<16xf32>, vector<16xf32>, vector<16xf32>
    }
    %scan3A_300 = arith.constant 16 : i32
    %add3A_301 = arith.addf %scan3A_299#0, %scan3A_299#1 : vector<16xf32>
    %add3A_302 = arith.addf %add3A_301, %scan3A_299#2 : vector<16xf32>
    %add3A_303 = arith.addf %add3A_302, %scan3A_299#3 : vector<16xf32>
    %add3A_304 = arith.addf %add3A_303, %scan3A_299#4 : vector<16xf32>
    %add3A_305 = arith.addf %add3A_304, %scan3A_299#5 : vector<16xf32>
    %add3A_306 = arith.addf %add3A_305, %scan3A_299#6 : vector<16xf32>
    %add3A_307 = arith.addf %add3A_306, %scan3A_299#7 : vector<16xf32>
    %swap3A = arith.constant 0 : index
    %swap3A_308 = tpu.vector_load %arg9[%swap3A] {strides = array<i32>} : memref<16xf32, #tpu.memory_space<vmem>>, vector<16xf32>,
    %swap3A_309 = vector.shape_cast %swap3A_308 : vector<16xf32> to vector<16xf32>
    %swap3A_310 = vector.shape_cast %add3A_307 : vector<16xf32> to vector<16xf32>
    tpu.vector_store %arg9[%swap3A], %swap3A_310 {strides = array<i32>} : memref<16xf32, #tpu.memory_space<vmem>>, vector<16xf32>,
    %mul3A_311 = arith.constant 16 : i32
    %mul3A_312 = arith.muli %add3A, %mul3A_311 : i32
    "tpu.region"() ({
      %run_scoped3A = tpu.sem_alloc : memref<!tpu.dma_semaphore, #tpu.memory_space<semaphore_mem>>
      %dma_start3A_313 = tpu.memref_slice %arg5[%mul3A_312] : memref<512xf32, #tpu.memory_space<hbm>> -> memref<16xf32, #tpu.memory_space<hbm>>
      %dma_start3A_314 = tpu.memref_slice %arg5[%mul3A_312] : memref<512xf32, #tpu.memory_space<hbm>> -> memref<16xf32, #tpu.memory_space<hbm>>
      tpu.enqueue_dma source(%arg9 : memref<16xf32, #tpu.memory_space<vmem>>) target(%dma_start3A_314 : memref<16xf32, #tpu.memory_space<hbm>>) target_semaphore(%run_scoped3A : memref<!tpu.dma_semaphore, #tpu.memory_space<semaphore_mem>>)
      %dma_wait3A_315 = tpu.memref_slice %arg5[%mul3A_312] : memref<512xf32, #tpu.memory_space<hbm>> -> memref<16xf32, #tpu.memory_space<hbm>>
      %dma_wait3A_316 = tpu.memref_slice %arg5[%mul3A_312] : memref<512xf32, #tpu.memory_space<hbm>> -> memref<16xf32, #tpu.memory_space<hbm>>
      tpu.wait_dma2 semaphore(%run_scoped3A : memref<!tpu.dma_semaphore, #tpu.memory_space<semaphore_mem>>) src(%arg9 : memref<16xf32, #tpu.memory_space<vmem>>) dst(%dma_wait3A_316 : memref<16xf32, #tpu.memory_space<hbm>>)
      tpu.yield
    }) : () -> ()
    return
  }
}

module attributes {stable_mosaic.version = 14 : i64} {
  func.func @_tc_body(%arg0: i32, %arg1: memref<512x1024xf32, #tpu.memory_space<vmem>>, %arg2: memref<512x1024xf32, #tpu.memory_space<vmem>>, %arg3: memref<5xf32, #tpu.memory_space<smem>>, %arg4: memref<4xf32, #tpu.memory_space<smem>>, %arg5: memref<1xf32, #tpu.memory_space<smem>>, %arg6: memref<8x128xf32, #tpu.memory_space<vmem>>) attributes {dimension_semantics = [#tpu.dimension_semantics<arbitrary>], iteration_bounds = array<i64: 36>, scalar_prefetch = 0 : i64, scratch_operands = 1 : i64, tpu.core_type = #tpu.core_type<tc>, window_params = [{transform_indices = @transform_0, window_bounds = array<i64: 512, 1024>}, {transform_indices = @transform_1, window_bounds = array<i64: 512, 1024>}, {transform_indices = @transform_2, window_bounds = array<i64: 5>}, {transform_indices = @transform_3, window_bounds = array<i64: 4>}, {transform_indices = @transform_4, window_bounds = array<i64: 1>}]} {
    %get3A = arith.constant 0 : index
    %get3A_0 = arith.constant 0 : index
    %get3A_1 = vector.load %arg2[%get3A, %get3A_0] : memref<512x1024xf32, #tpu.memory_space<vmem>>, vector<512x1024xf32>
    %get3A_2 = arith.constant 0 : index
    %get3A_3 = arith.constant 0 : index
    %get3A_4 = vector.load %arg1[%get3A_2, %get3A_3] : memref<512x1024xf32, #tpu.memory_space<vmem>>, vector<512x1024xf32>
    %sub3A = arith.subf %get3A_4, %get3A_1 : vector<512x1024xf32>
    %mul3A = arith.mulf %sub3A, %sub3A : vector<512x1024xf32>
    %get3A_5 = arith.constant 0 : index
    %get3A_6 = memref.load %arg3[%get3A_5] : memref<5xf32, #tpu.memory_space<smem>>
    %broadcast_in_dim3A = vector.broadcast %get3A_6 : f32 to vector<512x1024xf32>
    %get3A_7 = arith.constant 0 : index
    %get3A_8 = memref.load %arg4[%get3A_7] : memref<4xf32, #tpu.memory_space<smem>>
    %ge3A = vector.broadcast %get3A_8 : f32 to vector<512x1024xf32>
    %ge3A_9 = arith.cmpf oge, %get3A_1, %ge3A : vector<512x1024xf32>
    %get3A_10 = arith.constant 1 : index
    %get3A_11 = memref.load %arg3[%get3A_10] : memref<5xf32, #tpu.memory_space<smem>>
    %broadcast_in_dim3A_12 = vector.broadcast %get3A_11 : f32 to vector<512x1024xf32>
    %select_n3A = arith.select %ge3A_9, %broadcast_in_dim3A_12, %broadcast_in_dim3A : vector<512x1024xi1>, vector<512x1024xf32>
    %get3A_13 = arith.constant 1 : index
    %get3A_14 = memref.load %arg4[%get3A_13] : memref<4xf32, #tpu.memory_space<smem>>
    %ge3A_15 = vector.broadcast %get3A_14 : f32 to vector<512x1024xf32>
    %ge3A_16 = arith.cmpf oge, %get3A_1, %ge3A_15 : vector<512x1024xf32>
    %get3A_17 = arith.constant 2 : index
    %get3A_18 = memref.load %arg3[%get3A_17] : memref<5xf32, #tpu.memory_space<smem>>
    %broadcast_in_dim3A_19 = vector.broadcast %get3A_18 : f32 to vector<512x1024xf32>
    %select_n3A_20 = arith.select %ge3A_16, %broadcast_in_dim3A_19, %select_n3A : vector<512x1024xi1>, vector<512x1024xf32>
    %get3A_21 = arith.constant 2 : index
    %get3A_22 = memref.load %arg4[%get3A_21] : memref<4xf32, #tpu.memory_space<smem>>
    %ge3A_23 = vector.broadcast %get3A_22 : f32 to vector<512x1024xf32>
    %ge3A_24 = arith.cmpf oge, %get3A_1, %ge3A_23 : vector<512x1024xf32>
    %get3A_25 = arith.constant 3 : index
    %get3A_26 = memref.load %arg3[%get3A_25] : memref<5xf32, #tpu.memory_space<smem>>
    %broadcast_in_dim3A_27 = vector.broadcast %get3A_26 : f32 to vector<512x1024xf32>
    %select_n3A_28 = arith.select %ge3A_24, %broadcast_in_dim3A_27, %select_n3A_20 : vector<512x1024xi1>, vector<512x1024xf32>
    %get3A_29 = arith.constant 3 : index
    %get3A_30 = memref.load %arg4[%get3A_29] : memref<4xf32, #tpu.memory_space<smem>>
    %ge3A_31 = vector.broadcast %get3A_30 : f32 to vector<512x1024xf32>
    %ge3A_32 = arith.cmpf oge, %get3A_1, %ge3A_31 : vector<512x1024xf32>
    %get3A_33 = arith.constant 4 : index
    %get3A_34 = memref.load %arg3[%get3A_33] : memref<5xf32, #tpu.memory_space<smem>>
    %broadcast_in_dim3A_35 = vector.broadcast %get3A_34 : f32 to vector<512x1024xf32>
    %select_n3A_36 = arith.select %ge3A_32, %broadcast_in_dim3A_35, %select_n3A_28 : vector<512x1024xi1>, vector<512x1024xf32>
    %mul3A_37 = arith.mulf %select_n3A_36, %mul3A : vector<512x1024xf32>
    %reduce_sum3A = arith.constant dense<0.000000e+00> : vector<1024xf32>
    %reduce_sum3A_38 = vector.multi_reduction <add>, %mul3A_37, %reduce_sum3A [0] : vector<512x1024xf32> to vector<1024xf32>
    %eq3A = arith.constant 0 : i32
    %eq3A_39 = arith.cmpi eq, %arg0, %eq3A : i32
    %convert_element_type3A = arith.extui %eq3A_39 : i1 to i32
    %cond3A = arith.constant 0 : i32
    %cond3A_40 = arith.cmpi ne, %convert_element_type3A, %cond3A : i32
    scf.if %cond3A_40 {
      %broadcast_in_dim3A_51 = arith.constant 0.000000e+00 : f32
      %broadcast_in_dim3A_52 = vector.broadcast %broadcast_in_dim3A_51 : f32 to vector<8x128xf32>
      %swap3A_53 = arith.constant 0 : index
      %swap3A_54 = arith.constant 0 : index
      %swap3A_55 = vector.load %arg6[%swap3A_53, %swap3A_54] : memref<8x128xf32, #tpu.memory_space<vmem>>, vector<8x128xf32>
      tpu.vector_store %arg6[%swap3A_53, %swap3A_54], %broadcast_in_dim3A_52 {strides = array<i32>} : memref<8x128xf32, #tpu.memory_space<vmem>>, vector<8x128xf32>,
    } else {
    }
    %get3A_41 = arith.constant 0 : index
    %get3A_42 = arith.constant 0 : index
    %get3A_43 = vector.load %arg6[%get3A_41, %get3A_42] : memref<8x128xf32, #tpu.memory_space<vmem>>, vector<8x128xf32>
    %reshape3A = vector.shape_cast %reduce_sum3A_38 : vector<1024xf32> to vector<8x128xf32>
    %add3A = arith.addf %get3A_43, %reshape3A : vector<8x128xf32>
    %swap3A = arith.constant 0 : index
    %swap3A_44 = arith.constant 0 : index
    %swap3A_45 = vector.load %arg6[%swap3A, %swap3A_44] : memref<8x128xf32, #tpu.memory_space<vmem>>, vector<8x128xf32>
    tpu.vector_store %arg6[%swap3A, %swap3A_44], %add3A {strides = array<i32>} : memref<8x128xf32, #tpu.memory_space<vmem>>, vector<8x128xf32>,
    %eq3A_46 = arith.constant 35 : i32
    %eq3A_47 = arith.cmpi eq, %arg0, %eq3A_46 : i32
    %convert_element_type3A_48 = arith.extui %eq3A_47 : i1 to i32
    %cond3A_49 = arith.constant 0 : i32
    %cond3A_50 = arith.cmpi ne, %convert_element_type3A_48, %cond3A_49 : i32
    scf.if %cond3A_50 {
      %get3A_51 = arith.constant 0 : index
      %get3A_52 = arith.constant 0 : index
      %get3A_53 = vector.load %arg6[%get3A_51, %get3A_52] : memref<8x128xf32, #tpu.memory_space<vmem>>, vector<8x128xf32>
      %reduce_sum3A_54 = vector.shape_cast %get3A_53 : vector<8x128xf32> to vector<1x8x128xf32>
      %reduce_sum3A_55 = arith.constant dense<0.000000e+00> : vector<1xf32>
      %reduce_sum3A_56 = vector.multi_reduction <add>, %reduce_sum3A_54, %reduce_sum3A_55 [1, 2] : vector<1x8x128xf32> to vector<1xf32>
      %reduce_sum3A_57 = vector.shape_cast %reduce_sum3A_56 : vector<1xf32> to vector<1x1x1xf32>
      %reduce_sum3A_58 = vector.extract %reduce_sum3A_57[0, 0, 0] : f32 from vector<1x1x1xf32>
      %swap3A_59 = arith.constant 0 : index
      %swap3A_60 = memref.load %arg5[%swap3A_59] : memref<1xf32, #tpu.memory_space<smem>>
      memref.store %reduce_sum3A_58, %arg5[%swap3A_59] : memref<1xf32, #tpu.memory_space<smem>>
    } else {
    }
    return
  }
  func.func @transform_0(%arg0: i32) -> (i32, i32) {
    %c0_i32 = arith.constant 0 : i32
    %c0_i32_0 = arith.constant 0 : i32
    return %arg0, %c0_i32 : i32, i32
  }
  func.func @transform_1(%arg0: i32) -> (i32, i32) {
    %c0_i32 = arith.constant 0 : i32
    %c0_i32_0 = arith.constant 0 : i32
    return %arg0, %c0_i32 : i32, i32
  }
  func.func @transform_2(%arg0: i32) -> i32 {
    %c0_i32 = arith.constant 0 : i32
    %c0_i32_0 = arith.constant 0 : i32
    return %c0_i32 : i32
  }
  func.func @transform_3(%arg0: i32) -> i32 {
    %c0_i32 = arith.constant 0 : i32
    %c0_i32_0 = arith.constant 0 : i32
    return %c0_i32 : i32
  }
  func.func @transform_4(%arg0: i32) -> i32 {
    %c0_i32 = arith.constant 0 : i32
    %c0_i32_0 = arith.constant 0 : i32
    return %c0_i32 : i32
  }
}

</mosaic_0001>

<sc_bundles>
// kernel: kernel.4.cloned.1.call-start
scs
__scs_entry_jumppad:
0x0: {  	(pc) =	sbr.rel $0x88, $3  }
0x1: {  	(tag) =	ssettag $0x0;
	lr =	simm.s32 $0x1  }
0x2: {  	[smem:$0x3F9D] =	sst lr;
	_ =	strace $0xD0000000  }
0x3: {  	_ = 	snop  }
0x4: {  	_ = 	snop  }
0x5: {  	_ = 	snop  }
0x6: {  	_ = 	snop  }
0x7: {  	_ = 	snop  }
__scs_overlays_trampoline_lowered:
0x8: {  	[smem:$0x3FAC] =	sst s0  }
0x9: {  	[smem:$0x3FAD] =	sst s1  }
0xa: {  	[smem:$0x3FAE] =	sst s2  }
0xb: {  	[smem:$0x3FAF] =	sst s3  }
0xc: {  	[smem:$0x3FB0] =	sst s4  }
0xd: {  	[smem:$0x3FB1] =	sst s5  }
0xe: {  	[smem:$0x3FB2] =	sst s6  }
0xf: {  	[smem:$0x3FB3] =	sst s7  }
0x10: {  	[smem:$0x3FB4] =	sst s8  }
0x11: {  	[smem:$0x3FB5] =	sst s9;
	s0 =	simm.s32 @!p0 $0x0  }
0x12: {  	s1 =	sld [smem:$0x3F9B];
	s0 =	simm.s32 @p0 $0x1  }
0x13: {  	[smem:$0x3FB6] =	sst s0;
	s0 =	simm.s32 @!p1 $0x0  }
0x14: {  	s2 =	sld [smem:$0x3F9A];
	s0 =	simm.s32 @p1 $0x1  }
0x15: {  	[smem:$0x3FB7] =	sst s0;
	s0 =	simm.s32 @!p2 $0x0  }
0x16: {  	s3 =	sld [smem:$0x3FDB];
	s0 =	simm.s32 @p2 $0x1  }
0x17: {  	s4 =	simm.s32 $0x1BF5;
	[smem:$0x3FB9] =	sst s0  }
0x18: {  	s0 =	sld [smem:$0x3F9C];
	_ =	swait.ge [sflag:s4], $0x0  }
0x19: {  	s7 =	sld [smem:$0x3F9D]  }
0x1a: {  	s8 =	sadd.s32 $0xFFFFE003, lr  }
0x1b: {  	s9 =	sadd.s32 $0xFFFFFEF7, lr;
	s5 =	simm.s32 $0xFFFFFFFF;
	p2 =	slt.u32 s8, $0xFFFFF086  }
0x1c: {  	p1 =	slt.u32 s9, $0xF7A;
	s5 =	simm.s32 @!p2 $0x0  }
0x1d: {  	s5 =	simm.s32 @p1 $0x1;
	p0 =	seq.s32 s7, s2  }
0x1e: {  	s7 =	smul.u32 @!p0 $0xF7A, s2;
	p2 =	seq.s32 @!p0 s5, $0x0  }
0x1f: {  	s9 =	smul.u32 $0xF7A, s1;
	s8 =	simm.s32 @!p0 $0x1BF5;
	p2 =	por !p2, p0  }
0x20: {  	[sflag:s8] =	ssyncset.s32 @!p0 $0xFFFFF086;
	s6 =	sadd.s32 @!p0 s3, s7;
	s7 =	simm.s32 @!p0 $0x108  }
0x21: {  	s3 =	sadd.s32 s3, s9;
	s6 =	sadd.s32 @!p0 $0x88, s6;
	s7 =	simm.s32 @p2 $0x1082  }
0x22: {  	[simem:s7], [sflag:s8] =	dma.local @!p0 [hbm:s6], $0xF7A  }
0x23: {  	s9 =	sor.u32 $0xD0000000, s2;
	s6 =	simm.s32 $0x108;
	_ =	swait.ge @!p0 [sflag:s8], $0x0  }
0x24: {  	s3 =	sadd.s32 $0x88, s3;
	s6 =	simm.s32 @!p1 $0x1082;
	[sflag:s4] =	ssyncset.s32 $0xFFFFF086  }
0x25: {  	[simem:s6], [sflag:s4] =	dma.local [hbm:s3], $0xF7A  }
0x26: {  	[smem:$0x3F9D] =	sst s1;
	(tag) =	ssettag s2;
	_ =	strace s9  }
0x27: {  	s1 =	sld [smem:$0x3FAD]  }
0x28: {  	s2 =	sld [smem:$0x3FAE]  }
0x29: {  	s4 =	sld [smem:$0x3FB0]  }
0x2a: {  	p0 =	seq.s32 s5, $0x0;
	s5 =	sld [smem:$0x3FB1]  }
0x2b: {  	s6 =	sld [smem:$0x3FB2]  }
0x2c: {  	s7 =	sld [smem:$0x3FB3]  }
0x2d: {  	s3 =	simm.s32 $0x108;
	s8 =	sld [smem:$0x3FB4]  }
0x2e: {  	s3 =	simm.s32 @!p0 $0x1082;
	s9 =	sld [smem:$0x3FB5]  }
0x2f: {  	lr =	sadd.s32 s0, s3;
	s0 =	sld [smem:$0x3FAC]  }
0x30: {  	s3 =	sld [smem:$0x3FAF]  }
0x31: {  	[smem:$0x3FB8] =	sst s10  }
0x32: {  	s10 =	sld [smem:$0x3FB6];
	_ =	sdelay $0x3  }
0x33: {  	p0 =	seq.s32 s10, $0x1;
	s10 =	sld [smem:$0x3FB8];
	_ =	sdelay $0x3  }
0x34: {  	[smem:$0x3FB8] =	sst s10  }
0x35: {  	s10 =	sld [smem:$0x3FB7];
	_ =	sdelay $0x3  }
0x36: {  	p1 =	seq.s32 s10, $0x1;
	s10 =	sld [smem:$0x3FB8];
	_ =	sdelay $0x3  }
0x37: {  	[smem:$0x3FB8] =	sst s10  }
0x38: {  	s10 =	sld [smem:$0x3FB9]  }
0x39: {  	_ = 	snop;
	(pc) =	sbr.ind lr, $3  }
0x3a: {  	_ = 	snop  }
0x3b: {  	_ = 	snop  }
0x3c: {  	p2 =	seq.s32 s10, $0x1;
	s10 =	sld [smem:$0x3FB8]  }
0x3d: {  	_ =	shalt  }
0x3e: {  	_ =	shalt  }
0x3f: {  	_ =	shalt  }
0x40: {  	_ =	shalt  }
0x41: {  	_ =	shalt  }
0x42: {  	_ =	shalt  }
0x43: {  	_ =	shalt  }
0x44: {  	_ =	shalt  }
0x45: {  	_ =	shalt  }
0x46: {  	_ =	shalt  }
0x47: {  	_ =	shalt  }
0x48: {  	_ =	shalt  }
0x49: {  	_ =	shalt  }
0x4a: {  	_ =	shalt  }
0x4b: {  	_ =	shalt  }
0x4c: {  	_ =	shalt  }
0x4d: {  	_ =	shalt  }
0x4e: {  	_ =	shalt  }
0x4f: {  	_ =	shalt  }
0x50: {  	_ =	shalt  }
0x51: {  	_ =	shalt  }
0x52: {  	_ =	shalt  }
0x53: {  	_ =	shalt  }
0x54: {  	_ =	shalt  }
0x55: {  	_ =	shalt  }
0x56: {  	_ =	shalt  }
0x57: {  	_ =	shalt  }
0x58: {  	_ =	shalt  }
0x59: {  	_ =	shalt  }
0x5a: {  	_ =	shalt  }
0x5b: {  	_ =	shalt  }
0x5c: {  	_ =	shalt  }
0x5d: {  	_ =	shalt  }
0x5e: {  	_ =	shalt  }
0x5f: {  	_ =	shalt  }
0x60: {  	_ =	shalt  }
0x61: {  	_ =	shalt  }
0x62: {  	_ =	shalt  }
0x63: {  	_ =	shalt  }
0x64: {  	_ =	shalt  }
0x65: {  	_ =	shalt  }
0x66: {  	_ =	shalt  }
0x67: {  	_ =	shalt  }
0x68: {  	_ =	shalt  }
0x69: {  	_ =	shalt  }
0x6a: {  	_ =	shalt  }
0x6b: {  	_ =	shalt  }
0x6c: {  	_ =	shalt  }
0x6d: {  	_ =	shalt  }
0x6e: {  	_ =	shalt  }
0x6f: {  	_ =	shalt  }
0x70: {  	_ =	shalt  }
0x71: {  	_ =	shalt  }
0x72: {  	_ =	shalt  }
0x73: {  	_ =	shalt  }
0x74: {  	_ =	shalt  }
0x75: {  	_ =	shalt  }
0x76: {  	_ =	shalt  }
0x77: {  	_ =	shalt  }
0x78: {  	_ =	shalt  }
0x79: {  	_ =	shalt  }
0x7a: {  	_ =	shalt  }
0x7b: {  	_ =	shalt  }
0x7c: {  	_ =	shalt  }
0x7d: {  	_ =	shalt  }
0x7e: {  	_ =	shalt  }
0x7f: {  	_ =	shalt  }
0x80: {  	_ =	shalt  }
0x81: {  	_ =	shalt  }
0x82: {  	_ =	shalt  }
0x83: {  	_ =	shalt  }
0x84: {  	_ =	shalt  }
0x85: {  	_ =	shalt  }
0x86: {  	_ =	shalt  }
0x87: {  	_ =	shalt  }
.Lfunc_end0:
.L_simem_size_0:
called_computation_lowered:
.L_overlay_start_0:
0x88: {  	s2 =	sld [smem:$0x3FD9]  }
0x89: {  	s3 =	sld [smem:$0x3FFE];
	_ =	sdelay $0x1  }
0x8a: {  	s1 =	srdreg.scid  }
0x8b: {  	s0 =	sand.u32 $0x1, s1  }
0x8c: {  	s17 =	sshll.u32 s0, $0xA;
	s2 =	sadd.s32 s3, s2  }
0x8d: {  	s2 =	sadd.s32 s2, s17  }
0x8e: {  	[smem:$0x3FC4] =	sst s2  }
0x8f: {  	_ = 	snop  }
0x90: {  	s2 =	sld [smem:$0x3FC9]  }
0x91: {  	s18 =	sld [smem:$0x3FC8];
	(tm) =	ssettm $0x1  }
0x92: {  	s4 =	sld [smem:$0x3FFB];
	_ =	sdelay $0x3  }
0x93: {  	_ =	strace s4  }
0x94: {  	s4 =	sld [smem:$0x3FFC];
	_ =	sdelay $0x3  }
0x95: {  	_ =	strace s4  }
0x96: {  	s4 =	sld [smem:$0x3FFD];
	_ =	sdelay $0x3  }
0x97: {  	_ =	strace s4  }
0x98: {  	_ =	strace $0x8FFFFFFF  }
0x99: {  	s19 =	sld [smem:$0x3FDB];
	_ =	sdelay $0x1  }
0x9a: {  	s5 =	simm.s32 $_scs_section_size  }
0x9b: {  	s6 =	simm.s32 $_size__tile_overlayer_lowered;
	s7 =	simm.s32 $_tile_overlayer_lowered  }
0x9c: {  	s22 =	simm.s32 $0x1BFF;
	s21 =	sshll.u32 s7, $0x1;
	s4 =	sadd.s32 s5, s19  }
0x9d: {  	s8 =	simm.s32 $0x0;
	s20 =	sshll.u32 s6, $0x1;
	s6 =	sadd.s32 s21, s4  }
0x9e: {  	[timem:s8], [sflag:s22] =	dma.local [hbm:s6], s20  }
0x9f: {  	_ =	swait.ge [sflag:s22], s20  }
0xa0: {  	s5 =	ssub.s32 $0x0, s20;
	[sflag:s22] =	ssyncset.done $0x0  }
0xa1: {  	[sflag:s22] =	ssyncadd.s32 s5;
	_ =	sdelay $0x1  }
0xa2: {  	s23 =	simm.s32 $0x1B8B  }
0xa3: {  	_ =	swait.ge [sflag:s23], $0x1  }
0xa4: {  	[sflag:s23] =	ssyncset.done $0x0  }
0xa5: {  	s25 =	simm.s32 $0x1B8E;
	s24 =	sld [smem:$0x3FFE];
	[sflag:s23] =	ssyncadd.s32 $0xFFFFFFFF  }
0xa6: {  	s26 =	simm.s32 $execute0_lowered;
	[smem:$0x3FD2] =	sst s25  }
0xa7: {  	s6 =	sshll.u32 s26, $0x1;
	_ =	strace $0x80000046;
	[dreg:$0x1] =	wrdreg $0xFFFFFFFF  }
0xa8: {  	s28 =	simm.s32 $_size_execute0_lowered;
	s4 =	sadd.s32 s4, s6;
	[dreg:$0x0] =	wrdreg $0x0  }
0xa9: {  	s6 =	sshll.u32 s28, $0x1;
	[dreg:$0x2] =	wrdreg s4  }
0xaa: {  	[dreg:$0x3] =	wrdreg s6  }
0xab: {  	[dreg:$0x4] =	wrdreg $0xC0  }
0xac: {  	_ =	task [dreg:s8], $0x5FFFF  }
0xad: {  	[dreg:$0x1] =	wrdreg $0xFFFFFFFF  }
0xae: {  	[dreg:$0x0] =	wrdreg $0x60  }
0xaf: {  	[dreg:$0x2] =	wrdreg s2  }
0xb0: {  	[dreg:$0x3] =	wrdreg s18  }
0xb1: {  	[dreg:$0x4] =	wrdreg s24  }
0xb2: {  	[dreg:$0x5] =	wrdreg $0x9  }
0xb3: {  	_ =	task.clear_ibuf [dreg:s8], $0x6FFFF;
	_ =	strace $0x90000046  }
0xb4: {  	s29 =	simm.s32 $0x9;
	_ =	strace $0x80000048  }
0xb5: {  	_ =	swait.ge [sflag:s29], $0x1  }
0xb6: {  	[sflag:s29] =	ssyncadd.s32 $0xFFFFFFFF  }
0xb7: {  	_ =	strace $0x90000048  }
0xb8: {  	_ =	sfence  }
0xb9: {  	s30 =	sld [smem:$0x0];
	_ =	sdelay $0x2  }
0xba: {  	s31 =	sshll.u32 s1, $0xD;
	s1 =	sshrl.u32 s1, $0x2  }
0xbb: {  	s3 =	sand.u32 $0x4000, s31;
	s1 =	sadd.s32 s1, s30  }
0xbc: {  	s0 =	sor.u32 s3, s0;
	s1 =	sshll.u32 s1, $0x11  }
0xbd: {  	s0 =	sor.u32 s1, s0  }
0xbe: {  	s0 =	sadd.s32 $0x8F2B, s0  }
0xbf: {  	[sflag:s0] =	ssyncadd.remote.s32 $0x1  }
0xc0: {  	_ =	sfence.sel $0xFFFF  }
0xc1: {  	[dreg:$0x0] =	wrdreg $0xFFFFFFFF;
	(pc) =	sbr.abs _section_cstart, $3  }
0xc2: {  	[dreg:$0x1] =	wrdreg $0xFFFFFFFF  }
0xc3: {  	_ =	task.clear_ibuf [dreg:s8], $0x2FFFF;
	_ =	strace $0x9FFFFFFF  }
0xc4: {  	(tm) =	ssettm $0x7FFFFFFF  }
0xc5: {  	_ =	shalt  }
tec
execute0_lowered:
.L_overlay_start_1:
0x0: {  	(tag) =	ssettag $0x1  }
0x1: {  	s1 =	rddreg [dreg:$0x0]  }
0x2: {  	s2 =	rddreg [dreg:$0x1]  }
0x3: {  	s0 =	rddreg [dreg:$0x2];
	s4 =	simm.s32 $0x0  }
0x4: {  	s3 =	srdreg.scid;
	s5 =	stileid.u32;
	s20 =	simm.s32 $0x4  }
0x5: {  	s28 =	simm.s32 $0x2;
	s3 =	sand.u32 $0x1, s3;
	s5 =	sshll.u32 s5, $0x1  }
0x6: {  	s29 =	simm.s32 $0x3;
	s31 =	simm.s32 $0x0;
	s5 =	sor.u32 s3, s5  }
0x7: {  	[smem:$0x7FF] =	sst s4;
	s6 =	sadd.s32 $0x400, s0;
	s21 =	smul.u32 $0xE000, s5  }
0x8: {  	_ =	strace $0x80000047;
	s3 =	ssub.s32 $0x2, s3;
	s9 =	smul.u32 $0x70000, s5  }
0x9: {  	s7 =	sshll.u32 s5, $0x1;
	s8 =	sshrl.u32 s3, $0x1;
	s5 =	smul.u32 $0x1C0, s5  }
0xa: {  	[dreg:$0x4] =	wrdreg s6;
	s0 =	sadd.s32 s7, s0;
	s3 =	ssub.s32 s3, s8  }
0xb: {  	s6 =	sadd.s32 $0x240000, s21;
	s23 =	sshrl.u32 s9, $0x3;
	s12 =	sadd.s32 $0x4830, s5  }
0xc: {  	s13 =	sadd.s32 $0x4840, s5;
	s14 =	sadd.s32 $0x4850, s5;
	s17 =	sadd.s32 $0x600, s0  }
0xd: {  	s18 =	smax.u32 s3, $0x1;
	s21 =	simm.s32 $0xC000;
	s22 =	sadd.s32 s1, s6  }
0xe: {  	s6 =	sadd.s32 s2, s6;
	s24 =	sadd.s32 $0x240800, s23;
	s25 =	sadd.s32 $0x241000, s23  }
0xf: {  	s30 =	sadd.s32 $0x24D800, s23;
	s23 =	simm.s32 $0x10000;
	[dreg:$0x5] =	wrdreg s22  }
0x10: {  	[dreg:$0x6] =	wrdreg s6;
	s26 =	sadd.s32 s1, s24;
	s9 =	sadd.s32 s2, s24  }
0x11: {  	s10 =	sadd.s32 s1, s25;
	s11 =	sadd.s32 s2, s25;
	s15 =	sadd.s32 s1, s30  }
0x12: {  	s16 =	sadd.s32 s2, s30;
	s22 =	simm.s32 $0x4000;
	s24 =	simm.s32 $0x8000  }
0x13: {  	s25 =	simm.s32 $0x14000;
	[dreg:$0x7] =	wrdreg s26;
	s26 =	simm.s32 $0x1  }
.LBB2_1:
0x14: {  	s0 =	rddreg [dreg:$0x4];
	s3 =	simm.s32 $0x18000  }
0x15: {  	[tilespmem:s3], [sflag:$0x4] =	stream.linear.gather [hbm4b:s0+s4], $0x480, $0x38;
	[tilespmem:$0x18880] =	vst v63  }
0x16: {  	_ =	swait.ge [sflag:s20], $0x480  }
0x17: {  	[sflag:s20] =	ssyncset.done $0x0  }
0x18: {  	[sflag:s20] =	ssyncadd.s32 $0xFFFFFB80  }
0x19: {  	v0 =	vld [tilespmem:$0x18000]  }
0x1a: {  	v1 =	vld [tilespmem:$0x18080]  }
0x1b: {  	v2 =	vld [tilespmem:$0x18100]  }
0x1c: {  	v3 =	vld [tilespmem:$0x18180]  }
0x1d: {  	v4 =	vld [tilespmem:$0x18200]  }
0x1e: {  	v5 =	vld [tilespmem:$0x18280]  }
0x1f: {  	v6 =	vld [tilespmem:$0x18300]  }
0x20: {  	s8 =	rddreg [dreg:$0x5];
	v7 =	vld [tilespmem:$0x18380]  }
0x21: {  	v8 =	vld [tilespmem:$0x18400];
	[tilespmem:s4], [sflag:$0x1] =	stream.linear.gather [hbm4b:s8+s4], $0x4000, $0x38  }
0x22: {  	s19 =	rddreg [dreg:$0x6]  }
0x23: {  	[tilespmem:s21], [sflag:$0x1] =	stream.linear.gather [hbm4b:s19+s4], $0x4000, $0x38;
	[tilespmem:$0x18880] =	vst v63  }
0x24: {  	s30 =	rddreg [dreg:$0x7]  }
0x25: {  	[tilespmem:s22], [sflag:$0x2] =	stream.linear.gather [hbm4b:s30+s4], $0x4000, $0x38;
	[tilespmem:$0x18880] =	vst v63  }
0x26: {  	_ = 	snop  }
0x27: {  	[tilespmem:s23], [sflag:$0x2] =	stream.linear.gather [hbm4b:s9+s4], $0x4000, $0x38;
	[tilespmem:$0x18880] =	vst v63  }
0x28: {  	_ = 	snop  }
0x29: {  	v11 =	vimm.f32 $0.0e+00;
	v9 =	vimm.f32 $0.0e+00;
	[tilespmem:s24], [sflag:$0x3] =	stream.linear.gather [hbm4b:s10+s4], $0x4000, $0x38;
	[tilespmem:$0x18880] =	vst v63  }
0x2a: {  	v10 =	vimm.f32 $0.0e+00;
	v12 =	vimm.f32 $0.0e+00;
	v13 =	vimm.f32 $0.0e+00;
	s0 =	simm.s32 $0x0  }
0x2b: {  	v14 =	vimm.f32 $0.0e+00;
	v15 =	vimm.f32 $0.0e+00;
	v16 =	vimm.f32 $0.0e+00;
	[tilespmem:s25], [sflag:$0x3] =	stream.linear.gather [hbm4b:s11+s4], $0x4000, $0x38;
	[tilespmem:$0x18880] =	vst v63  }
.LBB2_2:
0x2c: {  	_ =	swait.ge [sflag:s26], $0x4000  }
0x2d: {  	[sflag:s26] =	ssyncset.done $0x0  }
0x2e: {  	[sflag:s26] =	ssyncadd.s32 $0xFFFFC000  }
0x2f: {  	_ =	swait.ge [sflag:s26], $0x4000  }
0x30: {  	s3 =	simm.s32 $0x0;
	[sflag:s26] =	ssyncset.done $0x0  }
0x31: {  	s19 =	simm.s32 $0x0;
	s30 =	simm.s32 $0x0;
	[sflag:s26] =	ssyncadd.s32 $0xFFFFC000  }
.LBB2_3:
0x32: {  	s5 =	sshll.u32 s19, $0x2;
	s6 =	sand.u32 $0x7, s3  }
0x33: {  	s5 =	sand.u32 $0xFFFF8000, s5;
	s6 =	sshll.u32 s6, $0x9  }
0x34: {  	s5 =	sor.u32 s6, s5  }
0x35: {  	s5 =	sshrl.u32 s5, $0x2  }
0x36: {  	s8 =	sadd.s32 $0xC040, s5  }
0x37: {  	s5 =	sor.u32 $0x40, s5;
	v17 =	vld [tilespmem:s8+$0x30]  }
0x38: {  	v18 =	vld [tilespmem:s5+$0x30]  }
0x39: {  	v19 =	vld [tilespmem:s8+$0xFFFFFFC0]  }
0x3a: {  	v20 =	vld [tilespmem:s8+$0xFFFFFFD0]  }
0x3b: {  	v21 =	vld [tilespmem:s8+$0xFFFFFFE0]  }
0x3c: {  	v22 =	vld [tilespmem:s8+$0xFFFFFFF0]  }
0x3d: {  	v23 =	vld [tilespmem:s8+$0x0]  }
0x3e: {  	v25 =	vld [tilespmem:s8+$0x10]  }
0x3f: {  	v26 =	vld [tilespmem:s8+$0x20]  }
0x40: {  	v28 =	vld [tilespmem:s5+$0xFFFFFFE0]  }
0x41: {  	v29 =	vld [tilespmem:s5+$0xFFFFFFF0]  }
0x42: {  	v32 =	vld [tilespmem:s5+$0x0]  }
0x43: {  	v33 =	vld [tilespmem:s5+$0x10]  }
0x44: {  	v35 =	vld [tilespmem:s5+$0x20]  }
0x45: {  	v37 =	vld [tilespmem:s5+$0xFFFFFFC0]  }
0x46: {  	vm0 =	vge.f32 v17, v0;
	v18 =	vsub.f32 v18, v17  }
0x47: {  	vm1 =	vge.f32 v19, v0;
	vm2 =	vge.f32 v20, v0;
	vm3 =	vge.f32 v21, v0  }
0x48: {  	v28 =	vsub.f32 v28, v21;
	v29 =	vsub.f32 v29, v22;
	vm4 =	vge.f32 v23, v1  }
0x49: {  	v32 =	vsub.f32 v32, v23;
	vm5 =	vge.f32 v25, v1;
	v33 =	vsub.f32 v33, v25  }
0x4a: {  	vm6 =	vge.f32 v26, v1;
	v35 =	vsub.f32 v35, v26;
	v37 =	vsub.f32 v37, v19  }
0x4b: {  	vm13 =	vge.f32 v23, v2;
	vm14 =	vge.f32 v26, v2;
	vm15 =	vge.f32 v23, v3  }
0x4c: {  	vm8 =	vge.f32 v26, v3;
	v24 =	vsel vm0, v5, v4;
	vm0 =	vge.f32 v17, v1  }
0x4d: {  	v27 =	vsel vm1, v5, v4;
	v24 =	vsel vm0, v6, v24;
	vm0 =	vge.f32 v17, v2  }
0x4e: {  	v24 =	vsel vm0, v7, v24;
	vm0 =	vge.f32 v17, v3;
	v17 =	vmul.f32 v18, v18  }
0x4f: {  	v30 =	vsel vm3, v5, v4;
	vm1 =	vge.f32 v23, v0;
	v24 =	vsel vm0, v8, v24  }
0x50: {  	vm3 =	vge.f32 v22, v1;
	vm0 =	vge.f32 v22, v0;
	v17 =	vmul.f32 v24, v17  }
0x51: {  	v24 =	vsel vm2, v5, v4;
	v31 =	vsel vm0, v5, v4;
	vm0 =	vge.f32 v25, v0  }
0x52: {  	vm2 =	vge.f32 v21, v1;
	v34 =	vsel vm0, v5, v4;
	vm0 =	vge.f32 v26, v0  }
0x53: {  	v18 =	vld [tilespmem:s5+$0xFFFFFFD0];
	v30 =	vsel vm2, v6, v30;
	v31 =	vsel vm3, v6, v31;
	vm2 =	vge.f32 v21, v2  }
0x54: {  	vm3 =	vge.f32 v22, v2;
	v11 =	vadd.f32 v17, v11;
	v17 =	vsel vm1, v5, v4  }
0x55: {  	vm1 =	vge.f32 v19, v1;
	v36 =	vsel vm0, v5, v4;
	vm0 =	vge.f32 v20, v1  }
0x56: {  	v34 =	vsel vm5, v6, v34;
	v30 =	vsel vm2, v7, v30;
	v31 =	vsel vm3, v7, v31  }
0x57: {  	vm2 =	vge.f32 v21, v3;
	v21 =	vmul.f32 v32, v32;
	vm3 =	vge.f32 v22, v3  }
0x58: {  	v22 =	vmul.f32 v35, v35;
	v18 =	vsub.f32 v18, v20;
	v27 =	vsel vm1, v6, v27  }
0x59: {  	v24 =	vsel vm0, v6, v24;
	v17 =	vsel vm4, v6, v17;
	vm0 =	vge.f32 v19, v2  }
0x5a: {  	s7 =	sadd.s32 $0x400, s8;
	vm1 =	vge.f32 v20, v2;
	v36 =	vsel vm6, v6, v36;
	v26 =	vsel vm3, v8, v31  }
0x5b: {  	v53 =	vld [tilespmem:s7+$0xFFFFFFD0];
	s5 =	sadd.s32 $0x400, s5;
	v27 =	vsel vm0, v7, v27;
	vm0 =	vge.f32 v25, v2;
	v24 =	vsel vm1, v7, v24  }
0x5c: {  	v56 =	vld [tilespmem:s5+$0x10];
	v17 =	vsel vm13, v7, v17;
	vm1 =	vge.f32 v20, v3;
	v20 =	vmul.f32 v28, v28  }
0x5d: {  	v39 =	vld [tilespmem:s5+$0xFFFFFFC0];
	v28 =	vmul.f32 v29, v29;
	v29 =	vmul.f32 v33, v33;
	v34 =	vsel vm0, v7, v34  }
0x5e: {  	v31 =	vld [tilespmem:s5+$0x30];
	vm0 =	vge.f32 v19, v3;
	v19 =	vmul.f32 v37, v37;
	v18 =	vmul.f32 v18, v18  }
0x5f: {  	v24 =	vsel vm1, v8, v24;
	v23 =	vsel vm0, v8, v27;
	vm0 =	vge.f32 v25, v3;
	v27 =	vld [tilespmem:s7+$0x30]  }
0x60: {  	v25 =	vsel vm2, v8, v30;
	v19 =	vmul.f32 v23, v19;
	v18 =	vmul.f32 v24, v18;
	v24 =	vld [tilespmem:s7+$0xFFFFFFC0]  }
0x61: {  	v36 =	vsel vm14, v7, v36;
	v20 =	vmul.f32 v25, v20;
	v25 =	vmul.f32 v26, v28;
	v26 =	vld [tilespmem:s5+$0xFFFFFFE0]  }
0x62: {  	v17 =	vsel vm15, v8, v17;
	vm2 =	vge.f32 v53, v0;
	v30 =	vsel vm0, v8, v34;
	v28 =	vld [tilespmem:s5+$0xFFFFFFF0]  }
0x63: {  	v23 =	vsel vm8, v8, v36;
	v16 =	vadd.f32 v19, v16;
	v19 =	vmul.f32 v17, v21;
	v21 =	vld [tilespmem:s7+$0xFFFFFFE0]  }
0x64: {  	v17 =	vmul.f32 v30, v29;
	v15 =	vadd.f32 v18, v15;
	v14 =	vadd.f32 v20, v14;
	v29 =	vld [tilespmem:s7+$0xFFFFFFF0]  }
0x65: {  	v18 =	vmul.f32 v23, v22;
	v13 =	vadd.f32 v25, v13;
	v23 =	vld [tilespmem:s5+$0xFFFFFFD0];
	vm0 =	vge.f32 v27, v0  }
0x66: {  	v30 =	vld [tilespmem:s7+$0x10];
	v12 =	vadd.f32 v19, v12;
	v20 =	vsub.f32 v31, v27;
	v22 =	vsel vm0, v5, v4  }
0x67: {  	vm0 =	vge.f32 v27, v1;
	vm1 =	vge.f32 v24, v0;
	v60 =	vsub.f32 v39, v24  }
0x68: {  	v22 =	vsel vm0, v6, v22;
	vm0 =	vge.f32 v27, v2;
	v20 =	vmul.f32 v20, v20  }
0x69: {  	v19 =	vld [tilespmem:s7+$0x0];
	v25 =	vsel vm1, v5, v4;
	v22 =	vsel vm0, v7, v22;
	vm0 =	vge.f32 v27, v3  }
0x6a: {  	v55 =	vld [tilespmem:s5+$0x0];
	vm3 =	vge.f32 v21, v0;
	v23 =	vsub.f32 v23, v53;
	v40 =	vsub.f32 v26, v21  }
0x6b: {  	v31 =	vld [tilespmem:s7+$0x20];
	v41 =	vsub.f32 v28, v29;
	vm10 =	vge.f32 v30, v1;
	v35 =	vsub.f32 v56, v30  }
0x6c: {  	v58 =	vld [tilespmem:s5+$0x20];
	vm14 =	vge.f32 v21, v3;
	vm15 =	vge.f32 v29, v3;
	v22 =	vsel vm0, v8, v22  }
0x6d: {  	vm0 =	vge.f32 v29, v0;
	v27 =	vsel vm3, v5, v4;
	vm3 =	vge.f32 v29, v1  }
0x6e: {  	v20 =	vmul.f32 v22, v20;
	v22 =	vsel vm2, v5, v4;
	vm1 =	vge.f32 v19, v0  }
0x6f: {  	v54 =	vsel vm0, v5, v4;
	vm0 =	vge.f32 v30, v0;
	vm2 =	vge.f32 v21, v1  }
0x70: {  	vm9 =	vge.f32 v19, v1;
	v34 =	vsub.f32 v55, v19;
	vm11 =	vge.f32 v31, v1  }
0x71: {  	v59 =	vsub.f32 v58, v31;
	vm12 =	vge.f32 v19, v2;
	vm13 =	vge.f32 v31, v2  }
0x72: {  	v57 =	vsel vm0, v5, v4;
	vm0 =	vge.f32 v31, v0;
	v26 =	vsel vm2, v6, v27  }
0x73: {  	v27 =	vsel vm3, v6, v54;
	vm2 =	vge.f32 v21, v2;
	vm3 =	vge.f32 v29, v2  }
0x74: {  	v21 =	vmul.f32 v35, v35;
	v11 =	vadd.f32 v20, v11;
	v20 =	vsel vm1, v5, v4  }
0x75: {  	vm1 =	vge.f32 v24, v1;
	v38 =	vsel vm0, v5, v4;
	vm0 =	vge.f32 v53, v1  }
0x76: {  	v28 =	vsel vm10, v6, v57;
	v42 =	vsel vm2, v7, v26;
	v43 =	vsel vm3, v7, v27  }
0x77: {  	vm3 =	vge.f32 v53, v3;
	vm2 =	vge.f32 v31, v3;
	v25 =	vsel vm1, v6, v25  }
0x78: {  	v22 =	vsel vm0, v6, v22;
	v20 =	vsel vm9, v6, v20;
	vm0 =	vge.f32 v24, v2  }
0x79: {  	vm1 =	vge.f32 v53, v2;
	v61 =	vsel vm11, v6, v38;
	v31 =	vsel vm15, v8, v43  }
0x7a: {  	v62 =	vsel vm0, v7, v25;
	vm0 =	vge.f32 v30, v2;
	v63 =	vsel vm1, v7, v22  }
0x7b: {  	vm1 =	vge.f32 v24, v3;
	v24 =	vmul.f32 v60, v60;
	v25 =	vmul.f32 v23, v23  }
0x7c: {  	v26 =	vsel vm12, v7, v20;
	v22 =	vmul.f32 v40, v40;
	v23 =	vmul.f32 v41, v41  }
0x7d: {  	v20 =	vmul.f32 v34, v34;
	v27 =	vsel vm0, v7, v28;
	v28 =	vsel vm13, v7, v61  }
0x7e: {  	vm0 =	vge.f32 v19, v3;
	v19 =	vmul.f32 v59, v59;
	v29 =	vsel vm1, v8, v62  }
0x7f: {  	s6 =	simm.s32 $0x80;
	s7 =	sadd.s32 $0x400, s7;
	vm1 =	vge.f32 v30, v3;
	v32 =	vsel vm3, v8, v63;
	v30 =	vsel vm14, v8, v42  }
.LBB2_4:
0x80: {  	v33 =	vld [tilespmem:s7+$0x30];
	s6 =	sadd.s32 $0x80, s6;
	v26 =	vsel vm0, v8, v26;
	v27 =	vsel vm1, v8, v27;
	v28 =	vsel vm2, v8, v28;
	s5 =	sadd.s32 $0x400, s5  }
0x81: {  	v24 =	vmul.f32 v29, v24;
	v25 =	vmul.f32 v32, v25;
	v10 =	vadd.f32 v17, v10;
	v34 =	vld [tilespmem:s5+$0x30];
	p0 =	slt.u32 s6, $0x380  }
0x82: {  	v22 =	vmul.f32 v30, v22;
	v23 =	vmul.f32 v31, v23;
	v9 =	vadd.f32 v18, v9;
	v29 =	vld [tilespmem:s7+$0xFFFFFFC0]  }
0x83: {  	v20 =	vmul.f32 v26, v20;
	v17 =	vmul.f32 v27, v21;
	v16 =	vadd.f32 v24, v16;
	v30 =	vld [tilespmem:s7+$0xFFFFFFD0]  }
0x84: {  	v18 =	vmul.f32 v28, v19;
	v15 =	vadd.f32 v25, v15;
	v14 =	vadd.f32 v22, v14;
	v21 =	vld [tilespmem:s7+$0xFFFFFFE0]  }
0x85: {  	v13 =	vadd.f32 v23, v13;
	v12 =	vadd.f32 v20, v12;
	v19 =	vld [tilespmem:s7+$0xFFFFFFF0];
	vm0 =	vge.f32 v33, v0  }
0x86: {  	v31 =	vld [tilespmem:s7+$0x0];
	v20 =	vsub.f32 v34, v33;
	v22 =	vsel vm0, v5, v4;
	vm0 =	vge.f32 v33, v1  }
0x87: {  	vm1 =	vge.f32 v29, v0;
	v32 =	vld [tilespmem:s7+$0x10];
	v22 =	vsel vm0, v6, v22;
	vm0 =	vge.f32 v33, v2  }
0x88: {  	v34 =	vld [tilespmem:s7+$0x20];
	v22 =	vsel vm0, v7, v22;
	vm0 =	vge.f32 v33, v3;
	v20 =	vmul.f32 v20, v20  }
0x89: {  	vm2 =	vge.f32 v30, v0;
	v23 =	vld [tilespmem:s5+$0xFFFFFFD0];
	vm3 =	vge.f32 v21, v0;
	v22 =	vsel vm0, v8, v22  }
0x8a: {  	v24 =	vsel vm1, v5, v4;
	v25 =	vld [tilespmem:s5+$0xFFFFFFE0];
	vm0 =	vge.f32 v19, v0;
	v20 =	vmul.f32 v22, v20  }
0x8b: {  	v22 =	vsel vm2, v5, v4;
	v26 =	vsel vm3, v5, v4;
	v27 =	vld [tilespmem:s5+$0xFFFFFFF0];
	vm1 =	vge.f32 v31, v0  }
0x8c: {  	v28 =	vsel vm0, v5, v4;
	v33 =	vld [tilespmem:s5+$0x0];
	vm0 =	vge.f32 v32, v0;
	v11 =	vadd.f32 v20, v11  }
0x8d: {  	v20 =	vsel vm1, v5, v4;
	v35 =	vld [tilespmem:s5+$0x10];
	v36 =	vsel vm0, v5, v4;
	vm0 =	vge.f32 v34, v0  }
0x8e: {  	vm1 =	vge.f32 v29, v1;
	v23 =	vsub.f32 v23, v30;
	v37 =	vld [tilespmem:s5+$0x20];
	v38 =	vsel vm0, v5, v4  }
0x8f: {  	vm2 =	vge.f32 v21, v1;
	vm0 =	vge.f32 v30, v1;
	v39 =	vld [tilespmem:s5+$0xFFFFFFC0];
	v40 =	vsub.f32 v25, v21  }
0x90: {  	vm3 =	vge.f32 v19, v1;
	vm4 =	vge.f32 v31, v1;
	v41 =	vsub.f32 v27, v19  }
0x91: {  	vm5 =	vge.f32 v32, v1;
	vm6 =	vge.f32 v34, v1;
	v33 =	vsub.f32 v33, v31  }
0x92: {  	v24 =	vsel vm1, v6, v24;
	v22 =	vsel vm0, v6, v22;
	v35 =	vsub.f32 v35, v32  }
0x93: {  	v25 =	vsel vm2, v6, v26;
	v26 =	vsel vm3, v6, v28;
	v37 =	vsub.f32 v37, v34  }
0x94: {  	v20 =	vsel vm4, v6, v20;
	v27 =	vsel vm5, v6, v36;
	v39 =	vsub.f32 v39, v29  }
0x95: {  	vm1 =	vge.f32 v30, v2;
	vm0 =	vge.f32 v29, v2;
	v28 =	vsel vm6, v6, v38  }
0x96: {  	vm4 =	vge.f32 v31, v2;
	vm2 =	vge.f32 v21, v2;
	vm3 =	vge.f32 v19, v2  }
0x97: {  	v36 =	vsel vm0, v7, v24;
	vm0 =	vge.f32 v32, v2;
	vm5 =	vge.f32 v34, v2  }
0x98: {  	v38 =	vsel vm1, v7, v22;
	v42 =	vsel vm2, v7, v25;
	v43 =	vsel vm3, v7, v26  }
0x99: {  	v26 =	vsel vm4, v7, v20;
	v27 =	vsel vm0, v7, v27;
	v28 =	vsel vm5, v7, v28  }
0x9a: {  	vm1 =	vge.f32 v29, v3;
	v25 =	vmul.f32 v23, v23;
	v24 =	vmul.f32 v39, v39  }
.Ltmp0:
0x9b: {  	vm3 =	vge.f32 v30, v3;
	v22 =	vmul.f32 v40, v40;
	v23 =	vmul.f32 v41, v41;
	(pc) =	sbr.rel @p0 .LBB2_4-.Ltmp0, $4  }
0x9c: {  	vm4 =	vge.f32 v21, v3;
	v20 =	vmul.f32 v33, v33;
	v21 =	vmul.f32 v35, v35  }
0x9d: {  	vm5 =	vge.f32 v19, v3;
	vm0 =	vge.f32 v31, v3;
	v19 =	vmul.f32 v37, v37  }
0x9e: {  	vm2 =	vge.f32 v34, v3;
	v29 =	vsel vm1, v8, v36;
	vm1 =	vge.f32 v32, v3  }
0x9f: {  	s7 =	sadd.s32 $0x400, s7;
	v30 =	vsel vm4, v8, v42;
	v31 =	vsel vm5, v8, v43;
	v32 =	vsel vm3, v8, v38  }
0xa0: {  	v26 =	vsel vm0, v8, v26;
	v27 =	vsel vm1, v8, v27;
	v28 =	vsel vm2, v8, v28;
	s30 =	sadd.s32 $0x1, s30  }
0xa1: {  	v24 =	vmul.f32 v29, v24;
	v25 =	vmul.f32 v32, v25;
	v10 =	vadd.f32 v17, v10;
	p0 =	sne.s32 s30, $0x10  }
.Ltmp1:
0xa2: {  	v17 =	vmul.f32 v30, v22;
	v62 =	vmul.f32 v31, v23;
	v9 =	vadd.f32 v18, v9;
	(pc) =	sbr.rel @p0 .LBB2_3-.Ltmp1, $4  }
0xa3: {  	v18 =	vmul.f32 v26, v20;
	v63 =	vmul.f32 v27, v21;
	v16 =	vadd.f32 v24, v16  }
0xa4: {  	v15 =	vadd.f32 v25, v15;
	v14 =	vadd.f32 v17, v14;
	v17 =	vmul.f32 v28, v19  }
0xa5: {  	v13 =	vadd.f32 v62, v13;
	v12 =	vadd.f32 v18, v12  }
0xa6: {  	s19 =	sadd.s32 $0x400, s19;
	s3 =	sadd.s32 $0x1, s3;
	v10 =	vadd.f32 v63, v10;
	v9 =	vadd.f32 v17, v9  }
0xa7: {  	s3 =	smul.u32 $0x30, s0;
	_ =	sdelay $0x1  }
0xa8: {  	s5 =	sadd.s32 s3, s12  }
0xa9: {  	s5 =	sshll.u32 s5, $0x7  }
0xaa: {  	s19 =	simm.s32 $0x0;
	s6 =	sadd.s32 s1, s5  }
0xab: {  	[tilespmem:s19], [sflag:$0x1] =	stream.linear.gather [hbm4b:s6+s19], $0x4000, $0x38;
	[tilespmem:$0x18880] =	vst v63  }
0xac: {  	s5 =	sadd.s32 s2, s5  }
0xad: {  	[tilespmem:s21], [sflag:$0x1] =	stream.linear.gather [hbm4b:s5+s19], $0x4000, $0x38;
	[tilespmem:$0x18880] =	vst v63  }
0xae: {  	_ =	swait.ge [sflag:s28], $0x4000  }
0xaf: {  	[sflag:s28] =	ssyncset.done $0x0  }
0xb0: {  	[sflag:s28] =	ssyncadd.s32 $0xFFFFC000  }
0xb1: {  	_ =	swait.ge [sflag:s28], $0x4000  }
0xb2: {  	[sflag:s28] =	ssyncset.done $0x0  }
0xb3: {  	s30 =	simm.s32 $0x0;
	s5 =	simm.s32 $0x0;
	[sflag:s28] =	ssyncadd.s32 $0xFFFFC000  }
.LBB2_7:
0xb4: {  	s6 =	sand.u32 $0x7, s30  }
0xb5: {  	s6 =	sshll.u32 s6, $0x9  }
0xb6: {  	s6 =	sshrl.u32 s6, $0x2  }
0xb7: {  	v17 =	vmov s6;
	_ =	sdelay $0x2  }
0xb8: {  	s6 =	sand.u32 $0x3FFFE000, s19  }
0xb9: {  	s7 =	sadd.s32 $0xC000, s6  }
0xba: {  	v18 =	vld.idx.msk [tilespmem:v17+s7+$0x4070 ss:$0x1], $0xffff  }
0xbb: {  	v19 =	vld.idx.msk [tilespmem:v17+s6+$0x4070 ss:$0x1], $0xffff  }
0xbc: {  	v20 =	vld.idx.msk [tilespmem:v17+s7+$0x4000 ss:$0x1], $0xffff  }
0xbd: {  	v21 =	vld.idx.msk [tilespmem:v17+s7+$0x4010 ss:$0x1], $0xffff  }
0xbe: {  	v22 =	vld.idx.msk [tilespmem:v17+s7+$0x4020 ss:$0x1], $0xffff  }
0xbf: {  	v23 =	vld.idx.msk [tilespmem:v17+s7+$0x4030 ss:$0x1], $0xffff  }
0xc0: {  	v24 =	vld.idx.msk [tilespmem:v17+s7+$0x4040 ss:$0x1], $0xffff  }
0xc1: {  	v26 =	vld.idx.msk [tilespmem:v17+s7+$0x4050 ss:$0x1], $0xffff  }
0xc2: {  	v27 =	vld.idx.msk [tilespmem:v17+s7+$0x4060 ss:$0x1], $0xffff  }
0xc3: {  	v28 =	vld.idx.msk [tilespmem:v17+s6+$0x4010 ss:$0x1], $0xffff  }
0xc4: {  	v30 =	vld.idx.msk [tilespmem:v17+s6+$0x4030 ss:$0x1], $0xffff  }
0xc5: {  	v32 =	vld.idx.msk [tilespmem:v17+s6+$0x4040 ss:$0x1], $0xffff  }
0xc6: {  	v34 =	vld.idx.msk [tilespmem:v17+s6+$0x4050 ss:$0x1], $0xffff  }
0xc7: {  	v36 =	vld.idx.msk [tilespmem:v17+s6+$0x4060 ss:$0x1], $0xffff  }
0xc8: {  	v37 =	vld.idx.msk [tilespmem:v17+s6+$0x4000 ss:$0x1], $0xffff  }
0xc9: {  	vm0 =	vge.f32 v18, v0;
	v19 =	vsub.f32 v19, v18  }
0xca: {  	vm1 =	vge.f32 v20, v0;
	vm2 =	vge.f32 v21, v0;
	vm3 =	vge.f32 v22, v0  }
0xcb: {  	v28 =	vsub.f32 v28, v21;
	v30 =	vsub.f32 v30, v23;
	vm4 =	vge.f32 v24, v1  }
0xcc: {  	v32 =	vsub.f32 v32, v24;
	vm5 =	vge.f32 v26, v1;
	v34 =	vsub.f32 v34, v26  }
0xcd: {  	vm6 =	vge.f32 v27, v1;
	v36 =	vsub.f32 v36, v27;
	v37 =	vsub.f32 v37, v20  }
0xce: {  	v25 =	vsel vm0, v5, v4;
	vm0 =	vge.f32 v18, v1;
	v29 =	vsel vm1, v5, v4  }
0xcf: {  	v31 =	vsel vm3, v5, v4;
	v25 =	vsel vm0, v6, v25;
	vm0 =	vge.f32 v18, v2  }
0xd0: {  	v25 =	vsel vm0, v7, v25;
	vm0 =	vge.f32 v18, v3;
	v18 =	vmul.f32 v19, v19  }
0xd1: {  	vm1 =	vge.f32 v24, v0;
	vm3 =	vge.f32 v23, v1;
	v25 =	vsel vm0, v8, v25  }
0xd2: {  	v28 =	vmul.f32 v28, v28;
	vm0 =	vge.f32 v23, v0;
	v18 =	vmul.f32 v25, v18  }
0xd3: {  	v25 =	vsel vm2, v5, v4;
	v33 =	vsel vm0, v5, v4;
	vm0 =	vge.f32 v26, v0  }
0xd4: {  	vm2 =	vge.f32 v22, v1;
	v35 =	vsel vm0, v5, v4;
	vm0 =	vge.f32 v27, v0  }
0xd5: {  	v19 =	vld.idx.msk [tilespmem:v17+s6+$0x4020 ss:$0x1], $0xffff;
	v31 =	vsel vm2, v6, v31;
	v33 =	vsel vm3, v6, v33;
	vm2 =	vge.f32 v22, v2  }
0xd6: {  	vm3 =	vge.f32 v23, v2;
	v11 =	vadd.f32 v18, v11;
	v18 =	vsel vm1, v5, v4  }
0xd7: {  	s8 =	sadd.s32 $0x400, s7;
	vm1 =	vge.f32 v20, v1;
	v38 =	vsel vm0, v5, v4;
	vm0 =	vge.f32 v21, v1  }
0xd8: {  	v58 =	vld.idx.msk [tilespmem:v17+s8+$0x4060 ss:$0x1], $0xffff;
	v35 =	vsel vm5, v6, v35;
	vm5 =	vge.f32 v27, v2;
	v31 =	vsel vm2, v7, v31  }
0xd9: {  	v33 =	vsel vm3, v7, v33;
	vm2 =	vge.f32 v22, v3;
	vm3 =	vge.f32 v23, v3  }
0xda: {  	v23 =	vmul.f32 v36, v36;
	v19 =	vsub.f32 v19, v22;
	v29 =	vsel vm1, v6, v29  }
0xdb: {  	v25 =	vsel vm0, v6, v25;
	v18 =	vsel vm4, v6, v18;
	vm0 =	vge.f32 v20, v2  }
0xdc: {  	vm1 =	vge.f32 v21, v2;
	v38 =	vsel vm6, v6, v38;
	vm4 =	vge.f32 v24, v2  }
0xdd: {  	v22 =	vmul.f32 v32, v32;
	vm6 =	vge.f32 v58, v1;
	v29 =	vsel vm0, v7, v29  }
0xde: {  	vm0 =	vge.f32 v26, v2;
	v25 =	vsel vm1, v7, v25;
	v18 =	vsel vm4, v7, v18  }
0xdf: {  	v38 =	vsel vm5, v7, v38;
	vm1 =	vge.f32 v21, v3;
	v21 =	vmul.f32 v30, v30  }
0xe0: {  	v57 =	vld.idx.msk [tilespmem:v17+s8+$0x4050 ss:$0x1], $0xffff;
	s6 =	sadd.s32 $0x400, s6;
	v30 =	vmul.f32 v34, v34;
	vm4 =	vge.f32 v24, v3;
	vm5 =	vge.f32 v27, v3  }
0xe1: {  	v62 =	vld.idx.msk [tilespmem:v17+s6+$0x4060 ss:$0x1], $0xffff;
	v27 =	vsel vm2, v8, v31;
	v35 =	vsel vm0, v7, v35;
	vm0 =	vge.f32 v20, v3  }
0xe2: {  	v20 =	vmul.f32 v37, v37;
	v19 =	vmul.f32 v19, v19;
	v25 =	vsel vm1, v8, v25  }
0xe3: {  	v31 =	vld.idx.msk [tilespmem:v17+s6+$0x4070 ss:$0x1], $0xffff;
	v18 =	vsel vm4, v8, v18;
	v24 =	vsel vm0, v8, v29;
	vm0 =	vge.f32 v26, v3  }
0xe4: {  	v26 =	vld.idx.msk [tilespmem:v17+s8+$0x4070 ss:$0x1], $0xffff;
	v29 =	vsel vm3, v8, v33;
	v55 =	vsel vm0, v8, v35;
	v20 =	vmul.f32 v24, v20  }
0xe5: {  	v24 =	vmul.f32 v25, v28;
	v25 =	vsel vm5, v8, v38;
	v28 =	vld.idx.msk [tilespmem:v17+s8+$0x4000 ss:$0x1], $0xffff;
	v19 =	vmul.f32 v27, v19  }
0xe6: {  	v21 =	vmul.f32 v29, v21;
	v27 =	vld.idx.msk [tilespmem:v17+s8+$0x4010 ss:$0x1], $0xffff;
	vm5 =	vge.f32 v57, v1;
	v38 =	vsub.f32 v62, v58  }
0xe7: {  	v16 =	vadd.f32 v20, v16;
	v20 =	vmul.f32 v18, v22;
	v18 =	vmul.f32 v55, v30;
	v22 =	vld.idx.msk [tilespmem:v17+s8+$0x4020 ss:$0x1], $0xffff  }
0xe8: {  	v15 =	vadd.f32 v24, v15;
	v14 =	vadd.f32 v19, v14;
	v19 =	vmul.f32 v25, v23;
	v24 =	vld.idx.msk [tilespmem:v17+s6+$0x4010 ss:$0x1], $0xffff  }
0xe9: {  	v13 =	vadd.f32 v21, v13;
	v25 =	vld.idx.msk [tilespmem:v17+s6+$0x4020 ss:$0x1], $0xffff;
	vm0 =	vge.f32 v26, v0;
	v12 =	vadd.f32 v20, v12  }
0xea: {  	v56 =	vld.idx.msk [tilespmem:v17+s8+$0x4030 ss:$0x1], $0xffff;
	v21 =	vsub.f32 v31, v26;
	v23 =	vsel vm0, v5, v4;
	vm0 =	vge.f32 v26, v1  }
0xeb: {  	vm1 =	vge.f32 v28, v0;
	vm2 =	vge.f32 v27, v0;
	v23 =	vsel vm0, v6, v23  }
0xec: {  	v20 =	vld.idx.msk [tilespmem:v17+s8+$0x4040 ss:$0x1], $0xffff;
	vm0 =	vge.f32 v26, v2;
	v21 =	vmul.f32 v21, v21;
	v29 =	vsel vm2, v5, v4  }
0xed: {  	v31 =	vld.idx.msk [tilespmem:v17+s6+$0x4040 ss:$0x1], $0xffff;
	v23 =	vsel vm0, v7, v23;
	vm0 =	vge.f32 v26, v3;
	vm3 =	vge.f32 v22, v0  }
0xee: {  	v26 =	vsel vm1, v5, v4;
	v39 =	vsub.f32 v24, v27;
	v41 =	vsub.f32 v25, v22  }
0xef: {  	vm2 =	vge.f32 v22, v1;
	v23 =	vsel vm0, v8, v23;
	vm0 =	vge.f32 v56, v0  }
0xf0: {  	v30 =	vsel vm3, v5, v4;
	vm3 =	vge.f32 v56, v1;
	v21 =	vmul.f32 v23, v21  }
0xf1: {  	v40 =	vld.idx.msk [tilespmem:v17+s6+$0x4000 ss:$0x1], $0xffff;
	vm1 =	vge.f32 v20, v0;
	v59 =	vsel vm0, v5, v4;
	vm0 =	vge.f32 v57, v0  }
0xf2: {  	v23 =	vld.idx.msk [tilespmem:v17+s6+$0x4030 ss:$0x1], $0xffff;
	vm4 =	vge.f32 v20, v1;
	v43 =	vsub.f32 v31, v20;
	v60 =	vsel vm1, v5, v4  }
0xf3: {  	v61 =	vsel vm0, v5, v4;
	vm0 =	vge.f32 v58, v0;
	vm1 =	vge.f32 v28, v1  }
0xf4: {  	v11 =	vadd.f32 v21, v11;
	v24 =	vsel vm0, v5, v4;
	vm0 =	vge.f32 v27, v1  }
0xf5: {  	v36 =	vsel vm4, v6, v60;
	v37 =	vsel vm5, v6, v61;
	vm4 =	vge.f32 v20, v2  }
0xf6: {  	vm5 =	vge.f32 v58, v2;
	v25 =	vsel vm0, v6, v29;
	v29 =	vsub.f32 v40, v28  }
0xf7: {  	v21 =	vld.idx.msk [tilespmem:v17+s6+$0x4050 ss:$0x1], $0xffff;
	vm0 =	vge.f32 v28, v2;
	v63 =	vsel vm6, v6, v24;
	v42 =	vsub.f32 v23, v56  }
0xf8: {  	v23 =	vsel vm1, v6, v26;
	v26 =	vsel vm3, v6, v59;
	vm1 =	vge.f32 v27, v2  }
0xf9: {  	vm3 =	vge.f32 v56, v2;
	v45 =	vsel vm0, v7, v23;
	vm0 =	vge.f32 v57, v2  }
0xfa: {  	v23 =	vsel vm4, v7, v36;
	vm4 =	vge.f32 v28, v3;
	v28 =	vmul.f32 v29, v29  }
0xfb: {  	v32 =	vsel vm3, v7, v26;
	v29 =	vmul.f32 v39, v39;
	v26 =	vmul.f32 v41, v41  }
0xfc: {  	vm3 =	vge.f32 v56, v3;
	v44 =	vsub.f32 v21, v57;
	v21 =	vsel vm2, v6, v30  }
0xfd: {  	vm2 =	vge.f32 v22, v2;
	v30 =	vsel vm1, v7, v25;
	v24 =	vsel vm0, v7, v37  }
0xfe: {  	v25 =	vsel vm5, v7, v63;
	vm0 =	vge.f32 v27, v3;
	v27 =	vmul.f32 v42, v42  }
0xff: {  	vm1 =	vge.f32 v22, v3;
	v33 =	vsel vm4, v8, v45;
	vm4 =	vge.f32 v57, v3  }
0x100: {  	vm5 =	vge.f32 v58, v3;
	v31 =	vsel vm2, v7, v21;
	v21 =	vmul.f32 v43, v43  }
0x101: {  	s7 =	simm.s32 $0x80;
	s8 =	sadd.s32 $0x400, s8;
	vm2 =	vge.f32 v20, v3;
	v20 =	vmul.f32 v38, v38;
	v22 =	vmul.f32 v44, v44  }
.LBB2_8:
0x102: {  	v34 =	vld.idx.msk [tilespmem:v17+s8+$0x4070 ss:$0x1], $0xffff;
	s7 =	sadd.s32 $0x80, s7;
	v30 =	vsel vm0, v8, v30;
	v31 =	vsel vm1, v8, v31;
	v32 =	vsel vm3, v8, v32;
	s6 =	sadd.s32 $0x400, s6  }
0x103: {  	v23 =	vsel vm2, v8, v23;
	v24 =	vsel vm4, v8, v24;
	v25 =	vsel vm5, v8, v25;
	v35 =	vld.idx.msk [tilespmem:v17+s6+$0x4070 ss:$0x1], $0xffff;
	p0 =	slt.u32 s7, $0x380  }
0x104: {  	v28 =	vmul.f32 v33, v28;
	v10 =	vadd.f32 v18, v10;
	v29 =	vmul.f32 v30, v29;
	v36 =	vld.idx.msk [tilespmem:v17+s8+$0x4000 ss:$0x1], $0xffff  }
0x105: {  	v9 =	vadd.f32 v19, v9;
	v26 =	vmul.f32 v31, v26;
	v27 =	vmul.f32 v32, v27;
	v33 =	vld.idx.msk [tilespmem:v17+s8+$0x4010 ss:$0x1], $0xffff  }
0x106: {  	v21 =	vmul.f32 v23, v21;
	v18 =	vmul.f32 v24, v22;
	v16 =	vadd.f32 v28, v16;
	v37 =	vld.idx.msk [tilespmem:v17+s8+$0x4020 ss:$0x1], $0xffff  }
0x107: {  	v19 =	vmul.f32 v25, v20;
	v15 =	vadd.f32 v29, v15;
	v14 =	vadd.f32 v26, v14;
	v38 =	vld.idx.msk [tilespmem:v17+s8+$0x4030 ss:$0x1], $0xffff  }
0x108: {  	v13 =	vadd.f32 v27, v13;
	v12 =	vadd.f32 v21, v12;
	vm0 =	vge.f32 v34, v0;
	v20 =	vld.idx.msk [tilespmem:v17+s8+$0x4040 ss:$0x1], $0xffff  }
0x109: {  	v21 =	vsub.f32 v35, v34;
	v22 =	vsel vm0, v5, v4;
	vm0 =	vge.f32 v34, v1;
	v39 =	vld.idx.msk [tilespmem:v17+s8+$0x4050 ss:$0x1], $0xffff  }
0x10a: {  	vm1 =	vge.f32 v36, v0;
	v22 =	vsel vm0, v6, v22;
	vm0 =	vge.f32 v34, v2;
	v35 =	vld.idx.msk [tilespmem:v17+s8+$0x4060 ss:$0x1], $0xffff  }
0x10b: {  	v22 =	vsel vm0, v7, v22;
	vm0 =	vge.f32 v34, v3;
	v21 =	vmul.f32 v21, v21;
	v23 =	vld.idx.msk [tilespmem:v17+s6+$0x4010 ss:$0x1], $0xffff  }
0x10c: {  	vm2 =	vge.f32 v33, v0;
	vm3 =	vge.f32 v37, v0;
	v22 =	vsel vm0, v8, v22;
	v24 =	vld.idx.msk [tilespmem:v17+s6+$0x4020 ss:$0x1], $0xffff  }
0x10d: {  	v25 =	vsel vm1, v5, v4;
	vm0 =	vge.f32 v38, v0;
	v21 =	vmul.f32 v22, v21;
	v26 =	vld.idx.msk [tilespmem:v17+s6+$0x4030 ss:$0x1], $0xffff  }
0x10e: {  	v22 =	vsel vm2, v5, v4;
	v27 =	vsel vm3, v5, v4;
	vm1 =	vge.f32 v20, v0;
	v28 =	vld.idx.msk [tilespmem:v17+s6+$0x4040 ss:$0x1], $0xffff  }
0x10f: {  	v29 =	vsel vm0, v5, v4;
	vm0 =	vge.f32 v39, v0;
	v11 =	vadd.f32 v21, v11;
	v30 =	vld.idx.msk [tilespmem:v17+s6+$0x4050 ss:$0x1], $0xffff  }
0x110: {  	v21 =	vsel vm1, v5, v4;
	v31 =	vsel vm0, v5, v4;
	vm0 =	vge.f32 v35, v0;
	v32 =	vld.idx.msk [tilespmem:v17+s6+$0x4060 ss:$0x1], $0xffff  }
0x111: {  	vm1 =	vge.f32 v36, v1;
	v40 =	vsub.f32 v23, v33;
	v23 =	vsel vm0, v5, v4;
	v34 =	vld.idx.msk [tilespmem:v17+s6+$0x4000 ss:$0x1], $0xffff  }
0x112: {  	vm2 =	vge.f32 v37, v1;
	vm0 =	vge.f32 v33, v1;
	v41 =	vsub.f32 v24, v37  }
0x113: {  	vm3 =	vge.f32 v38, v1;
	vm4 =	vge.f32 v20, v1;
	v42 =	vsub.f32 v26, v38  }
0x114: {  	vm5 =	vge.f32 v39, v1;
	vm6 =	vge.f32 v35, v1;
	v43 =	vsub.f32 v28, v20  }
0x115: {  	v24 =	vsel vm1, v6, v25;
	v22 =	vsel vm0, v6, v22;
	v44 =	vsub.f32 v30, v39  }
0x116: {  	v25 =	vsel vm2, v6, v27;
	v26 =	vsel vm3, v6, v29;
	v45 =	vsub.f32 v32, v35  }
0x117: {  	v21 =	vsel vm4, v6, v21;
	v28 =	vsel vm5, v6, v31;
	v27 =	vsub.f32 v34, v36  }
0x118: {  	vm0 =	vge.f32 v36, v2;
	vm1 =	vge.f32 v33, v2;
	v29 =	vsel vm6, v6, v23  }
0x119: {  	vm4 =	vge.f32 v20, v2;
	vm2 =	vge.f32 v37, v2;
	vm3 =	vge.f32 v38, v2  }
0x11a: {  	vm5 =	vge.f32 v35, v2;
	v34 =	vsel vm0, v7, v24;
	vm0 =	vge.f32 v39, v2  }
0x11b: {  	v31 =	vsel vm2, v7, v25;
	v30 =	vsel vm1, v7, v22;
	v32 =	vsel vm3, v7, v26  }
0x11c: {  	v23 =	vsel vm4, v7, v21;
	v25 =	vsel vm5, v7, v29;
	v24 =	vsel vm0, v7, v28  }
.Ltmp2:
0x11d: {  	vm4 =	vge.f32 v36, v3;
	v29 =	vmul.f32 v40, v40;
	v28 =	vmul.f32 v27, v27;
	(pc) =	sbr.rel @p0 .LBB2_8-.Ltmp2, $4  }
0x11e: {  	v26 =	vmul.f32 v41, v41;
	vm0 =	vge.f32 v33, v3;
	v27 =	vmul.f32 v42, v42  }
0x11f: {  	vm1 =	vge.f32 v37, v3;
	v21 =	vmul.f32 v43, v43;
	v22 =	vmul.f32 v44, v44  }
0x120: {  	vm2 =	vge.f32 v20, v3;
	vm3 =	vge.f32 v38, v3;
	v20 =	vmul.f32 v45, v45  }
0x121: {  	s8 =	sadd.s32 $0x400, s8;
	vm5 =	vge.f32 v35, v3;
	v33 =	vsel vm4, v8, v34;
	vm4 =	vge.f32 v39, v3  }
0x122: {  	v17 =	vsel vm0, v8, v30;
	v60 =	vsel vm1, v8, v31;
	v61 =	vsel vm3, v8, v32  }
0x123: {  	v23 =	vsel vm2, v8, v23;
	v24 =	vsel vm4, v8, v24;
	v25 =	vsel vm5, v8, v25;
	s5 =	sadd.s32 $0x1, s5  }
0x124: {  	v28 =	vmul.f32 v33, v28;
	v10 =	vadd.f32 v18, v10;
	v17 =	vmul.f32 v17, v29;
	p0 =	sne.s32 s5, $0x10  }
.Ltmp3:
0x125: {  	v9 =	vadd.f32 v19, v9;
	v18 =	vmul.f32 v60, v26;
	v62 =	vmul.f32 v61, v27;
	(pc) =	sbr.rel @p0 .LBB2_7-.Ltmp3, $4  }
0x126: {  	v19 =	vmul.f32 v23, v21;
	v63 =	vmul.f32 v24, v22;
	v16 =	vadd.f32 v28, v16  }
0x127: {  	v15 =	vadd.f32 v17, v15;
	v14 =	vadd.f32 v18, v14;
	v17 =	vmul.f32 v25, v20  }
0x128: {  	v13 =	vadd.f32 v62, v13;
	v12 =	vadd.f32 v19, v12  }
0x129: {  	s30 =	sadd.s32 $0x1, s30;
	s19 =	sadd.s32 $0x400, s19;
	v10 =	vadd.f32 v63, v10;
	v9 =	vadd.f32 v17, v9  }
0x12a: {  	s5 =	sadd.s32 s3, s13  }
0x12b: {  	s5 =	sshll.u32 s5, $0x7  }
0x12c: {  	s19 =	simm.s32 $0x0;
	s6 =	sadd.s32 s1, s5  }
0x12d: {  	[tilespmem:s22], [sflag:$0x2] =	stream.linear.gather [hbm4b:s6+s19], $0x4000, $0x38;
	[tilespmem:$0x18880] =	vst v63  }
0x12e: {  	s5 =	sadd.s32 s2, s5  }
0x12f: {  	[tilespmem:s23], [sflag:$0x2] =	stream.linear.gather [hbm4b:s5+s19], $0x4000, $0x38;
	[tilespmem:$0x18880] =	vst v63  }
0x130: {  	_ =	swait.ge [sflag:s29], $0x4000  }
0x131: {  	[sflag:s29] =	ssyncset.done $0x0  }
0x132: {  	[sflag:s29] =	ssyncadd.s32 $0xFFFFC000  }
0x133: {  	_ =	swait.ge [sflag:s29], $0x4000  }
0x134: {  	[sflag:s29] =	ssyncset.done $0x0  }
0x135: {  	s30 =	simm.s32 $0x0;
	s5 =	simm.s32 $0x0;
	[sflag:s29] =	ssyncadd.s32 $0xFFFFC000  }
.LBB2_11:
0x136: {  	s6 =	sand.u32 $0x7, s30  }
0x137: {  	s6 =	sshll.u32 s6, $0x9  }
0x138: {  	s6 =	sshrl.u32 s6, $0x2  }
0x139: {  	v17 =	vmov s6;
	_ =	sdelay $0x2  }
0x13a: {  	s6 =	sand.u32 $0x3FFFE000, s19  }
0x13b: {  	s7 =	sadd.s32 $0xC000, s6  }
0x13c: {  	v18 =	vld.idx.msk [tilespmem:v17+s7+$0x8070 ss:$0x1], $0xffff  }
0x13d: {  	v19 =	vld.idx.msk [tilespmem:v17+s6+$0x8070 ss:$0x1], $0xffff  }
0x13e: {  	v20 =	vld.idx.msk [tilespmem:v17+s7+$0x8000 ss:$0x1], $0xffff  }
0x13f: {  	v21 =	vld.idx.msk [tilespmem:v17+s7+$0x8010 ss:$0x1], $0xffff  }
0x140: {  	v22 =	vld.idx.msk [tilespmem:v17+s7+$0x8020 ss:$0x1], $0xffff  }
0x141: {  	v23 =	vld.idx.msk [tilespmem:v17+s7+$0x8030 ss:$0x1], $0xffff  }
0x142: {  	v24 =	vld.idx.msk [tilespmem:v17+s7+$0x8040 ss:$0x1], $0xffff  }
0x143: {  	v26 =	vld.idx.msk [tilespmem:v17+s7+$0x8050 ss:$0x1], $0xffff  }
0x144: {  	v27 =	vld.idx.msk [tilespmem:v17+s7+$0x8060 ss:$0x1], $0xffff  }
0x145: {  	v28 =	vld.idx.msk [tilespmem:v17+s6+$0x8010 ss:$0x1], $0xffff  }
0x146: {  	v30 =	vld.idx.msk [tilespmem:v17+s6+$0x8030 ss:$0x1], $0xffff  }
0x147: {  	v32 =	vld.idx.msk [tilespmem:v17+s6+$0x8040 ss:$0x1], $0xffff  }
0x148: {  	v34 =	vld.idx.msk [tilespmem:v17+s6+$0x8050 ss:$0x1], $0xffff  }
0x149: {  	v36 =	vld.idx.msk [tilespmem:v17+s6+$0x8060 ss:$0x1], $0xffff  }
0x14a: {  	v37 =	vld.idx.msk [tilespmem:v17+s6+$0x8000 ss:$0x1], $0xffff  }
0x14b: {  	vm0 =	vge.f32 v18, v0;
	v19 =	vsub.f32 v19, v18  }
0x14c: {  	vm1 =	vge.f32 v20, v0;
	vm2 =	vge.f32 v21, v0;
	vm3 =	vge.f32 v22, v0  }
0x14d: {  	v28 =	vsub.f32 v28, v21;
	v30 =	vsub.f32 v30, v23;
	vm4 =	vge.f32 v24, v1  }
0x14e: {  	v32 =	vsub.f32 v32, v24;
	vm5 =	vge.f32 v26, v1;
	v34 =	vsub.f32 v34, v26  }
0x14f: {  	vm6 =	vge.f32 v27, v1;
	v36 =	vsub.f32 v36, v27;
	v37 =	vsub.f32 v37, v20  }
0x150: {  	v25 =	vsel vm0, v5, v4;
	vm0 =	vge.f32 v18, v1;
	v29 =	vsel vm1, v5, v4  }
0x151: {  	v31 =	vsel vm3, v5, v4;
	v25 =	vsel vm0, v6, v25;
	vm0 =	vge.f32 v18, v2  }
0x152: {  	v25 =	vsel vm0, v7, v25;
	vm0 =	vge.f32 v18, v3;
	v18 =	vmul.f32 v19, v19  }
0x153: {  	vm1 =	vge.f32 v24, v0;
	vm3 =	vge.f32 v23, v1;
	v25 =	vsel vm0, v8, v25  }
0x154: {  	v28 =	vmul.f32 v28, v28;
	vm0 =	vge.f32 v23, v0;
	v18 =	vmul.f32 v25, v18  }
0x155: {  	v25 =	vsel vm2, v5, v4;
	v33 =	vsel vm0, v5, v4;
	vm0 =	vge.f32 v26, v0  }
0x156: {  	vm2 =	vge.f32 v22, v1;
	v35 =	vsel vm0, v5, v4;
	vm0 =	vge.f32 v27, v0  }
0x157: {  	v19 =	vld.idx.msk [tilespmem:v17+s6+$0x8020 ss:$0x1], $0xffff;
	v31 =	vsel vm2, v6, v31;
	v33 =	vsel vm3, v6, v33;
	vm2 =	vge.f32 v22, v2  }
0x158: {  	vm3 =	vge.f32 v23, v2;
	v11 =	vadd.f32 v18, v11;
	v18 =	vsel vm1, v5, v4  }
0x159: {  	s8 =	sadd.s32 $0x400, s7;
	vm1 =	vge.f32 v20, v1;
	v38 =	vsel vm0, v5, v4;
	vm0 =	vge.f32 v21, v1  }
0x15a: {  	v58 =	vld.idx.msk [tilespmem:v17+s8+$0x8060 ss:$0x1], $0xffff;
	v35 =	vsel vm5, v6, v35;
	vm5 =	vge.f32 v27, v2;
	v31 =	vsel vm2, v7, v31  }
0x15b: {  	v33 =	vsel vm3, v7, v33;
	vm2 =	vge.f32 v22, v3;
	vm3 =	vge.f32 v23, v3  }
0x15c: {  	v23 =	vmul.f32 v36, v36;
	v19 =	vsub.f32 v19, v22;
	v29 =	vsel vm1, v6, v29  }
0x15d: {  	v25 =	vsel vm0, v6, v25;
	v18 =	vsel vm4, v6, v18;
	vm0 =	vge.f32 v20, v2  }
0x15e: {  	vm1 =	vge.f32 v21, v2;
	v38 =	vsel vm6, v6, v38;
	vm4 =	vge.f32 v24, v2  }
0x15f: {  	v22 =	vmul.f32 v32, v32;
	vm6 =	vge.f32 v58, v1;
	v29 =	vsel vm0, v7, v29  }
0x160: {  	vm0 =	vge.f32 v26, v2;
	v25 =	vsel vm1, v7, v25;
	v18 =	vsel vm4, v7, v18  }
0x161: {  	v38 =	vsel vm5, v7, v38;
	vm1 =	vge.f32 v21, v3;
	v21 =	vmul.f32 v30, v30  }
0x162: {  	v57 =	vld.idx.msk [tilespmem:v17+s8+$0x8050 ss:$0x1], $0xffff;
	s6 =	sadd.s32 $0x400, s6;
	v30 =	vmul.f32 v34, v34;
	vm4 =	vge.f32 v24, v3;
	vm5 =	vge.f32 v27, v3  }
0x163: {  	v62 =	vld.idx.msk [tilespmem:v17+s6+$0x8060 ss:$0x1], $0xffff;
	v27 =	vsel vm2, v8, v31;
	v35 =	vsel vm0, v7, v35;
	vm0 =	vge.f32 v20, v3  }
0x164: {  	v20 =	vmul.f32 v37, v37;
	v19 =	vmul.f32 v19, v19;
	v25 =	vsel vm1, v8, v25  }
0x165: {  	v31 =	vld.idx.msk [tilespmem:v17+s6+$0x8070 ss:$0x1], $0xffff;
	v18 =	vsel vm4, v8, v18;
	v24 =	vsel vm0, v8, v29;
	vm0 =	vge.f32 v26, v3  }
0x166: {  	v26 =	vld.idx.msk [tilespmem:v17+s8+$0x8070 ss:$0x1], $0xffff;
	v29 =	vsel vm3, v8, v33;
	v55 =	vsel vm0, v8, v35;
	v20 =	vmul.f32 v24, v20  }
0x167: {  	v24 =	vmul.f32 v25, v28;
	v25 =	vsel vm5, v8, v38;
	v28 =	vld.idx.msk [tilespmem:v17+s8+$0x8000 ss:$0x1], $0xffff;
	v19 =	vmul.f32 v27, v19  }
0x168: {  	v21 =	vmul.f32 v29, v21;
	v27 =	vld.idx.msk [tilespmem:v17+s8+$0x8010 ss:$0x1], $0xffff;
	vm5 =	vge.f32 v57, v1;
	v38 =	vsub.f32 v62, v58  }
0x169: {  	v16 =	vadd.f32 v20, v16;
	v20 =	vmul.f32 v18, v22;
	v18 =	vmul.f32 v55, v30;
	v22 =	vld.idx.msk [tilespmem:v17+s8+$0x8020 ss:$0x1], $0xffff  }
0x16a: {  	v15 =	vadd.f32 v24, v15;
	v14 =	vadd.f32 v19, v14;
	v19 =	vmul.f32 v25, v23;
	v24 =	vld.idx.msk [tilespmem:v17+s6+$0x8010 ss:$0x1], $0xffff  }
0x16b: {  	v13 =	vadd.f32 v21, v13;
	v25 =	vld.idx.msk [tilespmem:v17+s6+$0x8020 ss:$0x1], $0xffff;
	vm0 =	vge.f32 v26, v0;
	v12 =	vadd.f32 v20, v12  }
0x16c: {  	v56 =	vld.idx.msk [tilespmem:v17+s8+$0x8030 ss:$0x1], $0xffff;
	v21 =	vsub.f32 v31, v26;
	v23 =	vsel vm0, v5, v4;
	vm0 =	vge.f32 v26, v1  }
0x16d: {  	vm1 =	vge.f32 v28, v0;
	vm2 =	vge.f32 v27, v0;
	v23 =	vsel vm0, v6, v23  }
0x16e: {  	v20 =	vld.idx.msk [tilespmem:v17+s8+$0x8040 ss:$0x1], $0xffff;
	vm0 =	vge.f32 v26, v2;
	v21 =	vmul.f32 v21, v21;
	v29 =	vsel vm2, v5, v4  }
0x16f: {  	v31 =	vld.idx.msk [tilespmem:v17+s6+$0x8040 ss:$0x1], $0xffff;
	v23 =	vsel vm0, v7, v23;
	vm0 =	vge.f32 v26, v3;
	vm3 =	vge.f32 v22, v0  }
0x170: {  	v26 =	vsel vm1, v5, v4;
	v39 =	vsub.f32 v24, v27;
	v41 =	vsub.f32 v25, v22  }
0x171: {  	vm2 =	vge.f32 v22, v1;
	v23 =	vsel vm0, v8, v23;
	vm0 =	vge.f32 v56, v0  }
0x172: {  	v30 =	vsel vm3, v5, v4;
	vm3 =	vge.f32 v56, v1;
	v21 =	vmul.f32 v23, v21  }
0x173: {  	v40 =	vld.idx.msk [tilespmem:v17+s6+$0x8000 ss:$0x1], $0xffff;
	vm1 =	vge.f32 v20, v0;
	v59 =	vsel vm0, v5, v4;
	vm0 =	vge.f32 v57, v0  }
0x174: {  	v23 =	vld.idx.msk [tilespmem:v17+s6+$0x8030 ss:$0x1], $0xffff;
	vm4 =	vge.f32 v20, v1;
	v43 =	vsub.f32 v31, v20;
	v60 =	vsel vm1, v5, v4  }
0x175: {  	v61 =	vsel vm0, v5, v4;
	vm0 =	vge.f32 v58, v0;
	vm1 =	vge.f32 v28, v1  }
0x176: {  	v11 =	vadd.f32 v21, v11;
	v24 =	vsel vm0, v5, v4;
	vm0 =	vge.f32 v27, v1  }
0x177: {  	v36 =	vsel vm4, v6, v60;
	v37 =	vsel vm5, v6, v61;
	vm4 =	vge.f32 v20, v2  }
0x178: {  	vm5 =	vge.f32 v58, v2;
	v25 =	vsel vm0, v6, v29;
	v29 =	vsub.f32 v40, v28  }
0x179: {  	v21 =	vld.idx.msk [tilespmem:v17+s6+$0x8050 ss:$0x1], $0xffff;
	vm0 =	vge.f32 v28, v2;
	v63 =	vsel vm6, v6, v24;
	v42 =	vsub.f32 v23, v56  }
0x17a: {  	v23 =	vsel vm1, v6, v26;
	v26 =	vsel vm3, v6, v59;
	vm1 =	vge.f32 v27, v2  }
0x17b: {  	vm3 =	vge.f32 v56, v2;
	v45 =	vsel vm0, v7, v23;
	vm0 =	vge.f32 v57, v2  }
0x17c: {  	v23 =	vsel vm4, v7, v36;
	vm4 =	vge.f32 v28, v3;
	v28 =	vmul.f32 v29, v29  }
0x17d: {  	v32 =	vsel vm3, v7, v26;
	v29 =	vmul.f32 v39, v39;
	v26 =	vmul.f32 v41, v41  }
0x17e: {  	vm3 =	vge.f32 v56, v3;
	v44 =	vsub.f32 v21, v57;
	v21 =	vsel vm2, v6, v30  }
0x17f: {  	vm2 =	vge.f32 v22, v2;
	v30 =	vsel vm1, v7, v25;
	v24 =	vsel vm0, v7, v37  }
0x180: {  	v25 =	vsel vm5, v7, v63;
	vm0 =	vge.f32 v27, v3;
	v27 =	vmul.f32 v42, v42  }
0x181: {  	vm1 =	vge.f32 v22, v3;
	v33 =	vsel vm4, v8, v45;
	vm4 =	vge.f32 v57, v3  }
0x182: {  	vm5 =	vge.f32 v58, v3;
	v31 =	vsel vm2, v7, v21;
	v21 =	vmul.f32 v43, v43  }
0x183: {  	s7 =	simm.s32 $0x80;
	s8 =	sadd.s32 $0x400, s8;
	vm2 =	vge.f32 v20, v3;
	v20 =	vmul.f32 v38, v38;
	v22 =	vmul.f32 v44, v44  }
.LBB2_12:
0x184: {  	v34 =	vld.idx.msk [tilespmem:v17+s8+$0x8070 ss:$0x1], $0xffff;
	s7 =	sadd.s32 $0x80, s7;
	v30 =	vsel vm0, v8, v30;
	v31 =	vsel vm1, v8, v31;
	v32 =	vsel vm3, v8, v32;
	s6 =	sadd.s32 $0x400, s6  }
0x185: {  	v23 =	vsel vm2, v8, v23;
	v24 =	vsel vm4, v8, v24;
	v25 =	vsel vm5, v8, v25;
	v35 =	vld.idx.msk [tilespmem:v17+s6+$0x8070 ss:$0x1], $0xffff;
	p0 =	slt.u32 s7, $0x380  }
0x186: {  	v28 =	vmul.f32 v33, v28;
	v10 =	vadd.f32 v18, v10;
	v29 =	vmul.f32 v30, v29;
	v36 =	vld.idx.msk [tilespmem:v17+s8+$0x8000 ss:$0x1], $0xffff  }
0x187: {  	v9 =	vadd.f32 v19, v9;
	v26 =	vmul.f32 v31, v26;
	v27 =	vmul.f32 v32, v27;
	v33 =	vld.idx.msk [tilespmem:v17+s8+$0x8010 ss:$0x1], $0xffff  }
0x188: {  	v21 =	vmul.f32 v23, v21;
	v18 =	vmul.f32 v24, v22;
	v16 =	vadd.f32 v28, v16;
	v37 =	vld.idx.msk [tilespmem:v17+s8+$0x8020 ss:$0x1], $0xffff  }
0x189: {  	v19 =	vmul.f32 v25, v20;
	v15 =	vadd.f32 v29, v15;
	v14 =	vadd.f32 v26, v14;
	v38 =	vld.idx.msk [tilespmem:v17+s8+$0x8030 ss:$0x1], $0xffff  }
0x18a: {  	v13 =	vadd.f32 v27, v13;
	v12 =	vadd.f32 v21, v12;
	vm0 =	vge.f32 v34, v0;
	v20 =	vld.idx.msk [tilespmem:v17+s8+$0x8040 ss:$0x1], $0xffff  }
0x18b: {  	v21 =	vsub.f32 v35, v34;
	v22 =	vsel vm0, v5, v4;
	vm0 =	vge.f32 v34, v1;
	v39 =	vld.idx.msk [tilespmem:v17+s8+$0x8050 ss:$0x1], $0xffff  }
0x18c: {  	vm1 =	vge.f32 v36, v0;
	v22 =	vsel vm0, v6, v22;
	vm0 =	vge.f32 v34, v2;
	v35 =	vld.idx.msk [tilespmem:v17+s8+$0x8060 ss:$0x1], $0xffff  }
0x18d: {  	v22 =	vsel vm0, v7, v22;
	vm0 =	vge.f32 v34, v3;
	v21 =	vmul.f32 v21, v21;
	v23 =	vld.idx.msk [tilespmem:v17+s6+$0x8010 ss:$0x1], $0xffff  }
0x18e: {  	vm2 =	vge.f32 v33, v0;
	vm3 =	vge.f32 v37, v0;
	v22 =	vsel vm0, v8, v22;
	v24 =	vld.idx.msk [tilespmem:v17+s6+$0x8020 ss:$0x1], $0xffff  }
0x18f: {  	v25 =	vsel vm1, v5, v4;
	vm0 =	vge.f32 v38, v0;
	v21 =	vmul.f32 v22, v21;
	v26 =	vld.idx.msk [tilespmem:v17+s6+$0x8030 ss:$0x1], $0xffff  }
0x190: {  	v22 =	vsel vm2, v5, v4;
	v27 =	vsel vm3, v5, v4;
	vm1 =	vge.f32 v20, v0;
	v28 =	vld.idx.msk [tilespmem:v17+s6+$0x8040 ss:$0x1], $0xffff  }
0x191: {  	v29 =	vsel vm0, v5, v4;
	vm0 =	vge.f32 v39, v0;
	v11 =	vadd.f32 v21, v11;
	v30 =	vld.idx.msk [tilespmem:v17+s6+$0x8050 ss:$0x1], $0xffff  }
0x192: {  	v21 =	vsel vm1, v5, v4;
	v31 =	vsel vm0, v5, v4;
	vm0 =	vge.f32 v35, v0;
	v32 =	vld.idx.msk [tilespmem:v17+s6+$0x8060 ss:$0x1], $0xffff  }
0x193: {  	vm1 =	vge.f32 v36, v1;
	v40 =	vsub.f32 v23, v33;
	v23 =	vsel vm0, v5, v4;
	v34 =	vld.idx.msk [tilespmem:v17+s6+$0x8000 ss:$0x1], $0xffff  }
0x194: {  	vm2 =	vge.f32 v37, v1;
	vm0 =	vge.f32 v33, v1;
	v41 =	vsub.f32 v24, v37  }
0x195: {  	vm3 =	vge.f32 v38, v1;
	vm4 =	vge.f32 v20, v1;
	v42 =	vsub.f32 v26, v38  }
0x196: {  	vm5 =	vge.f32 v39, v1;
	vm6 =	vge.f32 v35, v1;
	v43 =	vsub.f32 v28, v20  }
0x197: {  	v24 =	vsel vm1, v6, v25;
	v22 =	vsel vm0, v6, v22;
	v44 =	vsub.f32 v30, v39  }
0x198: {  	v25 =	vsel vm2, v6, v27;
	v26 =	vsel vm3, v6, v29;
	v45 =	vsub.f32 v32, v35  }
0x199: {  	v21 =	vsel vm4, v6, v21;
	v28 =	vsel vm5, v6, v31;
	v27 =	vsub.f32 v34, v36  }
0x19a: {  	vm0 =	vge.f32 v36, v2;
	vm1 =	vge.f32 v33, v2;
	v29 =	vsel vm6, v6, v23  }
0x19b: {  	vm4 =	vge.f32 v20, v2;
	vm2 =	vge.f32 v37, v2;
	vm3 =	vge.f32 v38, v2  }
0x19c: {  	vm5 =	vge.f32 v35, v2;
	v34 =	vsel vm0, v7, v24;
	vm0 =	vge.f32 v39, v2  }
0x19d: {  	v31 =	vsel vm2, v7, v25;
	v30 =	vsel vm1, v7, v22;
	v32 =	vsel vm3, v7, v26  }
0x19e: {  	v23 =	vsel vm4, v7, v21;
	v25 =	vsel vm5, v7, v29;
	v24 =	vsel vm0, v7, v28  }
.Ltmp4:
0x19f: {  	vm4 =	vge.f32 v36, v3;
	v29 =	vmul.f32 v40, v40;
	v28 =	vmul.f32 v27, v27;
	(pc) =	sbr.rel @p0 .LBB2_12-.Ltmp4, $4  }
0x1a0: {  	v26 =	vmul.f32 v41, v41;
	vm0 =	vge.f32 v33, v3;
	v27 =	vmul.f32 v42, v42  }
0x1a1: {  	vm1 =	vge.f32 v37, v3;
	v21 =	vmul.f32 v43, v43;
	v22 =	vmul.f32 v44, v44  }
0x1a2: {  	vm2 =	vge.f32 v20, v3;
	vm3 =	vge.f32 v38, v3;
	v20 =	vmul.f32 v45, v45  }
0x1a3: {  	s8 =	sadd.s32 $0x400, s8;
	vm5 =	vge.f32 v35, v3;
	v33 =	vsel vm4, v8, v34;
	vm4 =	vge.f32 v39, v3  }
0x1a4: {  	v17 =	vsel vm0, v8, v30;
	v60 =	vsel vm1, v8, v31;
	v61 =	vsel vm3, v8, v32  }
0x1a5: {  	v23 =	vsel vm2, v8, v23;
	v24 =	vsel vm4, v8, v24;
	v25 =	vsel vm5, v8, v25;
	s5 =	sadd.s32 $0x1, s5  }
0x1a6: {  	v28 =	vmul.f32 v33, v28;
	v10 =	vadd.f32 v18, v10;
	v17 =	vmul.f32 v17, v29;
	p0 =	sne.s32 s5, $0x10  }
.Ltmp5:
0x1a7: {  	v9 =	vadd.f32 v19, v9;
	v18 =	vmul.f32 v60, v26;
	v62 =	vmul.f32 v61, v27;
	(pc) =	sbr.rel @p0 .LBB2_11-.Ltmp5, $4  }
0x1a8: {  	v19 =	vmul.f32 v23, v21;
	v63 =	vmul.f32 v24, v22;
	v16 =	vadd.f32 v28, v16  }
0x1a9: {  	v15 =	vadd.f32 v17, v15;
	v14 =	vadd.f32 v18, v14;
	v17 =	vmul.f32 v25, v20  }
0x1aa: {  	v13 =	vadd.f32 v62, v13;
	v12 =	vadd.f32 v19, v12  }
0x1ab: {  	s30 =	sadd.s32 $0x1, s30;
	s19 =	sadd.s32 $0x400, s19;
	v10 =	vadd.f32 v63, v10;
	v9 =	vadd.f32 v17, v9  }
0x1ac: {  	s0 =	sadd.s32 $0x1, s0  }
0x1ad: {  	s3 =	sadd.s32 s3, s14;
	p0 =	sne.s32 s0, $0x8  }
.Ltmp6:
0x1ae: {  	s3 =	sshll.u32 s3, $0x7;
	(pc) =	sbr.rel @p0 .LBB2_2-.Ltmp6, $4  }
0x1af: {  	s5 =	sadd.s32 s1, s3  }
0x1b0: {  	[tilespmem:s24], [sflag:$0x3] =	stream.linear.gather [hbm4b:s5+s4], $0x4000, $0x38;
	[tilespmem:$0x18880] =	vst v63  }
0x1b1: {  	s3 =	sadd.s32 s2, s3  }
0x1b2: {  	[tilespmem:s25], [sflag:$0x3] =	stream.linear.gather [hbm4b:s3+s4], $0x4000, $0x38;
	[tilespmem:$0x18880] =	vst v63  }
0x1b3: {  	_ =	swait.ge [sflag:s26], $0x4000  }
0x1b4: {  	[sflag:s26] =	ssyncset.done $0x0  }
0x1b5: {  	[sflag:s26] =	ssyncadd.s32 $0xFFFFC000  }
0x1b6: {  	_ =	swait.ge [sflag:s26], $0x4000  }
0x1b7: {  	s0 =	simm.s32 $0x0;
	[sflag:s26] =	ssyncset.done $0x0  }
0x1b8: {  	s3 =	simm.s32 $0x0;
	s19 =	simm.s32 $0x0;
	[sflag:s26] =	ssyncadd.s32 $0xFFFFC000  }
.LBB2_16:
0x1b9: {  	s5 =	sshll.u32 s3, $0x2;
	s6 =	sand.u32 $0x7, s0  }
0x1ba: {  	s5 =	sand.u32 $0xFFFF8000, s5;
	s6 =	sshll.u32 s6, $0x9  }
0x1bb: {  	s5 =	sor.u32 s6, s5  }
0x1bc: {  	s5 =	sshrl.u32 s5, $0x2  }
0x1bd: {  	s30 =	sadd.s32 $0xC040, s5  }
0x1be: {  	s5 =	sor.u32 $0x40, s5;
	v17 =	vld [tilespmem:s30+$0x30]  }
0x1bf: {  	v18 =	vld [tilespmem:s5+$0x30]  }
0x1c0: {  	v19 =	vld [tilespmem:s30+$0xFFFFFFC0]  }
0x1c1: {  	v20 =	vld [tilespmem:s30+$0xFFFFFFD0]  }
0x1c2: {  	v21 =	vld [tilespmem:s30+$0xFFFFFFE0]  }
0x1c3: {  	v22 =	vld [tilespmem:s30+$0xFFFFFFF0]  }
0x1c4: {  	v23 =	vld [tilespmem:s30+$0x0]  }
0x1c5: {  	v25 =	vld [tilespmem:s30+$0x10]  }
0x1c6: {  	v26 =	vld [tilespmem:s30+$0x20]  }
0x1c7: {  	v28 =	vld [tilespmem:s5+$0xFFFFFFE0]  }
0x1c8: {  	v29 =	vld [tilespmem:s5+$0xFFFFFFF0]  }
0x1c9: {  	v32 =	vld [tilespmem:s5+$0x0]  }
0x1ca: {  	v33 =	vld [tilespmem:s5+$0x10]  }
0x1cb: {  	v35 =	vld [tilespmem:s5+$0x20]  }
0x1cc: {  	v37 =	vld [tilespmem:s5+$0xFFFFFFC0]  }
0x1cd: {  	vm0 =	vge.f32 v17, v0;
	v18 =	vsub.f32 v18, v17  }
0x1ce: {  	vm1 =	vge.f32 v19, v0;
	vm2 =	vge.f32 v20, v0;
	vm3 =	vge.f32 v21, v0  }
0x1cf: {  	v28 =	vsub.f32 v28, v21;
	v29 =	vsub.f32 v29, v22;
	vm4 =	vge.f32 v23, v1  }
0x1d0: {  	v32 =	vsub.f32 v32, v23;
	vm5 =	vge.f32 v25, v1;
	v33 =	vsub.f32 v33, v25  }
0x1d1: {  	vm6 =	vge.f32 v26, v1;
	v35 =	vsub.f32 v35, v26;
	v37 =	vsub.f32 v37, v19  }
0x1d2: {  	vm13 =	vge.f32 v23, v2;
	vm14 =	vge.f32 v26, v2;
	vm15 =	vge.f32 v23, v3  }
0x1d3: {  	vm8 =	vge.f32 v26, v3;
	v24 =	vsel vm0, v5, v4;
	vm0 =	vge.f32 v17, v1  }
0x1d4: {  	v27 =	vsel vm1, v5, v4;
	v24 =	vsel vm0, v6, v24;
	vm0 =	vge.f32 v17, v2  }
0x1d5: {  	v24 =	vsel vm0, v7, v24;
	vm0 =	vge.f32 v17, v3;
	v17 =	vmul.f32 v18, v18  }
0x1d6: {  	v30 =	vsel vm3, v5, v4;
	vm1 =	vge.f32 v23, v0;
	v24 =	vsel vm0, v8, v24  }
0x1d7: {  	vm3 =	vge.f32 v22, v1;
	vm0 =	vge.f32 v22, v0;
	v17 =	vmul.f32 v24, v17  }
0x1d8: {  	v24 =	vsel vm2, v5, v4;
	v31 =	vsel vm0, v5, v4;
	vm0 =	vge.f32 v25, v0  }
0x1d9: {  	vm2 =	vge.f32 v21, v1;
	v34 =	vsel vm0, v5, v4;
	vm0 =	vge.f32 v26, v0  }
0x1da: {  	v18 =	vld [tilespmem:s5+$0xFFFFFFD0];
	v30 =	vsel vm2, v6, v30;
	v31 =	vsel vm3, v6, v31;
	vm2 =	vge.f32 v21, v2  }
0x1db: {  	vm3 =	vge.f32 v22, v2;
	v11 =	vadd.f32 v17, v11;
	v17 =	vsel vm1, v5, v4  }
0x1dc: {  	vm1 =	vge.f32 v19, v1;
	v36 =	vsel vm0, v5, v4;
	vm0 =	vge.f32 v20, v1  }
0x1dd: {  	v34 =	vsel vm5, v6, v34;
	v30 =	vsel vm2, v7, v30;
	v31 =	vsel vm3, v7, v31  }
0x1de: {  	vm2 =	vge.f32 v21, v3;
	v21 =	vmul.f32 v32, v32;
	vm3 =	vge.f32 v22, v3  }
0x1df: {  	v22 =	vmul.f32 v35, v35;
	v18 =	vsub.f32 v18, v20;
	v27 =	vsel vm1, v6, v27  }
0x1e0: {  	v24 =	vsel vm0, v6, v24;
	v17 =	vsel vm4, v6, v17;
	vm0 =	vge.f32 v19, v2  }
0x1e1: {  	s7 =	sadd.s32 $0x400, s30;
	vm1 =	vge.f32 v20, v2;
	v36 =	vsel vm6, v6, v36;
	v26 =	vsel vm3, v8, v31  }
0x1e2: {  	v53 =	vld [tilespmem:s7+$0xFFFFFFD0];
	s5 =	sadd.s32 $0x400, s5;
	v27 =	vsel vm0, v7, v27;
	vm0 =	vge.f32 v25, v2;
	v24 =	vsel vm1, v7, v24  }
0x1e3: {  	v56 =	vld [tilespmem:s5+$0x10];
	v17 =	vsel vm13, v7, v17;
	vm1 =	vge.f32 v20, v3;
	v20 =	vmul.f32 v28, v28  }
0x1e4: {  	v39 =	vld [tilespmem:s5+$0xFFFFFFC0];
	v28 =	vmul.f32 v29, v29;
	v29 =	vmul.f32 v33, v33;
	v34 =	vsel vm0, v7, v34  }
0x1e5: {  	v31 =	vld [tilespmem:s5+$0x30];
	vm0 =	vge.f32 v19, v3;
	v19 =	vmul.f32 v37, v37;
	v18 =	vmul.f32 v18, v18  }
0x1e6: {  	v24 =	vsel vm1, v8, v24;
	v23 =	vsel vm0, v8, v27;
	vm0 =	vge.f32 v25, v3;
	v27 =	vld [tilespmem:s7+$0x30]  }
0x1e7: {  	v25 =	vsel vm2, v8, v30;
	v19 =	vmul.f32 v23, v19;
	v18 =	vmul.f32 v24, v18;
	v24 =	vld [tilespmem:s7+$0xFFFFFFC0]  }
0x1e8: {  	v36 =	vsel vm14, v7, v36;
	v20 =	vmul.f32 v25, v20;
	v25 =	vmul.f32 v26, v28;
	v26 =	vld [tilespmem:s5+$0xFFFFFFE0]  }
0x1e9: {  	v17 =	vsel vm15, v8, v17;
	vm2 =	vge.f32 v53, v0;
	v30 =	vsel vm0, v8, v34;
	v28 =	vld [tilespmem:s5+$0xFFFFFFF0]  }
0x1ea: {  	v23 =	vsel vm8, v8, v36;
	v16 =	vadd.f32 v19, v16;
	v19 =	vmul.f32 v17, v21;
	v21 =	vld [tilespmem:s7+$0xFFFFFFE0]  }
0x1eb: {  	v17 =	vmul.f32 v30, v29;
	v15 =	vadd.f32 v18, v15;
	v14 =	vadd.f32 v20, v14;
	v29 =	vld [tilespmem:s7+$0xFFFFFFF0]  }
0x1ec: {  	v18 =	vmul.f32 v23, v22;
	v13 =	vadd.f32 v25, v13;
	v23 =	vld [tilespmem:s5+$0xFFFFFFD0];
	vm0 =	vge.f32 v27, v0  }
0x1ed: {  	v30 =	vld [tilespmem:s7+$0x10];
	v12 =	vadd.f32 v19, v12;
	v20 =	vsub.f32 v31, v27;
	v22 =	vsel vm0, v5, v4  }
0x1ee: {  	vm0 =	vge.f32 v27, v1;
	vm1 =	vge.f32 v24, v0;
	v60 =	vsub.f32 v39, v24  }
0x1ef: {  	v22 =	vsel vm0, v6, v22;
	vm0 =	vge.f32 v27, v2;
	v20 =	vmul.f32 v20, v20  }
0x1f0: {  	v19 =	vld [tilespmem:s7+$0x0];
	v25 =	vsel vm1, v5, v4;
	v22 =	vsel vm0, v7, v22;
	vm0 =	vge.f32 v27, v3  }
0x1f1: {  	v55 =	vld [tilespmem:s5+$0x0];
	vm3 =	vge.f32 v21, v0;
	v23 =	vsub.f32 v23, v53;
	v40 =	vsub.f32 v26, v21  }
0x1f2: {  	v31 =	vld [tilespmem:s7+$0x20];
	v41 =	vsub.f32 v28, v29;
	vm10 =	vge.f32 v30, v1;
	v35 =	vsub.f32 v56, v30  }
0x1f3: {  	v58 =	vld [tilespmem:s5+$0x20];
	vm14 =	vge.f32 v21, v3;
	vm15 =	vge.f32 v29, v3;
	v22 =	vsel vm0, v8, v22  }
0x1f4: {  	vm0 =	vge.f32 v29, v0;
	v27 =	vsel vm3, v5, v4;
	vm3 =	vge.f32 v29, v1  }
0x1f5: {  	v20 =	vmul.f32 v22, v20;
	v22 =	vsel vm2, v5, v4;
	vm1 =	vge.f32 v19, v0  }
0x1f6: {  	v54 =	vsel vm0, v5, v4;
	vm0 =	vge.f32 v30, v0;
	vm2 =	vge.f32 v21, v1  }
0x1f7: {  	vm9 =	vge.f32 v19, v1;
	v34 =	vsub.f32 v55, v19;
	vm11 =	vge.f32 v31, v1  }
0x1f8: {  	v59 =	vsub.f32 v58, v31;
	vm12 =	vge.f32 v19, v2;
	vm13 =	vge.f32 v31, v2  }
0x1f9: {  	v57 =	vsel vm0, v5, v4;
	vm0 =	vge.f32 v31, v0;
	v26 =	vsel vm2, v6, v27  }
0x1fa: {  	v27 =	vsel vm3, v6, v54;
	vm2 =	vge.f32 v21, v2;
	vm3 =	vge.f32 v29, v2  }
0x1fb: {  	v21 =	vmul.f32 v35, v35;
	v11 =	vadd.f32 v20, v11;
	v20 =	vsel vm1, v5, v4  }
0x1fc: {  	vm1 =	vge.f32 v24, v1;
	v38 =	vsel vm0, v5, v4;
	vm0 =	vge.f32 v53, v1  }
0x1fd: {  	v28 =	vsel vm10, v6, v57;
	v42 =	vsel vm2, v7, v26;
	v43 =	vsel vm3, v7, v27  }
0x1fe: {  	vm3 =	vge.f32 v53, v3;
	vm2 =	vge.f32 v31, v3;
	v25 =	vsel vm1, v6, v25  }
0x1ff: {  	v22 =	vsel vm0, v6, v22;
	v20 =	vsel vm9, v6, v20;
	vm0 =	vge.f32 v24, v2  }
0x200: {  	vm1 =	vge.f32 v53, v2;
	v61 =	vsel vm11, v6, v38;
	v31 =	vsel vm15, v8, v43  }
0x201: {  	v62 =	vsel vm0, v7, v25;
	vm0 =	vge.f32 v30, v2;
	v63 =	vsel vm1, v7, v22  }
0x202: {  	vm1 =	vge.f32 v24, v3;
	v24 =	vmul.f32 v60, v60;
	v25 =	vmul.f32 v23, v23  }
0x203: {  	v26 =	vsel vm12, v7, v20;
	v22 =	vmul.f32 v40, v40;
	v23 =	vmul.f32 v41, v41  }
0x204: {  	v20 =	vmul.f32 v34, v34;
	v27 =	vsel vm0, v7, v28;
	v28 =	vsel vm13, v7, v61  }
0x205: {  	vm0 =	vge.f32 v19, v3;
	v19 =	vmul.f32 v59, v59;
	v29 =	vsel vm1, v8, v62  }
0x206: {  	s6 =	simm.s32 $0x80;
	s7 =	sadd.s32 $0x400, s7;
	vm1 =	vge.f32 v30, v3;
	v32 =	vsel vm3, v8, v63;
	v30 =	vsel vm14, v8, v42  }
.LBB2_17:
0x207: {  	v33 =	vld [tilespmem:s7+$0x30];
	s6 =	sadd.s32 $0x80, s6;
	v26 =	vsel vm0, v8, v26;
	v27 =	vsel vm1, v8, v27;
	v28 =	vsel vm2, v8, v28;
	s5 =	sadd.s32 $0x400, s5  }
0x208: {  	v24 =	vmul.f32 v29, v24;
	v25 =	vmul.f32 v32, v25;
	v10 =	vadd.f32 v17, v10;
	v34 =	vld [tilespmem:s5+$0x30];
	p0 =	slt.u32 s6, $0x380  }
0x209: {  	v22 =	vmul.f32 v30, v22;
	v23 =	vmul.f32 v31, v23;
	v9 =	vadd.f32 v18, v9;
	v29 =	vld [tilespmem:s7+$0xFFFFFFC0]  }
0x20a: {  	v20 =	vmul.f32 v26, v20;
	v17 =	vmul.f32 v27, v21;
	v16 =	vadd.f32 v24, v16;
	v30 =	vld [tilespmem:s7+$0xFFFFFFD0]  }
0x20b: {  	v18 =	vmul.f32 v28, v19;
	v15 =	vadd.f32 v25, v15;
	v14 =	vadd.f32 v22, v14;
	v21 =	vld [tilespmem:s7+$0xFFFFFFE0]  }
0x20c: {  	v13 =	vadd.f32 v23, v13;
	v12 =	vadd.f32 v20, v12;
	v19 =	vld [tilespmem:s7+$0xFFFFFFF0];
	vm0 =	vge.f32 v33, v0  }
0x20d: {  	v31 =	vld [tilespmem:s7+$0x0];
	v20 =	vsub.f32 v34, v33;
	v22 =	vsel vm0, v5, v4;
	vm0 =	vge.f32 v33, v1  }
0x20e: {  	vm1 =	vge.f32 v29, v0;
	v32 =	vld [tilespmem:s7+$0x10];
	v22 =	vsel vm0, v6, v22;
	vm0 =	vge.f32 v33, v2  }
0x20f: {  	v34 =	vld [tilespmem:s7+$0x20];
	v22 =	vsel vm0, v7, v22;
	vm0 =	vge.f32 v33, v3;
	v20 =	vmul.f32 v20, v20  }
0x210: {  	vm2 =	vge.f32 v30, v0;
	v23 =	vld [tilespmem:s5+$0xFFFFFFD0];
	vm3 =	vge.f32 v21, v0;
	v22 =	vsel vm0, v8, v22  }
0x211: {  	v24 =	vsel vm1, v5, v4;
	v25 =	vld [tilespmem:s5+$0xFFFFFFE0];
	vm0 =	vge.f32 v19, v0;
	v20 =	vmul.f32 v22, v20  }
0x212: {  	v22 =	vsel vm2, v5, v4;
	v26 =	vsel vm3, v5, v4;
	v27 =	vld [tilespmem:s5+$0xFFFFFFF0];
	vm1 =	vge.f32 v31, v0  }
0x213: {  	v28 =	vsel vm0, v5, v4;
	v33 =	vld [tilespmem:s5+$0x0];
	vm0 =	vge.f32 v32, v0;
	v11 =	vadd.f32 v20, v11  }
0x214: {  	v20 =	vsel vm1, v5, v4;
	v35 =	vld [tilespmem:s5+$0x10];
	v36 =	vsel vm0, v5, v4;
	vm0 =	vge.f32 v34, v0  }
0x215: {  	vm1 =	vge.f32 v29, v1;
	v23 =	vsub.f32 v23, v30;
	v37 =	vld [tilespmem:s5+$0x20];
	v38 =	vsel vm0, v5, v4  }
0x216: {  	vm2 =	vge.f32 v21, v1;
	vm0 =	vge.f32 v30, v1;
	v39 =	vld [tilespmem:s5+$0xFFFFFFC0];
	v40 =	vsub.f32 v25, v21  }
0x217: {  	vm3 =	vge.f32 v19, v1;
	vm4 =	vge.f32 v31, v1;
	v41 =	vsub.f32 v27, v19  }
0x218: {  	vm5 =	vge.f32 v32, v1;
	vm6 =	vge.f32 v34, v1;
	v33 =	vsub.f32 v33, v31  }
0x219: {  	v24 =	vsel vm1, v6, v24;
	v22 =	vsel vm0, v6, v22;
	v35 =	vsub.f32 v35, v32  }
0x21a: {  	v25 =	vsel vm2, v6, v26;
	v26 =	vsel vm3, v6, v28;
	v37 =	vsub.f32 v37, v34  }
0x21b: {  	v20 =	vsel vm4, v6, v20;
	v27 =	vsel vm5, v6, v36;
	v39 =	vsub.f32 v39, v29  }
0x21c: {  	vm1 =	vge.f32 v30, v2;
	vm0 =	vge.f32 v29, v2;
	v28 =	vsel vm6, v6, v38  }
0x21d: {  	vm4 =	vge.f32 v31, v2;
	vm2 =	vge.f32 v21, v2;
	vm3 =	vge.f32 v19, v2  }
0x21e: {  	v36 =	vsel vm0, v7, v24;
	vm0 =	vge.f32 v32, v2;
	vm5 =	vge.f32 v34, v2  }
0x21f: {  	v38 =	vsel vm1, v7, v22;
	v42 =	vsel vm2, v7, v25;
	v43 =	vsel vm3, v7, v26  }
0x220: {  	v26 =	vsel vm4, v7, v20;
	v27 =	vsel vm0, v7, v27;
	v28 =	vsel vm5, v7, v28  }
0x221: {  	vm1 =	vge.f32 v29, v3;
	v25 =	vmul.f32 v23, v23;
	v24 =	vmul.f32 v39, v39  }
.Ltmp7:
0x222: {  	vm3 =	vge.f32 v30, v3;
	v22 =	vmul.f32 v40, v40;
	v23 =	vmul.f32 v41, v41;
	(pc) =	sbr.rel @p0 .LBB2_17-.Ltmp7, $4  }
0x223: {  	vm4 =	vge.f32 v21, v3;
	v20 =	vmul.f32 v33, v33;
	v21 =	vmul.f32 v35, v35  }
0x224: {  	vm5 =	vge.f32 v19, v3;
	vm0 =	vge.f32 v31, v3;
	v19 =	vmul.f32 v37, v37  }
0x225: {  	vm2 =	vge.f32 v34, v3;
	v29 =	vsel vm1, v8, v36;
	vm1 =	vge.f32 v32, v3  }
0x226: {  	s7 =	sadd.s32 $0x400, s7;
	v30 =	vsel vm4, v8, v42;
	v31 =	vsel vm5, v8, v43;
	v32 =	vsel vm3, v8, v38  }
0x227: {  	v26 =	vsel vm0, v8, v26;
	v27 =	vsel vm1, v8, v27;
	v28 =	vsel vm2, v8, v28;
	s19 =	sadd.s32 $0x1, s19  }
0x228: {  	v24 =	vmul.f32 v29, v24;
	v25 =	vmul.f32 v32, v25;
	v10 =	vadd.f32 v17, v10;
	p0 =	sne.s32 s19, $0x10  }
.Ltmp8:
0x229: {  	v17 =	vmul.f32 v30, v22;
	v62 =	vmul.f32 v31, v23;
	v9 =	vadd.f32 v18, v9;
	(pc) =	sbr.rel @p0 .LBB2_16-.Ltmp8, $4  }
0x22a: {  	v18 =	vmul.f32 v26, v20;
	v63 =	vmul.f32 v27, v21;
	v16 =	vadd.f32 v24, v16  }
0x22b: {  	v15 =	vadd.f32 v25, v15;
	v14 =	vadd.f32 v17, v14;
	v17 =	vmul.f32 v28, v19  }
0x22c: {  	v13 =	vadd.f32 v62, v13;
	v12 =	vadd.f32 v18, v12  }
0x22d: {  	s3 =	sadd.s32 $0x400, s3;
	s0 =	sadd.s32 $0x1, s0;
	v10 =	vadd.f32 v63, v10;
	v9 =	vadd.f32 v17, v9  }
0x22e: {  	s0 =	simm.s32 $0x0  }
0x22f: {  	[tilespmem:s0], [sflag:$0x1] =	stream.linear.gather [hbm4b:s15+s0], $0x4000, $0x38;
	[tilespmem:$0x18880] =	vst v63  }
0x230: {  	_ = 	snop  }
0x231: {  	[tilespmem:s21], [sflag:$0x1] =	stream.linear.gather [hbm4b:s16+s0], $0x4000, $0x38;
	[tilespmem:$0x18880] =	vst v63  }
0x232: {  	_ =	swait.ge [sflag:s28], $0x4000  }
0x233: {  	[sflag:s28] =	ssyncset.done $0x0  }
0x234: {  	[sflag:s28] =	ssyncadd.s32 $0xFFFFC000  }
0x235: {  	_ =	swait.ge [sflag:s28], $0x4000  }
0x236: {  	[sflag:s28] =	ssyncset.done $0x0  }
0x237: {  	s3 =	simm.s32 $0x0;
	s5 =	simm.s32 $0x0;
	[sflag:s28] =	ssyncadd.s32 $0xFFFFC000  }
.LBB2_20:
0x238: {  	s6 =	sand.u32 $0x7, s3  }
0x239: {  	s6 =	sshll.u32 s6, $0x9  }
0x23a: {  	s6 =	sshrl.u32 s6, $0x2  }
0x23b: {  	v17 =	vmov s6;
	_ =	sdelay $0x2  }
0x23c: {  	s30 =	sand.u32 $0x3FFFE000, s0  }
0x23d: {  	s7 =	sadd.s32 $0xC000, s30  }
0x23e: {  	v18 =	vld.idx.msk [tilespmem:v17+s7+$0x4070 ss:$0x1], $0xffff  }
0x23f: {  	v19 =	vld.idx.msk [tilespmem:v17+s30+$0x4070 ss:$0x1], $0xffff  }
0x240: {  	v20 =	vld.idx.msk [tilespmem:v17+s7+$0x4000 ss:$0x1], $0xffff  }
0x241: {  	v21 =	vld.idx.msk [tilespmem:v17+s7+$0x4010 ss:$0x1], $0xffff  }
0x242: {  	v22 =	vld.idx.msk [tilespmem:v17+s7+$0x4020 ss:$0x1], $0xffff  }
0x243: {  	v23 =	vld.idx.msk [tilespmem:v17+s7+$0x4030 ss:$0x1], $0xffff  }
0x244: {  	v24 =	vld.idx.msk [tilespmem:v17+s7+$0x4040 ss:$0x1], $0xffff  }
0x245: {  	v26 =	vld.idx.msk [tilespmem:v17+s7+$0x4050 ss:$0x1], $0xffff  }
0x246: {  	v27 =	vld.idx.msk [tilespmem:v17+s7+$0x4060 ss:$0x1], $0xffff  }
0x247: {  	v28 =	vld.idx.msk [tilespmem:v17+s30+$0x4010 ss:$0x1], $0xffff  }
0x248: {  	v30 =	vld.idx.msk [tilespmem:v17+s30+$0x4030 ss:$0x1], $0xffff  }
0x249: {  	v32 =	vld.idx.msk [tilespmem:v17+s30+$0x4040 ss:$0x1], $0xffff  }
0x24a: {  	v34 =	vld.idx.msk [tilespmem:v17+s30+$0x4050 ss:$0x1], $0xffff  }
0x24b: {  	v36 =	vld.idx.msk [tilespmem:v17+s30+$0x4060 ss:$0x1], $0xffff  }
0x24c: {  	v37 =	vld.idx.msk [tilespmem:v17+s30+$0x4000 ss:$0x1], $0xffff  }
0x24d: {  	vm0 =	vge.f32 v18, v0;
	v19 =	vsub.f32 v19, v18  }
0x24e: {  	vm1 =	vge.f32 v20, v0;
	vm2 =	vge.f32 v21, v0;
	vm3 =	vge.f32 v22, v0  }
0x24f: {  	v28 =	vsub.f32 v28, v21;
	v30 =	vsub.f32 v30, v23;
	vm4 =	vge.f32 v24, v1  }
0x250: {  	v32 =	vsub.f32 v32, v24;
	vm5 =	vge.f32 v26, v1;
	v34 =	vsub.f32 v34, v26  }
0x251: {  	vm6 =	vge.f32 v27, v1;
	v36 =	vsub.f32 v36, v27;
	v37 =	vsub.f32 v37, v20  }
0x252: {  	v25 =	vsel vm0, v5, v4;
	vm0 =	vge.f32 v18, v1;
	v29 =	vsel vm1, v5, v4  }
0x253: {  	v31 =	vsel vm3, v5, v4;
	v25 =	vsel vm0, v6, v25;
	vm0 =	vge.f32 v18, v2  }
0x254: {  	v25 =	vsel vm0, v7, v25;
	vm0 =	vge.f32 v18, v3;
	v18 =	vmul.f32 v19, v19  }
0x255: {  	vm1 =	vge.f32 v24, v0;
	vm3 =	vge.f32 v23, v1;
	v25 =	vsel vm0, v8, v25  }
0x256: {  	v28 =	vmul.f32 v28, v28;
	vm0 =	vge.f32 v23, v0;
	v18 =	vmul.f32 v25, v18  }
0x257: {  	v25 =	vsel vm2, v5, v4;
	v33 =	vsel vm0, v5, v4;
	vm0 =	vge.f32 v26, v0  }
0x258: {  	vm2 =	vge.f32 v22, v1;
	v35 =	vsel vm0, v5, v4;
	vm0 =	vge.f32 v27, v0  }
0x259: {  	v19 =	vld.idx.msk [tilespmem:v17+s30+$0x4020 ss:$0x1], $0xffff;
	v31 =	vsel vm2, v6, v31;
	v33 =	vsel vm3, v6, v33;
	vm2 =	vge.f32 v22, v2  }
0x25a: {  	vm3 =	vge.f32 v23, v2;
	v11 =	vadd.f32 v18, v11;
	v18 =	vsel vm1, v5, v4  }
0x25b: {  	s8 =	sadd.s32 $0x400, s7;
	vm1 =	vge.f32 v20, v1;
	v38 =	vsel vm0, v5, v4;
	vm0 =	vge.f32 v21, v1  }
0x25c: {  	v58 =	vld.idx.msk [tilespmem:v17+s8+$0x4060 ss:$0x1], $0xffff;
	v35 =	vsel vm5, v6, v35;
	vm5 =	vge.f32 v27, v2;
	v31 =	vsel vm2, v7, v31  }
0x25d: {  	v33 =	vsel vm3, v7, v33;
	vm2 =	vge.f32 v22, v3;
	vm3 =	vge.f32 v23, v3  }
0x25e: {  	v23 =	vmul.f32 v36, v36;
	v19 =	vsub.f32 v19, v22;
	v29 =	vsel vm1, v6, v29  }
0x25f: {  	v25 =	vsel vm0, v6, v25;
	v18 =	vsel vm4, v6, v18;
	vm0 =	vge.f32 v20, v2  }
0x260: {  	vm1 =	vge.f32 v21, v2;
	v38 =	vsel vm6, v6, v38;
	vm4 =	vge.f32 v24, v2  }
0x261: {  	v22 =	vmul.f32 v32, v32;
	vm6 =	vge.f32 v58, v1;
	v29 =	vsel vm0, v7, v29  }
0x262: {  	vm0 =	vge.f32 v26, v2;
	v25 =	vsel vm1, v7, v25;
	v18 =	vsel vm4, v7, v18  }
0x263: {  	v38 =	vsel vm5, v7, v38;
	vm1 =	vge.f32 v21, v3;
	v21 =	vmul.f32 v30, v30  }
0x264: {  	s6 =	sadd.s32 $0x400, s30;
	v57 =	vld.idx.msk [tilespmem:v17+s8+$0x4050 ss:$0x1], $0xffff;
	v30 =	vmul.f32 v34, v34;
	vm4 =	vge.f32 v24, v3;
	vm5 =	vge.f32 v27, v3  }
0x265: {  	v62 =	vld.idx.msk [tilespmem:v17+s6+$0x4060 ss:$0x1], $0xffff;
	v27 =	vsel vm2, v8, v31;
	v35 =	vsel vm0, v7, v35;
	vm0 =	vge.f32 v20, v3  }
0x266: {  	v20 =	vmul.f32 v37, v37;
	v19 =	vmul.f32 v19, v19;
	v25 =	vsel vm1, v8, v25  }
0x267: {  	v31 =	vld.idx.msk [tilespmem:v17+s6+$0x4070 ss:$0x1], $0xffff;
	v18 =	vsel vm4, v8, v18;
	v24 =	vsel vm0, v8, v29;
	vm0 =	vge.f32 v26, v3  }
0x268: {  	v26 =	vld.idx.msk [tilespmem:v17+s8+$0x4070 ss:$0x1], $0xffff;
	v29 =	vsel vm3, v8, v33;
	v55 =	vsel vm0, v8, v35;
	v20 =	vmul.f32 v24, v20  }
0x269: {  	v24 =	vmul.f32 v25, v28;
	v25 =	vsel vm5, v8, v38;
	v28 =	vld.idx.msk [tilespmem:v17+s8+$0x4000 ss:$0x1], $0xffff;
	v19 =	vmul.f32 v27, v19  }
0x26a: {  	v21 =	vmul.f32 v29, v21;
	v27 =	vld.idx.msk [tilespmem:v17+s8+$0x4010 ss:$0x1], $0xffff;
	vm5 =	vge.f32 v57, v1;
	v38 =	vsub.f32 v62, v58  }
0x26b: {  	v16 =	vadd.f32 v20, v16;
	v20 =	vmul.f32 v18, v22;
	v18 =	vmul.f32 v55, v30;
	v22 =	vld.idx.msk [tilespmem:v17+s8+$0x4020 ss:$0x1], $0xffff  }
0x26c: {  	v15 =	vadd.f32 v24, v15;
	v14 =	vadd.f32 v19, v14;
	v19 =	vmul.f32 v25, v23;
	v24 =	vld.idx.msk [tilespmem:v17+s6+$0x4010 ss:$0x1], $0xffff  }
0x26d: {  	v13 =	vadd.f32 v21, v13;
	v25 =	vld.idx.msk [tilespmem:v17+s6+$0x4020 ss:$0x1], $0xffff;
	vm0 =	vge.f32 v26, v0;
	v12 =	vadd.f32 v20, v12  }
0x26e: {  	v56 =	vld.idx.msk [tilespmem:v17+s8+$0x4030 ss:$0x1], $0xffff;
	v21 =	vsub.f32 v31, v26;
	v23 =	vsel vm0, v5, v4;
	vm0 =	vge.f32 v26, v1  }
0x26f: {  	vm1 =	vge.f32 v28, v0;
	vm2 =	vge.f32 v27, v0;
	v23 =	vsel vm0, v6, v23  }
0x270: {  	v20 =	vld.idx.msk [tilespmem:v17+s8+$0x4040 ss:$0x1], $0xffff;
	vm0 =	vge.f32 v26, v2;
	v21 =	vmul.f32 v21, v21;
	v29 =	vsel vm2, v5, v4  }
0x271: {  	v31 =	vld.idx.msk [tilespmem:v17+s6+$0x4040 ss:$0x1], $0xffff;
	v23 =	vsel vm0, v7, v23;
	vm0 =	vge.f32 v26, v3;
	vm3 =	vge.f32 v22, v0  }
0x272: {  	v26 =	vsel vm1, v5, v4;
	v39 =	vsub.f32 v24, v27;
	v41 =	vsub.f32 v25, v22  }
0x273: {  	vm2 =	vge.f32 v22, v1;
	v23 =	vsel vm0, v8, v23;
	vm0 =	vge.f32 v56, v0  }
0x274: {  	v30 =	vsel vm3, v5, v4;
	vm3 =	vge.f32 v56, v1;
	v21 =	vmul.f32 v23, v21  }
0x275: {  	v40 =	vld.idx.msk [tilespmem:v17+s6+$0x4000 ss:$0x1], $0xffff;
	vm1 =	vge.f32 v20, v0;
	v59 =	vsel vm0, v5, v4;
	vm0 =	vge.f32 v57, v0  }
0x276: {  	v23 =	vld.idx.msk [tilespmem:v17+s6+$0x4030 ss:$0x1], $0xffff;
	vm4 =	vge.f32 v20, v1;
	v43 =	vsub.f32 v31, v20;
	v60 =	vsel vm1, v5, v4  }
0x277: {  	v61 =	vsel vm0, v5, v4;
	vm0 =	vge.f32 v58, v0;
	vm1 =	vge.f32 v28, v1  }
0x278: {  	v11 =	vadd.f32 v21, v11;
	v24 =	vsel vm0, v5, v4;
	vm0 =	vge.f32 v27, v1  }
0x279: {  	v36 =	vsel vm4, v6, v60;
	v37 =	vsel vm5, v6, v61;
	vm4 =	vge.f32 v20, v2  }
0x27a: {  	vm5 =	vge.f32 v58, v2;
	v25 =	vsel vm0, v6, v29;
	v29 =	vsub.f32 v40, v28  }
0x27b: {  	v21 =	vld.idx.msk [tilespmem:v17+s6+$0x4050 ss:$0x1], $0xffff;
	vm0 =	vge.f32 v28, v2;
	v63 =	vsel vm6, v6, v24;
	v42 =	vsub.f32 v23, v56  }
0x27c: {  	v23 =	vsel vm1, v6, v26;
	v26 =	vsel vm3, v6, v59;
	vm1 =	vge.f32 v27, v2  }
0x27d: {  	vm3 =	vge.f32 v56, v2;
	v45 =	vsel vm0, v7, v23;
	vm0 =	vge.f32 v57, v2  }
0x27e: {  	v23 =	vsel vm4, v7, v36;
	vm4 =	vge.f32 v28, v3;
	v28 =	vmul.f32 v29, v29  }
0x27f: {  	v32 =	vsel vm3, v7, v26;
	v29 =	vmul.f32 v39, v39;
	v26 =	vmul.f32 v41, v41  }
0x280: {  	vm3 =	vge.f32 v56, v3;
	v44 =	vsub.f32 v21, v57;
	v21 =	vsel vm2, v6, v30  }
0x281: {  	vm2 =	vge.f32 v22, v2;
	v30 =	vsel vm1, v7, v25;
	v24 =	vsel vm0, v7, v37  }
0x282: {  	v25 =	vsel vm5, v7, v63;
	vm0 =	vge.f32 v27, v3;
	v27 =	vmul.f32 v42, v42  }
0x283: {  	vm1 =	vge.f32 v22, v3;
	v33 =	vsel vm4, v8, v45;
	vm4 =	vge.f32 v57, v3  }
0x284: {  	vm5 =	vge.f32 v58, v3;
	v31 =	vsel vm2, v7, v21;
	v21 =	vmul.f32 v43, v43  }
0x285: {  	s7 =	simm.s32 $0x80;
	s8 =	sadd.s32 $0x400, s8;
	vm2 =	vge.f32 v20, v3;
	v20 =	vmul.f32 v38, v38;
	v22 =	vmul.f32 v44, v44  }
.LBB2_21:
0x286: {  	v34 =	vld.idx.msk [tilespmem:v17+s8+$0x4070 ss:$0x1], $0xffff;
	s7 =	sadd.s32 $0x80, s7;
	v30 =	vsel vm0, v8, v30;
	v31 =	vsel vm1, v8, v31;
	v32 =	vsel vm3, v8, v32;
	s6 =	sadd.s32 $0x400, s6  }
0x287: {  	v23 =	vsel vm2, v8, v23;
	v24 =	vsel vm4, v8, v24;
	v25 =	vsel vm5, v8, v25;
	v35 =	vld.idx.msk [tilespmem:v17+s6+$0x4070 ss:$0x1], $0xffff;
	p0 =	slt.u32 s7, $0x380  }
0x288: {  	v28 =	vmul.f32 v33, v28;
	v10 =	vadd.f32 v18, v10;
	v29 =	vmul.f32 v30, v29;
	v36 =	vld.idx.msk [tilespmem:v17+s8+$0x4000 ss:$0x1], $0xffff  }
0x289: {  	v9 =	vadd.f32 v19, v9;
	v26 =	vmul.f32 v31, v26;
	v27 =	vmul.f32 v32, v27;
	v33 =	vld.idx.msk [tilespmem:v17+s8+$0x4010 ss:$0x1], $0xffff  }
0x28a: {  	v21 =	vmul.f32 v23, v21;
	v18 =	vmul.f32 v24, v22;
	v16 =	vadd.f32 v28, v16;
	v37 =	vld.idx.msk [tilespmem:v17+s8+$0x4020 ss:$0x1], $0xffff  }
0x28b: {  	v19 =	vmul.f32 v25, v20;
	v15 =	vadd.f32 v29, v15;
	v14 =	vadd.f32 v26, v14;
	v38 =	vld.idx.msk [tilespmem:v17+s8+$0x4030 ss:$0x1], $0xffff  }
0x28c: {  	v13 =	vadd.f32 v27, v13;
	v12 =	vadd.f32 v21, v12;
	vm0 =	vge.f32 v34, v0;
	v20 =	vld.idx.msk [tilespmem:v17+s8+$0x4040 ss:$0x1], $0xffff  }
0x28d: {  	v21 =	vsub.f32 v35, v34;
	v22 =	vsel vm0, v5, v4;
	vm0 =	vge.f32 v34, v1;
	v39 =	vld.idx.msk [tilespmem:v17+s8+$0x4050 ss:$0x1], $0xffff  }
0x28e: {  	vm1 =	vge.f32 v36, v0;
	v22 =	vsel vm0, v6, v22;
	vm0 =	vge.f32 v34, v2;
	v35 =	vld.idx.msk [tilespmem:v17+s8+$0x4060 ss:$0x1], $0xffff  }
0x28f: {  	v22 =	vsel vm0, v7, v22;
	vm0 =	vge.f32 v34, v3;
	v21 =	vmul.f32 v21, v21;
	v23 =	vld.idx.msk [tilespmem:v17+s6+$0x4010 ss:$0x1], $0xffff  }
0x290: {  	vm2 =	vge.f32 v33, v0;
	vm3 =	vge.f32 v37, v0;
	v22 =	vsel vm0, v8, v22;
	v24 =	vld.idx.msk [tilespmem:v17+s6+$0x4020 ss:$0x1], $0xffff  }
0x291: {  	v25 =	vsel vm1, v5, v4;
	vm0 =	vge.f32 v38, v0;
	v21 =	vmul.f32 v22, v21;
	v26 =	vld.idx.msk [tilespmem:v17+s6+$0x4030 ss:$0x1], $0xffff  }
0x292: {  	v22 =	vsel vm2, v5, v4;
	v27 =	vsel vm3, v5, v4;
	vm1 =	vge.f32 v20, v0;
	v28 =	vld.idx.msk [tilespmem:v17+s6+$0x4040 ss:$0x1], $0xffff  }
0x293: {  	v29 =	vsel vm0, v5, v4;
	vm0 =	vge.f32 v39, v0;
	v11 =	vadd.f32 v21, v11;
	v30 =	vld.idx.msk [tilespmem:v17+s6+$0x4050 ss:$0x1], $0xffff  }
0x294: {  	v21 =	vsel vm1, v5, v4;
	v31 =	vsel vm0, v5, v4;
	vm0 =	vge.f32 v35, v0;
	v32 =	vld.idx.msk [tilespmem:v17+s6+$0x4060 ss:$0x1], $0xffff  }
0x295: {  	vm1 =	vge.f32 v36, v1;
	v40 =	vsub.f32 v23, v33;
	v23 =	vsel vm0, v5, v4;
	v34 =	vld.idx.msk [tilespmem:v17+s6+$0x4000 ss:$0x1], $0xffff  }
0x296: {  	vm2 =	vge.f32 v37, v1;
	vm0 =	vge.f32 v33, v1;
	v41 =	vsub.f32 v24, v37  }
0x297: {  	vm3 =	vge.f32 v38, v1;
	vm4 =	vge.f32 v20, v1;
	v42 =	vsub.f32 v26, v38  }
0x298: {  	vm5 =	vge.f32 v39, v1;
	vm6 =	vge.f32 v35, v1;
	v43 =	vsub.f32 v28, v20  }
0x299: {  	v24 =	vsel vm1, v6, v25;
	v22 =	vsel vm0, v6, v22;
	v44 =	vsub.f32 v30, v39  }
0x29a: {  	v25 =	vsel vm2, v6, v27;
	v26 =	vsel vm3, v6, v29;
	v45 =	vsub.f32 v32, v35  }
0x29b: {  	v21 =	vsel vm4, v6, v21;
	v28 =	vsel vm5, v6, v31;
	v27 =	vsub.f32 v34, v36  }
0x29c: {  	vm0 =	vge.f32 v36, v2;
	vm1 =	vge.f32 v33, v2;
	v29 =	vsel vm6, v6, v23  }
0x29d: {  	vm4 =	vge.f32 v20, v2;
	vm2 =	vge.f32 v37, v2;
	vm3 =	vge.f32 v38, v2  }
0x29e: {  	vm5 =	vge.f32 v35, v2;
	v34 =	vsel vm0, v7, v24;
	vm0 =	vge.f32 v39, v2  }
0x29f: {  	v31 =	vsel vm2, v7, v25;
	v30 =	vsel vm1, v7, v22;
	v32 =	vsel vm3, v7, v26  }
0x2a0: {  	v23 =	vsel vm4, v7, v21;
	v25 =	vsel vm5, v7, v29;
	v24 =	vsel vm0, v7, v28  }
.Ltmp9:
0x2a1: {  	vm4 =	vge.f32 v36, v3;
	v29 =	vmul.f32 v40, v40;
	v28 =	vmul.f32 v27, v27;
	(pc) =	sbr.rel @p0 .LBB2_21-.Ltmp9, $4  }
0x2a2: {  	v26 =	vmul.f32 v41, v41;
	vm0 =	vge.f32 v33, v3;
	v27 =	vmul.f32 v42, v42  }
0x2a3: {  	vm1 =	vge.f32 v37, v3;
	v21 =	vmul.f32 v43, v43;
	v22 =	vmul.f32 v44, v44  }
0x2a4: {  	vm2 =	vge.f32 v20, v3;
	vm3 =	vge.f32 v38, v3;
	v20 =	vmul.f32 v45, v45  }
0x2a5: {  	s8 =	sadd.s32 $0x400, s8;
	vm5 =	vge.f32 v35, v3;
	v33 =	vsel vm4, v8, v34;
	vm4 =	vge.f32 v39, v3  }
0x2a6: {  	v17 =	vsel vm0, v8, v30;
	v60 =	vsel vm1, v8, v31;
	v61 =	vsel vm3, v8, v32  }
0x2a7: {  	v23 =	vsel vm2, v8, v23;
	v24 =	vsel vm4, v8, v24;
	v25 =	vsel vm5, v8, v25;
	s5 =	sadd.s32 $0x1, s5  }
0x2a8: {  	v28 =	vmul.f32 v33, v28;
	v10 =	vadd.f32 v18, v10;
	v17 =	vmul.f32 v17, v29;
	p0 =	sne.s32 s5, $0x10  }
.Ltmp10:
0x2a9: {  	v9 =	vadd.f32 v19, v9;
	v18 =	vmul.f32 v60, v26;
	v62 =	vmul.f32 v61, v27;
	(pc) =	sbr.rel @p0 .LBB2_20-.Ltmp10, $4  }
0x2aa: {  	v19 =	vmul.f32 v23, v21;
	v63 =	vmul.f32 v24, v22;
	v16 =	vadd.f32 v28, v16  }
0x2ab: {  	v15 =	vadd.f32 v17, v15;
	v14 =	vadd.f32 v18, v14;
	v17 =	vmul.f32 v25, v20  }
0x2ac: {  	v13 =	vadd.f32 v62, v13;
	v12 =	vadd.f32 v19, v12  }
0x2ad: {  	s3 =	sadd.s32 $0x1, s3;
	s0 =	sadd.s32 $0x400, s0;
	v10 =	vadd.f32 v63, v10;
	v9 =	vadd.f32 v17, v9  }
0x2ae: {  	_ =	swait.ge [sflag:s29], $0x4000  }
0x2af: {  	[sflag:s29] =	ssyncset.done $0x0  }
0x2b0: {  	[sflag:s29] =	ssyncadd.s32 $0xFFFFC000  }
0x2b1: {  	_ =	swait.ge [sflag:s29], $0x4000  }
0x2b2: {  	s0 =	simm.s32 $0x0;
	[sflag:s29] =	ssyncset.done $0x0  }
0x2b3: {  	s3 =	simm.s32 $0x0;
	s5 =	simm.s32 $0x0;
	[sflag:s29] =	ssyncadd.s32 $0xFFFFC000  }
.LBB2_24:
0x2b4: {  	s6 =	sand.u32 $0x7, s3  }
0x2b5: {  	s6 =	sshll.u32 s6, $0x9  }
0x2b6: {  	s6 =	sshrl.u32 s6, $0x2  }
0x2b7: {  	v17 =	vmov s6;
	_ =	sdelay $0x2  }
0x2b8: {  	s30 =	sand.u32 $0x3FFFE000, s0  }
0x2b9: {  	s7 =	sadd.s32 $0xC000, s30  }
0x2ba: {  	v18 =	vld.idx.msk [tilespmem:v17+s7+$0x8070 ss:$0x1], $0xffff  }
0x2bb: {  	v19 =	vld.idx.msk [tilespmem:v17+s30+$0x8070 ss:$0x1], $0xffff  }
0x2bc: {  	v20 =	vld.idx.msk [tilespmem:v17+s7+$0x8000 ss:$0x1], $0xffff  }
0x2bd: {  	v21 =	vld.idx.msk [tilespmem:v17+s7+$0x8010 ss:$0x1], $0xffff  }
0x2be: {  	v22 =	vld.idx.msk [tilespmem:v17+s7+$0x8020 ss:$0x1], $0xffff  }
0x2bf: {  	v23 =	vld.idx.msk [tilespmem:v17+s7+$0x8030 ss:$0x1], $0xffff  }
0x2c0: {  	v24 =	vld.idx.msk [tilespmem:v17+s7+$0x8040 ss:$0x1], $0xffff  }
0x2c1: {  	v26 =	vld.idx.msk [tilespmem:v17+s7+$0x8050 ss:$0x1], $0xffff  }
0x2c2: {  	v27 =	vld.idx.msk [tilespmem:v17+s7+$0x8060 ss:$0x1], $0xffff  }
0x2c3: {  	v28 =	vld.idx.msk [tilespmem:v17+s30+$0x8010 ss:$0x1], $0xffff  }
0x2c4: {  	v30 =	vld.idx.msk [tilespmem:v17+s30+$0x8030 ss:$0x1], $0xffff  }
0x2c5: {  	v32 =	vld.idx.msk [tilespmem:v17+s30+$0x8040 ss:$0x1], $0xffff  }
0x2c6: {  	v34 =	vld.idx.msk [tilespmem:v17+s30+$0x8050 ss:$0x1], $0xffff  }
0x2c7: {  	v36 =	vld.idx.msk [tilespmem:v17+s30+$0x8060 ss:$0x1], $0xffff  }
0x2c8: {  	v37 =	vld.idx.msk [tilespmem:v17+s30+$0x8000 ss:$0x1], $0xffff  }
0x2c9: {  	vm0 =	vge.f32 v18, v0;
	v19 =	vsub.f32 v19, v18  }
0x2ca: {  	vm1 =	vge.f32 v20, v0;
	vm2 =	vge.f32 v21, v0;
	vm3 =	vge.f32 v22, v0  }
0x2cb: {  	v28 =	vsub.f32 v28, v21;
	v30 =	vsub.f32 v30, v23;
	vm4 =	vge.f32 v24, v1  }
0x2cc: {  	v32 =	vsub.f32 v32, v24;
	vm5 =	vge.f32 v26, v1;
	v34 =	vsub.f32 v34, v26  }
0x2cd: {  	vm6 =	vge.f32 v27, v1;
	v36 =	vsub.f32 v36, v27;
	v37 =	vsub.f32 v37, v20  }
0x2ce: {  	v25 =	vsel vm0, v5, v4;
	vm0 =	vge.f32 v18, v1;
	v29 =	vsel vm1, v5, v4  }
0x2cf: {  	v31 =	vsel vm3, v5, v4;
	v25 =	vsel vm0, v6, v25;
	vm0 =	vge.f32 v18, v2  }
0x2d0: {  	v25 =	vsel vm0, v7, v25;
	vm0 =	vge.f32 v18, v3;
	v18 =	vmul.f32 v19, v19  }
0x2d1: {  	vm1 =	vge.f32 v24, v0;
	vm3 =	vge.f32 v23, v1;
	v25 =	vsel vm0, v8, v25  }
0x2d2: {  	v28 =	vmul.f32 v28, v28;
	vm0 =	vge.f32 v23, v0;
	v18 =	vmul.f32 v25, v18  }
0x2d3: {  	v25 =	vsel vm2, v5, v4;
	v33 =	vsel vm0, v5, v4;
	vm0 =	vge.f32 v26, v0  }
0x2d4: {  	vm2 =	vge.f32 v22, v1;
	v35 =	vsel vm0, v5, v4;
	vm0 =	vge.f32 v27, v0  }
0x2d5: {  	v19 =	vld.idx.msk [tilespmem:v17+s30+$0x8020 ss:$0x1], $0xffff;
	v31 =	vsel vm2, v6, v31;
	v33 =	vsel vm3, v6, v33;
	vm2 =	vge.f32 v22, v2  }
0x2d6: {  	vm3 =	vge.f32 v23, v2;
	v11 =	vadd.f32 v18, v11;
	v18 =	vsel vm1, v5, v4  }
0x2d7: {  	s8 =	sadd.s32 $0x400, s7;
	vm1 =	vge.f32 v20, v1;
	v38 =	vsel vm0, v5, v4;
	vm0 =	vge.f32 v21, v1  }
0x2d8: {  	v58 =	vld.idx.msk [tilespmem:v17+s8+$0x8060 ss:$0x1], $0xffff;
	v35 =	vsel vm5, v6, v35;
	vm5 =	vge.f32 v27, v2;
	v31 =	vsel vm2, v7, v31  }
0x2d9: {  	v33 =	vsel vm3, v7, v33;
	vm2 =	vge.f32 v22, v3;
	vm3 =	vge.f32 v23, v3  }
0x2da: {  	v23 =	vmul.f32 v36, v36;
	v19 =	vsub.f32 v19, v22;
	v29 =	vsel vm1, v6, v29  }
0x2db: {  	v25 =	vsel vm0, v6, v25;
	v18 =	vsel vm4, v6, v18;
	vm0 =	vge.f32 v20, v2  }
0x2dc: {  	vm1 =	vge.f32 v21, v2;
	v38 =	vsel vm6, v6, v38;
	vm4 =	vge.f32 v24, v2  }
0x2dd: {  	v22 =	vmul.f32 v32, v32;
	vm6 =	vge.f32 v58, v1;
	v29 =	vsel vm0, v7, v29  }
0x2de: {  	vm0 =	vge.f32 v26, v2;
	v25 =	vsel vm1, v7, v25;
	v18 =	vsel vm4, v7, v18  }
0x2df: {  	v38 =	vsel vm5, v7, v38;
	vm1 =	vge.f32 v21, v3;
	v21 =	vmul.f32 v30, v30  }
0x2e0: {  	s6 =	sadd.s32 $0x400, s30;
	v57 =	vld.idx.msk [tilespmem:v17+s8+$0x8050 ss:$0x1], $0xffff;
	v30 =	vmul.f32 v34, v34;
	vm4 =	vge.f32 v24, v3;
	vm5 =	vge.f32 v27, v3  }
0x2e1: {  	v62 =	vld.idx.msk [tilespmem:v17+s6+$0x8060 ss:$0x1], $0xffff;
	v27 =	vsel vm2, v8, v31;
	v35 =	vsel vm0, v7, v35;
	vm0 =	vge.f32 v20, v3  }
0x2e2: {  	v20 =	vmul.f32 v37, v37;
	v19 =	vmul.f32 v19, v19;
	v25 =	vsel vm1, v8, v25  }
0x2e3: {  	v31 =	vld.idx.msk [tilespmem:v17+s6+$0x8070 ss:$0x1], $0xffff;
	v18 =	vsel vm4, v8, v18;
	v24 =	vsel vm0, v8, v29;
	vm0 =	vge.f32 v26, v3  }
0x2e4: {  	v26 =	vld.idx.msk [tilespmem:v17+s8+$0x8070 ss:$0x1], $0xffff;
	v29 =	vsel vm3, v8, v33;
	v55 =	vsel vm0, v8, v35;
	v20 =	vmul.f32 v24, v20  }
0x2e5: {  	v24 =	vmul.f32 v25, v28;
	v25 =	vsel vm5, v8, v38;
	v28 =	vld.idx.msk [tilespmem:v17+s8+$0x8000 ss:$0x1], $0xffff;
	v19 =	vmul.f32 v27, v19  }
0x2e6: {  	v21 =	vmul.f32 v29, v21;
	v27 =	vld.idx.msk [tilespmem:v17+s8+$0x8010 ss:$0x1], $0xffff;
	vm5 =	vge.f32 v57, v1;
	v38 =	vsub.f32 v62, v58  }
0x2e7: {  	v16 =	vadd.f32 v20, v16;
	v20 =	vmul.f32 v18, v22;
	v18 =	vmul.f32 v55, v30;
	v22 =	vld.idx.msk [tilespmem:v17+s8+$0x8020 ss:$0x1], $0xffff  }
0x2e8: {  	v15 =	vadd.f32 v24, v15;
	v14 =	vadd.f32 v19, v14;
	v19 =	vmul.f32 v25, v23;
	v24 =	vld.idx.msk [tilespmem:v17+s6+$0x8010 ss:$0x1], $0xffff  }
0x2e9: {  	v13 =	vadd.f32 v21, v13;
	v25 =	vld.idx.msk [tilespmem:v17+s6+$0x8020 ss:$0x1], $0xffff;
	vm0 =	vge.f32 v26, v0;
	v12 =	vadd.f32 v20, v12  }
0x2ea: {  	v56 =	vld.idx.msk [tilespmem:v17+s8+$0x8030 ss:$0x1], $0xffff;
	v21 =	vsub.f32 v31, v26;
	v23 =	vsel vm0, v5, v4;
	vm0 =	vge.f32 v26, v1  }
0x2eb: {  	vm1 =	vge.f32 v28, v0;
	vm2 =	vge.f32 v27, v0;
	v23 =	vsel vm0, v6, v23  }
0x2ec: {  	v20 =	vld.idx.msk [tilespmem:v17+s8+$0x8040 ss:$0x1], $0xffff;
	vm0 =	vge.f32 v26, v2;
	v21 =	vmul.f32 v21, v21;
	v29 =	vsel vm2, v5, v4  }
0x2ed: {  	v31 =	vld.idx.msk [tilespmem:v17+s6+$0x8040 ss:$0x1], $0xffff;
	v23 =	vsel vm0, v7, v23;
	vm0 =	vge.f32 v26, v3;
	vm3 =	vge.f32 v22, v0  }
0x2ee: {  	v26 =	vsel vm1, v5, v4;
	v39 =	vsub.f32 v24, v27;
	v41 =	vsub.f32 v25, v22  }
0x2ef: {  	vm2 =	vge.f32 v22, v1;
	v23 =	vsel vm0, v8, v23;
	vm0 =	vge.f32 v56, v0  }
0x2f0: {  	v30 =	vsel vm3, v5, v4;
	vm3 =	vge.f32 v56, v1;
	v21 =	vmul.f32 v23, v21  }
0x2f1: {  	v40 =	vld.idx.msk [tilespmem:v17+s6+$0x8000 ss:$0x1], $0xffff;
	vm1 =	vge.f32 v20, v0;
	v59 =	vsel vm0, v5, v4;
	vm0 =	vge.f32 v57, v0  }
0x2f2: {  	v23 =	vld.idx.msk [tilespmem:v17+s6+$0x8030 ss:$0x1], $0xffff;
	vm4 =	vge.f32 v20, v1;
	v43 =	vsub.f32 v31, v20;
	v60 =	vsel vm1, v5, v4  }
0x2f3: {  	v61 =	vsel vm0, v5, v4;
	vm0 =	vge.f32 v58, v0;
	vm1 =	vge.f32 v28, v1  }
0x2f4: {  	v11 =	vadd.f32 v21, v11;
	v24 =	vsel vm0, v5, v4;
	vm0 =	vge.f32 v27, v1  }
0x2f5: {  	v36 =	vsel vm4, v6, v60;
	v37 =	vsel vm5, v6, v61;
	vm4 =	vge.f32 v20, v2  }
0x2f6: {  	vm5 =	vge.f32 v58, v2;
	v25 =	vsel vm0, v6, v29;
	v29 =	vsub.f32 v40, v28  }
0x2f7: {  	v21 =	vld.idx.msk [tilespmem:v17+s6+$0x8050 ss:$0x1], $0xffff;
	vm0 =	vge.f32 v28, v2;
	v63 =	vsel vm6, v6, v24;
	v42 =	vsub.f32 v23, v56  }
0x2f8: {  	v23 =	vsel vm1, v6, v26;
	v26 =	vsel vm3, v6, v59;
	vm1 =	vge.f32 v27, v2  }
0x2f9: {  	vm3 =	vge.f32 v56, v2;
	v45 =	vsel vm0, v7, v23;
	vm0 =	vge.f32 v57, v2  }
0x2fa: {  	v23 =	vsel vm4, v7, v36;
	vm4 =	vge.f32 v28, v3;
	v28 =	vmul.f32 v29, v29  }
0x2fb: {  	v32 =	vsel vm3, v7, v26;
	v29 =	vmul.f32 v39, v39;
	v26 =	vmul.f32 v41, v41  }
0x2fc: {  	vm3 =	vge.f32 v56, v3;
	v44 =	vsub.f32 v21, v57;
	v21 =	vsel vm2, v6, v30  }
0x2fd: {  	vm2 =	vge.f32 v22, v2;
	v30 =	vsel vm1, v7, v25;
	v24 =	vsel vm0, v7, v37  }
0x2fe: {  	v25 =	vsel vm5, v7, v63;
	vm0 =	vge.f32 v27, v3;
	v27 =	vmul.f32 v42, v42  }
0x2ff: {  	vm1 =	vge.f32 v22, v3;
	v33 =	vsel vm4, v8, v45;
	vm4 =	vge.f32 v57, v3  }
0x300: {  	vm5 =	vge.f32 v58, v3;
	v31 =	vsel vm2, v7, v21;
	v21 =	vmul.f32 v43, v43  }
0x301: {  	s7 =	simm.s32 $0x80;
	s8 =	sadd.s32 $0x400, s8;
	vm2 =	vge.f32 v20, v3;
	v20 =	vmul.f32 v38, v38;
	v22 =	vmul.f32 v44, v44  }
.LBB2_25:
0x302: {  	v34 =	vld.idx.msk [tilespmem:v17+s8+$0x8070 ss:$0x1], $0xffff;
	s7 =	sadd.s32 $0x80, s7;
	v30 =	vsel vm0, v8, v30;
	v31 =	vsel vm1, v8, v31;
	v32 =	vsel vm3, v8, v32;
	s6 =	sadd.s32 $0x400, s6  }
0x303: {  	v23 =	vsel vm2, v8, v23;
	v24 =	vsel vm4, v8, v24;
	v25 =	vsel vm5, v8, v25;
	v35 =	vld.idx.msk [tilespmem:v17+s6+$0x8070 ss:$0x1], $0xffff;
	p0 =	slt.u32 s7, $0x380  }
0x304: {  	v28 =	vmul.f32 v33, v28;
	v10 =	vadd.f32 v18, v10;
	v29 =	vmul.f32 v30, v29;
	v36 =	vld.idx.msk [tilespmem:v17+s8+$0x8000 ss:$0x1], $0xffff  }
0x305: {  	v9 =	vadd.f32 v19, v9;
	v26 =	vmul.f32 v31, v26;
	v27 =	vmul.f32 v32, v27;
	v33 =	vld.idx.msk [tilespmem:v17+s8+$0x8010 ss:$0x1], $0xffff  }
0x306: {  	v21 =	vmul.f32 v23, v21;
	v18 =	vmul.f32 v24, v22;
	v16 =	vadd.f32 v28, v16;
	v37 =	vld.idx.msk [tilespmem:v17+s8+$0x8020 ss:$0x1], $0xffff  }
0x307: {  	v19 =	vmul.f32 v25, v20;
	v15 =	vadd.f32 v29, v15;
	v14 =	vadd.f32 v26, v14;
	v38 =	vld.idx.msk [tilespmem:v17+s8+$0x8030 ss:$0x1], $0xffff  }
0x308: {  	v13 =	vadd.f32 v27, v13;
	v12 =	vadd.f32 v21, v12;
	vm0 =	vge.f32 v34, v0;
	v20 =	vld.idx.msk [tilespmem:v17+s8+$0x8040 ss:$0x1], $0xffff  }
0x309: {  	v21 =	vsub.f32 v35, v34;
	v22 =	vsel vm0, v5, v4;
	vm0 =	vge.f32 v34, v1;
	v39 =	vld.idx.msk [tilespmem:v17+s8+$0x8050 ss:$0x1], $0xffff  }
0x30a: {  	vm1 =	vge.f32 v36, v0;
	v22 =	vsel vm0, v6, v22;
	vm0 =	vge.f32 v34, v2;
	v35 =	vld.idx.msk [tilespmem:v17+s8+$0x8060 ss:$0x1], $0xffff  }
0x30b: {  	v22 =	vsel vm0, v7, v22;
	vm0 =	vge.f32 v34, v3;
	v21 =	vmul.f32 v21, v21;
	v23 =	vld.idx.msk [tilespmem:v17+s6+$0x8010 ss:$0x1], $0xffff  }
0x30c: {  	vm2 =	vge.f32 v33, v0;
	vm3 =	vge.f32 v37, v0;
	v22 =	vsel vm0, v8, v22;
	v24 =	vld.idx.msk [tilespmem:v17+s6+$0x8020 ss:$0x1], $0xffff  }
0x30d: {  	v25 =	vsel vm1, v5, v4;
	vm0 =	vge.f32 v38, v0;
	v21 =	vmul.f32 v22, v21;
	v26 =	vld.idx.msk [tilespmem:v17+s6+$0x8030 ss:$0x1], $0xffff  }
0x30e: {  	v22 =	vsel vm2, v5, v4;
	v27 =	vsel vm3, v5, v4;
	vm1 =	vge.f32 v20, v0;
	v28 =	vld.idx.msk [tilespmem:v17+s6+$0x8040 ss:$0x1], $0xffff  }
0x30f: {  	v29 =	vsel vm0, v5, v4;
	vm0 =	vge.f32 v39, v0;
	v11 =	vadd.f32 v21, v11;
	v30 =	vld.idx.msk [tilespmem:v17+s6+$0x8050 ss:$0x1], $0xffff  }
0x310: {  	v21 =	vsel vm1, v5, v4;
	v31 =	vsel vm0, v5, v4;
	vm0 =	vge.f32 v35, v0;
	v32 =	vld.idx.msk [tilespmem:v17+s6+$0x8060 ss:$0x1], $0xffff  }
0x311: {  	vm1 =	vge.f32 v36, v1;
	v40 =	vsub.f32 v23, v33;
	v23 =	vsel vm0, v5, v4;
	v34 =	vld.idx.msk [tilespmem:v17+s6+$0x8000 ss:$0x1], $0xffff  }
0x312: {  	vm2 =	vge.f32 v37, v1;
	vm0 =	vge.f32 v33, v1;
	v41 =	vsub.f32 v24, v37  }
0x313: {  	vm3 =	vge.f32 v38, v1;
	vm4 =	vge.f32 v20, v1;
	v42 =	vsub.f32 v26, v38  }
0x314: {  	vm5 =	vge.f32 v39, v1;
	vm6 =	vge.f32 v35, v1;
	v43 =	vsub.f32 v28, v20  }
0x315: {  	v24 =	vsel vm1, v6, v25;
	v22 =	vsel vm0, v6, v22;
	v44 =	vsub.f32 v30, v39  }
0x316: {  	v25 =	vsel vm2, v6, v27;
	v26 =	vsel vm3, v6, v29;
	v45 =	vsub.f32 v32, v35  }
0x317: {  	v21 =	vsel vm4, v6, v21;
	v28 =	vsel vm5, v6, v31;
	v27 =	vsub.f32 v34, v36  }
0x318: {  	vm0 =	vge.f32 v36, v2;
	vm1 =	vge.f32 v33, v2;
	v29 =	vsel vm6, v6, v23  }
0x319: {  	vm4 =	vge.f32 v20, v2;
	vm2 =	vge.f32 v37, v2;
	vm3 =	vge.f32 v38, v2  }
0x31a: {  	vm5 =	vge.f32 v35, v2;
	v34 =	vsel vm0, v7, v24;
	vm0 =	vge.f32 v39, v2  }
0x31b: {  	v31 =	vsel vm2, v7, v25;
	v30 =	vsel vm1, v7, v22;
	v32 =	vsel vm3, v7, v26  }
0x31c: {  	v23 =	vsel vm4, v7, v21;
	v25 =	vsel vm5, v7, v29;
	v24 =	vsel vm0, v7, v28  }
.Ltmp11:
0x31d: {  	vm4 =	vge.f32 v36, v3;
	v29 =	vmul.f32 v40, v40;
	v28 =	vmul.f32 v27, v27;
	(pc) =	sbr.rel @p0 .LBB2_25-.Ltmp11, $4  }
0x31e: {  	v26 =	vmul.f32 v41, v41;
	vm0 =	vge.f32 v33, v3;
	v27 =	vmul.f32 v42, v42  }
0x31f: {  	vm1 =	vge.f32 v37, v3;
	v21 =	vmul.f32 v43, v43;
	v22 =	vmul.f32 v44, v44  }
0x320: {  	vm2 =	vge.f32 v20, v3;
	vm3 =	vge.f32 v38, v3;
	v20 =	vmul.f32 v45, v45  }
0x321: {  	s8 =	sadd.s32 $0x400, s8;
	vm5 =	vge.f32 v35, v3;
	v33 =	vsel vm4, v8, v34;
	vm4 =	vge.f32 v39, v3  }
0x322: {  	v17 =	vsel vm0, v8, v30;
	v60 =	vsel vm1, v8, v31;
	v61 =	vsel vm3, v8, v32  }
0x323: {  	v23 =	vsel vm2, v8, v23;
	v24 =	vsel vm4, v8, v24;
	v25 =	vsel vm5, v8, v25;
	s5 =	sadd.s32 $0x1, s5  }
0x324: {  	v28 =	vmul.f32 v33, v28;
	v10 =	vadd.f32 v18, v10;
	v17 =	vmul.f32 v17, v29;
	p0 =	sne.s32 s5, $0x10  }
.Ltmp12:
0x325: {  	v9 =	vadd.f32 v19, v9;
	v18 =	vmul.f32 v60, v26;
	v62 =	vmul.f32 v61, v27;
	(pc) =	sbr.rel @p0 .LBB2_24-.Ltmp12, $4  }
0x326: {  	v19 =	vmul.f32 v23, v21;
	v63 =	vmul.f32 v24, v22;
	v16 =	vadd.f32 v28, v16  }
0x327: {  	v15 =	vadd.f32 v17, v15;
	v14 =	vadd.f32 v18, v14;
	v17 =	vmul.f32 v25, v20  }
0x328: {  	v13 =	vadd.f32 v62, v13;
	v12 =	vadd.f32 v19, v12  }
0x329: {  	s3 =	sadd.s32 $0x1, s3;
	s0 =	sadd.s32 $0x400, s0;
	v10 =	vadd.f32 v63, v10;
	v9 =	vadd.f32 v17, v9  }
0x32a: {  	_ =	swait.ge [sflag:s26], $0x4000  }
0x32b: {  	[sflag:s26] =	ssyncset.done $0x0  }
0x32c: {  	[sflag:s26] =	ssyncadd.s32 $0xFFFFC000  }
0x32d: {  	_ =	swait.ge [sflag:s26], $0x4000  }
0x32e: {  	s0 =	simm.s32 $0x0;
	[sflag:s26] =	ssyncset.done $0x0  }
0x32f: {  	s3 =	simm.s32 $0x0;
	s19 =	simm.s32 $0x0;
	[sflag:s26] =	ssyncadd.s32 $0xFFFFC000  }
.LBB2_28:
0x330: {  	s5 =	sshll.u32 s3, $0x2;
	s6 =	sand.u32 $0x7, s0  }
0x331: {  	s5 =	sand.u32 $0xFFFF8000, s5;
	s6 =	sshll.u32 s6, $0x9  }
0x332: {  	s5 =	sor.u32 s6, s5  }
0x333: {  	s5 =	sshrl.u32 s5, $0x2  }
0x334: {  	s30 =	sadd.s32 $0xC040, s5  }
0x335: {  	s5 =	sor.u32 $0x40, s5;
	v17 =	vld [tilespmem:s30+$0x30]  }
0x336: {  	v18 =	vld [tilespmem:s5+$0x30]  }
0x337: {  	v19 =	vld [tilespmem:s30+$0xFFFFFFC0]  }
0x338: {  	v20 =	vld [tilespmem:s30+$0xFFFFFFD0]  }
0x339: {  	v21 =	vld [tilespmem:s30+$0xFFFFFFE0]  }
0x33a: {  	v22 =	vld [tilespmem:s30+$0xFFFFFFF0]  }
0x33b: {  	v23 =	vld [tilespmem:s30+$0x0]  }
0x33c: {  	v25 =	vld [tilespmem:s30+$0x10]  }
0x33d: {  	v26 =	vld [tilespmem:s30+$0x20]  }
0x33e: {  	v28 =	vld [tilespmem:s5+$0xFFFFFFE0]  }
0x33f: {  	v29 =	vld [tilespmem:s5+$0xFFFFFFF0]  }
0x340: {  	v32 =	vld [tilespmem:s5+$0x0]  }
0x341: {  	v33 =	vld [tilespmem:s5+$0x10]  }
0x342: {  	v35 =	vld [tilespmem:s5+$0x20]  }
0x343: {  	v37 =	vld [tilespmem:s5+$0xFFFFFFC0]  }
0x344: {  	vm0 =	vge.f32 v17, v0;
	v18 =	vsub.f32 v18, v17  }
0x345: {  	vm1 =	vge.f32 v19, v0;
	vm2 =	vge.f32 v20, v0;
	vm3 =	vge.f32 v21, v0  }
0x346: {  	v28 =	vsub.f32 v28, v21;
	v29 =	vsub.f32 v29, v22;
	vm4 =	vge.f32 v23, v1  }
0x347: {  	v32 =	vsub.f32 v32, v23;
	vm5 =	vge.f32 v25, v1;
	v33 =	vsub.f32 v33, v25  }
0x348: {  	vm6 =	vge.f32 v26, v1;
	v35 =	vsub.f32 v35, v26;
	v37 =	vsub.f32 v37, v19  }
0x349: {  	vm13 =	vge.f32 v23, v2;
	vm14 =	vge.f32 v26, v2;
	vm15 =	vge.f32 v23, v3  }
0x34a: {  	vm8 =	vge.f32 v26, v3;
	v24 =	vsel vm0, v5, v4;
	vm0 =	vge.f32 v17, v1  }
0x34b: {  	v27 =	vsel vm1, v5, v4;
	v24 =	vsel vm0, v6, v24;
	vm0 =	vge.f32 v17, v2  }
0x34c: {  	v24 =	vsel vm0, v7, v24;
	vm0 =	vge.f32 v17, v3;
	v17 =	vmul.f32 v18, v18  }
0x34d: {  	v30 =	vsel vm3, v5, v4;
	vm1 =	vge.f32 v23, v0;
	v24 =	vsel vm0, v8, v24  }
0x34e: {  	vm3 =	vge.f32 v22, v1;
	vm0 =	vge.f32 v22, v0;
	v17 =	vmul.f32 v24, v17  }
0x34f: {  	v24 =	vsel vm2, v5, v4;
	v31 =	vsel vm0, v5, v4;
	vm0 =	vge.f32 v25, v0  }
0x350: {  	vm2 =	vge.f32 v21, v1;
	v34 =	vsel vm0, v5, v4;
	vm0 =	vge.f32 v26, v0  }
0x351: {  	v18 =	vld [tilespmem:s5+$0xFFFFFFD0];
	v30 =	vsel vm2, v6, v30;
	v31 =	vsel vm3, v6, v31;
	vm2 =	vge.f32 v21, v2  }
0x352: {  	vm3 =	vge.f32 v22, v2;
	v11 =	vadd.f32 v17, v11;
	v17 =	vsel vm1, v5, v4  }
0x353: {  	vm1 =	vge.f32 v19, v1;
	v36 =	vsel vm0, v5, v4;
	vm0 =	vge.f32 v20, v1  }
0x354: {  	v34 =	vsel vm5, v6, v34;
	v30 =	vsel vm2, v7, v30;
	v31 =	vsel vm3, v7, v31  }
0x355: {  	vm2 =	vge.f32 v21, v3;
	v21 =	vmul.f32 v32, v32;
	vm3 =	vge.f32 v22, v3  }
0x356: {  	v22 =	vmul.f32 v35, v35;
	v18 =	vsub.f32 v18, v20;
	v27 =	vsel vm1, v6, v27  }
0x357: {  	v24 =	vsel vm0, v6, v24;
	v17 =	vsel vm4, v6, v17;
	vm0 =	vge.f32 v19, v2  }
0x358: {  	s7 =	sadd.s32 $0x400, s30;
	vm1 =	vge.f32 v20, v2;
	v36 =	vsel vm6, v6, v36;
	v26 =	vsel vm3, v8, v31  }
0x359: {  	v53 =	vld [tilespmem:s7+$0xFFFFFFD0];
	s5 =	sadd.s32 $0x400, s5;
	v27 =	vsel vm0, v7, v27;
	vm0 =	vge.f32 v25, v2;
	v24 =	vsel vm1, v7, v24  }
0x35a: {  	v56 =	vld [tilespmem:s5+$0x10];
	v17 =	vsel vm13, v7, v17;
	vm1 =	vge.f32 v20, v3;
	v20 =	vmul.f32 v28, v28  }
0x35b: {  	v39 =	vld [tilespmem:s5+$0xFFFFFFC0];
	v28 =	vmul.f32 v29, v29;
	v29 =	vmul.f32 v33, v33;
	v34 =	vsel vm0, v7, v34  }
0x35c: {  	v31 =	vld [tilespmem:s5+$0x30];
	vm0 =	vge.f32 v19, v3;
	v19 =	vmul.f32 v37, v37;
	v18 =	vmul.f32 v18, v18  }
0x35d: {  	v24 =	vsel vm1, v8, v24;
	v23 =	vsel vm0, v8, v27;
	vm0 =	vge.f32 v25, v3;
	v27 =	vld [tilespmem:s7+$0x30]  }
0x35e: {  	v25 =	vsel vm2, v8, v30;
	v19 =	vmul.f32 v23, v19;
	v18 =	vmul.f32 v24, v18;
	v24 =	vld [tilespmem:s7+$0xFFFFFFC0]  }
0x35f: {  	v36 =	vsel vm14, v7, v36;
	v20 =	vmul.f32 v25, v20;
	v25 =	vmul.f32 v26, v28;
	v26 =	vld [tilespmem:s5+$0xFFFFFFE0]  }
0x360: {  	v17 =	vsel vm15, v8, v17;
	vm2 =	vge.f32 v53, v0;
	v30 =	vsel vm0, v8, v34;
	v28 =	vld [tilespmem:s5+$0xFFFFFFF0]  }
0x361: {  	v23 =	vsel vm8, v8, v36;
	v16 =	vadd.f32 v19, v16;
	v19 =	vmul.f32 v17, v21;
	v21 =	vld [tilespmem:s7+$0xFFFFFFE0]  }
0x362: {  	v17 =	vmul.f32 v30, v29;
	v15 =	vadd.f32 v18, v15;
	v14 =	vadd.f32 v20, v14;
	v29 =	vld [tilespmem:s7+$0xFFFFFFF0]  }
0x363: {  	v18 =	vmul.f32 v23, v22;
	v13 =	vadd.f32 v25, v13;
	v23 =	vld [tilespmem:s5+$0xFFFFFFD0];
	vm0 =	vge.f32 v27, v0  }
0x364: {  	v30 =	vld [tilespmem:s7+$0x10];
	v12 =	vadd.f32 v19, v12;
	v20 =	vsub.f32 v31, v27;
	v22 =	vsel vm0, v5, v4  }
0x365: {  	vm0 =	vge.f32 v27, v1;
	vm1 =	vge.f32 v24, v0;
	v60 =	vsub.f32 v39, v24  }
0x366: {  	v22 =	vsel vm0, v6, v22;
	vm0 =	vge.f32 v27, v2;
	v20 =	vmul.f32 v20, v20  }
0x367: {  	v19 =	vld [tilespmem:s7+$0x0];
	v25 =	vsel vm1, v5, v4;
	v22 =	vsel vm0, v7, v22;
	vm0 =	vge.f32 v27, v3  }
0x368: {  	v55 =	vld [tilespmem:s5+$0x0];
	vm3 =	vge.f32 v21, v0;
	v23 =	vsub.f32 v23, v53;
	v40 =	vsub.f32 v26, v21  }
0x369: {  	v31 =	vld [tilespmem:s7+$0x20];
	v41 =	vsub.f32 v28, v29;
	vm10 =	vge.f32 v30, v1;
	v35 =	vsub.f32 v56, v30  }
0x36a: {  	v58 =	vld [tilespmem:s5+$0x20];
	vm14 =	vge.f32 v21, v3;
	vm15 =	vge.f32 v29, v3;
	v22 =	vsel vm0, v8, v22  }
0x36b: {  	vm0 =	vge.f32 v29, v0;
	v27 =	vsel vm3, v5, v4;
	vm3 =	vge.f32 v29, v1  }
0x36c: {  	v20 =	vmul.f32 v22, v20;
	v22 =	vsel vm2, v5, v4;
	vm1 =	vge.f32 v19, v0  }
0x36d: {  	v54 =	vsel vm0, v5, v4;
	vm0 =	vge.f32 v30, v0;
	vm2 =	vge.f32 v21, v1  }
0x36e: {  	vm9 =	vge.f32 v19, v1;
	v34 =	vsub.f32 v55, v19;
	vm11 =	vge.f32 v31, v1  }
0x36f: {  	v59 =	vsub.f32 v58, v31;
	vm12 =	vge.f32 v19, v2;
	vm13 =	vge.f32 v31, v2  }
0x370: {  	v57 =	vsel vm0, v5, v4;
	vm0 =	vge.f32 v31, v0;
	v26 =	vsel vm2, v6, v27  }
0x371: {  	v27 =	vsel vm3, v6, v54;
	vm2 =	vge.f32 v21, v2;
	vm3 =	vge.f32 v29, v2  }
0x372: {  	v21 =	vmul.f32 v35, v35;
	v11 =	vadd.f32 v20, v11;
	v20 =	vsel vm1, v5, v4  }
0x373: {  	vm1 =	vge.f32 v24, v1;
	v38 =	vsel vm0, v5, v4;
	vm0 =	vge.f32 v53, v1  }
0x374: {  	v28 =	vsel vm10, v6, v57;
	v42 =	vsel vm2, v7, v26;
	v43 =	vsel vm3, v7, v27  }
0x375: {  	vm3 =	vge.f32 v53, v3;
	vm2 =	vge.f32 v31, v3;
	v25 =	vsel vm1, v6, v25  }
0x376: {  	v22 =	vsel vm0, v6, v22;
	v20 =	vsel vm9, v6, v20;
	vm0 =	vge.f32 v24, v2  }
0x377: {  	vm1 =	vge.f32 v53, v2;
	v61 =	vsel vm11, v6, v38;
	v31 =	vsel vm15, v8, v43  }
0x378: {  	v62 =	vsel vm0, v7, v25;
	vm0 =	vge.f32 v30, v2;
	v63 =	vsel vm1, v7, v22  }
0x379: {  	vm1 =	vge.f32 v24, v3;
	v24 =	vmul.f32 v60, v60;
	v25 =	vmul.f32 v23, v23  }
0x37a: {  	v26 =	vsel vm12, v7, v20;
	v22 =	vmul.f32 v40, v40;
	v23 =	vmul.f32 v41, v41  }
0x37b: {  	v20 =	vmul.f32 v34, v34;
	v27 =	vsel vm0, v7, v28;
	v28 =	vsel vm13, v7, v61  }
0x37c: {  	vm0 =	vge.f32 v19, v3;
	v19 =	vmul.f32 v59, v59;
	v29 =	vsel vm1, v8, v62  }
0x37d: {  	s6 =	simm.s32 $0x80;
	s7 =	sadd.s32 $0x400, s7;
	vm1 =	vge.f32 v30, v3;
	v32 =	vsel vm3, v8, v63;
	v30 =	vsel vm14, v8, v42  }
.LBB2_29:
0x37e: {  	v33 =	vld [tilespmem:s7+$0x30];
	s6 =	sadd.s32 $0x80, s6;
	v26 =	vsel vm0, v8, v26;
	v27 =	vsel vm1, v8, v27;
	v28 =	vsel vm2, v8, v28;
	s5 =	sadd.s32 $0x400, s5  }
0x37f: {  	v24 =	vmul.f32 v29, v24;
	v25 =	vmul.f32 v32, v25;
	v10 =	vadd.f32 v17, v10;
	v34 =	vld [tilespmem:s5+$0x30];
	p0 =	slt.u32 s6, $0x380  }
0x380: {  	v22 =	vmul.f32 v30, v22;
	v23 =	vmul.f32 v31, v23;
	v9 =	vadd.f32 v18, v9;
	v29 =	vld [tilespmem:s7+$0xFFFFFFC0]  }
0x381: {  	v20 =	vmul.f32 v26, v20;
	v17 =	vmul.f32 v27, v21;
	v16 =	vadd.f32 v24, v16;
	v30 =	vld [tilespmem:s7+$0xFFFFFFD0]  }
0x382: {  	v18 =	vmul.f32 v28, v19;
	v15 =	vadd.f32 v25, v15;
	v14 =	vadd.f32 v22, v14;
	v21 =	vld [tilespmem:s7+$0xFFFFFFE0]  }
0x383: {  	v13 =	vadd.f32 v23, v13;
	v12 =	vadd.f32 v20, v12;
	v19 =	vld [tilespmem:s7+$0xFFFFFFF0];
	vm0 =	vge.f32 v33, v0  }
0x384: {  	v31 =	vld [tilespmem:s7+$0x0];
	v20 =	vsub.f32 v34, v33;
	v22 =	vsel vm0, v5, v4;
	vm0 =	vge.f32 v33, v1  }
0x385: {  	vm1 =	vge.f32 v29, v0;
	v32 =	vld [tilespmem:s7+$0x10];
	v22 =	vsel vm0, v6, v22;
	vm0 =	vge.f32 v33, v2  }
0x386: {  	v34 =	vld [tilespmem:s7+$0x20];
	v22 =	vsel vm0, v7, v22;
	vm0 =	vge.f32 v33, v3;
	v20 =	vmul.f32 v20, v20  }
0x387: {  	vm2 =	vge.f32 v30, v0;
	v23 =	vld [tilespmem:s5+$0xFFFFFFD0];
	vm3 =	vge.f32 v21, v0;
	v22 =	vsel vm0, v8, v22  }
0x388: {  	v24 =	vsel vm1, v5, v4;
	v25 =	vld [tilespmem:s5+$0xFFFFFFE0];
	vm0 =	vge.f32 v19, v0;
	v20 =	vmul.f32 v22, v20  }
0x389: {  	v22 =	vsel vm2, v5, v4;
	v26 =	vsel vm3, v5, v4;
	v27 =	vld [tilespmem:s5+$0xFFFFFFF0];
	vm1 =	vge.f32 v31, v0  }
0x38a: {  	v28 =	vsel vm0, v5, v4;
	v33 =	vld [tilespmem:s5+$0x0];
	vm0 =	vge.f32 v32, v0;
	v11 =	vadd.f32 v20, v11  }
0x38b: {  	v20 =	vsel vm1, v5, v4;
	v35 =	vld [tilespmem:s5+$0x10];
	v36 =	vsel vm0, v5, v4;
	vm0 =	vge.f32 v34, v0  }
0x38c: {  	vm1 =	vge.f32 v29, v1;
	v23 =	vsub.f32 v23, v30;
	v37 =	vld [tilespmem:s5+$0x20];
	v38 =	vsel vm0, v5, v4  }
0x38d: {  	vm2 =	vge.f32 v21, v1;
	vm0 =	vge.f32 v30, v1;
	v39 =	vld [tilespmem:s5+$0xFFFFFFC0];
	v40 =	vsub.f32 v25, v21  }
0x38e: {  	vm3 =	vge.f32 v19, v1;
	vm4 =	vge.f32 v31, v1;
	v41 =	vsub.f32 v27, v19  }
0x38f: {  	vm5 =	vge.f32 v32, v1;
	vm6 =	vge.f32 v34, v1;
	v33 =	vsub.f32 v33, v31  }
0x390: {  	v24 =	vsel vm1, v6, v24;
	v22 =	vsel vm0, v6, v22;
	v35 =	vsub.f32 v35, v32  }
0x391: {  	v25 =	vsel vm2, v6, v26;
	v26 =	vsel vm3, v6, v28;
	v37 =	vsub.f32 v37, v34  }
0x392: {  	v20 =	vsel vm4, v6, v20;
	v27 =	vsel vm5, v6, v36;
	v39 =	vsub.f32 v39, v29  }
0x393: {  	vm1 =	vge.f32 v30, v2;
	vm0 =	vge.f32 v29, v2;
	v28 =	vsel vm6, v6, v38  }
0x394: {  	vm4 =	vge.f32 v31, v2;
	vm2 =	vge.f32 v21, v2;
	vm3 =	vge.f32 v19, v2  }
0x395: {  	v36 =	vsel vm0, v7, v24;
	vm0 =	vge.f32 v32, v2;
	vm5 =	vge.f32 v34, v2  }
0x396: {  	v38 =	vsel vm1, v7, v22;
	v42 =	vsel vm2, v7, v25;
	v43 =	vsel vm3, v7, v26  }
0x397: {  	v26 =	vsel vm4, v7, v20;
	v27 =	vsel vm0, v7, v27;
	v28 =	vsel vm5, v7, v28  }
0x398: {  	vm1 =	vge.f32 v29, v3;
	v25 =	vmul.f32 v23, v23;
	v24 =	vmul.f32 v39, v39  }
.Ltmp13:
0x399: {  	vm3 =	vge.f32 v30, v3;
	v22 =	vmul.f32 v40, v40;
	v23 =	vmul.f32 v41, v41;
	(pc) =	sbr.rel @p0 .LBB2_29-.Ltmp13, $4  }
0x39a: {  	vm4 =	vge.f32 v21, v3;
	v20 =	vmul.f32 v33, v33;
	v21 =	vmul.f32 v35, v35  }
0x39b: {  	vm5 =	vge.f32 v19, v3;
	vm0 =	vge.f32 v31, v3;
	v19 =	vmul.f32 v37, v37  }
0x39c: {  	vm2 =	vge.f32 v34, v3;
	v29 =	vsel vm1, v8, v36;
	vm1 =	vge.f32 v32, v3  }
0x39d: {  	s7 =	sadd.s32 $0x400, s7;
	v30 =	vsel vm4, v8, v42;
	v31 =	vsel vm5, v8, v43;
	v32 =	vsel vm3, v8, v38  }
0x39e: {  	v26 =	vsel vm0, v8, v26;
	v27 =	vsel vm1, v8, v27;
	v28 =	vsel vm2, v8, v28;
	s19 =	sadd.s32 $0x1, s19  }
0x39f: {  	v24 =	vmul.f32 v29, v24;
	v25 =	vmul.f32 v32, v25;
	v10 =	vadd.f32 v17, v10;
	p0 =	sne.s32 s19, $0x10  }
.Ltmp14:
0x3a0: {  	v17 =	vmul.f32 v30, v22;
	v62 =	vmul.f32 v31, v23;
	v9 =	vadd.f32 v18, v9;
	(pc) =	sbr.rel @p0 .LBB2_28-.Ltmp14, $4  }
0x3a1: {  	v18 =	vmul.f32 v26, v20;
	v63 =	vmul.f32 v27, v21;
	v16 =	vadd.f32 v24, v16  }
0x3a2: {  	v15 =	vadd.f32 v25, v15;
	v14 =	vadd.f32 v17, v14;
	v17 =	vmul.f32 v28, v19  }
0x3a3: {  	v13 =	vadd.f32 v62, v13;
	v12 =	vadd.f32 v18, v12  }
0x3a4: {  	s3 =	sadd.s32 $0x400, s3;
	s0 =	sadd.s32 $0x1, s0;
	v10 =	vadd.f32 v63, v10;
	v9 =	vadd.f32 v17, v9  }
0x3a5: {  	v0 =	vadd.f32 v15, v16;
	_ =	sdelay $0x1  }
0x3a6: {  	v0 =	vadd.f32 v14, v0;
	_ =	sdelay $0x1  }
0x3a7: {  	v0 =	vadd.f32 v13, v0;
	_ =	sdelay $0x1  }
0x3a8: {  	v0 =	vadd.f32 v12, v0;
	_ =	sdelay $0x1  }
0x3a9: {  	v0 =	vadd.f32 v10, v0;
	_ =	sdelay $0x1  }
0x3aa: {  	v0 =	vadd.f32 v9, v0;
	_ =	sdelay $0x1  }
0x3ab: {  	s31 =	sadd.s32 $0x1, s31;
	v0 =	vadd.f32 v11, v0  }
0x3ac: {  	p0 =	sne.s32 s31, s18  }
.Ltmp15:
0x3ad: {  	s0 =	simm.s32 $0x18800;
	[tilespmem:$0x18800] =	vst v0;
	(pc) =	sbr.rel @p0 .LBB2_1-.Ltmp15, $4  }
0x3ae: {  	[hbm4b:s17+s4] =	stream.linear.scatter [tilespmem:s0], [sflag:$0x4], $0x10, $0x38;
	[tilespmem:$0x18880] =	vst v63  }
0x3af: {  	_ =	swait.ge [sflag:s20], $0x10  }
0x3b0: {  	[sflag:s20] =	ssyncset.done $0x0  }
0x3b1: {  	[sflag:s20] =	ssyncadd.s32 $0xFFFFFFF0  }
0x3b2: {  	_ =	sfence.sel $0x180000  }
0x3b3: {  	[bflag:$0x0] =	sbarrier.arrive $0xFFFF  }
0x3b4: {  	_ =	strace $0x90000047  }
0x3b5: {  	s0 =	stileid.u32;
	[bflag:$0x2] =	sbarrier.arrive $0xFFFF  }
0x3b6: {  	p0 =	sne.s32 s0, $0x0;
	s0 =	rddreg [dreg:$0x3]  }
0x3b7: {  	s0 =	sadd.s32 @!p0 $0x100000, s0  }
0x3b8: {  	[sflag:s0] =	ssyncadd.tile.s32 @!p0 $0x1;
	_ =	shalt  }
.Lfunc_end2:
_tile_overlayer_lowered:
.L_overlay_start_2:
0x3b9: {  	(tag) =	ssettag $0x2  }
0x3ba: {  	s0 =	rddreg [dreg:$0x0];
	s2 =	stileid.u32  }
0x3bb: {  	s1 =	rddreg [dreg:$0x1];
	p0 =	sne.s32 s2, $0x0  }
0x3bc: {  	s3 =	rddreg [dreg:$0x2];
	[bflag:$0x3] =	sbarrier.arrive $0xFFFF;
	s2 =	simm.s32 @!p0 $0x1C04  }
0x3bd: {  	[timem:s3], [sflag:s2] =	dma.local @!p0 [hbm:s0], s1  }
0x3be: {  	s0 =	simm.s32 @!p0 $0x4  }
0x3bf: {  	_ =	swait.ge @!p0 [sflag:s0], s1  }
0x3c0: {  	s1 =	ssub.s32 @!p0 $0x0, s1;
	[sflag:s0] =	ssyncset.done @!p0 $0x0  }
0x3c1: {  	[sflag:s0] =	ssyncadd.s32 @!p0 s1  }
0x3c2: {  	[bflag:$0x3] =	sbarrier.arrive $0xFFFF  }
0x3c3: {  	_ =	shalt  }

</sc_bundles>
